<compile_context>
chip_gen: v7x
topology: tpu7x:2x2x1
jax: 0.10.2.dev20260603
libtpu: 0.0.44.dev20260713+nightly
codegen_flags: <defaults>
</compile_context>

<pallas_src>
import functools

import jax
import jax.numpy as jnp
from jax import lax
from jax.experimental import pallas as pl
from jax.experimental.pallas import tpu as pltpu
from jax.experimental.pallas import tpu_sc as plsc

N = 10000
E = 320000
D = 128
B = 64
OUT = 10

NC = 2
NS = 16
NW = NC * NS
EW = E // NW
C = 128
NCHUNK = 80
SLAB = NCHUNK * C
NACC = 10240
TRASH = N
RPT = NACC // NS
F32 = jnp.float32

_mesh = plsc.VectorSubcoreMesh(core_axis_name="c", subcore_axis_name="s")


def _zero_buf(buf, rows, width):
    z = jnp.zeros((16,), F32)

    def row(r, carry):
        for k in range(width // 16):
            buf[r, pl.ds(k * 16, 16)] = z
        return carry

    lax.fori_loop(0, rows, row, 0)


EW2 = E // NS
NCHUNK2 = 160
HALF2 = NCHUNK2 // 2


@functools.partial(
    pl.kernel,
    out_type=jax.ShapeDtypeStruct((NC, NACC, 64), F32),
    mesh=_mesh,
    compiler_params=pltpu.CompilerParams(use_tc_tiling_on_sc=False),
    scratch_types=[
        pltpu.VMEM((HALF2, C), jnp.int32),
        pltpu.VMEM((HALF2, C), jnp.int32),
        pltpu.VMEM((C, 64), F32),
        pltpu.VMEM((C, 64), F32),
        pltpu.VMEM((C, 64), F32),
        pltpu.VMEM_SHARED((NACC, 64), F32),
        pltpu.VMEM_SHARED((NACC, 64), F32),
        pltpu.SemaphoreType.DMA,
        pltpu.SemaphoreType.DMA,
        pltpu.SemaphoreType.DMA,
    ],
)
def _edge_scatter(ystk, srch, dsth, out, srcv, dstv, b0, b1, b2,
                  tab, acc, s0, s1, s2):
    c = lax.axis_index("c")
    s = lax.axis_index("s")
    bufs = (b0, b1, b2)
    sems = (s0, s1, s2)
    nbuf = 3

    base = s * RPT
    _zero_buf(b1, C, 64)
    for off in range(0, RPT, C):
        pltpu.sync_copy(ystk.at[c, pl.ds(base + off, C)], b0)
        pltpu.sync_copy(b0, tab.at[pl.ds(base + off, C)])
        pltpu.sync_copy(b1, acc.at[pl.ds(base + off, C)])
    plsc.subcore_barrier()

    for h in range(2):
        pltpu.sync_copy(srch.at[pl.ds((s * 2 + h) * HALF2, HALF2)], srcv)
        pltpu.sync_copy(dsth.at[pl.ds((s * 2 + h) * HALF2, HALF2)], dstv)
        for b in range(nbuf):
            pltpu.async_copy(tab.at[srcv.at[b]], bufs[b], sems[b])

        def group(g, carry):
            for b in range(nbuf):
                j = g * nbuf + b
                pltpu.make_async_copy(tab.at[srcv.at[j]], bufs[b], sems[b]).wait()
                pltpu.sync_copy(bufs[b], acc.at[dstv.at[j]], add=True)

                @pl.when(g < HALF2 // nbuf - 1)
                def _():
                    pltpu.async_copy(tab.at[srcv.at[j + nbuf]], bufs[b], sems[b])
            return carry

        lax.fori_loop(0, HALF2 // nbuf, group, 0)

        for jj in range(HALF2 - HALF2 % nbuf, HALF2):
            pltpu.async_copy(tab.at[srcv.at[jj]], b0, s0).wait()
            pltpu.sync_copy(b0, acc.at[dstv.at[jj]], add=True)
    plsc.subcore_barrier()

    for off in range(0, RPT, C):
        pltpu.sync_copy(acc.at[pl.ds(base + off, C)], b0)
        pltpu.sync_copy(b0, out.at[c, pl.ds(base + off, C)])


@functools.partial(
    pl.kernel,
    out_type=jax.ShapeDtypeStruct((NC, NACC, 128), F32),
    mesh=_mesh,
    scratch_types=[
        pltpu.VMEM((NCHUNK, C), jnp.int32),
        pltpu.VMEM((C, 128), F32),
        pltpu.VMEM_SHARED((NACC, 128), F32),
    ],
)
def _degree(dsth, out, dstv, buf, acc):
    c = lax.axis_index("c")
    s = lax.axis_index("s")
    wid = c * NS + s

    pltpu.sync_copy(dsth.at[pl.ds(wid * NCHUNK, NCHUNK)], dstv)

    _zero_buf(buf, C, 128)
    base = s * RPT
    for off in range(0, RPT, 128):
        pltpu.sync_copy(buf, acc.at[pl.ds(base + off, 128)])
    plsc.subcore_barrier()

    one = jnp.ones((16,), F32)

    def orow(r, carry):
        for k in range(8):
            buf[r, pl.ds(k * 16, 16)] = one
        return carry

    lax.fori_loop(0, C, orow, 0)

    def step(j, carry):
        pltpu.sync_copy(buf, acc.at[dstv.at[j]], add=True)
        return carry

    lax.fori_loop(0, NCHUNK, step, 0)
    plsc.subcore_barrier()

    for off in range(0, RPT, 128):
        pltpu.sync_copy(acc.at[pl.ds(base + off, 128)], buf)
        pltpu.sync_copy(buf, out.at[c, pl.ds(base + off, 128)])


def _k1_body(x_ref, w_ref, da_ref, db_ref, y_ref, dinv_ref, ystk_ref):
    deg = da_ref[...] + db_ref[...] + 1.0
    dinv = lax.rsqrt(deg)
    xw = jnp.dot(x_ref[...], w_ref[...], preferred_element_type=F32)
    y = dinv * xw
    y_ref[...] = y
    dinv_ref[...] = dinv
    ystk_ref[0, pl.ds(0, N), :] = y[:, :64]
    ystk_ref[1, pl.ds(0, N), :] = y[:, 64:]


def _k2_body(a_ref, y_ref, dinv_ref, b_ref, w_ref, y2_ref, ystk_ref):
    a = a_ref[...]
    af = jnp.concatenate([a[0, :N, :], a[1, :N, :]], axis=1)
    dinv = dinv_ref[...]
    h = jnp.maximum(dinv * (af + y_ref[...]) + b_ref[...], 0.0)
    y2 = dinv * jnp.dot(h, w_ref[...], preferred_element_type=F32)
    y2_ref[...] = y2
    ystk_ref[0, pl.ds(0, N), :] = y2[:, :64]
    ystk_ref[1, pl.ds(0, N), :] = y2[:, 64:]


def _k3_body(a_ref, y_ref, dinv_ref, b_ref, wa_ref, wm_ref,
             scal_ref, batch_ref, wo_ref, bo_ref, out_ref):
    a = a_ref[...]
    af = jnp.concatenate([a[0, :N, :], a[1, :N, :]], axis=1)
    dinv = dinv_ref[...]
    h = jnp.maximum(dinv * (af + y_ref[...]) + b_ref[...], 0.0)
    sa = jnp.sum(h * wa_ref[...], axis=1, keepdims=True) + scal_ref[0, 0]
    sm = jnp.sum(h * wm_ref[...], axis=1, keepdims=True) + scal_ref[0, 1]
    z = h * (sa * jax.nn.sigmoid(sm))
    seg = lax.broadcasted_iota(jnp.int32, (B, N), 0)
    onehot = (batch_ref[...] == seg).astype(F32)
    pooled = jnp.dot(onehot, z, preferred_element_type=F32)
    out_ref[...] = jnp.dot(pooled, wo_ref[...], preferred_element_type=F32) + bo_ref[...]


def kernel(x, edge_index, batch, W1, b1, W2, b2, Wa, ba, Wm, bm, Wo, bo):
    src = edge_index[0]
    dst = edge_index[1]
    pad = ((0, 0), (0, SLAB - EW))
    srcp = jnp.pad(src.reshape(NW, EW), pad).reshape(NW * NCHUNK, C)
    dstp = jnp.pad(dst.reshape(NW, EW), pad, constant_values=TRASH)
    dstp = dstp.reshape(NW * NCHUNK, C)
    pad2 = ((0, 0), (0, NCHUNK2 * C - EW2))
    srcp2 = jnp.pad(src.reshape(NS, EW2), pad2).reshape(NS * NCHUNK2, C)
    dstp2 = jnp.pad(dst.reshape(NS, EW2), pad2, constant_values=TRASH)
    dstp2 = dstp2.reshape(NS * NCHUNK2, C)

    degp = _degree(dstp)
    da = degp[0, :N, :]
    db = degp[1, :N, :]

    y1, dinv, ystk1 = pl.pallas_call(
        _k1_body,
        out_shape=(jax.ShapeDtypeStruct((N, 128), F32),
                   jax.ShapeDtypeStruct((N, 128), F32),
                   jax.ShapeDtypeStruct((NC, NACC, 64), F32)),
    )(x, W1, da, db)

    acc1 = _edge_scatter(ystk1, srcp2, dstp2)

    y2, ystk2 = pl.pallas_call(
        _k2_body,
        out_shape=(jax.ShapeDtypeStruct((N, 128), F32),
                   jax.ShapeDtypeStruct((NC, NACC, 64), F32)),
    )(acc1, y1, dinv, b1.reshape(1, 128), W2)

    acc2 = _edge_scatter(ystk2, srcp2, dstp2)

    scal = jnp.stack([ba, bm], axis=1).astype(F32)
    out = pl.pallas_call(
        _k3_body,
        out_shape=jax.ShapeDtypeStruct((B, OUT), F32),
    )(acc2, y2, dinv,
      b2.reshape(1, 128), Wa.reshape(1, 128), Wm.reshape(1, 128), scal,
      batch.reshape(1, N), Wo, bo.reshape(1, OUT))
    return out

# --- scband reference (transcript-rebuilt; emitter-appended) ---
"""Pipeline reference for scband-gcn-26233660244215 (READ-ONLY COPY).

The authoritative reference and input builder live on the scoring server;
editing this copy changes nothing except your own understanding.
"""

import jax, jax.numpy as jnp
import numpy as np

N = 10000
E = 320000
D = 128
H1 = 128
H2 = 128
OUT = 10
B = 64


def gcn_conv(x, edge_index, W, b):
    # GCNConv with added self-loops and symmetric normalization (PyG semantics)
    src = edge_index[0]
    dst = edge_index[1]
    loop = jnp.arange(N, dtype=src.dtype)
    src = jnp.concatenate([src, loop])
    dst = jnp.concatenate([dst, loop])
    deg = jnp.zeros((N,), dtype=x.dtype).at[dst].add(1.0)
    dinv = jnp.where(deg > 0, deg ** -0.5, 0.0)
    norm = dinv[src] * dinv[dst]
    xw = x @ W
    msg = xw[src] * norm[:, None]
    out = jnp.zeros((N, W.shape[1]), dtype=x.dtype).at[dst].add(msg)
    return out + b


def setup_inputs(seed: int = 0) -> dict:
    key = jax.random.key(seed)
    ks = jax.random.split(key, 16)
    x = jax.random.normal(ks[0], (N, D), dtype=jnp.float32)
    edge_index = jax.random.randint(ks[1], (2, E), 0, N, dtype=jnp.int32)
    batch = jnp.sort(jax.random.randint(ks[2], (N,), 0, B, dtype=jnp.int32))
    W1 = jax.random.normal(ks[3], (D, H1), dtype=jnp.float32) / np.sqrt(D)
    b1 = jnp.zeros((H1,), dtype=jnp.float32)
    W2 = jax.random.normal(ks[4], (H1, H2), dtype=jnp.float32) / np.sqrt(H1)
    b2 = jnp.zeros((H2,), dtype=jnp.float32)
    Wa = jax.random.normal(ks[5], (H2, 1), dtype=jnp.float32) / np.sqrt(H2)
    ba = jnp.zeros((1,), dtype=jnp.float32)
    Wm = jax.random.normal(ks[6], (H2, 1), dtype=jnp.float32) / np.sqrt(H2)
    bm = jnp.zeros((1,), dtype=jnp.float32)
    Wo = jax.random.normal(ks[7], (H2, OUT), dtype=jnp.float32) / np.sqrt(H2)
    bo = jnp.zeros((OUT,), dtype=jnp.float32)
    return {"x": x, "edge_index": edge_index, "batch": batch,
            "W1": W1, "b1": b1, "W2": W2, "b2": b2,
            "Wa": Wa, "ba": ba, "Wm": Wm, "bm": bm,
            "Wo": Wo, "bo": bo}


def reference(x, edge_index, batch, W1, b1, W2, b2, Wa, ba, Wm, bm, Wo, bo):
    # conv1 -> relu -> (dropout=identity in eval) -> conv2 -> relu -> attention pool -> linear
    h = gcn_conv(x, edge_index, W1, b1)
    h = jax.nn.relu(h)
    h = gcn_conv(h, edge_index, W2, b2)
    h = jax.nn.relu(h)
    attn_scores = h @ Wa + ba
    node_mask = jax.nn.sigmoid(h @ Wm + bm)
    final_scores = attn_scores * node_mask
    pooled = jax.ops.segment_sum(h * final_scores, batch, num_segments=B)
    return pooled @ Wo + bo

if __name__ == "__main__":
    import jax
    _d = setup_inputs()
    print(jax.jit(kernel)(*tuple(_d.values())))

</pallas_src>

<mosaic_0001>
#map = affine_map<(d0, d1) -> (0, 0, 0)>
#map1 = affine_map<(d0, d1) -> (0, 0)>
module attributes {stable_mosaic.version = 14 : i64} {
  func.func @_edge_scatter(%arg0: i32, %arg1: i32, %arg2: memref<2x10240x64xf32, #tpu.memory_space<hbm>>, %arg3: memref<2560x128xi32, #tpu.memory_space<hbm>>, %arg4: memref<2560x128xi32, #tpu.memory_space<hbm>>, %arg5: memref<2x10240x64xf32, #tpu.memory_space<hbm>>, %arg6: memref<80x128xi32, #tpu.memory_space<vmem>>, %arg7: memref<80x128xi32, #tpu.memory_space<vmem>>, %arg8: memref<128x64xf32, #tpu.memory_space<vmem>>, %arg9: memref<128x64xf32, #tpu.memory_space<vmem>>, %arg10: memref<128x64xf32, #tpu.memory_space<vmem>>, %arg11: memref<10240x64xf32, #tpu.memory_space<vmem_shared>>, %arg12: memref<10240x64xf32, #tpu.memory_space<vmem_shared>>, %arg13: memref<!tpu.dma_semaphore, #tpu.memory_space<semaphore_mem>>, %arg14: memref<!tpu.dma_semaphore, #tpu.memory_space<semaphore_mem>>, %arg15: memref<!tpu.dma_semaphore, #tpu.memory_space<semaphore_mem>>) attributes {dimension_semantics = [#tpu.dimension_semantics<core_parallel>, #tpu.dimension_semantics<subcore_parallel>], iteration_bounds = array<i64: 2, 16>, scalar_prefetch = 0 : i64, scratch_operands = 10 : i64, tpu.core_type = #tpu.core_type<sc_vector_subcore>, window_params = [{transform_indices = #map}, {transform_indices = #map1}, {transform_indices = #map1}, {transform_indices = #map}]} {
    %mul3A = arith.constant 640 : i32
    %mul3A_0 = arith.muli %arg1, %mul3A : i32
    %broadcast_in_dim3A = arith.constant 0.000000e+00 : f32
    %broadcast_in_dim3A_1 = vector.broadcast %broadcast_in_dim3A : f32 to vector<16xf32>
    %scan3A = arith.constant 0 : i32
    %scan3A_2 = arith.constant 0 : i32
    %scan3A_3 = arith.constant 128 : i32
    %scan3A_4 = arith.addi %scan3A_2, %scan3A_3 : i32
    %scan3A_5 = arith.constant 1 : i32
    scf.for %scan3A_192 = %scan3A_2 to %scan3A_4 step %scan3A_5  : i32 {
      %swap3A = arith.index_cast %scan3A_192 : i32 to index
      %swap3A_193 = arith.constant 0 : index
      %swap3A_194 = tpu.vector_load %arg9[%swap3A, %swap3A_193] {strides = array<i32>} : memref<128x64xf32, #tpu.memory_space<vmem>>, vector<1x16xf32>,
      %swap3A_195 = vector.shape_cast %swap3A_194 : vector<1x16xf32> to vector<16xf32>
      %swap3A_196 = vector.shape_cast %broadcast_in_dim3A_1 : vector<16xf32> to vector<1x16xf32>
      tpu.vector_store %arg9[%swap3A, %swap3A_193], %swap3A_196 {strides = array<i32>} : memref<128x64xf32, #tpu.memory_space<vmem>>, vector<1x16xf32>,
      %swap3A_197 = arith.index_cast %scan3A_192 : i32 to index
      %swap3A_198 = arith.constant 16 : index
      %swap3A_199 = tpu.vector_load %arg9[%swap3A_197, %swap3A_198] {strides = array<i32>} : memref<128x64xf32, #tpu.memory_space<vmem>>, vector<1x16xf32>,
      %swap3A_200 = vector.shape_cast %swap3A_199 : vector<1x16xf32> to vector<16xf32>
      %swap3A_201 = vector.shape_cast %broadcast_in_dim3A_1 : vector<16xf32> to vector<1x16xf32>
      tpu.vector_store %arg9[%swap3A_197, %swap3A_198], %swap3A_201 {strides = array<i32>} : memref<128x64xf32, #tpu.memory_space<vmem>>, vector<1x16xf32>,
      %swap3A_202 = arith.index_cast %scan3A_192 : i32 to index
      %swap3A_203 = arith.constant 32 : index
      %swap3A_204 = tpu.vector_load %arg9[%swap3A_202, %swap3A_203] {strides = array<i32>} : memref<128x64xf32, #tpu.memory_space<vmem>>, vector<1x16xf32>,
      %swap3A_205 = vector.shape_cast %swap3A_204 : vector<1x16xf32> to vector<16xf32>
      %swap3A_206 = vector.shape_cast %broadcast_in_dim3A_1 : vector<16xf32> to vector<1x16xf32>
      tpu.vector_store %arg9[%swap3A_202, %swap3A_203], %swap3A_206 {strides = array<i32>} : memref<128x64xf32, #tpu.memory_space<vmem>>, vector<1x16xf32>,
      %swap3A_207 = arith.index_cast %scan3A_192 : i32 to index
      %swap3A_208 = arith.constant 48 : index
      %swap3A_209 = tpu.vector_load %arg9[%swap3A_207, %swap3A_208] {strides = array<i32>} : memref<128x64xf32, #tpu.memory_space<vmem>>, vector<1x16xf32>,
      %swap3A_210 = vector.shape_cast %swap3A_209 : vector<1x16xf32> to vector<16xf32>
      %swap3A_211 = vector.shape_cast %broadcast_in_dim3A_1 : vector<16xf32> to vector<1x16xf32>
      tpu.vector_store %arg9[%swap3A_207, %swap3A_208], %swap3A_211 {strides = array<i32>} : memref<128x64xf32, #tpu.memory_space<vmem>>, vector<1x16xf32>,
    }
    %scan3A_6 = arith.constant 128 : i32
    %add3A = arith.constant 0 : i32
    %add3A_7 = arith.addi %mul3A_0, %add3A : i32
    "tpu.region"() ({
      %run_scoped3A_192 = tpu.sem_alloc : memref<!tpu.dma_semaphore, #tpu.memory_space<semaphore_mem>>
      %dma_start3A_193 = arith.constant 0 : i32
      %dma_start3A_194 = tpu.memref_slice %arg2[%arg0, %add3A_7, %dma_start3A_193] : memref<2x10240x64xf32, #tpu.memory_space<hbm>> -> memref<1x128x64xf32, #tpu.memory_space<hbm>>
      %dma_start3A_195 = tpu.memref_squeeze %dma_start3A_194 : memref<1x128x64xf32, #tpu.memory_space<hbm>> -> memref<128x64xf32, #tpu.memory_space<hbm>>
      %dma_start3A_196 = arith.constant 0 : i32
      %dma_start3A_197 = tpu.memref_slice %arg2[%arg0, %add3A_7, %dma_start3A_196] : memref<2x10240x64xf32, #tpu.memory_space<hbm>> -> memref<1x128x64xf32, #tpu.memory_space<hbm>>
      %dma_start3A_198 = tpu.memref_squeeze %dma_start3A_197 : memref<1x128x64xf32, #tpu.memory_space<hbm>> -> memref<128x64xf32, #tpu.memory_space<hbm>>
      tpu.enqueue_dma source(%dma_start3A_198 : memref<128x64xf32, #tpu.memory_space<hbm>>) target(%arg8 : memref<128x64xf32, #tpu.memory_space<vmem>>) target_semaphore(%run_scoped3A_192 : memref<!tpu.dma_semaphore, #tpu.memory_space<semaphore_mem>>)
      %dma_wait3A_199 = arith.constant 0 : i32
      %dma_wait3A_200 = tpu.memref_slice %arg2[%arg0, %add3A_7, %dma_wait3A_199] : memref<2x10240x64xf32, #tpu.memory_space<hbm>> -> memref<1x128x64xf32, #tpu.memory_space<hbm>>
      %dma_wait3A_201 = tpu.memref_squeeze %dma_wait3A_200 : memref<1x128x64xf32, #tpu.memory_space<hbm>> -> memref<128x64xf32, #tpu.memory_space<hbm>>
      %dma_wait3A_202 = arith.constant 0 : i32
      %dma_wait3A_203 = tpu.memref_slice %arg2[%arg0, %add3A_7, %dma_wait3A_202] : memref<2x10240x64xf32, #tpu.memory_space<hbm>> -> memref<1x128x64xf32, #tpu.memory_space<hbm>>
      %dma_wait3A_204 = tpu.memref_squeeze %dma_wait3A_203 : memref<1x128x64xf32, #tpu.memory_space<hbm>> -> memref<128x64xf32, #tpu.memory_space<hbm>>
      tpu.wait_dma2 semaphore(%run_scoped3A_192 : memref<!tpu.dma_semaphore, #tpu.memory_space<semaphore_mem>>) src(%dma_wait3A_204 : memref<128x64xf32, #tpu.memory_space<hbm>>) dst(%arg8 : memref<128x64xf32, #tpu.memory_space<vmem>>)
      tpu.yield
    }) : () -> ()
    %add3A_8 = arith.constant 0 : i32
    %add3A_9 = arith.addi %mul3A_0, %add3A_8 : i32
    "tpu.region"() ({
      %run_scoped3A_192 = tpu.sem_alloc : memref<!tpu.dma_semaphore, #tpu.memory_space<semaphore_mem>>
      %dma_start3A_193 = arith.constant 0 : i32
      %dma_start3A_194 = tpu.memref_slice %arg11[%add3A_9, %dma_start3A_193] : memref<10240x64xf32, #tpu.memory_space<vmem_shared>> -> memref<128x64xf32, #tpu.memory_space<vmem_shared>>
      %dma_start3A_195 = arith.constant 0 : i32
      %dma_start3A_196 = tpu.memref_slice %arg11[%add3A_9, %dma_start3A_195] : memref<10240x64xf32, #tpu.memory_space<vmem_shared>> -> memref<128x64xf32, #tpu.memory_space<vmem_shared>>
      tpu.enqueue_dma source(%arg8 : memref<128x64xf32, #tpu.memory_space<vmem>>) target(%dma_start3A_196 : memref<128x64xf32, #tpu.memory_space<vmem_shared>>) target_semaphore(%run_scoped3A_192 : memref<!tpu.dma_semaphore, #tpu.memory_space<semaphore_mem>>)
      %dma_wait3A_197 = arith.constant 0 : i32
      %dma_wait3A_198 = tpu.memref_slice %arg11[%add3A_9, %dma_wait3A_197] : memref<10240x64xf32, #tpu.memory_space<vmem_shared>> -> memref<128x64xf32, #tpu.memory_space<vmem_shared>>
      %dma_wait3A_199 = arith.constant 0 : i32
      %dma_wait3A_200 = tpu.memref_slice %arg11[%add3A_9, %dma_wait3A_199] : memref<10240x64xf32, #tpu.memory_space<vmem_shared>> -> memref<128x64xf32, #tpu.memory_space<vmem_shared>>
      tpu.wait_dma2 semaphore(%run_scoped3A_192 : memref<!tpu.dma_semaphore, #tpu.memory_space<semaphore_mem>>) src(%arg8 : memref<128x64xf32, #tpu.memory_space<vmem>>) dst(%dma_wait3A_200 : memref<128x64xf32, #tpu.memory_space<vmem_shared>>)
      tpu.yield
    }) : () -> ()
    %add3A_10 = arith.constant 0 : i32
    %add3A_11 = arith.addi %mul3A_0, %add3A_10 : i32
    "tpu.region"() ({
      %run_scoped3A_192 = tpu.sem_alloc : memref<!tpu.dma_semaphore, #tpu.memory_space<semaphore_mem>>
      %dma_start3A_193 = arith.constant 0 : i32
      %dma_start3A_194 = tpu.memref_slice %arg12[%add3A_11, %dma_start3A_193] : memref<10240x64xf32, #tpu.memory_space<vmem_shared>> -> memref<128x64xf32, #tpu.memory_space<vmem_shared>>
      %dma_start3A_195 = arith.constant 0 : i32
      %dma_start3A_196 = tpu.memref_slice %arg12[%add3A_11, %dma_start3A_195] : memref<10240x64xf32, #tpu.memory_space<vmem_shared>> -> memref<128x64xf32, #tpu.memory_space<vmem_shared>>
      tpu.enqueue_dma source(%arg9 : memref<128x64xf32, #tpu.memory_space<vmem>>) target(%dma_start3A_196 : memref<128x64xf32, #tpu.memory_space<vmem_shared>>) target_semaphore(%run_scoped3A_192 : memref<!tpu.dma_semaphore, #tpu.memory_space<semaphore_mem>>)
      %dma_wait3A_197 = arith.constant 0 : i32
      %dma_wait3A_198 = tpu.memref_slice %arg12[%add3A_11, %dma_wait3A_197] : memref<10240x64xf32, #tpu.memory_space<vmem_shared>> -> memref<128x64xf32, #tpu.memory_space<vmem_shared>>
      %dma_wait3A_199 = arith.constant 0 : i32
      %dma_wait3A_200 = tpu.memref_slice %arg12[%add3A_11, %dma_wait3A_199] : memref<10240x64xf32, #tpu.memory_space<vmem_shared>> -> memref<128x64xf32, #tpu.memory_space<vmem_shared>>
      tpu.wait_dma2 semaphore(%run_scoped3A_192 : memref<!tpu.dma_semaphore, #tpu.memory_space<semaphore_mem>>) src(%arg9 : memref<128x64xf32, #tpu.memory_space<vmem>>) dst(%dma_wait3A_200 : memref<128x64xf32, #tpu.memory_space<vmem_shared>>)
      tpu.yield
    }) : () -> ()
    %add3A_12 = arith.constant 128 : i32
    %add3A_13 = arith.addi %mul3A_0, %add3A_12 : i32
    "tpu.region"() ({
      %run_scoped3A_192 = tpu.sem_alloc : memref<!tpu.dma_semaphore, #tpu.memory_space<semaphore_mem>>
      %dma_start3A_193 = arith.constant 0 : i32
      %dma_start3A_194 = tpu.memref_slice %arg2[%arg0, %add3A_13, %dma_start3A_193] : memref<2x10240x64xf32, #tpu.memory_space<hbm>> -> memref<1x128x64xf32, #tpu.memory_space<hbm>>
      %dma_start3A_195 = tpu.memref_squeeze %dma_start3A_194 : memref<1x128x64xf32, #tpu.memory_space<hbm>> -> memref<128x64xf32, #tpu.memory_space<hbm>>
      %dma_start3A_196 = arith.constant 0 : i32
      %dma_start3A_197 = tpu.memref_slice %arg2[%arg0, %add3A_13, %dma_start3A_196] : memref<2x10240x64xf32, #tpu.memory_space<hbm>> -> memref<1x128x64xf32, #tpu.memory_space<hbm>>
      %dma_start3A_198 = tpu.memref_squeeze %dma_start3A_197 : memref<1x128x64xf32, #tpu.memory_space<hbm>> -> memref<128x64xf32, #tpu.memory_space<hbm>>
      tpu.enqueue_dma source(%dma_start3A_198 : memref<128x64xf32, #tpu.memory_space<hbm>>) target(%arg8 : memref<128x64xf32, #tpu.memory_space<vmem>>) target_semaphore(%run_scoped3A_192 : memref<!tpu.dma_semaphore, #tpu.memory_space<semaphore_mem>>)
      %dma_wait3A_199 = arith.constant 0 : i32
      %dma_wait3A_200 = tpu.memref_slice %arg2[%arg0, %add3A_13, %dma_wait3A_199] : memref<2x10240x64xf32, #tpu.memory_space<hbm>> -> memref<1x128x64xf32, #tpu.memory_space<hbm>>
      %dma_wait3A_201 = tpu.memref_squeeze %dma_wait3A_200 : memref<1x128x64xf32, #tpu.memory_space<hbm>> -> memref<128x64xf32, #tpu.memory_space<hbm>>
      %dma_wait3A_202 = arith.constant 0 : i32
      %dma_wait3A_203 = tpu.memref_slice %arg2[%arg0, %add3A_13, %dma_wait3A_202] : memref<2x10240x64xf32, #tpu.memory_space<hbm>> -> memref<1x128x64xf32, #tpu.memory_space<hbm>>
      %dma_wait3A_204 = tpu.memref_squeeze %dma_wait3A_203 : memref<1x128x64xf32, #tpu.memory_space<hbm>> -> memref<128x64xf32, #tpu.memory_space<hbm>>
      tpu.wait_dma2 semaphore(%run_scoped3A_192 : memref<!tpu.dma_semaphore, #tpu.memory_space<semaphore_mem>>) src(%dma_wait3A_204 : memref<128x64xf32, #tpu.memory_space<hbm>>) dst(%arg8 : memref<128x64xf32, #tpu.memory_space<vmem>>)
      tpu.yield
    }) : () -> ()
    %add3A_14 = arith.constant 128 : i32
    %add3A_15 = arith.addi %mul3A_0, %add3A_14 : i32
    "tpu.region"() ({
      %run_scoped3A_192 = tpu.sem_alloc : memref<!tpu.dma_semaphore, #tpu.memory_space<semaphore_mem>>
      %dma_start3A_193 = arith.constant 0 : i32
      %dma_start3A_194 = tpu.memref_slice %arg11[%add3A_15, %dma_start3A_193] : memref<10240x64xf32, #tpu.memory_space<vmem_shared>> -> memref<128x64xf32, #tpu.memory_space<vmem_shared>>
      %dma_start3A_195 = arith.constant 0 : i32
      %dma_start3A_196 = tpu.memref_slice %arg11[%add3A_15, %dma_start3A_195] : memref<10240x64xf32, #tpu.memory_space<vmem_shared>> -> memref<128x64xf32, #tpu.memory_space<vmem_shared>>
      tpu.enqueue_dma source(%arg8 : memref<128x64xf32, #tpu.memory_space<vmem>>) target(%dma_start3A_196 : memref<128x64xf32, #tpu.memory_space<vmem_shared>>) target_semaphore(%run_scoped3A_192 : memref<!tpu.dma_semaphore, #tpu.memory_space<semaphore_mem>>)
      %dma_wait3A_197 = arith.constant 0 : i32
      %dma_wait3A_198 = tpu.memref_slice %arg11[%add3A_15, %dma_wait3A_197] : memref<10240x64xf32, #tpu.memory_space<vmem_shared>> -> memref<128x64xf32, #tpu.memory_space<vmem_shared>>
      %dma_wait3A_199 = arith.constant 0 : i32
      %dma_wait3A_200 = tpu.memref_slice %arg11[%add3A_15, %dma_wait3A_199] : memref<10240x64xf32, #tpu.memory_space<vmem_shared>> -> memref<128x64xf32, #tpu.memory_space<vmem_shared>>
      tpu.wait_dma2 semaphore(%run_scoped3A_192 : memref<!tpu.dma_semaphore, #tpu.memory_space<semaphore_mem>>) src(%arg8 : memref<128x64xf32, #tpu.memory_space<vmem>>) dst(%dma_wait3A_200 : memref<128x64xf32, #tpu.memory_space<vmem_shared>>)
      tpu.yield
    }) : () -> ()
    %add3A_16 = arith.constant 128 : i32
    %add3A_17 = arith.addi %mul3A_0, %add3A_16 : i32
    "tpu.region"() ({
      %run_scoped3A_192 = tpu.sem_alloc : memref<!tpu.dma_semaphore, #tpu.memory_space<semaphore_mem>>
      %dma_start3A_193 = arith.constant 0 : i32
      %dma_start3A_194 = tpu.memref_slice %arg12[%add3A_17, %dma_start3A_193] : memref<10240x64xf32, #tpu.memory_space<vmem_shared>> -> memref<128x64xf32, #tpu.memory_space<vmem_shared>>
      %dma_start3A_195 = arith.constant 0 : i32
      %dma_start3A_196 = tpu.memref_slice %arg12[%add3A_17, %dma_start3A_195] : memref<10240x64xf32, #tpu.memory_space<vmem_shared>> -> memref<128x64xf32, #tpu.memory_space<vmem_shared>>
      tpu.enqueue_dma source(%arg9 : memref<128x64xf32, #tpu.memory_space<vmem>>) target(%dma_start3A_196 : memref<128x64xf32, #tpu.memory_space<vmem_shared>>) target_semaphore(%run_scoped3A_192 : memref<!tpu.dma_semaphore, #tpu.memory_space<semaphore_mem>>)
      %dma_wait3A_197 = arith.constant 0 : i32
      %dma_wait3A_198 = tpu.memref_slice %arg12[%add3A_17, %dma_wait3A_197] : memref<10240x64xf32, #tpu.memory_space<vmem_shared>> -> memref<128x64xf32, #tpu.memory_space<vmem_shared>>
      %dma_wait3A_199 = arith.constant 0 : i32
      %dma_wait3A_200 = tpu.memref_slice %arg12[%add3A_17, %dma_wait3A_199] : memref<10240x64xf32, #tpu.memory_space<vmem_shared>> -> memref<128x64xf32, #tpu.memory_space<vmem_shared>>
      tpu.wait_dma2 semaphore(%run_scoped3A_192 : memref<!tpu.dma_semaphore, #tpu.memory_space<semaphore_mem>>) src(%arg9 : memref<128x64xf32, #tpu.memory_space<vmem>>) dst(%dma_wait3A_200 : memref<128x64xf32, #tpu.memory_space<vmem_shared>>)
      tpu.yield
    }) : () -> ()
    %add3A_18 = arith.constant 256 : i32
    %add3A_19 = arith.addi %mul3A_0, %add3A_18 : i32
    "tpu.region"() ({
      %run_scoped3A_192 = tpu.sem_alloc : memref<!tpu.dma_semaphore, #tpu.memory_space<semaphore_mem>>
      %dma_start3A_193 = arith.constant 0 : i32
      %dma_start3A_194 = tpu.memref_slice %arg2[%arg0, %add3A_19, %dma_start3A_193] : memref<2x10240x64xf32, #tpu.memory_space<hbm>> -> memref<1x128x64xf32, #tpu.memory_space<hbm>>
      %dma_start3A_195 = tpu.memref_squeeze %dma_start3A_194 : memref<1x128x64xf32, #tpu.memory_space<hbm>> -> memref<128x64xf32, #tpu.memory_space<hbm>>
      %dma_start3A_196 = arith.constant 0 : i32
      %dma_start3A_197 = tpu.memref_slice %arg2[%arg0, %add3A_19, %dma_start3A_196] : memref<2x10240x64xf32, #tpu.memory_space<hbm>> -> memref<1x128x64xf32, #tpu.memory_space<hbm>>
      %dma_start3A_198 = tpu.memref_squeeze %dma_start3A_197 : memref<1x128x64xf32, #tpu.memory_space<hbm>> -> memref<128x64xf32, #tpu.memory_space<hbm>>
      tpu.enqueue_dma source(%dma_start3A_198 : memref<128x64xf32, #tpu.memory_space<hbm>>) target(%arg8 : memref<128x64xf32, #tpu.memory_space<vmem>>) target_semaphore(%run_scoped3A_192 : memref<!tpu.dma_semaphore, #tpu.memory_space<semaphore_mem>>)
      %dma_wait3A_199 = arith.constant 0 : i32
      %dma_wait3A_200 = tpu.memref_slice %arg2[%arg0, %add3A_19, %dma_wait3A_199] : memref<2x10240x64xf32, #tpu.memory_space<hbm>> -> memref<1x128x64xf32, #tpu.memory_space<hbm>>
      %dma_wait3A_201 = tpu.memref_squeeze %dma_wait3A_200 : memref<1x128x64xf32, #tpu.memory_space<hbm>> -> memref<128x64xf32, #tpu.memory_space<hbm>>
      %dma_wait3A_202 = arith.constant 0 : i32
      %dma_wait3A_203 = tpu.memref_slice %arg2[%arg0, %add3A_19, %dma_wait3A_202] : memref<2x10240x64xf32, #tpu.memory_space<hbm>> -> memref<1x128x64xf32, #tpu.memory_space<hbm>>
      %dma_wait3A_204 = tpu.memref_squeeze %dma_wait3A_203 : memref<1x128x64xf32, #tpu.memory_space<hbm>> -> memref<128x64xf32, #tpu.memory_space<hbm>>
      tpu.wait_dma2 semaphore(%run_scoped3A_192 : memref<!tpu.dma_semaphore, #tpu.memory_space<semaphore_mem>>) src(%dma_wait3A_204 : memref<128x64xf32, #tpu.memory_space<hbm>>) dst(%arg8 : memref<128x64xf32, #tpu.memory_space<vmem>>)
      tpu.yield
    }) : () -> ()
    %add3A_20 = arith.constant 256 : i32
    %add3A_21 = arith.addi %mul3A_0, %add3A_20 : i32
    "tpu.region"() ({
      %run_scoped3A_192 = tpu.sem_alloc : memref<!tpu.dma_semaphore, #tpu.memory_space<semaphore_mem>>
      %dma_start3A_193 = arith.constant 0 : i32
      %dma_start3A_194 = tpu.memref_slice %arg11[%add3A_21, %dma_start3A_193] : memref<10240x64xf32, #tpu.memory_space<vmem_shared>> -> memref<128x64xf32, #tpu.memory_space<vmem_shared>>
      %dma_start3A_195 = arith.constant 0 : i32
      %dma_start3A_196 = tpu.memref_slice %arg11[%add3A_21, %dma_start3A_195] : memref<10240x64xf32, #tpu.memory_space<vmem_shared>> -> memref<128x64xf32, #tpu.memory_space<vmem_shared>>
      tpu.enqueue_dma source(%arg8 : memref<128x64xf32, #tpu.memory_space<vmem>>) target(%dma_start3A_196 : memref<128x64xf32, #tpu.memory_space<vmem_shared>>) target_semaphore(%run_scoped3A_192 : memref<!tpu.dma_semaphore, #tpu.memory_space<semaphore_mem>>)
      %dma_wait3A_197 = arith.constant 0 : i32
      %dma_wait3A_198 = tpu.memref_slice %arg11[%add3A_21, %dma_wait3A_197] : memref<10240x64xf32, #tpu.memory_space<vmem_shared>> -> memref<128x64xf32, #tpu.memory_space<vmem_shared>>
      %dma_wait3A_199 = arith.constant 0 : i32
      %dma_wait3A_200 = tpu.memref_slice %arg11[%add3A_21, %dma_wait3A_199] : memref<10240x64xf32, #tpu.memory_space<vmem_shared>> -> memref<128x64xf32, #tpu.memory_space<vmem_shared>>
      tpu.wait_dma2 semaphore(%run_scoped3A_192 : memref<!tpu.dma_semaphore, #tpu.memory_space<semaphore_mem>>) src(%arg8 : memref<128x64xf32, #tpu.memory_space<vmem>>) dst(%dma_wait3A_200 : memref<128x64xf32, #tpu.memory_space<vmem_shared>>)
      tpu.yield
    }) : () -> ()
    %add3A_22 = arith.constant 256 : i32
    %add3A_23 = arith.addi %mul3A_0, %add3A_22 : i32
    "tpu.region"() ({
      %run_scoped3A_192 = tpu.sem_alloc : memref<!tpu.dma_semaphore, #tpu.memory_space<semaphore_mem>>
      %dma_start3A_193 = arith.constant 0 : i32
      %dma_start3A_194 = tpu.memref_slice %arg12[%add3A_23, %dma_start3A_193] : memref<10240x64xf32, #tpu.memory_space<vmem_shared>> -> memref<128x64xf32, #tpu.memory_space<vmem_shared>>
      %dma_start3A_195 = arith.constant 0 : i32
      %dma_start3A_196 = tpu.memref_slice %arg12[%add3A_23, %dma_start3A_195] : memref<10240x64xf32, #tpu.memory_space<vmem_shared>> -> memref<128x64xf32, #tpu.memory_space<vmem_shared>>
      tpu.enqueue_dma source(%arg9 : memref<128x64xf32, #tpu.memory_space<vmem>>) target(%dma_start3A_196 : memref<128x64xf32, #tpu.memory_space<vmem_shared>>) target_semaphore(%run_scoped3A_192 : memref<!tpu.dma_semaphore, #tpu.memory_space<semaphore_mem>>)
      %dma_wait3A_197 = arith.constant 0 : i32
      %dma_wait3A_198 = tpu.memref_slice %arg12[%add3A_23, %dma_wait3A_197] : memref<10240x64xf32, #tpu.memory_space<vmem_shared>> -> memref<128x64xf32, #tpu.memory_space<vmem_shared>>
      %dma_wait3A_199 = arith.constant 0 : i32
      %dma_wait3A_200 = tpu.memref_slice %arg12[%add3A_23, %dma_wait3A_199] : memref<10240x64xf32, #tpu.memory_space<vmem_shared>> -> memref<128x64xf32, #tpu.memory_space<vmem_shared>>
      tpu.wait_dma2 semaphore(%run_scoped3A_192 : memref<!tpu.dma_semaphore, #tpu.memory_space<semaphore_mem>>) src(%arg9 : memref<128x64xf32, #tpu.memory_space<vmem>>) dst(%dma_wait3A_200 : memref<128x64xf32, #tpu.memory_space<vmem_shared>>)
      tpu.yield
    }) : () -> ()
    %add3A_24 = arith.constant 384 : i32
    %add3A_25 = arith.addi %mul3A_0, %add3A_24 : i32
    "tpu.region"() ({
      %run_scoped3A_192 = tpu.sem_alloc : memref<!tpu.dma_semaphore, #tpu.memory_space<semaphore_mem>>
      %dma_start3A_193 = arith.constant 0 : i32
      %dma_start3A_194 = tpu.memref_slice %arg2[%arg0, %add3A_25, %dma_start3A_193] : memref<2x10240x64xf32, #tpu.memory_space<hbm>> -> memref<1x128x64xf32, #tpu.memory_space<hbm>>
      %dma_start3A_195 = tpu.memref_squeeze %dma_start3A_194 : memref<1x128x64xf32, #tpu.memory_space<hbm>> -> memref<128x64xf32, #tpu.memory_space<hbm>>
      %dma_start3A_196 = arith.constant 0 : i32
      %dma_start3A_197 = tpu.memref_slice %arg2[%arg0, %add3A_25, %dma_start3A_196] : memref<2x10240x64xf32, #tpu.memory_space<hbm>> -> memref<1x128x64xf32, #tpu.memory_space<hbm>>
      %dma_start3A_198 = tpu.memref_squeeze %dma_start3A_197 : memref<1x128x64xf32, #tpu.memory_space<hbm>> -> memref<128x64xf32, #tpu.memory_space<hbm>>
      tpu.enqueue_dma source(%dma_start3A_198 : memref<128x64xf32, #tpu.memory_space<hbm>>) target(%arg8 : memref<128x64xf32, #tpu.memory_space<vmem>>) target_semaphore(%run_scoped3A_192 : memref<!tpu.dma_semaphore, #tpu.memory_space<semaphore_mem>>)
      %dma_wait3A_199 = arith.constant 0 : i32
      %dma_wait3A_200 = tpu.memref_slice %arg2[%arg0, %add3A_25, %dma_wait3A_199] : memref<2x10240x64xf32, #tpu.memory_space<hbm>> -> memref<1x128x64xf32, #tpu.memory_space<hbm>>
      %dma_wait3A_201 = tpu.memref_squeeze %dma_wait3A_200 : memref<1x128x64xf32, #tpu.memory_space<hbm>> -> memref<128x64xf32, #tpu.memory_space<hbm>>
      %dma_wait3A_202 = arith.constant 0 : i32
      %dma_wait3A_203 = tpu.memref_slice %arg2[%arg0, %add3A_25, %dma_wait3A_202] : memref<2x10240x64xf32, #tpu.memory_space<hbm>> -> memref<1x128x64xf32, #tpu.memory_space<hbm>>
      %dma_wait3A_204 = tpu.memref_squeeze %dma_wait3A_203 : memref<1x128x64xf32, #tpu.memory_space<hbm>> -> memref<128x64xf32, #tpu.memory_space<hbm>>
      tpu.wait_dma2 semaphore(%run_scoped3A_192 : memref<!tpu.dma_semaphore, #tpu.memory_space<semaphore_mem>>) src(%dma_wait3A_204 : memref<128x64xf32, #tpu.memory_space<hbm>>) dst(%arg8 : memref<128x64xf32, #tpu.memory_space<vmem>>)
      tpu.yield
    }) : () -> ()
    %add3A_26 = arith.constant 384 : i32
    %add3A_27 = arith.addi %mul3A_0, %add3A_26 : i32
    "tpu.region"() ({
      %run_scoped3A_192 = tpu.sem_alloc : memref<!tpu.dma_semaphore, #tpu.memory_space<semaphore_mem>>
      %dma_start3A_193 = arith.constant 0 : i32
      %dma_start3A_194 = tpu.memref_slice %arg11[%add3A_27, %dma_start3A_193] : memref<10240x64xf32, #tpu.memory_space<vmem_shared>> -> memref<128x64xf32, #tpu.memory_space<vmem_shared>>
      %dma_start3A_195 = arith.constant 0 : i32
      %dma_start3A_196 = tpu.memref_slice %arg11[%add3A_27, %dma_start3A_195] : memref<10240x64xf32, #tpu.memory_space<vmem_shared>> -> memref<128x64xf32, #tpu.memory_space<vmem_shared>>
      tpu.enqueue_dma source(%arg8 : memref<128x64xf32, #tpu.memory_space<vmem>>) target(%dma_start3A_196 : memref<128x64xf32, #tpu.memory_space<vmem_shared>>) target_semaphore(%run_scoped3A_192 : memref<!tpu.dma_semaphore, #tpu.memory_space<semaphore_mem>>)
      %dma_wait3A_197 = arith.constant 0 : i32
      %dma_wait3A_198 = tpu.memref_slice %arg11[%add3A_27, %dma_wait3A_197] : memref<10240x64xf32, #tpu.memory_space<vmem_shared>> -> memref<128x64xf32, #tpu.memory_space<vmem_shared>>
      %dma_wait3A_199 = arith.constant 0 : i32
      %dma_wait3A_200 = tpu.memref_slice %arg11[%add3A_27, %dma_wait3A_199] : memref<10240x64xf32, #tpu.memory_space<vmem_shared>> -> memref<128x64xf32, #tpu.memory_space<vmem_shared>>
      tpu.wait_dma2 semaphore(%run_scoped3A_192 : memref<!tpu.dma_semaphore, #tpu.memory_space<semaphore_mem>>) src(%arg8 : memref<128x64xf32, #tpu.memory_space<vmem>>) dst(%dma_wait3A_200 : memref<128x64xf32, #tpu.memory_space<vmem_shared>>)
      tpu.yield
    }) : () -> ()
    %add3A_28 = arith.constant 384 : i32
    %add3A_29 = arith.addi %mul3A_0, %add3A_28 : i32
    "tpu.region"() ({
      %run_scoped3A_192 = tpu.sem_alloc : memref<!tpu.dma_semaphore, #tpu.memory_space<semaphore_mem>>
      %dma_start3A_193 = arith.constant 0 : i32
      %dma_start3A_194 = tpu.memref_slice %arg12[%add3A_29, %dma_start3A_193] : memref<10240x64xf32, #tpu.memory_space<vmem_shared>> -> memref<128x64xf32, #tpu.memory_space<vmem_shared>>
      %dma_start3A_195 = arith.constant 0 : i32
      %dma_start3A_196 = tpu.memref_slice %arg12[%add3A_29, %dma_start3A_195] : memref<10240x64xf32, #tpu.memory_space<vmem_shared>> -> memref<128x64xf32, #tpu.memory_space<vmem_shared>>
      tpu.enqueue_dma source(%arg9 : memref<128x64xf32, #tpu.memory_space<vmem>>) target(%dma_start3A_196 : memref<128x64xf32, #tpu.memory_space<vmem_shared>>) target_semaphore(%run_scoped3A_192 : memref<!tpu.dma_semaphore, #tpu.memory_space<semaphore_mem>>)
      %dma_wait3A_197 = arith.constant 0 : i32
      %dma_wait3A_198 = tpu.memref_slice %arg12[%add3A_29, %dma_wait3A_197] : memref<10240x64xf32, #tpu.memory_space<vmem_shared>> -> memref<128x64xf32, #tpu.memory_space<vmem_shared>>
      %dma_wait3A_199 = arith.constant 0 : i32
      %dma_wait3A_200 = tpu.memref_slice %arg12[%add3A_29, %dma_wait3A_199] : memref<10240x64xf32, #tpu.memory_space<vmem_shared>> -> memref<128x64xf32, #tpu.memory_space<vmem_shared>>
      tpu.wait_dma2 semaphore(%run_scoped3A_192 : memref<!tpu.dma_semaphore, #tpu.memory_space<semaphore_mem>>) src(%arg9 : memref<128x64xf32, #tpu.memory_space<vmem>>) dst(%dma_wait3A_200 : memref<128x64xf32, #tpu.memory_space<vmem_shared>>)
      tpu.yield
    }) : () -> ()
    %add3A_30 = arith.constant 512 : i32
    %add3A_31 = arith.addi %mul3A_0, %add3A_30 : i32
    "tpu.region"() ({
      %run_scoped3A_192 = tpu.sem_alloc : memref<!tpu.dma_semaphore, #tpu.memory_space<semaphore_mem>>
      %dma_start3A_193 = arith.constant 0 : i32
      %dma_start3A_194 = tpu.memref_slice %arg2[%arg0, %add3A_31, %dma_start3A_193] : memref<2x10240x64xf32, #tpu.memory_space<hbm>> -> memref<1x128x64xf32, #tpu.memory_space<hbm>>
      %dma_start3A_195 = tpu.memref_squeeze %dma_start3A_194 : memref<1x128x64xf32, #tpu.memory_space<hbm>> -> memref<128x64xf32, #tpu.memory_space<hbm>>
      %dma_start3A_196 = arith.constant 0 : i32
      %dma_start3A_197 = tpu.memref_slice %arg2[%arg0, %add3A_31, %dma_start3A_196] : memref<2x10240x64xf32, #tpu.memory_space<hbm>> -> memref<1x128x64xf32, #tpu.memory_space<hbm>>
      %dma_start3A_198 = tpu.memref_squeeze %dma_start3A_197 : memref<1x128x64xf32, #tpu.memory_space<hbm>> -> memref<128x64xf32, #tpu.memory_space<hbm>>
      tpu.enqueue_dma source(%dma_start3A_198 : memref<128x64xf32, #tpu.memory_space<hbm>>) target(%arg8 : memref<128x64xf32, #tpu.memory_space<vmem>>) target_semaphore(%run_scoped3A_192 : memref<!tpu.dma_semaphore, #tpu.memory_space<semaphore_mem>>)
      %dma_wait3A_199 = arith.constant 0 : i32
      %dma_wait3A_200 = tpu.memref_slice %arg2[%arg0, %add3A_31, %dma_wait3A_199] : memref<2x10240x64xf32, #tpu.memory_space<hbm>> -> memref<1x128x64xf32, #tpu.memory_space<hbm>>
      %dma_wait3A_201 = tpu.memref_squeeze %dma_wait3A_200 : memref<1x128x64xf32, #tpu.memory_space<hbm>> -> memref<128x64xf32, #tpu.memory_space<hbm>>
      %dma_wait3A_202 = arith.constant 0 : i32
      %dma_wait3A_203 = tpu.memref_slice %arg2[%arg0, %add3A_31, %dma_wait3A_202] : memref<2x10240x64xf32, #tpu.memory_space<hbm>> -> memref<1x128x64xf32, #tpu.memory_space<hbm>>
      %dma_wait3A_204 = tpu.memref_squeeze %dma_wait3A_203 : memref<1x128x64xf32, #tpu.memory_space<hbm>> -> memref<128x64xf32, #tpu.memory_space<hbm>>
      tpu.wait_dma2 semaphore(%run_scoped3A_192 : memref<!tpu.dma_semaphore, #tpu.memory_space<semaphore_mem>>) src(%dma_wait3A_204 : memref<128x64xf32, #tpu.memory_space<hbm>>) dst(%arg8 : memref<128x64xf32, #tpu.memory_space<vmem>>)
      tpu.yield
    }) : () -> ()
    %add3A_32 = arith.constant 512 : i32
    %add3A_33 = arith.addi %mul3A_0, %add3A_32 : i32
    "tpu.region"() ({
      %run_scoped3A_192 = tpu.sem_alloc : memref<!tpu.dma_semaphore, #tpu.memory_space<semaphore_mem>>
      %dma_start3A_193 = arith.constant 0 : i32
      %dma_start3A_194 = tpu.memref_slice %arg11[%add3A_33, %dma_start3A_193] : memref<10240x64xf32, #tpu.memory_space<vmem_shared>> -> memref<128x64xf32, #tpu.memory_space<vmem_shared>>
      %dma_start3A_195 = arith.constant 0 : i32
      %dma_start3A_196 = tpu.memref_slice %arg11[%add3A_33, %dma_start3A_195] : memref<10240x64xf32, #tpu.memory_space<vmem_shared>> -> memref<128x64xf32, #tpu.memory_space<vmem_shared>>
      tpu.enqueue_dma source(%arg8 : memref<128x64xf32, #tpu.memory_space<vmem>>) target(%dma_start3A_196 : memref<128x64xf32, #tpu.memory_space<vmem_shared>>) target_semaphore(%run_scoped3A_192 : memref<!tpu.dma_semaphore, #tpu.memory_space<semaphore_mem>>)
      %dma_wait3A_197 = arith.constant 0 : i32
      %dma_wait3A_198 = tpu.memref_slice %arg11[%add3A_33, %dma_wait3A_197] : memref<10240x64xf32, #tpu.memory_space<vmem_shared>> -> memref<128x64xf32, #tpu.memory_space<vmem_shared>>
      %dma_wait3A_199 = arith.constant 0 : i32
      %dma_wait3A_200 = tpu.memref_slice %arg11[%add3A_33, %dma_wait3A_199] : memref<10240x64xf32, #tpu.memory_space<vmem_shared>> -> memref<128x64xf32, #tpu.memory_space<vmem_shared>>
      tpu.wait_dma2 semaphore(%run_scoped3A_192 : memref<!tpu.dma_semaphore, #tpu.memory_space<semaphore_mem>>) src(%arg8 : memref<128x64xf32, #tpu.memory_space<vmem>>) dst(%dma_wait3A_200 : memref<128x64xf32, #tpu.memory_space<vmem_shared>>)
      tpu.yield
    }) : () -> ()
    %add3A_34 = arith.constant 512 : i32
    %add3A_35 = arith.addi %mul3A_0, %add3A_34 : i32
    "tpu.region"() ({
      %run_scoped3A_192 = tpu.sem_alloc : memref<!tpu.dma_semaphore, #tpu.memory_space<semaphore_mem>>
      %dma_start3A_193 = arith.constant 0 : i32
      %dma_start3A_194 = tpu.memref_slice %arg12[%add3A_35, %dma_start3A_193] : memref<10240x64xf32, #tpu.memory_space<vmem_shared>> -> memref<128x64xf32, #tpu.memory_space<vmem_shared>>
      %dma_start3A_195 = arith.constant 0 : i32
      %dma_start3A_196 = tpu.memref_slice %arg12[%add3A_35, %dma_start3A_195] : memref<10240x64xf32, #tpu.memory_space<vmem_shared>> -> memref<128x64xf32, #tpu.memory_space<vmem_shared>>
      tpu.enqueue_dma source(%arg9 : memref<128x64xf32, #tpu.memory_space<vmem>>) target(%dma_start3A_196 : memref<128x64xf32, #tpu.memory_space<vmem_shared>>) target_semaphore(%run_scoped3A_192 : memref<!tpu.dma_semaphore, #tpu.memory_space<semaphore_mem>>)
      %dma_wait3A_197 = arith.constant 0 : i32
      %dma_wait3A_198 = tpu.memref_slice %arg12[%add3A_35, %dma_wait3A_197] : memref<10240x64xf32, #tpu.memory_space<vmem_shared>> -> memref<128x64xf32, #tpu.memory_space<vmem_shared>>
      %dma_wait3A_199 = arith.constant 0 : i32
      %dma_wait3A_200 = tpu.memref_slice %arg12[%add3A_35, %dma_wait3A_199] : memref<10240x64xf32, #tpu.memory_space<vmem_shared>> -> memref<128x64xf32, #tpu.memory_space<vmem_shared>>
      tpu.wait_dma2 semaphore(%run_scoped3A_192 : memref<!tpu.dma_semaphore, #tpu.memory_space<semaphore_mem>>) src(%arg9 : memref<128x64xf32, #tpu.memory_space<vmem>>) dst(%dma_wait3A_200 : memref<128x64xf32, #tpu.memory_space<vmem_shared>>)
      tpu.yield
    }) : () -> ()
    %barrier3A = arith.constant 0 : index
    tpu.barrier barrier_id(%barrier3A)
    %mul3A_36 = arith.constant 2 : i32
    %mul3A_37 = arith.muli %arg1, %mul3A_36 : i32
    %add3A_38 = arith.constant 0 : i32
    %add3A_39 = arith.addi %mul3A_37, %add3A_38 : i32
    %mul3A_40 = arith.constant 80 : i32
    %mul3A_41 = arith.muli %add3A_39, %mul3A_40 : i32
    "tpu.region"() ({
      %run_scoped3A_192 = tpu.sem_alloc : memref<!tpu.dma_semaphore, #tpu.memory_space<semaphore_mem>>
      %dma_start3A_193 = arith.constant 0 : i32
      %dma_start3A_194 = tpu.memref_slice %arg3[%mul3A_41, %dma_start3A_193] : memref<2560x128xi32, #tpu.memory_space<hbm>> -> memref<80x128xi32, #tpu.memory_space<hbm>>
      %dma_start3A_195 = arith.constant 0 : i32
      %dma_start3A_196 = tpu.memref_slice %arg3[%mul3A_41, %dma_start3A_195] : memref<2560x128xi32, #tpu.memory_space<hbm>> -> memref<80x128xi32, #tpu.memory_space<hbm>>
      tpu.enqueue_dma source(%dma_start3A_196 : memref<80x128xi32, #tpu.memory_space<hbm>>) target(%arg6 : memref<80x128xi32, #tpu.memory_space<vmem>>) target_semaphore(%run_scoped3A_192 : memref<!tpu.dma_semaphore, #tpu.memory_space<semaphore_mem>>)
      %dma_wait3A_197 = arith.constant 0 : i32
      %dma_wait3A_198 = tpu.memref_slice %arg3[%mul3A_41, %dma_wait3A_197] : memref<2560x128xi32, #tpu.memory_space<hbm>> -> memref<80x128xi32, #tpu.memory_space<hbm>>
      %dma_wait3A_199 = arith.constant 0 : i32
      %dma_wait3A_200 = tpu.memref_slice %arg3[%mul3A_41, %dma_wait3A_199] : memref<2560x128xi32, #tpu.memory_space<hbm>> -> memref<80x128xi32, #tpu.memory_space<hbm>>
      tpu.wait_dma2 semaphore(%run_scoped3A_192 : memref<!tpu.dma_semaphore, #tpu.memory_space<semaphore_mem>>) src(%dma_wait3A_200 : memref<80x128xi32, #tpu.memory_space<hbm>>) dst(%arg6 : memref<80x128xi32, #tpu.memory_space<vmem>>)
      tpu.yield
    }) : () -> ()
    %mul3A_42 = arith.constant 2 : i32
    %mul3A_43 = arith.muli %arg1, %mul3A_42 : i32
    %add3A_44 = arith.constant 0 : i32
    %add3A_45 = arith.addi %mul3A_43, %add3A_44 : i32
    %mul3A_46 = arith.constant 80 : i32
    %mul3A_47 = arith.muli %add3A_45, %mul3A_46 : i32
    "tpu.region"() ({
      %run_scoped3A_192 = tpu.sem_alloc : memref<!tpu.dma_semaphore, #tpu.memory_space<semaphore_mem>>
      %dma_start3A_193 = arith.constant 0 : i32
      %dma_start3A_194 = tpu.memref_slice %arg4[%mul3A_47, %dma_start3A_193] : memref<2560x128xi32, #tpu.memory_space<hbm>> -> memref<80x128xi32, #tpu.memory_space<hbm>>
      %dma_start3A_195 = arith.constant 0 : i32
      %dma_start3A_196 = tpu.memref_slice %arg4[%mul3A_47, %dma_start3A_195] : memref<2560x128xi32, #tpu.memory_space<hbm>> -> memref<80x128xi32, #tpu.memory_space<hbm>>
      tpu.enqueue_dma source(%dma_start3A_196 : memref<80x128xi32, #tpu.memory_space<hbm>>) target(%arg7 : memref<80x128xi32, #tpu.memory_space<vmem>>) target_semaphore(%run_scoped3A_192 : memref<!tpu.dma_semaphore, #tpu.memory_space<semaphore_mem>>)
      %dma_wait3A_197 = arith.constant 0 : i32
      %dma_wait3A_198 = tpu.memref_slice %arg4[%mul3A_47, %dma_wait3A_197] : memref<2560x128xi32, #tpu.memory_space<hbm>> -> memref<80x128xi32, #tpu.memory_space<hbm>>
      %dma_wait3A_199 = arith.constant 0 : i32
      %dma_wait3A_200 = tpu.memref_slice %arg4[%mul3A_47, %dma_wait3A_199] : memref<2560x128xi32, #tpu.memory_space<hbm>> -> memref<80x128xi32, #tpu.memory_space<hbm>>
      tpu.wait_dma2 semaphore(%run_scoped3A_192 : memref<!tpu.dma_semaphore, #tpu.memory_space<semaphore_mem>>) src(%dma_wait3A_200 : memref<80x128xi32, #tpu.memory_space<hbm>>) dst(%arg7 : memref<80x128xi32, #tpu.memory_space<vmem>>)
      tpu.yield
    }) : () -> ()
    %dma_start3A = arith.constant 0 : i32
    %dma_start3A_48 = arith.constant 0 : i32
    %dma_start3A_49 = tpu.memref_slice %arg6[%dma_start3A, %dma_start3A_48] : memref<80x128xi32, #tpu.memory_space<vmem>> -> memref<1x128xi32, #tpu.memory_space<vmem>>
    %dma_start3A_50 = tpu.memref_squeeze %dma_start3A_49 : memref<1x128xi32, #tpu.memory_space<vmem>> -> memref<128xi32, #tpu.memory_space<vmem>>
    %dma_start3A_51 = arith.constant 0 : i32
    %dma_start3A_52 = arith.constant 0 : i32
    %dma_start3A_53 = tpu.memref_slice %arg11[%dma_start3A_51, %dma_start3A_52] : memref<10240x64xf32, #tpu.memory_space<vmem_shared>> -> memref<10240x64xf32, #tpu.memory_space<vmem_shared>>
    tpu.enqueue_indirect_dma source(%dma_start3A_53 : memref<10240x64xf32, #tpu.memory_space<vmem_shared>>) target(%arg8 : memref<128x64xf32, #tpu.memory_space<vmem>>) offsets(%dma_start3A_50 : memref<128xi32, #tpu.memory_space<vmem>>) semaphore(%arg13 : memref<!tpu.dma_semaphore, #tpu.memory_space<semaphore_mem>>)
    %dma_start3A_54 = arith.constant 1 : i32
    %dma_start3A_55 = arith.constant 0 : i32
    %dma_start3A_56 = tpu.memref_slice %arg6[%dma_start3A_54, %dma_start3A_55] : memref<80x128xi32, #tpu.memory_space<vmem>> -> memref<1x128xi32, #tpu.memory_space<vmem>>
    %dma_start3A_57 = tpu.memref_squeeze %dma_start3A_56 : memref<1x128xi32, #tpu.memory_space<vmem>> -> memref<128xi32, #tpu.memory_space<vmem>>
    %dma_start3A_58 = arith.constant 0 : i32
    %dma_start3A_59 = arith.constant 0 : i32
    %dma_start3A_60 = tpu.memref_slice %arg11[%dma_start3A_58, %dma_start3A_59] : memref<10240x64xf32, #tpu.memory_space<vmem_shared>> -> memref<10240x64xf32, #tpu.memory_space<vmem_shared>>
    tpu.enqueue_indirect_dma source(%dma_start3A_60 : memref<10240x64xf32, #tpu.memory_space<vmem_shared>>) target(%arg9 : memref<128x64xf32, #tpu.memory_space<vmem>>) offsets(%dma_start3A_57 : memref<128xi32, #tpu.memory_space<vmem>>) semaphore(%arg14 : memref<!tpu.dma_semaphore, #tpu.memory_space<semaphore_mem>>)
    %dma_start3A_61 = arith.constant 2 : i32
    %dma_start3A_62 = arith.constant 0 : i32
    %dma_start3A_63 = tpu.memref_slice %arg6[%dma_start3A_61, %dma_start3A_62] : memref<80x128xi32, #tpu.memory_space<vmem>> -> memref<1x128xi32, #tpu.memory_space<vmem>>
    %dma_start3A_64 = tpu.memref_squeeze %dma_start3A_63 : memref<1x128xi32, #tpu.memory_space<vmem>> -> memref<128xi32, #tpu.memory_space<vmem>>
    %dma_start3A_65 = arith.constant 0 : i32
    %dma_start3A_66 = arith.constant 0 : i32
    %dma_start3A_67 = tpu.memref_slice %arg11[%dma_start3A_65, %dma_start3A_66] : memref<10240x64xf32, #tpu.memory_space<vmem_shared>> -> memref<10240x64xf32, #tpu.memory_space<vmem_shared>>
    tpu.enqueue_indirect_dma source(%dma_start3A_67 : memref<10240x64xf32, #tpu.memory_space<vmem_shared>>) target(%arg10 : memref<128x64xf32, #tpu.memory_space<vmem>>) offsets(%dma_start3A_64 : memref<128xi32, #tpu.memory_space<vmem>>) semaphore(%arg15 : memref<!tpu.dma_semaphore, #tpu.memory_space<semaphore_mem>>)
    %scan3A_68 = arith.constant 0 : i32
    %scan3A_69 = arith.constant 0 : i32
    %scan3A_70 = arith.constant 26 : i32
    %scan3A_71 = arith.addi %scan3A_69, %scan3A_70 : i32
    %scan3A_72 = arith.constant 1 : i32
    scf.for %scan3A_192 = %scan3A_69 to %scan3A_71 step %scan3A_72  : i32 {
      %mul3A_193 = arith.constant 3 : i32
      %mul3A_194 = arith.muli %scan3A_192, %mul3A_193 : i32
      %add3A_195 = arith.constant 0 : i32
      %add3A_196 = arith.addi %mul3A_194, %add3A_195 : i32
      %dma_wait3A_197 = arith.constant 0 : i32
      %dma_wait3A_198 = tpu.memref_slice %arg6[%add3A_196, %dma_wait3A_197] : memref<80x128xi32, #tpu.memory_space<vmem>> -> memref<1x128xi32, #tpu.memory_space<vmem>>
      %dma_wait3A_199 = tpu.memref_squeeze %dma_wait3A_198 : memref<1x128xi32, #tpu.memory_space<vmem>> -> memref<128xi32, #tpu.memory_space<vmem>>
      %dma_wait3A_200 = arith.constant 0 : i32
      %dma_wait3A_201 = arith.constant 0 : i32
      %dma_wait3A_202 = tpu.memref_slice %arg11[%dma_wait3A_200, %dma_wait3A_201] : memref<10240x64xf32, #tpu.memory_space<vmem_shared>> -> memref<10240x64xf32, #tpu.memory_space<vmem_shared>>
      tpu.wait_indirect_dma semaphore(%arg13 : memref<!tpu.dma_semaphore, #tpu.memory_space<semaphore_mem>>) src(%dma_wait3A_202 : memref<10240x64xf32, #tpu.memory_space<vmem_shared>>) dst(%arg8 : memref<128x64xf32, #tpu.memory_space<vmem>>)
      "tpu.region"() ({
        %run_scoped3A_235 = tpu.sem_alloc : memref<!tpu.dma_semaphore, #tpu.memory_space<semaphore_mem>>
        %dma_start3A_236 = arith.constant 0 : i32
        %dma_start3A_237 = tpu.memref_slice %arg7[%add3A_196, %dma_start3A_236] : memref<80x128xi32, #tpu.memory_space<vmem>> -> memref<1x128xi32, #tpu.memory_space<vmem>>
        %dma_start3A_238 = tpu.memref_squeeze %dma_start3A_237 : memref<1x128xi32, #tpu.memory_space<vmem>> -> memref<128xi32, #tpu.memory_space<vmem>>
        %dma_start3A_239 = arith.constant 0 : i32
        %dma_start3A_240 = arith.constant 0 : i32
        %dma_start3A_241 = tpu.memref_slice %arg12[%dma_start3A_239, %dma_start3A_240] : memref<10240x64xf32, #tpu.memory_space<vmem_shared>> -> memref<10240x64xf32, #tpu.memory_space<vmem_shared>>
        tpu.enqueue_indirect_dma source(%arg8 : memref<128x64xf32, #tpu.memory_space<vmem>>) target(%dma_start3A_241 : memref<10240x64xf32, #tpu.memory_space<vmem_shared>>) offsets(%dma_start3A_238 : memref<128xi32, #tpu.memory_space<vmem>>) semaphore(%run_scoped3A_235 : memref<!tpu.dma_semaphore, #tpu.memory_space<semaphore_mem>>) {add = true}
        %dma_wait3A_242 = arith.constant 0 : i32
        %dma_wait3A_243 = tpu.memref_slice %arg7[%add3A_196, %dma_wait3A_242] : memref<80x128xi32, #tpu.memory_space<vmem>> -> memref<1x128xi32, #tpu.memory_space<vmem>>
        %dma_wait3A_244 = tpu.memref_squeeze %dma_wait3A_243 : memref<1x128xi32, #tpu.memory_space<vmem>> -> memref<128xi32, #tpu.memory_space<vmem>>
        %dma_wait3A_245 = arith.constant 0 : i32
        %dma_wait3A_246 = arith.constant 0 : i32
        %dma_wait3A_247 = tpu.memref_slice %arg12[%dma_wait3A_245, %dma_wait3A_246] : memref<10240x64xf32, #tpu.memory_space<vmem_shared>> -> memref<10240x64xf32, #tpu.memory_space<vmem_shared>>
        tpu.wait_indirect_dma semaphore(%run_scoped3A_235 : memref<!tpu.dma_semaphore, #tpu.memory_space<semaphore_mem>>) src(%arg8 : memref<128x64xf32, #tpu.memory_space<vmem>>) dst(%dma_wait3A_247 : memref<10240x64xf32, #tpu.memory_space<vmem_shared>>)
        tpu.yield
      }) : () -> ()
      %lt3A = arith.constant 25 : i32
      %lt3A_203 = arith.cmpi slt, %scan3A_192, %lt3A : i32
      %convert_element_type3A = arith.extui %lt3A_203 : i1 to i32
      %cond3A = arith.constant 0 : i32
      %cond3A_204 = arith.cmpi ne, %convert_element_type3A, %cond3A : i32
      scf.if %cond3A_204 {
        %add3A_235 = arith.constant 3 : i32
        %add3A_236 = arith.addi %add3A_196, %add3A_235 : i32
        %dma_start3A_237 = arith.constant 0 : i32
        %dma_start3A_238 = tpu.memref_slice %arg6[%add3A_236, %dma_start3A_237] : memref<80x128xi32, #tpu.memory_space<vmem>> -> memref<1x128xi32, #tpu.memory_space<vmem>>
        %dma_start3A_239 = tpu.memref_squeeze %dma_start3A_238 : memref<1x128xi32, #tpu.memory_space<vmem>> -> memref<128xi32, #tpu.memory_space<vmem>>
        %dma_start3A_240 = arith.constant 0 : i32
        %dma_start3A_241 = arith.constant 0 : i32
        %dma_start3A_242 = tpu.memref_slice %arg11[%dma_start3A_240, %dma_start3A_241] : memref<10240x64xf32, #tpu.memory_space<vmem_shared>> -> memref<10240x64xf32, #tpu.memory_space<vmem_shared>>
        tpu.enqueue_indirect_dma source(%dma_start3A_242 : memref<10240x64xf32, #tpu.memory_space<vmem_shared>>) target(%arg8 : memref<128x64xf32, #tpu.memory_space<vmem>>) offsets(%dma_start3A_239 : memref<128xi32, #tpu.memory_space<vmem>>) semaphore(%arg13 : memref<!tpu.dma_semaphore, #tpu.memory_space<semaphore_mem>>)
      } else {
      }
      %mul3A_205 = arith.constant 3 : i32
      %mul3A_206 = arith.muli %scan3A_192, %mul3A_205 : i32
      %add3A_207 = arith.constant 1 : i32
      %add3A_208 = arith.addi %mul3A_206, %add3A_207 : i32
      %dma_wait3A_209 = arith.constant 0 : i32
      %dma_wait3A_210 = tpu.memref_slice %arg6[%add3A_208, %dma_wait3A_209] : memref<80x128xi32, #tpu.memory_space<vmem>> -> memref<1x128xi32, #tpu.memory_space<vmem>>
      %dma_wait3A_211 = tpu.memref_squeeze %dma_wait3A_210 : memref<1x128xi32, #tpu.memory_space<vmem>> -> memref<128xi32, #tpu.memory_space<vmem>>
      %dma_wait3A_212 = arith.constant 0 : i32
      %dma_wait3A_213 = arith.constant 0 : i32
      %dma_wait3A_214 = tpu.memref_slice %arg11[%dma_wait3A_212, %dma_wait3A_213] : memref<10240x64xf32, #tpu.memory_space<vmem_shared>> -> memref<10240x64xf32, #tpu.memory_space<vmem_shared>>
      tpu.wait_indirect_dma semaphore(%arg14 : memref<!tpu.dma_semaphore, #tpu.memory_space<semaphore_mem>>) src(%dma_wait3A_214 : memref<10240x64xf32, #tpu.memory_space<vmem_shared>>) dst(%arg9 : memref<128x64xf32, #tpu.memory_space<vmem>>)
      "tpu.region"() ({
        %run_scoped3A_235 = tpu.sem_alloc : memref<!tpu.dma_semaphore, #tpu.memory_space<semaphore_mem>>
        %dma_start3A_236 = arith.constant 0 : i32
        %dma_start3A_237 = tpu.memref_slice %arg7[%add3A_208, %dma_start3A_236] : memref<80x128xi32, #tpu.memory_space<vmem>> -> memref<1x128xi32, #tpu.memory_space<vmem>>
        %dma_start3A_238 = tpu.memref_squeeze %dma_start3A_237 : memref<1x128xi32, #tpu.memory_space<vmem>> -> memref<128xi32, #tpu.memory_space<vmem>>
        %dma_start3A_239 = arith.constant 0 : i32
        %dma_start3A_240 = arith.constant 0 : i32
        %dma_start3A_241 = tpu.memref_slice %arg12[%dma_start3A_239, %dma_start3A_240] : memref<10240x64xf32, #tpu.memory_space<vmem_shared>> -> memref<10240x64xf32, #tpu.memory_space<vmem_shared>>
        tpu.enqueue_indirect_dma source(%arg9 : memref<128x64xf32, #tpu.memory_space<vmem>>) target(%dma_start3A_241 : memref<10240x64xf32, #tpu.memory_space<vmem_shared>>) offsets(%dma_start3A_238 : memref<128xi32, #tpu.memory_space<vmem>>) semaphore(%run_scoped3A_235 : memref<!tpu.dma_semaphore, #tpu.memory_space<semaphore_mem>>) {add = true}
        %dma_wait3A_242 = arith.constant 0 : i32
        %dma_wait3A_243 = tpu.memref_slice %arg7[%add3A_208, %dma_wait3A_242] : memref<80x128xi32, #tpu.memory_space<vmem>> -> memref<1x128xi32, #tpu.memory_space<vmem>>
        %dma_wait3A_244 = tpu.memref_squeeze %dma_wait3A_243 : memref<1x128xi32, #tpu.memory_space<vmem>> -> memref<128xi32, #tpu.memory_space<vmem>>
        %dma_wait3A_245 = arith.constant 0 : i32
        %dma_wait3A_246 = arith.constant 0 : i32
        %dma_wait3A_247 = tpu.memref_slice %arg12[%dma_wait3A_245, %dma_wait3A_246] : memref<10240x64xf32, #tpu.memory_space<vmem_shared>> -> memref<10240x64xf32, #tpu.memory_space<vmem_shared>>
        tpu.wait_indirect_dma semaphore(%run_scoped3A_235 : memref<!tpu.dma_semaphore, #tpu.memory_space<semaphore_mem>>) src(%arg9 : memref<128x64xf32, #tpu.memory_space<vmem>>) dst(%dma_wait3A_247 : memref<10240x64xf32, #tpu.memory_space<vmem_shared>>)
        tpu.yield
      }) : () -> ()
      %lt3A_215 = arith.constant 25 : i32
      %lt3A_216 = arith.cmpi slt, %scan3A_192, %lt3A_215 : i32
      %convert_element_type3A_217 = arith.extui %lt3A_216 : i1 to i32
      %cond3A_218 = arith.constant 0 : i32
      %cond3A_219 = arith.cmpi ne, %convert_element_type3A_217, %cond3A_218 : i32
      scf.if %cond3A_219 {
        %add3A_235 = arith.constant 3 : i32
        %add3A_236 = arith.addi %add3A_208, %add3A_235 : i32
        %dma_start3A_237 = arith.constant 0 : i32
        %dma_start3A_238 = tpu.memref_slice %arg6[%add3A_236, %dma_start3A_237] : memref<80x128xi32, #tpu.memory_space<vmem>> -> memref<1x128xi32, #tpu.memory_space<vmem>>
        %dma_start3A_239 = tpu.memref_squeeze %dma_start3A_238 : memref<1x128xi32, #tpu.memory_space<vmem>> -> memref<128xi32, #tpu.memory_space<vmem>>
        %dma_start3A_240 = arith.constant 0 : i32
        %dma_start3A_241 = arith.constant 0 : i32
        %dma_start3A_242 = tpu.memref_slice %arg11[%dma_start3A_240, %dma_start3A_241] : memref<10240x64xf32, #tpu.memory_space<vmem_shared>> -> memref<10240x64xf32, #tpu.memory_space<vmem_shared>>
        tpu.enqueue_indirect_dma source(%dma_start3A_242 : memref<10240x64xf32, #tpu.memory_space<vmem_shared>>) target(%arg9 : memref<128x64xf32, #tpu.memory_space<vmem>>) offsets(%dma_start3A_239 : memref<128xi32, #tpu.memory_space<vmem>>) semaphore(%arg14 : memref<!tpu.dma_semaphore, #tpu.memory_space<semaphore_mem>>)
      } else {
      }
      %mul3A_220 = arith.constant 3 : i32
      %mul3A_221 = arith.muli %scan3A_192, %mul3A_220 : i32
      %add3A_222 = arith.constant 2 : i32
      %add3A_223 = arith.addi %mul3A_221, %add3A_222 : i32
      %dma_wait3A_224 = arith.constant 0 : i32
      %dma_wait3A_225 = tpu.memref_slice %arg6[%add3A_223, %dma_wait3A_224] : memref<80x128xi32, #tpu.memory_space<vmem>> -> memref<1x128xi32, #tpu.memory_space<vmem>>
      %dma_wait3A_226 = tpu.memref_squeeze %dma_wait3A_225 : memref<1x128xi32, #tpu.memory_space<vmem>> -> memref<128xi32, #tpu.memory_space<vmem>>
      %dma_wait3A_227 = arith.constant 0 : i32
      %dma_wait3A_228 = arith.constant 0 : i32
      %dma_wait3A_229 = tpu.memref_slice %arg11[%dma_wait3A_227, %dma_wait3A_228] : memref<10240x64xf32, #tpu.memory_space<vmem_shared>> -> memref<10240x64xf32, #tpu.memory_space<vmem_shared>>
      tpu.wait_indirect_dma semaphore(%arg15 : memref<!tpu.dma_semaphore, #tpu.memory_space<semaphore_mem>>) src(%dma_wait3A_229 : memref<10240x64xf32, #tpu.memory_space<vmem_shared>>) dst(%arg10 : memref<128x64xf32, #tpu.memory_space<vmem>>)
      "tpu.region"() ({
        %run_scoped3A_235 = tpu.sem_alloc : memref<!tpu.dma_semaphore, #tpu.memory_space<semaphore_mem>>
        %dma_start3A_236 = arith.constant 0 : i32
        %dma_start3A_237 = tpu.memref_slice %arg7[%add3A_223, %dma_start3A_236] : memref<80x128xi32, #tpu.memory_space<vmem>> -> memref<1x128xi32, #tpu.memory_space<vmem>>
        %dma_start3A_238 = tpu.memref_squeeze %dma_start3A_237 : memref<1x128xi32, #tpu.memory_space<vmem>> -> memref<128xi32, #tpu.memory_space<vmem>>
        %dma_start3A_239 = arith.constant 0 : i32
        %dma_start3A_240 = arith.constant 0 : i32
        %dma_start3A_241 = tpu.memref_slice %arg12[%dma_start3A_239, %dma_start3A_240] : memref<10240x64xf32, #tpu.memory_space<vmem_shared>> -> memref<10240x64xf32, #tpu.memory_space<vmem_shared>>
        tpu.enqueue_indirect_dma source(%arg10 : memref<128x64xf32, #tpu.memory_space<vmem>>) target(%dma_start3A_241 : memref<10240x64xf32, #tpu.memory_space<vmem_shared>>) offsets(%dma_start3A_238 : memref<128xi32, #tpu.memory_space<vmem>>) semaphore(%run_scoped3A_235 : memref<!tpu.dma_semaphore, #tpu.memory_space<semaphore_mem>>) {add = true}
        %dma_wait3A_242 = arith.constant 0 : i32
        %dma_wait3A_243 = tpu.memref_slice %arg7[%add3A_223, %dma_wait3A_242] : memref<80x128xi32, #tpu.memory_space<vmem>> -> memref<1x128xi32, #tpu.memory_space<vmem>>
        %dma_wait3A_244 = tpu.memref_squeeze %dma_wait3A_243 : memref<1x128xi32, #tpu.memory_space<vmem>> -> memref<128xi32, #tpu.memory_space<vmem>>
        %dma_wait3A_245 = arith.constant 0 : i32
        %dma_wait3A_246 = arith.constant 0 : i32
        %dma_wait3A_247 = tpu.memref_slice %arg12[%dma_wait3A_245, %dma_wait3A_246] : memref<10240x64xf32, #tpu.memory_space<vmem_shared>> -> memref<10240x64xf32, #tpu.memory_space<vmem_shared>>
        tpu.wait_indirect_dma semaphore(%run_scoped3A_235 : memref<!tpu.dma_semaphore, #tpu.memory_space<semaphore_mem>>) src(%arg10 : memref<128x64xf32, #tpu.memory_space<vmem>>) dst(%dma_wait3A_247 : memref<10240x64xf32, #tpu.memory_space<vmem_shared>>)
        tpu.yield
      }) : () -> ()
      %lt3A_230 = arith.constant 25 : i32
      %lt3A_231 = arith.cmpi slt, %scan3A_192, %lt3A_230 : i32
      %convert_element_type3A_232 = arith.extui %lt3A_231 : i1 to i32
      %cond3A_233 = arith.constant 0 : i32
      %cond3A_234 = arith.cmpi ne, %convert_element_type3A_232, %cond3A_233 : i32
      scf.if %cond3A_234 {
        %add3A_235 = arith.constant 3 : i32
        %add3A_236 = arith.addi %add3A_223, %add3A_235 : i32
        %dma_start3A_237 = arith.constant 0 : i32
        %dma_start3A_238 = tpu.memref_slice %arg6[%add3A_236, %dma_start3A_237] : memref<80x128xi32, #tpu.memory_space<vmem>> -> memref<1x128xi32, #tpu.memory_space<vmem>>
        %dma_start3A_239 = tpu.memref_squeeze %dma_start3A_238 : memref<1x128xi32, #tpu.memory_space<vmem>> -> memref<128xi32, #tpu.memory_space<vmem>>
        %dma_start3A_240 = arith.constant 0 : i32
        %dma_start3A_241 = arith.constant 0 : i32
        %dma_start3A_242 = tpu.memref_slice %arg11[%dma_start3A_240, %dma_start3A_241] : memref<10240x64xf32, #tpu.memory_space<vmem_shared>> -> memref<10240x64xf32, #tpu.memory_space<vmem_shared>>
        tpu.enqueue_indirect_dma source(%dma_start3A_242 : memref<10240x64xf32, #tpu.memory_space<vmem_shared>>) target(%arg10 : memref<128x64xf32, #tpu.memory_space<vmem>>) offsets(%dma_start3A_239 : memref<128xi32, #tpu.memory_space<vmem>>) semaphore(%arg15 : memref<!tpu.dma_semaphore, #tpu.memory_space<semaphore_mem>>)
      } else {
      }
    }
    %scan3A_73 = arith.constant 26 : i32
    %dma_start3A_74 = arith.constant 78 : i32
    %dma_start3A_75 = arith.constant 0 : i32
    %dma_start3A_76 = tpu.memref_slice %arg6[%dma_start3A_74, %dma_start3A_75] : memref<80x128xi32, #tpu.memory_space<vmem>> -> memref<1x128xi32, #tpu.memory_space<vmem>>
    %dma_start3A_77 = tpu.memref_squeeze %dma_start3A_76 : memref<1x128xi32, #tpu.memory_space<vmem>> -> memref<128xi32, #tpu.memory_space<vmem>>
    %dma_start3A_78 = arith.constant 0 : i32
    %dma_start3A_79 = arith.constant 0 : i32
    %dma_start3A_80 = tpu.memref_slice %arg11[%dma_start3A_78, %dma_start3A_79] : memref<10240x64xf32, #tpu.memory_space<vmem_shared>> -> memref<10240x64xf32, #tpu.memory_space<vmem_shared>>
    tpu.enqueue_indirect_dma source(%dma_start3A_80 : memref<10240x64xf32, #tpu.memory_space<vmem_shared>>) target(%arg8 : memref<128x64xf32, #tpu.memory_space<vmem>>) offsets(%dma_start3A_77 : memref<128xi32, #tpu.memory_space<vmem>>) semaphore(%arg13 : memref<!tpu.dma_semaphore, #tpu.memory_space<semaphore_mem>>)
    %dma_wait3A = arith.constant 78 : i32
    %dma_wait3A_81 = arith.constant 0 : i32
    %dma_wait3A_82 = tpu.memref_slice %arg6[%dma_wait3A, %dma_wait3A_81] : memref<80x128xi32, #tpu.memory_space<vmem>> -> memref<1x128xi32, #tpu.memory_space<vmem>>
    %dma_wait3A_83 = tpu.memref_squeeze %dma_wait3A_82 : memref<1x128xi32, #tpu.memory_space<vmem>> -> memref<128xi32, #tpu.memory_space<vmem>>
    %dma_wait3A_84 = arith.constant 0 : i32
    %dma_wait3A_85 = arith.constant 0 : i32
    %dma_wait3A_86 = tpu.memref_slice %arg11[%dma_wait3A_84, %dma_wait3A_85] : memref<10240x64xf32, #tpu.memory_space<vmem_shared>> -> memref<10240x64xf32, #tpu.memory_space<vmem_shared>>
    tpu.wait_indirect_dma semaphore(%arg13 : memref<!tpu.dma_semaphore, #tpu.memory_space<semaphore_mem>>) src(%dma_wait3A_86 : memref<10240x64xf32, #tpu.memory_space<vmem_shared>>) dst(%arg8 : memref<128x64xf32, #tpu.memory_space<vmem>>)
    %run_scoped3A = arith.constant 78 : i32
    "tpu.region"() ({
      %run_scoped3A_192 = tpu.sem_alloc : memref<!tpu.dma_semaphore, #tpu.memory_space<semaphore_mem>>
      %dma_start3A_193 = arith.constant 0 : i32
      %dma_start3A_194 = tpu.memref_slice %arg7[%run_scoped3A, %dma_start3A_193] : memref<80x128xi32, #tpu.memory_space<vmem>> -> memref<1x128xi32, #tpu.memory_space<vmem>>
      %dma_start3A_195 = tpu.memref_squeeze %dma_start3A_194 : memref<1x128xi32, #tpu.memory_space<vmem>> -> memref<128xi32, #tpu.memory_space<vmem>>
      %dma_start3A_196 = arith.constant 0 : i32
      %dma_start3A_197 = arith.constant 0 : i32
      %dma_start3A_198 = tpu.memref_slice %arg12[%dma_start3A_196, %dma_start3A_197] : memref<10240x64xf32, #tpu.memory_space<vmem_shared>> -> memref<10240x64xf32, #tpu.memory_space<vmem_shared>>
      tpu.enqueue_indirect_dma source(%arg8 : memref<128x64xf32, #tpu.memory_space<vmem>>) target(%dma_start3A_198 : memref<10240x64xf32, #tpu.memory_space<vmem_shared>>) offsets(%dma_start3A_195 : memref<128xi32, #tpu.memory_space<vmem>>) semaphore(%run_scoped3A_192 : memref<!tpu.dma_semaphore, #tpu.memory_space<semaphore_mem>>) {add = true}
      %dma_wait3A_199 = arith.constant 0 : i32
      %dma_wait3A_200 = tpu.memref_slice %arg7[%run_scoped3A, %dma_wait3A_199] : memref<80x128xi32, #tpu.memory_space<vmem>> -> memref<1x128xi32, #tpu.memory_space<vmem>>
      %dma_wait3A_201 = tpu.memref_squeeze %dma_wait3A_200 : memref<1x128xi32, #tpu.memory_space<vmem>> -> memref<128xi32, #tpu.memory_space<vmem>>
      %dma_wait3A_202 = arith.constant 0 : i32
      %dma_wait3A_203 = arith.constant 0 : i32
      %dma_wait3A_204 = tpu.memref_slice %arg12[%dma_wait3A_202, %dma_wait3A_203] : memref<10240x64xf32, #tpu.memory_space<vmem_shared>> -> memref<10240x64xf32, #tpu.memory_space<vmem_shared>>
      tpu.wait_indirect_dma semaphore(%run_scoped3A_192 : memref<!tpu.dma_semaphore, #tpu.memory_space<semaphore_mem>>) src(%arg8 : memref<128x64xf32, #tpu.memory_space<vmem>>) dst(%dma_wait3A_204 : memref<10240x64xf32, #tpu.memory_space<vmem_shared>>)
      tpu.yield
    }) : () -> ()
    %dma_start3A_87 = arith.constant 79 : i32
    %dma_start3A_88 = arith.constant 0 : i32
    %dma_start3A_89 = tpu.memref_slice %arg6[%dma_start3A_87, %dma_start3A_88] : memref<80x128xi32, #tpu.memory_space<vmem>> -> memref<1x128xi32, #tpu.memory_space<vmem>>
    %dma_start3A_90 = tpu.memref_squeeze %dma_start3A_89 : memref<1x128xi32, #tpu.memory_space<vmem>> -> memref<128xi32, #tpu.memory_space<vmem>>
    %dma_start3A_91 = arith.constant 0 : i32
    %dma_start3A_92 = arith.constant 0 : i32
    %dma_start3A_93 = tpu.memref_slice %arg11[%dma_start3A_91, %dma_start3A_92] : memref<10240x64xf32, #tpu.memory_space<vmem_shared>> -> memref<10240x64xf32, #tpu.memory_space<vmem_shared>>
    tpu.enqueue_indirect_dma source(%dma_start3A_93 : memref<10240x64xf32, #tpu.memory_space<vmem_shared>>) target(%arg8 : memref<128x64xf32, #tpu.memory_space<vmem>>) offsets(%dma_start3A_90 : memref<128xi32, #tpu.memory_space<vmem>>) semaphore(%arg13 : memref<!tpu.dma_semaphore, #tpu.memory_space<semaphore_mem>>)
    %dma_wait3A_94 = arith.constant 79 : i32
    %dma_wait3A_95 = arith.constant 0 : i32
    %dma_wait3A_96 = tpu.memref_slice %arg6[%dma_wait3A_94, %dma_wait3A_95] : memref<80x128xi32, #tpu.memory_space<vmem>> -> memref<1x128xi32, #tpu.memory_space<vmem>>
    %dma_wait3A_97 = tpu.memref_squeeze %dma_wait3A_96 : memref<1x128xi32, #tpu.memory_space<vmem>> -> memref<128xi32, #tpu.memory_space<vmem>>
    %dma_wait3A_98 = arith.constant 0 : i32
    %dma_wait3A_99 = arith.constant 0 : i32
    %dma_wait3A_100 = tpu.memref_slice %arg11[%dma_wait3A_98, %dma_wait3A_99] : memref<10240x64xf32, #tpu.memory_space<vmem_shared>> -> memref<10240x64xf32, #tpu.memory_space<vmem_shared>>
    tpu.wait_indirect_dma semaphore(%arg13 : memref<!tpu.dma_semaphore, #tpu.memory_space<semaphore_mem>>) src(%dma_wait3A_100 : memref<10240x64xf32, #tpu.memory_space<vmem_shared>>) dst(%arg8 : memref<128x64xf32, #tpu.memory_space<vmem>>)
    %run_scoped3A_101 = arith.constant 79 : i32
    "tpu.region"() ({
      %run_scoped3A_192 = tpu.sem_alloc : memref<!tpu.dma_semaphore, #tpu.memory_space<semaphore_mem>>
      %dma_start3A_193 = arith.constant 0 : i32
      %dma_start3A_194 = tpu.memref_slice %arg7[%run_scoped3A_101, %dma_start3A_193] : memref<80x128xi32, #tpu.memory_space<vmem>> -> memref<1x128xi32, #tpu.memory_space<vmem>>
      %dma_start3A_195 = tpu.memref_squeeze %dma_start3A_194 : memref<1x128xi32, #tpu.memory_space<vmem>> -> memref<128xi32, #tpu.memory_space<vmem>>
      %dma_start3A_196 = arith.constant 0 : i32
      %dma_start3A_197 = arith.constant 0 : i32
      %dma_start3A_198 = tpu.memref_slice %arg12[%dma_start3A_196, %dma_start3A_197] : memref<10240x64xf32, #tpu.memory_space<vmem_shared>> -> memref<10240x64xf32, #tpu.memory_space<vmem_shared>>
      tpu.enqueue_indirect_dma source(%arg8 : memref<128x64xf32, #tpu.memory_space<vmem>>) target(%dma_start3A_198 : memref<10240x64xf32, #tpu.memory_space<vmem_shared>>) offsets(%dma_start3A_195 : memref<128xi32, #tpu.memory_space<vmem>>) semaphore(%run_scoped3A_192 : memref<!tpu.dma_semaphore, #tpu.memory_space<semaphore_mem>>) {add = true}
      %dma_wait3A_199 = arith.constant 0 : i32
      %dma_wait3A_200 = tpu.memref_slice %arg7[%run_scoped3A_101, %dma_wait3A_199] : memref<80x128xi32, #tpu.memory_space<vmem>> -> memref<1x128xi32, #tpu.memory_space<vmem>>
      %dma_wait3A_201 = tpu.memref_squeeze %dma_wait3A_200 : memref<1x128xi32, #tpu.memory_space<vmem>> -> memref<128xi32, #tpu.memory_space<vmem>>
      %dma_wait3A_202 = arith.constant 0 : i32
      %dma_wait3A_203 = arith.constant 0 : i32
      %dma_wait3A_204 = tpu.memref_slice %arg12[%dma_wait3A_202, %dma_wait3A_203] : memref<10240x64xf32, #tpu.memory_space<vmem_shared>> -> memref<10240x64xf32, #tpu.memory_space<vmem_shared>>
      tpu.wait_indirect_dma semaphore(%run_scoped3A_192 : memref<!tpu.dma_semaphore, #tpu.memory_space<semaphore_mem>>) src(%arg8 : memref<128x64xf32, #tpu.memory_space<vmem>>) dst(%dma_wait3A_204 : memref<10240x64xf32, #tpu.memory_space<vmem_shared>>)
      tpu.yield
    }) : () -> ()
    %mul3A_102 = arith.constant 2 : i32
    %mul3A_103 = arith.muli %arg1, %mul3A_102 : i32
    %add3A_104 = arith.constant 1 : i32
    %add3A_105 = arith.addi %mul3A_103, %add3A_104 : i32
    %mul3A_106 = arith.constant 80 : i32
    %mul3A_107 = arith.muli %add3A_105, %mul3A_106 : i32
    "tpu.region"() ({
      %run_scoped3A_192 = tpu.sem_alloc : memref<!tpu.dma_semaphore, #tpu.memory_space<semaphore_mem>>
      %dma_start3A_193 = arith.constant 0 : i32
      %dma_start3A_194 = tpu.memref_slice %arg3[%mul3A_107, %dma_start3A_193] : memref<2560x128xi32, #tpu.memory_space<hbm>> -> memref<80x128xi32, #tpu.memory_space<hbm>>
      %dma_start3A_195 = arith.constant 0 : i32
      %dma_start3A_196 = tpu.memref_slice %arg3[%mul3A_107, %dma_start3A_195] : memref<2560x128xi32, #tpu.memory_space<hbm>> -> memref<80x128xi32, #tpu.memory_space<hbm>>
      tpu.enqueue_dma source(%dma_start3A_196 : memref<80x128xi32, #tpu.memory_space<hbm>>) target(%arg6 : memref<80x128xi32, #tpu.memory_space<vmem>>) target_semaphore(%run_scoped3A_192 : memref<!tpu.dma_semaphore, #tpu.memory_space<semaphore_mem>>)
      %dma_wait3A_197 = arith.constant 0 : i32
      %dma_wait3A_198 = tpu.memref_slice %arg3[%mul3A_107, %dma_wait3A_197] : memref<2560x128xi32, #tpu.memory_space<hbm>> -> memref<80x128xi32, #tpu.memory_space<hbm>>
      %dma_wait3A_199 = arith.constant 0 : i32
      %dma_wait3A_200 = tpu.memref_slice %arg3[%mul3A_107, %dma_wait3A_199] : memref<2560x128xi32, #tpu.memory_space<hbm>> -> memref<80x128xi32, #tpu.memory_space<hbm>>
      tpu.wait_dma2 semaphore(%run_scoped3A_192 : memref<!tpu.dma_semaphore, #tpu.memory_space<semaphore_mem>>) src(%dma_wait3A_200 : memref<80x128xi32, #tpu.memory_space<hbm>>) dst(%arg6 : memref<80x128xi32, #tpu.memory_space<vmem>>)
      tpu.yield
    }) : () -> ()
    %mul3A_108 = arith.constant 2 : i32
    %mul3A_109 = arith.muli %arg1, %mul3A_108 : i32
    %add3A_110 = arith.constant 1 : i32
    %add3A_111 = arith.addi %mul3A_109, %add3A_110 : i32
    %mul3A_112 = arith.constant 80 : i32
    %mul3A_113 = arith.muli %add3A_111, %mul3A_112 : i32
    "tpu.region"() ({
      %run_scoped3A_192 = tpu.sem_alloc : memref<!tpu.dma_semaphore, #tpu.memory_space<semaphore_mem>>
      %dma_start3A_193 = arith.constant 0 : i32
      %dma_start3A_194 = tpu.memref_slice %arg4[%mul3A_113, %dma_start3A_193] : memref<2560x128xi32, #tpu.memory_space<hbm>> -> memref<80x128xi32, #tpu.memory_space<hbm>>
      %dma_start3A_195 = arith.constant 0 : i32
      %dma_start3A_196 = tpu.memref_slice %arg4[%mul3A_113, %dma_start3A_195] : memref<2560x128xi32, #tpu.memory_space<hbm>> -> memref<80x128xi32, #tpu.memory_space<hbm>>
      tpu.enqueue_dma source(%dma_start3A_196 : memref<80x128xi32, #tpu.memory_space<hbm>>) target(%arg7 : memref<80x128xi32, #tpu.memory_space<vmem>>) target_semaphore(%run_scoped3A_192 : memref<!tpu.dma_semaphore, #tpu.memory_space<semaphore_mem>>)
      %dma_wait3A_197 = arith.constant 0 : i32
      %dma_wait3A_198 = tpu.memref_slice %arg4[%mul3A_113, %dma_wait3A_197] : memref<2560x128xi32, #tpu.memory_space<hbm>> -> memref<80x128xi32, #tpu.memory_space<hbm>>
      %dma_wait3A_199 = arith.constant 0 : i32
      %dma_wait3A_200 = tpu.memref_slice %arg4[%mul3A_113, %dma_wait3A_199] : memref<2560x128xi32, #tpu.memory_space<hbm>> -> memref<80x128xi32, #tpu.memory_space<hbm>>
      tpu.wait_dma2 semaphore(%run_scoped3A_192 : memref<!tpu.dma_semaphore, #tpu.memory_space<semaphore_mem>>) src(%dma_wait3A_200 : memref<80x128xi32, #tpu.memory_space<hbm>>) dst(%arg7 : memref<80x128xi32, #tpu.memory_space<vmem>>)
      tpu.yield
    }) : () -> ()
    %dma_start3A_114 = arith.constant 0 : i32
    %dma_start3A_115 = arith.constant 0 : i32
    %dma_start3A_116 = tpu.memref_slice %arg6[%dma_start3A_114, %dma_start3A_115] : memref<80x128xi32, #tpu.memory_space<vmem>> -> memref<1x128xi32, #tpu.memory_space<vmem>>
    %dma_start3A_117 = tpu.memref_squeeze %dma_start3A_116 : memref<1x128xi32, #tpu.memory_space<vmem>> -> memref<128xi32, #tpu.memory_space<vmem>>
    %dma_start3A_118 = arith.constant 0 : i32
    %dma_start3A_119 = arith.constant 0 : i32
    %dma_start3A_120 = tpu.memref_slice %arg11[%dma_start3A_118, %dma_start3A_119] : memref<10240x64xf32, #tpu.memory_space<vmem_shared>> -> memref<10240x64xf32, #tpu.memory_space<vmem_shared>>
    tpu.enqueue_indirect_dma source(%dma_start3A_120 : memref<10240x64xf32, #tpu.memory_space<vmem_shared>>) target(%arg8 : memref<128x64xf32, #tpu.memory_space<vmem>>) offsets(%dma_start3A_117 : memref<128xi32, #tpu.memory_space<vmem>>) semaphore(%arg13 : memref<!tpu.dma_semaphore, #tpu.memory_space<semaphore_mem>>)
    %dma_start3A_121 = arith.constant 1 : i32
    %dma_start3A_122 = arith.constant 0 : i32
    %dma_start3A_123 = tpu.memref_slice %arg6[%dma_start3A_121, %dma_start3A_122] : memref<80x128xi32, #tpu.memory_space<vmem>> -> memref<1x128xi32, #tpu.memory_space<vmem>>
    %dma_start3A_124 = tpu.memref_squeeze %dma_start3A_123 : memref<1x128xi32, #tpu.memory_space<vmem>> -> memref<128xi32, #tpu.memory_space<vmem>>
    %dma_start3A_125 = arith.constant 0 : i32
    %dma_start3A_126 = arith.constant 0 : i32
    %dma_start3A_127 = tpu.memref_slice %arg11[%dma_start3A_125, %dma_start3A_126] : memref<10240x64xf32, #tpu.memory_space<vmem_shared>> -> memref<10240x64xf32, #tpu.memory_space<vmem_shared>>
    tpu.enqueue_indirect_dma source(%dma_start3A_127 : memref<10240x64xf32, #tpu.memory_space<vmem_shared>>) target(%arg9 : memref<128x64xf32, #tpu.memory_space<vmem>>) offsets(%dma_start3A_124 : memref<128xi32, #tpu.memory_space<vmem>>) semaphore(%arg14 : memref<!tpu.dma_semaphore, #tpu.memory_space<semaphore_mem>>)
    %dma_start3A_128 = arith.constant 2 : i32
    %dma_start3A_129 = arith.constant 0 : i32
    %dma_start3A_130 = tpu.memref_slice %arg6[%dma_start3A_128, %dma_start3A_129] : memref<80x128xi32, #tpu.memory_space<vmem>> -> memref<1x128xi32, #tpu.memory_space<vmem>>
    %dma_start3A_131 = tpu.memref_squeeze %dma_start3A_130 : memref<1x128xi32, #tpu.memory_space<vmem>> -> memref<128xi32, #tpu.memory_space<vmem>>
    %dma_start3A_132 = arith.constant 0 : i32
    %dma_start3A_133 = arith.constant 0 : i32
    %dma_start3A_134 = tpu.memref_slice %arg11[%dma_start3A_132, %dma_start3A_133] : memref<10240x64xf32, #tpu.memory_space<vmem_shared>> -> memref<10240x64xf32, #tpu.memory_space<vmem_shared>>
    tpu.enqueue_indirect_dma source(%dma_start3A_134 : memref<10240x64xf32, #tpu.memory_space<vmem_shared>>) target(%arg10 : memref<128x64xf32, #tpu.memory_space<vmem>>) offsets(%dma_start3A_131 : memref<128xi32, #tpu.memory_space<vmem>>) semaphore(%arg15 : memref<!tpu.dma_semaphore, #tpu.memory_space<semaphore_mem>>)
    %scan3A_135 = arith.constant 0 : i32
    %scan3A_136 = arith.constant 0 : i32
    %scan3A_137 = arith.constant 26 : i32
    %scan3A_138 = arith.addi %scan3A_136, %scan3A_137 : i32
    %scan3A_139 = arith.constant 1 : i32
    scf.for %scan3A_192 = %scan3A_136 to %scan3A_138 step %scan3A_139  : i32 {
      %mul3A_193 = arith.constant 3 : i32
      %mul3A_194 = arith.muli %scan3A_192, %mul3A_193 : i32
      %add3A_195 = arith.constant 0 : i32
      %add3A_196 = arith.addi %mul3A_194, %add3A_195 : i32
      %dma_wait3A_197 = arith.constant 0 : i32
      %dma_wait3A_198 = tpu.memref_slice %arg6[%add3A_196, %dma_wait3A_197] : memref<80x128xi32, #tpu.memory_space<vmem>> -> memref<1x128xi32, #tpu.memory_space<vmem>>
      %dma_wait3A_199 = tpu.memref_squeeze %dma_wait3A_198 : memref<1x128xi32, #tpu.memory_space<vmem>> -> memref<128xi32, #tpu.memory_space<vmem>>
      %dma_wait3A_200 = arith.constant 0 : i32
      %dma_wait3A_201 = arith.constant 0 : i32
      %dma_wait3A_202 = tpu.memref_slice %arg11[%dma_wait3A_200, %dma_wait3A_201] : memref<10240x64xf32, #tpu.memory_space<vmem_shared>> -> memref<10240x64xf32, #tpu.memory_space<vmem_shared>>
      tpu.wait_indirect_dma semaphore(%arg13 : memref<!tpu.dma_semaphore, #tpu.memory_space<semaphore_mem>>) src(%dma_wait3A_202 : memref<10240x64xf32, #tpu.memory_space<vmem_shared>>) dst(%arg8 : memref<128x64xf32, #tpu.memory_space<vmem>>)
      "tpu.region"() ({
        %run_scoped3A_235 = tpu.sem_alloc : memref<!tpu.dma_semaphore, #tpu.memory_space<semaphore_mem>>
        %dma_start3A_236 = arith.constant 0 : i32
        %dma_start3A_237 = tpu.memref_slice %arg7[%add3A_196, %dma_start3A_236] : memref<80x128xi32, #tpu.memory_space<vmem>> -> memref<1x128xi32, #tpu.memory_space<vmem>>
        %dma_start3A_238 = tpu.memref_squeeze %dma_start3A_237 : memref<1x128xi32, #tpu.memory_space<vmem>> -> memref<128xi32, #tpu.memory_space<vmem>>
        %dma_start3A_239 = arith.constant 0 : i32
        %dma_start3A_240 = arith.constant 0 : i32
        %dma_start3A_241 = tpu.memref_slice %arg12[%dma_start3A_239, %dma_start3A_240] : memref<10240x64xf32, #tpu.memory_space<vmem_shared>> -> memref<10240x64xf32, #tpu.memory_space<vmem_shared>>
        tpu.enqueue_indirect_dma source(%arg8 : memref<128x64xf32, #tpu.memory_space<vmem>>) target(%dma_start3A_241 : memref<10240x64xf32, #tpu.memory_space<vmem_shared>>) offsets(%dma_start3A_238 : memref<128xi32, #tpu.memory_space<vmem>>) semaphore(%run_scoped3A_235 : memref<!tpu.dma_semaphore, #tpu.memory_space<semaphore_mem>>) {add = true}
        %dma_wait3A_242 = arith.constant 0 : i32
        %dma_wait3A_243 = tpu.memref_slice %arg7[%add3A_196, %dma_wait3A_242] : memref<80x128xi32, #tpu.memory_space<vmem>> -> memref<1x128xi32, #tpu.memory_space<vmem>>
        %dma_wait3A_244 = tpu.memref_squeeze %dma_wait3A_243 : memref<1x128xi32, #tpu.memory_space<vmem>> -> memref<128xi32, #tpu.memory_space<vmem>>
        %dma_wait3A_245 = arith.constant 0 : i32
        %dma_wait3A_246 = arith.constant 0 : i32
        %dma_wait3A_247 = tpu.memref_slice %arg12[%dma_wait3A_245, %dma_wait3A_246] : memref<10240x64xf32, #tpu.memory_space<vmem_shared>> -> memref<10240x64xf32, #tpu.memory_space<vmem_shared>>
        tpu.wait_indirect_dma semaphore(%run_scoped3A_235 : memref<!tpu.dma_semaphore, #tpu.memory_space<semaphore_mem>>) src(%arg8 : memref<128x64xf32, #tpu.memory_space<vmem>>) dst(%dma_wait3A_247 : memref<10240x64xf32, #tpu.memory_space<vmem_shared>>)
        tpu.yield
      }) : () -> ()
      %lt3A = arith.constant 25 : i32
      %lt3A_203 = arith.cmpi slt, %scan3A_192, %lt3A : i32
      %convert_element_type3A = arith.extui %lt3A_203 : i1 to i32
      %cond3A = arith.constant 0 : i32
      %cond3A_204 = arith.cmpi ne, %convert_element_type3A, %cond3A : i32
      scf.if %cond3A_204 {
        %add3A_235 = arith.constant 3 : i32
        %add3A_236 = arith.addi %add3A_196, %add3A_235 : i32
        %dma_start3A_237 = arith.constant 0 : i32
        %dma_start3A_238 = tpu.memref_slice %arg6[%add3A_236, %dma_start3A_237] : memref<80x128xi32, #tpu.memory_space<vmem>> -> memref<1x128xi32, #tpu.memory_space<vmem>>
        %dma_start3A_239 = tpu.memref_squeeze %dma_start3A_238 : memref<1x128xi32, #tpu.memory_space<vmem>> -> memref<128xi32, #tpu.memory_space<vmem>>
        %dma_start3A_240 = arith.constant 0 : i32
        %dma_start3A_241 = arith.constant 0 : i32
        %dma_start3A_242 = tpu.memref_slice %arg11[%dma_start3A_240, %dma_start3A_241] : memref<10240x64xf32, #tpu.memory_space<vmem_shared>> -> memref<10240x64xf32, #tpu.memory_space<vmem_shared>>
        tpu.enqueue_indirect_dma source(%dma_start3A_242 : memref<10240x64xf32, #tpu.memory_space<vmem_shared>>) target(%arg8 : memref<128x64xf32, #tpu.memory_space<vmem>>) offsets(%dma_start3A_239 : memref<128xi32, #tpu.memory_space<vmem>>) semaphore(%arg13 : memref<!tpu.dma_semaphore, #tpu.memory_space<semaphore_mem>>)
      } else {
      }
      %mul3A_205 = arith.constant 3 : i32
      %mul3A_206 = arith.muli %scan3A_192, %mul3A_205 : i32
      %add3A_207 = arith.constant 1 : i32
      %add3A_208 = arith.addi %mul3A_206, %add3A_207 : i32
      %dma_wait3A_209 = arith.constant 0 : i32
      %dma_wait3A_210 = tpu.memref_slice %arg6[%add3A_208, %dma_wait3A_209] : memref<80x128xi32, #tpu.memory_space<vmem>> -> memref<1x128xi32, #tpu.memory_space<vmem>>
      %dma_wait3A_211 = tpu.memref_squeeze %dma_wait3A_210 : memref<1x128xi32, #tpu.memory_space<vmem>> -> memref<128xi32, #tpu.memory_space<vmem>>
      %dma_wait3A_212 = arith.constant 0 : i32
      %dma_wait3A_213 = arith.constant 0 : i32
      %dma_wait3A_214 = tpu.memref_slice %arg11[%dma_wait3A_212, %dma_wait3A_213] : memref<10240x64xf32, #tpu.memory_space<vmem_shared>> -> memref<10240x64xf32, #tpu.memory_space<vmem_shared>>
      tpu.wait_indirect_dma semaphore(%arg14 : memref<!tpu.dma_semaphore, #tpu.memory_space<semaphore_mem>>) src(%dma_wait3A_214 : memref<10240x64xf32, #tpu.memory_space<vmem_shared>>) dst(%arg9 : memref<128x64xf32, #tpu.memory_space<vmem>>)
      "tpu.region"() ({
        %run_scoped3A_235 = tpu.sem_alloc : memref<!tpu.dma_semaphore, #tpu.memory_space<semaphore_mem>>
        %dma_start3A_236 = arith.constant 0 : i32
        %dma_start3A_237 = tpu.memref_slice %arg7[%add3A_208, %dma_start3A_236] : memref<80x128xi32, #tpu.memory_space<vmem>> -> memref<1x128xi32, #tpu.memory_space<vmem>>
        %dma_start3A_238 = tpu.memref_squeeze %dma_start3A_237 : memref<1x128xi32, #tpu.memory_space<vmem>> -> memref<128xi32, #tpu.memory_space<vmem>>
        %dma_start3A_239 = arith.constant 0 : i32
        %dma_start3A_240 = arith.constant 0 : i32
        %dma_start3A_241 = tpu.memref_slice %arg12[%dma_start3A_239, %dma_start3A_240] : memref<10240x64xf32, #tpu.memory_space<vmem_shared>> -> memref<10240x64xf32, #tpu.memory_space<vmem_shared>>
        tpu.enqueue_indirect_dma source(%arg9 : memref<128x64xf32, #tpu.memory_space<vmem>>) target(%dma_start3A_241 : memref<10240x64xf32, #tpu.memory_space<vmem_shared>>) offsets(%dma_start3A_238 : memref<128xi32, #tpu.memory_space<vmem>>) semaphore(%run_scoped3A_235 : memref<!tpu.dma_semaphore, #tpu.memory_space<semaphore_mem>>) {add = true}
        %dma_wait3A_242 = arith.constant 0 : i32
        %dma_wait3A_243 = tpu.memref_slice %arg7[%add3A_208, %dma_wait3A_242] : memref<80x128xi32, #tpu.memory_space<vmem>> -> memref<1x128xi32, #tpu.memory_space<vmem>>
        %dma_wait3A_244 = tpu.memref_squeeze %dma_wait3A_243 : memref<1x128xi32, #tpu.memory_space<vmem>> -> memref<128xi32, #tpu.memory_space<vmem>>
        %dma_wait3A_245 = arith.constant 0 : i32
        %dma_wait3A_246 = arith.constant 0 : i32
        %dma_wait3A_247 = tpu.memref_slice %arg12[%dma_wait3A_245, %dma_wait3A_246] : memref<10240x64xf32, #tpu.memory_space<vmem_shared>> -> memref<10240x64xf32, #tpu.memory_space<vmem_shared>>
        tpu.wait_indirect_dma semaphore(%run_scoped3A_235 : memref<!tpu.dma_semaphore, #tpu.memory_space<semaphore_mem>>) src(%arg9 : memref<128x64xf32, #tpu.memory_space<vmem>>) dst(%dma_wait3A_247 : memref<10240x64xf32, #tpu.memory_space<vmem_shared>>)
        tpu.yield
      }) : () -> ()
      %lt3A_215 = arith.constant 25 : i32
      %lt3A_216 = arith.cmpi slt, %scan3A_192, %lt3A_215 : i32
      %convert_element_type3A_217 = arith.extui %lt3A_216 : i1 to i32
      %cond3A_218 = arith.constant 0 : i32
      %cond3A_219 = arith.cmpi ne, %convert_element_type3A_217, %cond3A_218 : i32
      scf.if %cond3A_219 {
        %add3A_235 = arith.constant 3 : i32
        %add3A_236 = arith.addi %add3A_208, %add3A_235 : i32
        %dma_start3A_237 = arith.constant 0 : i32
        %dma_start3A_238 = tpu.memref_slice %arg6[%add3A_236, %dma_start3A_237] : memref<80x128xi32, #tpu.memory_space<vmem>> -> memref<1x128xi32, #tpu.memory_space<vmem>>
        %dma_start3A_239 = tpu.memref_squeeze %dma_start3A_238 : memref<1x128xi32, #tpu.memory_space<vmem>> -> memref<128xi32, #tpu.memory_space<vmem>>
        %dma_start3A_240 = arith.constant 0 : i32
        %dma_start3A_241 = arith.constant 0 : i32
        %dma_start3A_242 = tpu.memref_slice %arg11[%dma_start3A_240, %dma_start3A_241] : memref<10240x64xf32, #tpu.memory_space<vmem_shared>> -> memref<10240x64xf32, #tpu.memory_space<vmem_shared>>
        tpu.enqueue_indirect_dma source(%dma_start3A_242 : memref<10240x64xf32, #tpu.memory_space<vmem_shared>>) target(%arg9 : memref<128x64xf32, #tpu.memory_space<vmem>>) offsets(%dma_start3A_239 : memref<128xi32, #tpu.memory_space<vmem>>) semaphore(%arg14 : memref<!tpu.dma_semaphore, #tpu.memory_space<semaphore_mem>>)
      } else {
      }
      %mul3A_220 = arith.constant 3 : i32
      %mul3A_221 = arith.muli %scan3A_192, %mul3A_220 : i32
      %add3A_222 = arith.constant 2 : i32
      %add3A_223 = arith.addi %mul3A_221, %add3A_222 : i32
      %dma_wait3A_224 = arith.constant 0 : i32
      %dma_wait3A_225 = tpu.memref_slice %arg6[%add3A_223, %dma_wait3A_224] : memref<80x128xi32, #tpu.memory_space<vmem>> -> memref<1x128xi32, #tpu.memory_space<vmem>>
      %dma_wait3A_226 = tpu.memref_squeeze %dma_wait3A_225 : memref<1x128xi32, #tpu.memory_space<vmem>> -> memref<128xi32, #tpu.memory_space<vmem>>
      %dma_wait3A_227 = arith.constant 0 : i32
      %dma_wait3A_228 = arith.constant 0 : i32
      %dma_wait3A_229 = tpu.memref_slice %arg11[%dma_wait3A_227, %dma_wait3A_228] : memref<10240x64xf32, #tpu.memory_space<vmem_shared>> -> memref<10240x64xf32, #tpu.memory_space<vmem_shared>>
      tpu.wait_indirect_dma semaphore(%arg15 : memref<!tpu.dma_semaphore, #tpu.memory_space<semaphore_mem>>) src(%dma_wait3A_229 : memref<10240x64xf32, #tpu.memory_space<vmem_shared>>) dst(%arg10 : memref<128x64xf32, #tpu.memory_space<vmem>>)
      "tpu.region"() ({
        %run_scoped3A_235 = tpu.sem_alloc : memref<!tpu.dma_semaphore, #tpu.memory_space<semaphore_mem>>
        %dma_start3A_236 = arith.constant 0 : i32
        %dma_start3A_237 = tpu.memref_slice %arg7[%add3A_223, %dma_start3A_236] : memref<80x128xi32, #tpu.memory_space<vmem>> -> memref<1x128xi32, #tpu.memory_space<vmem>>
        %dma_start3A_238 = tpu.memref_squeeze %dma_start3A_237 : memref<1x128xi32, #tpu.memory_space<vmem>> -> memref<128xi32, #tpu.memory_space<vmem>>
        %dma_start3A_239 = arith.constant 0 : i32
        %dma_start3A_240 = arith.constant 0 : i32
        %dma_start3A_241 = tpu.memref_slice %arg12[%dma_start3A_239, %dma_start3A_240] : memref<10240x64xf32, #tpu.memory_space<vmem_shared>> -> memref<10240x64xf32, #tpu.memory_space<vmem_shared>>
        tpu.enqueue_indirect_dma source(%arg10 : memref<128x64xf32, #tpu.memory_space<vmem>>) target(%dma_start3A_241 : memref<10240x64xf32, #tpu.memory_space<vmem_shared>>) offsets(%dma_start3A_238 : memref<128xi32, #tpu.memory_space<vmem>>) semaphore(%run_scoped3A_235 : memref<!tpu.dma_semaphore, #tpu.memory_space<semaphore_mem>>) {add = true}
        %dma_wait3A_242 = arith.constant 0 : i32
        %dma_wait3A_243 = tpu.memref_slice %arg7[%add3A_223, %dma_wait3A_242] : memref<80x128xi32, #tpu.memory_space<vmem>> -> memref<1x128xi32, #tpu.memory_space<vmem>>
        %dma_wait3A_244 = tpu.memref_squeeze %dma_wait3A_243 : memref<1x128xi32, #tpu.memory_space<vmem>> -> memref<128xi32, #tpu.memory_space<vmem>>
        %dma_wait3A_245 = arith.constant 0 : i32
        %dma_wait3A_246 = arith.constant 0 : i32
        %dma_wait3A_247 = tpu.memref_slice %arg12[%dma_wait3A_245, %dma_wait3A_246] : memref<10240x64xf32, #tpu.memory_space<vmem_shared>> -> memref<10240x64xf32, #tpu.memory_space<vmem_shared>>
        tpu.wait_indirect_dma semaphore(%run_scoped3A_235 : memref<!tpu.dma_semaphore, #tpu.memory_space<semaphore_mem>>) src(%arg10 : memref<128x64xf32, #tpu.memory_space<vmem>>) dst(%dma_wait3A_247 : memref<10240x64xf32, #tpu.memory_space<vmem_shared>>)
        tpu.yield
      }) : () -> ()
      %lt3A_230 = arith.constant 25 : i32
      %lt3A_231 = arith.cmpi slt, %scan3A_192, %lt3A_230 : i32
      %convert_element_type3A_232 = arith.extui %lt3A_231 : i1 to i32
      %cond3A_233 = arith.constant 0 : i32
      %cond3A_234 = arith.cmpi ne, %convert_element_type3A_232, %cond3A_233 : i32
      scf.if %cond3A_234 {
        %add3A_235 = arith.constant 3 : i32
        %add3A_236 = arith.addi %add3A_223, %add3A_235 : i32
        %dma_start3A_237 = arith.constant 0 : i32
        %dma_start3A_238 = tpu.memref_slice %arg6[%add3A_236, %dma_start3A_237] : memref<80x128xi32, #tpu.memory_space<vmem>> -> memref<1x128xi32, #tpu.memory_space<vmem>>
        %dma_start3A_239 = tpu.memref_squeeze %dma_start3A_238 : memref<1x128xi32, #tpu.memory_space<vmem>> -> memref<128xi32, #tpu.memory_space<vmem>>
        %dma_start3A_240 = arith.constant 0 : i32
        %dma_start3A_241 = arith.constant 0 : i32
        %dma_start3A_242 = tpu.memref_slice %arg11[%dma_start3A_240, %dma_start3A_241] : memref<10240x64xf32, #tpu.memory_space<vmem_shared>> -> memref<10240x64xf32, #tpu.memory_space<vmem_shared>>
        tpu.enqueue_indirect_dma source(%dma_start3A_242 : memref<10240x64xf32, #tpu.memory_space<vmem_shared>>) target(%arg10 : memref<128x64xf32, #tpu.memory_space<vmem>>) offsets(%dma_start3A_239 : memref<128xi32, #tpu.memory_space<vmem>>) semaphore(%arg15 : memref<!tpu.dma_semaphore, #tpu.memory_space<semaphore_mem>>)
      } else {
      }
    }
    %scan3A_140 = arith.constant 26 : i32
    %dma_start3A_141 = arith.constant 78 : i32
    %dma_start3A_142 = arith.constant 0 : i32
    %dma_start3A_143 = tpu.memref_slice %arg6[%dma_start3A_141, %dma_start3A_142] : memref<80x128xi32, #tpu.memory_space<vmem>> -> memref<1x128xi32, #tpu.memory_space<vmem>>
    %dma_start3A_144 = tpu.memref_squeeze %dma_start3A_143 : memref<1x128xi32, #tpu.memory_space<vmem>> -> memref<128xi32, #tpu.memory_space<vmem>>
    %dma_start3A_145 = arith.constant 0 : i32
    %dma_start3A_146 = arith.constant 0 : i32
    %dma_start3A_147 = tpu.memref_slice %arg11[%dma_start3A_145, %dma_start3A_146] : memref<10240x64xf32, #tpu.memory_space<vmem_shared>> -> memref<10240x64xf32, #tpu.memory_space<vmem_shared>>
    tpu.enqueue_indirect_dma source(%dma_start3A_147 : memref<10240x64xf32, #tpu.memory_space<vmem_shared>>) target(%arg8 : memref<128x64xf32, #tpu.memory_space<vmem>>) offsets(%dma_start3A_144 : memref<128xi32, #tpu.memory_space<vmem>>) semaphore(%arg13 : memref<!tpu.dma_semaphore, #tpu.memory_space<semaphore_mem>>)
    %dma_wait3A_148 = arith.constant 78 : i32
    %dma_wait3A_149 = arith.constant 0 : i32
    %dma_wait3A_150 = tpu.memref_slice %arg6[%dma_wait3A_148, %dma_wait3A_149] : memref<80x128xi32, #tpu.memory_space<vmem>> -> memref<1x128xi32, #tpu.memory_space<vmem>>
    %dma_wait3A_151 = tpu.memref_squeeze %dma_wait3A_150 : memref<1x128xi32, #tpu.memory_space<vmem>> -> memref<128xi32, #tpu.memory_space<vmem>>
    %dma_wait3A_152 = arith.constant 0 : i32
    %dma_wait3A_153 = arith.constant 0 : i32
    %dma_wait3A_154 = tpu.memref_slice %arg11[%dma_wait3A_152, %dma_wait3A_153] : memref<10240x64xf32, #tpu.memory_space<vmem_shared>> -> memref<10240x64xf32, #tpu.memory_space<vmem_shared>>
    tpu.wait_indirect_dma semaphore(%arg13 : memref<!tpu.dma_semaphore, #tpu.memory_space<semaphore_mem>>) src(%dma_wait3A_154 : memref<10240x64xf32, #tpu.memory_space<vmem_shared>>) dst(%arg8 : memref<128x64xf32, #tpu.memory_space<vmem>>)
    %run_scoped3A_155 = arith.constant 78 : i32
    "tpu.region"() ({
      %run_scoped3A_192 = tpu.sem_alloc : memref<!tpu.dma_semaphore, #tpu.memory_space<semaphore_mem>>
      %dma_start3A_193 = arith.constant 0 : i32
      %dma_start3A_194 = tpu.memref_slice %arg7[%run_scoped3A_155, %dma_start3A_193] : memref<80x128xi32, #tpu.memory_space<vmem>> -> memref<1x128xi32, #tpu.memory_space<vmem>>
      %dma_start3A_195 = tpu.memref_squeeze %dma_start3A_194 : memref<1x128xi32, #tpu.memory_space<vmem>> -> memref<128xi32, #tpu.memory_space<vmem>>
      %dma_start3A_196 = arith.constant 0 : i32
      %dma_start3A_197 = arith.constant 0 : i32
      %dma_start3A_198 = tpu.memref_slice %arg12[%dma_start3A_196, %dma_start3A_197] : memref<10240x64xf32, #tpu.memory_space<vmem_shared>> -> memref<10240x64xf32, #tpu.memory_space<vmem_shared>>
      tpu.enqueue_indirect_dma source(%arg8 : memref<128x64xf32, #tpu.memory_space<vmem>>) target(%dma_start3A_198 : memref<10240x64xf32, #tpu.memory_space<vmem_shared>>) offsets(%dma_start3A_195 : memref<128xi32, #tpu.memory_space<vmem>>) semaphore(%run_scoped3A_192 : memref<!tpu.dma_semaphore, #tpu.memory_space<semaphore_mem>>) {add = true}
      %dma_wait3A_199 = arith.constant 0 : i32
      %dma_wait3A_200 = tpu.memref_slice %arg7[%run_scoped3A_155, %dma_wait3A_199] : memref<80x128xi32, #tpu.memory_space<vmem>> -> memref<1x128xi32, #tpu.memory_space<vmem>>
      %dma_wait3A_201 = tpu.memref_squeeze %dma_wait3A_200 : memref<1x128xi32, #tpu.memory_space<vmem>> -> memref<128xi32, #tpu.memory_space<vmem>>
      %dma_wait3A_202 = arith.constant 0 : i32
      %dma_wait3A_203 = arith.constant 0 : i32
      %dma_wait3A_204 = tpu.memref_slice %arg12[%dma_wait3A_202, %dma_wait3A_203] : memref<10240x64xf32, #tpu.memory_space<vmem_shared>> -> memref<10240x64xf32, #tpu.memory_space<vmem_shared>>
      tpu.wait_indirect_dma semaphore(%run_scoped3A_192 : memref<!tpu.dma_semaphore, #tpu.memory_space<semaphore_mem>>) src(%arg8 : memref<128x64xf32, #tpu.memory_space<vmem>>) dst(%dma_wait3A_204 : memref<10240x64xf32, #tpu.memory_space<vmem_shared>>)
      tpu.yield
    }) : () -> ()
    %dma_start3A_156 = arith.constant 79 : i32
    %dma_start3A_157 = arith.constant 0 : i32
    %dma_start3A_158 = tpu.memref_slice %arg6[%dma_start3A_156, %dma_start3A_157] : memref<80x128xi32, #tpu.memory_space<vmem>> -> memref<1x128xi32, #tpu.memory_space<vmem>>
    %dma_start3A_159 = tpu.memref_squeeze %dma_start3A_158 : memref<1x128xi32, #tpu.memory_space<vmem>> -> memref<128xi32, #tpu.memory_space<vmem>>
    %dma_start3A_160 = arith.constant 0 : i32
    %dma_start3A_161 = arith.constant 0 : i32
    %dma_start3A_162 = tpu.memref_slice %arg11[%dma_start3A_160, %dma_start3A_161] : memref<10240x64xf32, #tpu.memory_space<vmem_shared>> -> memref<10240x64xf32, #tpu.memory_space<vmem_shared>>
    tpu.enqueue_indirect_dma source(%dma_start3A_162 : memref<10240x64xf32, #tpu.memory_space<vmem_shared>>) target(%arg8 : memref<128x64xf32, #tpu.memory_space<vmem>>) offsets(%dma_start3A_159 : memref<128xi32, #tpu.memory_space<vmem>>) semaphore(%arg13 : memref<!tpu.dma_semaphore, #tpu.memory_space<semaphore_mem>>)
    %dma_wait3A_163 = arith.constant 79 : i32
    %dma_wait3A_164 = arith.constant 0 : i32
    %dma_wait3A_165 = tpu.memref_slice %arg6[%dma_wait3A_163, %dma_wait3A_164] : memref<80x128xi32, #tpu.memory_space<vmem>> -> memref<1x128xi32, #tpu.memory_space<vmem>>
    %dma_wait3A_166 = tpu.memref_squeeze %dma_wait3A_165 : memref<1x128xi32, #tpu.memory_space<vmem>> -> memref<128xi32, #tpu.memory_space<vmem>>
    %dma_wait3A_167 = arith.constant 0 : i32
    %dma_wait3A_168 = arith.constant 0 : i32
    %dma_wait3A_169 = tpu.memref_slice %arg11[%dma_wait3A_167, %dma_wait3A_168] : memref<10240x64xf32, #tpu.memory_space<vmem_shared>> -> memref<10240x64xf32, #tpu.memory_space<vmem_shared>>
    tpu.wait_indirect_dma semaphore(%arg13 : memref<!tpu.dma_semaphore, #tpu.memory_space<semaphore_mem>>) src(%dma_wait3A_169 : memref<10240x64xf32, #tpu.memory_space<vmem_shared>>) dst(%arg8 : memref<128x64xf32, #tpu.memory_space<vmem>>)
    %run_scoped3A_170 = arith.constant 79 : i32
    "tpu.region"() ({
      %run_scoped3A_192 = tpu.sem_alloc : memref<!tpu.dma_semaphore, #tpu.memory_space<semaphore_mem>>
      %dma_start3A_193 = arith.constant 0 : i32
      %dma_start3A_194 = tpu.memref_slice %arg7[%run_scoped3A_170, %dma_start3A_193] : memref<80x128xi32, #tpu.memory_space<vmem>> -> memref<1x128xi32, #tpu.memory_space<vmem>>
      %dma_start3A_195 = tpu.memref_squeeze %dma_start3A_194 : memref<1x128xi32, #tpu.memory_space<vmem>> -> memref<128xi32, #tpu.memory_space<vmem>>
      %dma_start3A_196 = arith.constant 0 : i32
      %dma_start3A_197 = arith.constant 0 : i32
      %dma_start3A_198 = tpu.memref_slice %arg12[%dma_start3A_196, %dma_start3A_197] : memref<10240x64xf32, #tpu.memory_space<vmem_shared>> -> memref<10240x64xf32, #tpu.memory_space<vmem_shared>>
      tpu.enqueue_indirect_dma source(%arg8 : memref<128x64xf32, #tpu.memory_space<vmem>>) target(%dma_start3A_198 : memref<10240x64xf32, #tpu.memory_space<vmem_shared>>) offsets(%dma_start3A_195 : memref<128xi32, #tpu.memory_space<vmem>>) semaphore(%run_scoped3A_192 : memref<!tpu.dma_semaphore, #tpu.memory_space<semaphore_mem>>) {add = true}
      %dma_wait3A_199 = arith.constant 0 : i32
      %dma_wait3A_200 = tpu.memref_slice %arg7[%run_scoped3A_170, %dma_wait3A_199] : memref<80x128xi32, #tpu.memory_space<vmem>> -> memref<1x128xi32, #tpu.memory_space<vmem>>
      %dma_wait3A_201 = tpu.memref_squeeze %dma_wait3A_200 : memref<1x128xi32, #tpu.memory_space<vmem>> -> memref<128xi32, #tpu.memory_space<vmem>>
      %dma_wait3A_202 = arith.constant 0 : i32
      %dma_wait3A_203 = arith.constant 0 : i32
      %dma_wait3A_204 = tpu.memref_slice %arg12[%dma_wait3A_202, %dma_wait3A_203] : memref<10240x64xf32, #tpu.memory_space<vmem_shared>> -> memref<10240x64xf32, #tpu.memory_space<vmem_shared>>
      tpu.wait_indirect_dma semaphore(%run_scoped3A_192 : memref<!tpu.dma_semaphore, #tpu.memory_space<semaphore_mem>>) src(%arg8 : memref<128x64xf32, #tpu.memory_space<vmem>>) dst(%dma_wait3A_204 : memref<10240x64xf32, #tpu.memory_space<vmem_shared>>)
      tpu.yield
    }) : () -> ()
    %barrier3A_171 = arith.constant 0 : index
    tpu.barrier barrier_id(%barrier3A_171)
    %add3A_172 = arith.constant 0 : i32
    %add3A_173 = arith.addi %mul3A_0, %add3A_172 : i32
    "tpu.region"() ({
      %run_scoped3A_192 = tpu.sem_alloc : memref<!tpu.dma_semaphore, #tpu.memory_space<semaphore_mem>>
      %dma_start3A_193 = arith.constant 0 : i32
      %dma_start3A_194 = tpu.memref_slice %arg12[%add3A_173, %dma_start3A_193] : memref<10240x64xf32, #tpu.memory_space<vmem_shared>> -> memref<128x64xf32, #tpu.memory_space<vmem_shared>>
      %dma_start3A_195 = arith.constant 0 : i32
      %dma_start3A_196 = tpu.memref_slice %arg12[%add3A_173, %dma_start3A_195] : memref<10240x64xf32, #tpu.memory_space<vmem_shared>> -> memref<128x64xf32, #tpu.memory_space<vmem_shared>>
      tpu.enqueue_dma source(%dma_start3A_196 : memref<128x64xf32, #tpu.memory_space<vmem_shared>>) target(%arg8 : memref<128x64xf32, #tpu.memory_space<vmem>>) target_semaphore(%run_scoped3A_192 : memref<!tpu.dma_semaphore, #tpu.memory_space<semaphore_mem>>)
      %dma_wait3A_197 = arith.constant 0 : i32
      %dma_wait3A_198 = tpu.memref_slice %arg12[%add3A_173, %dma_wait3A_197] : memref<10240x64xf32, #tpu.memory_space<vmem_shared>> -> memref<128x64xf32, #tpu.memory_space<vmem_shared>>
      %dma_wait3A_199 = arith.constant 0 : i32
      %dma_wait3A_200 = tpu.memref_slice %arg12[%add3A_173, %dma_wait3A_199] : memref<10240x64xf32, #tpu.memory_space<vmem_shared>> -> memref<128x64xf32, #tpu.memory_space<vmem_shared>>
      tpu.wait_dma2 semaphore(%run_scoped3A_192 : memref<!tpu.dma_semaphore, #tpu.memory_space<semaphore_mem>>) src(%dma_wait3A_200 : memref<128x64xf32, #tpu.memory_space<vmem_shared>>) dst(%arg8 : memref<128x64xf32, #tpu.memory_space<vmem>>)
      tpu.yield
    }) : () -> ()
    %add3A_174 = arith.constant 0 : i32
    %add3A_175 = arith.addi %mul3A_0, %add3A_174 : i32
    "tpu.region"() ({
      %run_scoped3A_192 = tpu.sem_alloc : memref<!tpu.dma_semaphore, #tpu.memory_space<semaphore_mem>>
      %dma_start3A_193 = arith.constant 0 : i32
      %dma_start3A_194 = tpu.memref_slice %arg5[%arg0, %add3A_175, %dma_start3A_193] : memref<2x10240x64xf32, #tpu.memory_space<hbm>> -> memref<1x128x64xf32, #tpu.memory_space<hbm>>
      %dma_start3A_195 = tpu.memref_squeeze %dma_start3A_194 : memref<1x128x64xf32, #tpu.memory_space<hbm>> -> memref<128x64xf32, #tpu.memory_space<hbm>>
      %dma_start3A_196 = arith.constant 0 : i32
      %dma_start3A_197 = tpu.memref_slice %arg5[%arg0, %add3A_175, %dma_start3A_196] : memref<2x10240x64xf32, #tpu.memory_space<hbm>> -> memref<1x128x64xf32, #tpu.memory_space<hbm>>
      %dma_start3A_198 = tpu.memref_squeeze %dma_start3A_197 : memref<1x128x64xf32, #tpu.memory_space<hbm>> -> memref<128x64xf32, #tpu.memory_space<hbm>>
      tpu.enqueue_dma source(%arg8 : memref<128x64xf32, #tpu.memory_space<vmem>>) target(%dma_start3A_198 : memref<128x64xf32, #tpu.memory_space<hbm>>) target_semaphore(%run_scoped3A_192 : memref<!tpu.dma_semaphore, #tpu.memory_space<semaphore_mem>>)
      %dma_wait3A_199 = arith.constant 0 : i32
      %dma_wait3A_200 = tpu.memref_slice %arg5[%arg0, %add3A_175, %dma_wait3A_199] : memref<2x10240x64xf32, #tpu.memory_space<hbm>> -> memref<1x128x64xf32, #tpu.memory_space<hbm>>
      %dma_wait3A_201 = tpu.memref_squeeze %dma_wait3A_200 : memref<1x128x64xf32, #tpu.memory_space<hbm>> -> memref<128x64xf32, #tpu.memory_space<hbm>>
      %dma_wait3A_202 = arith.constant 0 : i32
      %dma_wait3A_203 = tpu.memref_slice %arg5[%arg0, %add3A_175, %dma_wait3A_202] : memref<2x10240x64xf32, #tpu.memory_space<hbm>> -> memref<1x128x64xf32, #tpu.memory_space<hbm>>
      %dma_wait3A_204 = tpu.memref_squeeze %dma_wait3A_203 : memref<1x128x64xf32, #tpu.memory_space<hbm>> -> memref<128x64xf32, #tpu.memory_space<hbm>>
      tpu.wait_dma2 semaphore(%run_scoped3A_192 : memref<!tpu.dma_semaphore, #tpu.memory_space<semaphore_mem>>) src(%arg8 : memref<128x64xf32, #tpu.memory_space<vmem>>) dst(%dma_wait3A_204 : memref<128x64xf32, #tpu.memory_space<hbm>>)
      tpu.yield
    }) : () -> ()
    %add3A_176 = arith.constant 128 : i32
    %add3A_177 = arith.addi %mul3A_0, %add3A_176 : i32
    "tpu.region"() ({
      %run_scoped3A_192 = tpu.sem_alloc : memref<!tpu.dma_semaphore, #tpu.memory_space<semaphore_mem>>
      %dma_start3A_193 = arith.constant 0 : i32
      %dma_start3A_194 = tpu.memref_slice %arg12[%add3A_177, %dma_start3A_193] : memref<10240x64xf32, #tpu.memory_space<vmem_shared>> -> memref<128x64xf32, #tpu.memory_space<vmem_shared>>
      %dma_start3A_195 = arith.constant 0 : i32
      %dma_start3A_196 = tpu.memref_slice %arg12[%add3A_177, %dma_start3A_195] : memref<10240x64xf32, #tpu.memory_space<vmem_shared>> -> memref<128x64xf32, #tpu.memory_space<vmem_shared>>
      tpu.enqueue_dma source(%dma_start3A_196 : memref<128x64xf32, #tpu.memory_space<vmem_shared>>) target(%arg8 : memref<128x64xf32, #tpu.memory_space<vmem>>) target_semaphore(%run_scoped3A_192 : memref<!tpu.dma_semaphore, #tpu.memory_space<semaphore_mem>>)
      %dma_wait3A_197 = arith.constant 0 : i32
      %dma_wait3A_198 = tpu.memref_slice %arg12[%add3A_177, %dma_wait3A_197] : memref<10240x64xf32, #tpu.memory_space<vmem_shared>> -> memref<128x64xf32, #tpu.memory_space<vmem_shared>>
      %dma_wait3A_199 = arith.constant 0 : i32
      %dma_wait3A_200 = tpu.memref_slice %arg12[%add3A_177, %dma_wait3A_199] : memref<10240x64xf32, #tpu.memory_space<vmem_shared>> -> memref<128x64xf32, #tpu.memory_space<vmem_shared>>
      tpu.wait_dma2 semaphore(%run_scoped3A_192 : memref<!tpu.dma_semaphore, #tpu.memory_space<semaphore_mem>>) src(%dma_wait3A_200 : memref<128x64xf32, #tpu.memory_space<vmem_shared>>) dst(%arg8 : memref<128x64xf32, #tpu.memory_space<vmem>>)
      tpu.yield
    }) : () -> ()
    %add3A_178 = arith.constant 128 : i32
    %add3A_179 = arith.addi %mul3A_0, %add3A_178 : i32
    "tpu.region"() ({
      %run_scoped3A_192 = tpu.sem_alloc : memref<!tpu.dma_semaphore, #tpu.memory_space<semaphore_mem>>
      %dma_start3A_193 = arith.constant 0 : i32
      %dma_start3A_194 = tpu.memref_slice %arg5[%arg0, %add3A_179, %dma_start3A_193] : memref<2x10240x64xf32, #tpu.memory_space<hbm>> -> memref<1x128x64xf32, #tpu.memory_space<hbm>>
      %dma_start3A_195 = tpu.memref_squeeze %dma_start3A_194 : memref<1x128x64xf32, #tpu.memory_space<hbm>> -> memref<128x64xf32, #tpu.memory_space<hbm>>
      %dma_start3A_196 = arith.constant 0 : i32
      %dma_start3A_197 = tpu.memref_slice %arg5[%arg0, %add3A_179, %dma_start3A_196] : memref<2x10240x64xf32, #tpu.memory_space<hbm>> -> memref<1x128x64xf32, #tpu.memory_space<hbm>>
      %dma_start3A_198 = tpu.memref_squeeze %dma_start3A_197 : memref<1x128x64xf32, #tpu.memory_space<hbm>> -> memref<128x64xf32, #tpu.memory_space<hbm>>
      tpu.enqueue_dma source(%arg8 : memref<128x64xf32, #tpu.memory_space<vmem>>) target(%dma_start3A_198 : memref<128x64xf32, #tpu.memory_space<hbm>>) target_semaphore(%run_scoped3A_192 : memref<!tpu.dma_semaphore, #tpu.memory_space<semaphore_mem>>)
      %dma_wait3A_199 = arith.constant 0 : i32
      %dma_wait3A_200 = tpu.memref_slice %arg5[%arg0, %add3A_179, %dma_wait3A_199] : memref<2x10240x64xf32, #tpu.memory_space<hbm>> -> memref<1x128x64xf32, #tpu.memory_space<hbm>>
      %dma_wait3A_201 = tpu.memref_squeeze %dma_wait3A_200 : memref<1x128x64xf32, #tpu.memory_space<hbm>> -> memref<128x64xf32, #tpu.memory_space<hbm>>
      %dma_wait3A_202 = arith.constant 0 : i32
      %dma_wait3A_203 = tpu.memref_slice %arg5[%arg0, %add3A_179, %dma_wait3A_202] : memref<2x10240x64xf32, #tpu.memory_space<hbm>> -> memref<1x128x64xf32, #tpu.memory_space<hbm>>
      %dma_wait3A_204 = tpu.memref_squeeze %dma_wait3A_203 : memref<1x128x64xf32, #tpu.memory_space<hbm>> -> memref<128x64xf32, #tpu.memory_space<hbm>>
      tpu.wait_dma2 semaphore(%run_scoped3A_192 : memref<!tpu.dma_semaphore, #tpu.memory_space<semaphore_mem>>) src(%arg8 : memref<128x64xf32, #tpu.memory_space<vmem>>) dst(%dma_wait3A_204 : memref<128x64xf32, #tpu.memory_space<hbm>>)
      tpu.yield
    }) : () -> ()
    %add3A_180 = arith.constant 256 : i32
    %add3A_181 = arith.addi %mul3A_0, %add3A_180 : i32
    "tpu.region"() ({
      %run_scoped3A_192 = tpu.sem_alloc : memref<!tpu.dma_semaphore, #tpu.memory_space<semaphore_mem>>
      %dma_start3A_193 = arith.constant 0 : i32
      %dma_start3A_194 = tpu.memref_slice %arg12[%add3A_181, %dma_start3A_193] : memref<10240x64xf32, #tpu.memory_space<vmem_shared>> -> memref<128x64xf32, #tpu.memory_space<vmem_shared>>
      %dma_start3A_195 = arith.constant 0 : i32
      %dma_start3A_196 = tpu.memref_slice %arg12[%add3A_181, %dma_start3A_195] : memref<10240x64xf32, #tpu.memory_space<vmem_shared>> -> memref<128x64xf32, #tpu.memory_space<vmem_shared>>
      tpu.enqueue_dma source(%dma_start3A_196 : memref<128x64xf32, #tpu.memory_space<vmem_shared>>) target(%arg8 : memref<128x64xf32, #tpu.memory_space<vmem>>) target_semaphore(%run_scoped3A_192 : memref<!tpu.dma_semaphore, #tpu.memory_space<semaphore_mem>>)
      %dma_wait3A_197 = arith.constant 0 : i32
      %dma_wait3A_198 = tpu.memref_slice %arg12[%add3A_181, %dma_wait3A_197] : memref<10240x64xf32, #tpu.memory_space<vmem_shared>> -> memref<128x64xf32, #tpu.memory_space<vmem_shared>>
      %dma_wait3A_199 = arith.constant 0 : i32
      %dma_wait3A_200 = tpu.memref_slice %arg12[%add3A_181, %dma_wait3A_199] : memref<10240x64xf32, #tpu.memory_space<vmem_shared>> -> memref<128x64xf32, #tpu.memory_space<vmem_shared>>
      tpu.wait_dma2 semaphore(%run_scoped3A_192 : memref<!tpu.dma_semaphore, #tpu.memory_space<semaphore_mem>>) src(%dma_wait3A_200 : memref<128x64xf32, #tpu.memory_space<vmem_shared>>) dst(%arg8 : memref<128x64xf32, #tpu.memory_space<vmem>>)
      tpu.yield
    }) : () -> ()
    %add3A_182 = arith.constant 256 : i32
    %add3A_183 = arith.addi %mul3A_0, %add3A_182 : i32
    "tpu.region"() ({
      %run_scoped3A_192 = tpu.sem_alloc : memref<!tpu.dma_semaphore, #tpu.memory_space<semaphore_mem>>
      %dma_start3A_193 = arith.constant 0 : i32
      %dma_start3A_194 = tpu.memref_slice %arg5[%arg0, %add3A_183, %dma_start3A_193] : memref<2x10240x64xf32, #tpu.memory_space<hbm>> -> memref<1x128x64xf32, #tpu.memory_space<hbm>>
      %dma_start3A_195 = tpu.memref_squeeze %dma_start3A_194 : memref<1x128x64xf32, #tpu.memory_space<hbm>> -> memref<128x64xf32, #tpu.memory_space<hbm>>
      %dma_start3A_196 = arith.constant 0 : i32
      %dma_start3A_197 = tpu.memref_slice %arg5[%arg0, %add3A_183, %dma_start3A_196] : memref<2x10240x64xf32, #tpu.memory_space<hbm>> -> memref<1x128x64xf32, #tpu.memory_space<hbm>>
      %dma_start3A_198 = tpu.memref_squeeze %dma_start3A_197 : memref<1x128x64xf32, #tpu.memory_space<hbm>> -> memref<128x64xf32, #tpu.memory_space<hbm>>
      tpu.enqueue_dma source(%arg8 : memref<128x64xf32, #tpu.memory_space<vmem>>) target(%dma_start3A_198 : memref<128x64xf32, #tpu.memory_space<hbm>>) target_semaphore(%run_scoped3A_192 : memref<!tpu.dma_semaphore, #tpu.memory_space<semaphore_mem>>)
      %dma_wait3A_199 = arith.constant 0 : i32
      %dma_wait3A_200 = tpu.memref_slice %arg5[%arg0, %add3A_183, %dma_wait3A_199] : memref<2x10240x64xf32, #tpu.memory_space<hbm>> -> memref<1x128x64xf32, #tpu.memory_space<hbm>>
      %dma_wait3A_201 = tpu.memref_squeeze %dma_wait3A_200 : memref<1x128x64xf32, #tpu.memory_space<hbm>> -> memref<128x64xf32, #tpu.memory_space<hbm>>
      %dma_wait3A_202 = arith.constant 0 : i32
      %dma_wait3A_203 = tpu.memref_slice %arg5[%arg0, %add3A_183, %dma_wait3A_202] : memref<2x10240x64xf32, #tpu.memory_space<hbm>> -> memref<1x128x64xf32, #tpu.memory_space<hbm>>
      %dma_wait3A_204 = tpu.memref_squeeze %dma_wait3A_203 : memref<1x128x64xf32, #tpu.memory_space<hbm>> -> memref<128x64xf32, #tpu.memory_space<hbm>>
      tpu.wait_dma2 semaphore(%run_scoped3A_192 : memref<!tpu.dma_semaphore, #tpu.memory_space<semaphore_mem>>) src(%arg8 : memref<128x64xf32, #tpu.memory_space<vmem>>) dst(%dma_wait3A_204 : memref<128x64xf32, #tpu.memory_space<hbm>>)
      tpu.yield
    }) : () -> ()
    %add3A_184 = arith.constant 384 : i32
    %add3A_185 = arith.addi %mul3A_0, %add3A_184 : i32
    "tpu.region"() ({
      %run_scoped3A_192 = tpu.sem_alloc : memref<!tpu.dma_semaphore, #tpu.memory_space<semaphore_mem>>
      %dma_start3A_193 = arith.constant 0 : i32
      %dma_start3A_194 = tpu.memref_slice %arg12[%add3A_185, %dma_start3A_193] : memref<10240x64xf32, #tpu.memory_space<vmem_shared>> -> memref<128x64xf32, #tpu.memory_space<vmem_shared>>
      %dma_start3A_195 = arith.constant 0 : i32
      %dma_start3A_196 = tpu.memref_slice %arg12[%add3A_185, %dma_start3A_195] : memref<10240x64xf32, #tpu.memory_space<vmem_shared>> -> memref<128x64xf32, #tpu.memory_space<vmem_shared>>
      tpu.enqueue_dma source(%dma_start3A_196 : memref<128x64xf32, #tpu.memory_space<vmem_shared>>) target(%arg8 : memref<128x64xf32, #tpu.memory_space<vmem>>) target_semaphore(%run_scoped3A_192 : memref<!tpu.dma_semaphore, #tpu.memory_space<semaphore_mem>>)
      %dma_wait3A_197 = arith.constant 0 : i32
      %dma_wait3A_198 = tpu.memref_slice %arg12[%add3A_185, %dma_wait3A_197] : memref<10240x64xf32, #tpu.memory_space<vmem_shared>> -> memref<128x64xf32, #tpu.memory_space<vmem_shared>>
      %dma_wait3A_199 = arith.constant 0 : i32
      %dma_wait3A_200 = tpu.memref_slice %arg12[%add3A_185, %dma_wait3A_199] : memref<10240x64xf32, #tpu.memory_space<vmem_shared>> -> memref<128x64xf32, #tpu.memory_space<vmem_shared>>
      tpu.wait_dma2 semaphore(%run_scoped3A_192 : memref<!tpu.dma_semaphore, #tpu.memory_space<semaphore_mem>>) src(%dma_wait3A_200 : memref<128x64xf32, #tpu.memory_space<vmem_shared>>) dst(%arg8 : memref<128x64xf32, #tpu.memory_space<vmem>>)
      tpu.yield
    }) : () -> ()
    %add3A_186 = arith.constant 384 : i32
    %add3A_187 = arith.addi %mul3A_0, %add3A_186 : i32
    "tpu.region"() ({
      %run_scoped3A_192 = tpu.sem_alloc : memref<!tpu.dma_semaphore, #tpu.memory_space<semaphore_mem>>
      %dma_start3A_193 = arith.constant 0 : i32
      %dma_start3A_194 = tpu.memref_slice %arg5[%arg0, %add3A_187, %dma_start3A_193] : memref<2x10240x64xf32, #tpu.memory_space<hbm>> -> memref<1x128x64xf32, #tpu.memory_space<hbm>>
      %dma_start3A_195 = tpu.memref_squeeze %dma_start3A_194 : memref<1x128x64xf32, #tpu.memory_space<hbm>> -> memref<128x64xf32, #tpu.memory_space<hbm>>
      %dma_start3A_196 = arith.constant 0 : i32
      %dma_start3A_197 = tpu.memref_slice %arg5[%arg0, %add3A_187, %dma_start3A_196] : memref<2x10240x64xf32, #tpu.memory_space<hbm>> -> memref<1x128x64xf32, #tpu.memory_space<hbm>>
      %dma_start3A_198 = tpu.memref_squeeze %dma_start3A_197 : memref<1x128x64xf32, #tpu.memory_space<hbm>> -> memref<128x64xf32, #tpu.memory_space<hbm>>
      tpu.enqueue_dma source(%arg8 : memref<128x64xf32, #tpu.memory_space<vmem>>) target(%dma_start3A_198 : memref<128x64xf32, #tpu.memory_space<hbm>>) target_semaphore(%run_scoped3A_192 : memref<!tpu.dma_semaphore, #tpu.memory_space<semaphore_mem>>)
      %dma_wait3A_199 = arith.constant 0 : i32
      %dma_wait3A_200 = tpu.memref_slice %arg5[%arg0, %add3A_187, %dma_wait3A_199] : memref<2x10240x64xf32, #tpu.memory_space<hbm>> -> memref<1x128x64xf32, #tpu.memory_space<hbm>>
      %dma_wait3A_201 = tpu.memref_squeeze %dma_wait3A_200 : memref<1x128x64xf32, #tpu.memory_space<hbm>> -> memref<128x64xf32, #tpu.memory_space<hbm>>
      %dma_wait3A_202 = arith.constant 0 : i32
      %dma_wait3A_203 = tpu.memref_slice %arg5[%arg0, %add3A_187, %dma_wait3A_202] : memref<2x10240x64xf32, #tpu.memory_space<hbm>> -> memref<1x128x64xf32, #tpu.memory_space<hbm>>
      %dma_wait3A_204 = tpu.memref_squeeze %dma_wait3A_203 : memref<1x128x64xf32, #tpu.memory_space<hbm>> -> memref<128x64xf32, #tpu.memory_space<hbm>>
      tpu.wait_dma2 semaphore(%run_scoped3A_192 : memref<!tpu.dma_semaphore, #tpu.memory_space<semaphore_mem>>) src(%arg8 : memref<128x64xf32, #tpu.memory_space<vmem>>) dst(%dma_wait3A_204 : memref<128x64xf32, #tpu.memory_space<hbm>>)
      tpu.yield
    }) : () -> ()
    %add3A_188 = arith.constant 512 : i32
    %add3A_189 = arith.addi %mul3A_0, %add3A_188 : i32
    "tpu.region"() ({
      %run_scoped3A_192 = tpu.sem_alloc : memref<!tpu.dma_semaphore, #tpu.memory_space<semaphore_mem>>
      %dma_start3A_193 = arith.constant 0 : i32
      %dma_start3A_194 = tpu.memref_slice %arg12[%add3A_189, %dma_start3A_193] : memref<10240x64xf32, #tpu.memory_space<vmem_shared>> -> memref<128x64xf32, #tpu.memory_space<vmem_shared>>
      %dma_start3A_195 = arith.constant 0 : i32
      %dma_start3A_196 = tpu.memref_slice %arg12[%add3A_189, %dma_start3A_195] : memref<10240x64xf32, #tpu.memory_space<vmem_shared>> -> memref<128x64xf32, #tpu.memory_space<vmem_shared>>
      tpu.enqueue_dma source(%dma_start3A_196 : memref<128x64xf32, #tpu.memory_space<vmem_shared>>) target(%arg8 : memref<128x64xf32, #tpu.memory_space<vmem>>) target_semaphore(%run_scoped3A_192 : memref<!tpu.dma_semaphore, #tpu.memory_space<semaphore_mem>>)
      %dma_wait3A_197 = arith.constant 0 : i32
      %dma_wait3A_198 = tpu.memref_slice %arg12[%add3A_189, %dma_wait3A_197] : memref<10240x64xf32, #tpu.memory_space<vmem_shared>> -> memref<128x64xf32, #tpu.memory_space<vmem_shared>>
      %dma_wait3A_199 = arith.constant 0 : i32
      %dma_wait3A_200 = tpu.memref_slice %arg12[%add3A_189, %dma_wait3A_199] : memref<10240x64xf32, #tpu.memory_space<vmem_shared>> -> memref<128x64xf32, #tpu.memory_space<vmem_shared>>
      tpu.wait_dma2 semaphore(%run_scoped3A_192 : memref<!tpu.dma_semaphore, #tpu.memory_space<semaphore_mem>>) src(%dma_wait3A_200 : memref<128x64xf32, #tpu.memory_space<vmem_shared>>) dst(%arg8 : memref<128x64xf32, #tpu.memory_space<vmem>>)
      tpu.yield
    }) : () -> ()
    %add3A_190 = arith.constant 512 : i32
    %add3A_191 = arith.addi %mul3A_0, %add3A_190 : i32
    "tpu.region"() ({
      %run_scoped3A_192 = tpu.sem_alloc : memref<!tpu.dma_semaphore, #tpu.memory_space<semaphore_mem>>
      %dma_start3A_193 = arith.constant 0 : i32
      %dma_start3A_194 = tpu.memref_slice %arg5[%arg0, %add3A_191, %dma_start3A_193] : memref<2x10240x64xf32, #tpu.memory_space<hbm>> -> memref<1x128x64xf32, #tpu.memory_space<hbm>>
      %dma_start3A_195 = tpu.memref_squeeze %dma_start3A_194 : memref<1x128x64xf32, #tpu.memory_space<hbm>> -> memref<128x64xf32, #tpu.memory_space<hbm>>
      %dma_start3A_196 = arith.constant 0 : i32
      %dma_start3A_197 = tpu.memref_slice %arg5[%arg0, %add3A_191, %dma_start3A_196] : memref<2x10240x64xf32, #tpu.memory_space<hbm>> -> memref<1x128x64xf32, #tpu.memory_space<hbm>>
      %dma_start3A_198 = tpu.memref_squeeze %dma_start3A_197 : memref<1x128x64xf32, #tpu.memory_space<hbm>> -> memref<128x64xf32, #tpu.memory_space<hbm>>
      tpu.enqueue_dma source(%arg8 : memref<128x64xf32, #tpu.memory_space<vmem>>) target(%dma_start3A_198 : memref<128x64xf32, #tpu.memory_space<hbm>>) target_semaphore(%run_scoped3A_192 : memref<!tpu.dma_semaphore, #tpu.memory_space<semaphore_mem>>)
      %dma_wait3A_199 = arith.constant 0 : i32
      %dma_wait3A_200 = tpu.memref_slice %arg5[%arg0, %add3A_191, %dma_wait3A_199] : memref<2x10240x64xf32, #tpu.memory_space<hbm>> -> memref<1x128x64xf32, #tpu.memory_space<hbm>>
      %dma_wait3A_201 = tpu.memref_squeeze %dma_wait3A_200 : memref<1x128x64xf32, #tpu.memory_space<hbm>> -> memref<128x64xf32, #tpu.memory_space<hbm>>
      %dma_wait3A_202 = arith.constant 0 : i32
      %dma_wait3A_203 = tpu.memref_slice %arg5[%arg0, %add3A_191, %dma_wait3A_202] : memref<2x10240x64xf32, #tpu.memory_space<hbm>> -> memref<1x128x64xf32, #tpu.memory_space<hbm>>
      %dma_wait3A_204 = tpu.memref_squeeze %dma_wait3A_203 : memref<1x128x64xf32, #tpu.memory_space<hbm>> -> memref<128x64xf32, #tpu.memory_space<hbm>>
      tpu.wait_dma2 semaphore(%run_scoped3A_192 : memref<!tpu.dma_semaphore, #tpu.memory_space<semaphore_mem>>) src(%arg8 : memref<128x64xf32, #tpu.memory_space<vmem>>) dst(%dma_wait3A_204 : memref<128x64xf32, #tpu.memory_space<hbm>>)
      tpu.yield
    }) : () -> ()
    return
  }
}

#map = affine_map<(d0, d1) -> (0, 0)>
#map1 = affine_map<(d0, d1) -> (0, 0, 0)>
module attributes {stable_mosaic.version = 14 : i64} {
  func.func @_degree(%arg0: i32, %arg1: i32, %arg2: memref<2560x128xi32, #tpu.memory_space<hbm>>, %arg3: memref<2x10240x128xf32, #tpu.memory_space<hbm>>, %arg4: memref<80x128xi32, #tpu.memory_space<vmem>>, %arg5: memref<128x128xf32, #tpu.memory_space<vmem>>, %arg6: memref<10240x128xf32, #tpu.memory_space<vmem_shared>>) attributes {dimension_semantics = [#tpu.dimension_semantics<core_parallel>, #tpu.dimension_semantics<subcore_parallel>], iteration_bounds = array<i64: 2, 16>, scalar_prefetch = 0 : i64, scratch_operands = 3 : i64, tpu.core_type = #tpu.core_type<sc_vector_subcore>, window_params = [{transform_indices = #map}, {transform_indices = #map1}]} {
    %mul3A = arith.constant 16 : i32
    %mul3A_0 = arith.muli %arg0, %mul3A : i32
    %add3A = arith.addi %mul3A_0, %arg1 : i32
    %mul3A_1 = arith.constant 80 : i32
    %mul3A_2 = arith.muli %add3A, %mul3A_1 : i32
    "tpu.region"() ({
      %run_scoped3A = tpu.sem_alloc : memref<!tpu.dma_semaphore, #tpu.memory_space<semaphore_mem>>
      %dma_start3A = arith.constant 0 : i32
      %dma_start3A_56 = tpu.memref_slice %arg2[%mul3A_2, %dma_start3A] : memref<2560x128xi32, #tpu.memory_space<hbm>> -> memref<80x128xi32, #tpu.memory_space<hbm>>
      %dma_start3A_57 = arith.constant 0 : i32
      %dma_start3A_58 = tpu.memref_slice %arg2[%mul3A_2, %dma_start3A_57] : memref<2560x128xi32, #tpu.memory_space<hbm>> -> memref<80x128xi32, #tpu.memory_space<hbm>>
      tpu.enqueue_dma source(%dma_start3A_58 : memref<80x128xi32, #tpu.memory_space<hbm>>) target(%arg4 : memref<80x128xi32, #tpu.memory_space<vmem>>) target_semaphore(%run_scoped3A : memref<!tpu.dma_semaphore, #tpu.memory_space<semaphore_mem>>)
      %dma_wait3A = arith.constant 0 : i32
      %dma_wait3A_59 = tpu.memref_slice %arg2[%mul3A_2, %dma_wait3A] : memref<2560x128xi32, #tpu.memory_space<hbm>> -> memref<80x128xi32, #tpu.memory_space<hbm>>
      %dma_wait3A_60 = arith.constant 0 : i32
      %dma_wait3A_61 = tpu.memref_slice %arg2[%mul3A_2, %dma_wait3A_60] : memref<2560x128xi32, #tpu.memory_space<hbm>> -> memref<80x128xi32, #tpu.memory_space<hbm>>
      tpu.wait_dma2 semaphore(%run_scoped3A : memref<!tpu.dma_semaphore, #tpu.memory_space<semaphore_mem>>) src(%dma_wait3A_61 : memref<80x128xi32, #tpu.memory_space<hbm>>) dst(%arg4 : memref<80x128xi32, #tpu.memory_space<vmem>>)
      tpu.yield
    }) : () -> ()
    %broadcast_in_dim3A = arith.constant 0.000000e+00 : f32
    %broadcast_in_dim3A_3 = vector.broadcast %broadcast_in_dim3A : f32 to vector<16xf32>
    %scan3A = arith.constant 0 : i32
    %scan3A_4 = arith.constant 0 : i32
    %scan3A_5 = arith.constant 128 : i32
    %scan3A_6 = arith.addi %scan3A_4, %scan3A_5 : i32
    %scan3A_7 = arith.constant 1 : i32
    scf.for %scan3A_56 = %scan3A_4 to %scan3A_6 step %scan3A_7  : i32 {
      %swap3A = arith.index_cast %scan3A_56 : i32 to index
      %swap3A_57 = arith.constant 0 : index
      %swap3A_58 = tpu.vector_load %arg5[%swap3A, %swap3A_57] {strides = array<i32>} : memref<128x128xf32, #tpu.memory_space<vmem>>, vector<1x16xf32>,
      %swap3A_59 = vector.shape_cast %swap3A_58 : vector<1x16xf32> to vector<16xf32>
      %swap3A_60 = vector.shape_cast %broadcast_in_dim3A_3 : vector<16xf32> to vector<1x16xf32>
      tpu.vector_store %arg5[%swap3A, %swap3A_57], %swap3A_60 {strides = array<i32>} : memref<128x128xf32, #tpu.memory_space<vmem>>, vector<1x16xf32>,
      %swap3A_61 = arith.index_cast %scan3A_56 : i32 to index
      %swap3A_62 = arith.constant 16 : index
      %swap3A_63 = tpu.vector_load %arg5[%swap3A_61, %swap3A_62] {strides = array<i32>} : memref<128x128xf32, #tpu.memory_space<vmem>>, vector<1x16xf32>,
      %swap3A_64 = vector.shape_cast %swap3A_63 : vector<1x16xf32> to vector<16xf32>
      %swap3A_65 = vector.shape_cast %broadcast_in_dim3A_3 : vector<16xf32> to vector<1x16xf32>
      tpu.vector_store %arg5[%swap3A_61, %swap3A_62], %swap3A_65 {strides = array<i32>} : memref<128x128xf32, #tpu.memory_space<vmem>>, vector<1x16xf32>,
      %swap3A_66 = arith.index_cast %scan3A_56 : i32 to index
      %swap3A_67 = arith.constant 32 : index
      %swap3A_68 = tpu.vector_load %arg5[%swap3A_66, %swap3A_67] {strides = array<i32>} : memref<128x128xf32, #tpu.memory_space<vmem>>, vector<1x16xf32>,
      %swap3A_69 = vector.shape_cast %swap3A_68 : vector<1x16xf32> to vector<16xf32>
      %swap3A_70 = vector.shape_cast %broadcast_in_dim3A_3 : vector<16xf32> to vector<1x16xf32>
      tpu.vector_store %arg5[%swap3A_66, %swap3A_67], %swap3A_70 {strides = array<i32>} : memref<128x128xf32, #tpu.memory_space<vmem>>, vector<1x16xf32>,
      %swap3A_71 = arith.index_cast %scan3A_56 : i32 to index
      %swap3A_72 = arith.constant 48 : index
      %swap3A_73 = tpu.vector_load %arg5[%swap3A_71, %swap3A_72] {strides = array<i32>} : memref<128x128xf32, #tpu.memory_space<vmem>>, vector<1x16xf32>,
      %swap3A_74 = vector.shape_cast %swap3A_73 : vector<1x16xf32> to vector<16xf32>
      %swap3A_75 = vector.shape_cast %broadcast_in_dim3A_3 : vector<16xf32> to vector<1x16xf32>
      tpu.vector_store %arg5[%swap3A_71, %swap3A_72], %swap3A_75 {strides = array<i32>} : memref<128x128xf32, #tpu.memory_space<vmem>>, vector<1x16xf32>,
      %swap3A_76 = arith.index_cast %scan3A_56 : i32 to index
      %swap3A_77 = arith.constant 64 : index
      %swap3A_78 = tpu.vector_load %arg5[%swap3A_76, %swap3A_77] {strides = array<i32>} : memref<128x128xf32, #tpu.memory_space<vmem>>, vector<1x16xf32>,
      %swap3A_79 = vector.shape_cast %swap3A_78 : vector<1x16xf32> to vector<16xf32>
      %swap3A_80 = vector.shape_cast %broadcast_in_dim3A_3 : vector<16xf32> to vector<1x16xf32>
      tpu.vector_store %arg5[%swap3A_76, %swap3A_77], %swap3A_80 {strides = array<i32>} : memref<128x128xf32, #tpu.memory_space<vmem>>, vector<1x16xf32>,
      %swap3A_81 = arith.index_cast %scan3A_56 : i32 to index
      %swap3A_82 = arith.constant 80 : index
      %swap3A_83 = tpu.vector_load %arg5[%swap3A_81, %swap3A_82] {strides = array<i32>} : memref<128x128xf32, #tpu.memory_space<vmem>>, vector<1x16xf32>,
      %swap3A_84 = vector.shape_cast %swap3A_83 : vector<1x16xf32> to vector<16xf32>
      %swap3A_85 = vector.shape_cast %broadcast_in_dim3A_3 : vector<16xf32> to vector<1x16xf32>
      tpu.vector_store %arg5[%swap3A_81, %swap3A_82], %swap3A_85 {strides = array<i32>} : memref<128x128xf32, #tpu.memory_space<vmem>>, vector<1x16xf32>,
      %swap3A_86 = arith.index_cast %scan3A_56 : i32 to index
      %swap3A_87 = arith.constant 96 : index
      %swap3A_88 = tpu.vector_load %arg5[%swap3A_86, %swap3A_87] {strides = array<i32>} : memref<128x128xf32, #tpu.memory_space<vmem>>, vector<1x16xf32>,
      %swap3A_89 = vector.shape_cast %swap3A_88 : vector<1x16xf32> to vector<16xf32>
      %swap3A_90 = vector.shape_cast %broadcast_in_dim3A_3 : vector<16xf32> to vector<1x16xf32>
      tpu.vector_store %arg5[%swap3A_86, %swap3A_87], %swap3A_90 {strides = array<i32>} : memref<128x128xf32, #tpu.memory_space<vmem>>, vector<1x16xf32>,
      %swap3A_91 = arith.index_cast %scan3A_56 : i32 to index
      %swap3A_92 = arith.constant 112 : index
      %swap3A_93 = tpu.vector_load %arg5[%swap3A_91, %swap3A_92] {strides = array<i32>} : memref<128x128xf32, #tpu.memory_space<vmem>>, vector<1x16xf32>,
      %swap3A_94 = vector.shape_cast %swap3A_93 : vector<1x16xf32> to vector<16xf32>
      %swap3A_95 = vector.shape_cast %broadcast_in_dim3A_3 : vector<16xf32> to vector<1x16xf32>
      tpu.vector_store %arg5[%swap3A_91, %swap3A_92], %swap3A_95 {strides = array<i32>} : memref<128x128xf32, #tpu.memory_space<vmem>>, vector<1x16xf32>,
    }
    %scan3A_8 = arith.constant 128 : i32
    %mul3A_9 = arith.constant 640 : i32
    %mul3A_10 = arith.muli %arg1, %mul3A_9 : i32
    %add3A_11 = arith.constant 0 : i32
    %add3A_12 = arith.addi %mul3A_10, %add3A_11 : i32
    "tpu.region"() ({
      %run_scoped3A = tpu.sem_alloc : memref<!tpu.dma_semaphore, #tpu.memory_space<semaphore_mem>>
      %dma_start3A = arith.constant 0 : i32
      %dma_start3A_56 = tpu.memref_slice %arg6[%add3A_12, %dma_start3A] : memref<10240x128xf32, #tpu.memory_space<vmem_shared>> -> memref<128x128xf32, #tpu.memory_space<vmem_shared>>
      %dma_start3A_57 = arith.constant 0 : i32
      %dma_start3A_58 = tpu.memref_slice %arg6[%add3A_12, %dma_start3A_57] : memref<10240x128xf32, #tpu.memory_space<vmem_shared>> -> memref<128x128xf32, #tpu.memory_space<vmem_shared>>
      tpu.enqueue_dma source(%arg5 : memref<128x128xf32, #tpu.memory_space<vmem>>) target(%dma_start3A_58 : memref<128x128xf32, #tpu.memory_space<vmem_shared>>) target_semaphore(%run_scoped3A : memref<!tpu.dma_semaphore, #tpu.memory_space<semaphore_mem>>)
      %dma_wait3A = arith.constant 0 : i32
      %dma_wait3A_59 = tpu.memref_slice %arg6[%add3A_12, %dma_wait3A] : memref<10240x128xf32, #tpu.memory_space<vmem_shared>> -> memref<128x128xf32, #tpu.memory_space<vmem_shared>>
      %dma_wait3A_60 = arith.constant 0 : i32
      %dma_wait3A_61 = tpu.memref_slice %arg6[%add3A_12, %dma_wait3A_60] : memref<10240x128xf32, #tpu.memory_space<vmem_shared>> -> memref<128x128xf32, #tpu.memory_space<vmem_shared>>
      tpu.wait_dma2 semaphore(%run_scoped3A : memref<!tpu.dma_semaphore, #tpu.memory_space<semaphore_mem>>) src(%arg5 : memref<128x128xf32, #tpu.memory_space<vmem>>) dst(%dma_wait3A_61 : memref<128x128xf32, #tpu.memory_space<vmem_shared>>)
      tpu.yield
    }) : () -> ()
    %add3A_13 = arith.constant 128 : i32
    %add3A_14 = arith.addi %mul3A_10, %add3A_13 : i32
    "tpu.region"() ({
      %run_scoped3A = tpu.sem_alloc : memref<!tpu.dma_semaphore, #tpu.memory_space<semaphore_mem>>
      %dma_start3A = arith.constant 0 : i32
      %dma_start3A_56 = tpu.memref_slice %arg6[%add3A_14, %dma_start3A] : memref<10240x128xf32, #tpu.memory_space<vmem_shared>> -> memref<128x128xf32, #tpu.memory_space<vmem_shared>>
      %dma_start3A_57 = arith.constant 0 : i32
      %dma_start3A_58 = tpu.memref_slice %arg6[%add3A_14, %dma_start3A_57] : memref<10240x128xf32, #tpu.memory_space<vmem_shared>> -> memref<128x128xf32, #tpu.memory_space<vmem_shared>>
      tpu.enqueue_dma source(%arg5 : memref<128x128xf32, #tpu.memory_space<vmem>>) target(%dma_start3A_58 : memref<128x128xf32, #tpu.memory_space<vmem_shared>>) target_semaphore(%run_scoped3A : memref<!tpu.dma_semaphore, #tpu.memory_space<semaphore_mem>>)
      %dma_wait3A = arith.constant 0 : i32
      %dma_wait3A_59 = tpu.memref_slice %arg6[%add3A_14, %dma_wait3A] : memref<10240x128xf32, #tpu.memory_space<vmem_shared>> -> memref<128x128xf32, #tpu.memory_space<vmem_shared>>
      %dma_wait3A_60 = arith.constant 0 : i32
      %dma_wait3A_61 = tpu.memref_slice %arg6[%add3A_14, %dma_wait3A_60] : memref<10240x128xf32, #tpu.memory_space<vmem_shared>> -> memref<128x128xf32, #tpu.memory_space<vmem_shared>>
      tpu.wait_dma2 semaphore(%run_scoped3A : memref<!tpu.dma_semaphore, #tpu.memory_space<semaphore_mem>>) src(%arg5 : memref<128x128xf32, #tpu.memory_space<vmem>>) dst(%dma_wait3A_61 : memref<128x128xf32, #tpu.memory_space<vmem_shared>>)
      tpu.yield
    }) : () -> ()
    %add3A_15 = arith.constant 256 : i32
    %add3A_16 = arith.addi %mul3A_10, %add3A_15 : i32
    "tpu.region"() ({
      %run_scoped3A = tpu.sem_alloc : memref<!tpu.dma_semaphore, #tpu.memory_space<semaphore_mem>>
      %dma_start3A = arith.constant 0 : i32
      %dma_start3A_56 = tpu.memref_slice %arg6[%add3A_16, %dma_start3A] : memref<10240x128xf32, #tpu.memory_space<vmem_shared>> -> memref<128x128xf32, #tpu.memory_space<vmem_shared>>
      %dma_start3A_57 = arith.constant 0 : i32
      %dma_start3A_58 = tpu.memref_slice %arg6[%add3A_16, %dma_start3A_57] : memref<10240x128xf32, #tpu.memory_space<vmem_shared>> -> memref<128x128xf32, #tpu.memory_space<vmem_shared>>
      tpu.enqueue_dma source(%arg5 : memref<128x128xf32, #tpu.memory_space<vmem>>) target(%dma_start3A_58 : memref<128x128xf32, #tpu.memory_space<vmem_shared>>) target_semaphore(%run_scoped3A : memref<!tpu.dma_semaphore, #tpu.memory_space<semaphore_mem>>)
      %dma_wait3A = arith.constant 0 : i32
      %dma_wait3A_59 = tpu.memref_slice %arg6[%add3A_16, %dma_wait3A] : memref<10240x128xf32, #tpu.memory_space<vmem_shared>> -> memref<128x128xf32, #tpu.memory_space<vmem_shared>>
      %dma_wait3A_60 = arith.constant 0 : i32
      %dma_wait3A_61 = tpu.memref_slice %arg6[%add3A_16, %dma_wait3A_60] : memref<10240x128xf32, #tpu.memory_space<vmem_shared>> -> memref<128x128xf32, #tpu.memory_space<vmem_shared>>
      tpu.wait_dma2 semaphore(%run_scoped3A : memref<!tpu.dma_semaphore, #tpu.memory_space<semaphore_mem>>) src(%arg5 : memref<128x128xf32, #tpu.memory_space<vmem>>) dst(%dma_wait3A_61 : memref<128x128xf32, #tpu.memory_space<vmem_shared>>)
      tpu.yield
    }) : () -> ()
    %add3A_17 = arith.constant 384 : i32
    %add3A_18 = arith.addi %mul3A_10, %add3A_17 : i32
    "tpu.region"() ({
      %run_scoped3A = tpu.sem_alloc : memref<!tpu.dma_semaphore, #tpu.memory_space<semaphore_mem>>
      %dma_start3A = arith.constant 0 : i32
      %dma_start3A_56 = tpu.memref_slice %arg6[%add3A_18, %dma_start3A] : memref<10240x128xf32, #tpu.memory_space<vmem_shared>> -> memref<128x128xf32, #tpu.memory_space<vmem_shared>>
      %dma_start3A_57 = arith.constant 0 : i32
      %dma_start3A_58 = tpu.memref_slice %arg6[%add3A_18, %dma_start3A_57] : memref<10240x128xf32, #tpu.memory_space<vmem_shared>> -> memref<128x128xf32, #tpu.memory_space<vmem_shared>>
      tpu.enqueue_dma source(%arg5 : memref<128x128xf32, #tpu.memory_space<vmem>>) target(%dma_start3A_58 : memref<128x128xf32, #tpu.memory_space<vmem_shared>>) target_semaphore(%run_scoped3A : memref<!tpu.dma_semaphore, #tpu.memory_space<semaphore_mem>>)
      %dma_wait3A = arith.constant 0 : i32
      %dma_wait3A_59 = tpu.memref_slice %arg6[%add3A_18, %dma_wait3A] : memref<10240x128xf32, #tpu.memory_space<vmem_shared>> -> memref<128x128xf32, #tpu.memory_space<vmem_shared>>
      %dma_wait3A_60 = arith.constant 0 : i32
      %dma_wait3A_61 = tpu.memref_slice %arg6[%add3A_18, %dma_wait3A_60] : memref<10240x128xf32, #tpu.memory_space<vmem_shared>> -> memref<128x128xf32, #tpu.memory_space<vmem_shared>>
      tpu.wait_dma2 semaphore(%run_scoped3A : memref<!tpu.dma_semaphore, #tpu.memory_space<semaphore_mem>>) src(%arg5 : memref<128x128xf32, #tpu.memory_space<vmem>>) dst(%dma_wait3A_61 : memref<128x128xf32, #tpu.memory_space<vmem_shared>>)
      tpu.yield
    }) : () -> ()
    %add3A_19 = arith.constant 512 : i32
    %add3A_20 = arith.addi %mul3A_10, %add3A_19 : i32
    "tpu.region"() ({
      %run_scoped3A = tpu.sem_alloc : memref<!tpu.dma_semaphore, #tpu.memory_space<semaphore_mem>>
      %dma_start3A = arith.constant 0 : i32
      %dma_start3A_56 = tpu.memref_slice %arg6[%add3A_20, %dma_start3A] : memref<10240x128xf32, #tpu.memory_space<vmem_shared>> -> memref<128x128xf32, #tpu.memory_space<vmem_shared>>
      %dma_start3A_57 = arith.constant 0 : i32
      %dma_start3A_58 = tpu.memref_slice %arg6[%add3A_20, %dma_start3A_57] : memref<10240x128xf32, #tpu.memory_space<vmem_shared>> -> memref<128x128xf32, #tpu.memory_space<vmem_shared>>
      tpu.enqueue_dma source(%arg5 : memref<128x128xf32, #tpu.memory_space<vmem>>) target(%dma_start3A_58 : memref<128x128xf32, #tpu.memory_space<vmem_shared>>) target_semaphore(%run_scoped3A : memref<!tpu.dma_semaphore, #tpu.memory_space<semaphore_mem>>)
      %dma_wait3A = arith.constant 0 : i32
      %dma_wait3A_59 = tpu.memref_slice %arg6[%add3A_20, %dma_wait3A] : memref<10240x128xf32, #tpu.memory_space<vmem_shared>> -> memref<128x128xf32, #tpu.memory_space<vmem_shared>>
      %dma_wait3A_60 = arith.constant 0 : i32
      %dma_wait3A_61 = tpu.memref_slice %arg6[%add3A_20, %dma_wait3A_60] : memref<10240x128xf32, #tpu.memory_space<vmem_shared>> -> memref<128x128xf32, #tpu.memory_space<vmem_shared>>
      tpu.wait_dma2 semaphore(%run_scoped3A : memref<!tpu.dma_semaphore, #tpu.memory_space<semaphore_mem>>) src(%arg5 : memref<128x128xf32, #tpu.memory_space<vmem>>) dst(%dma_wait3A_61 : memref<128x128xf32, #tpu.memory_space<vmem_shared>>)
      tpu.yield
    }) : () -> ()
    %barrier3A = arith.constant 0 : index
    tpu.barrier barrier_id(%barrier3A)
    %broadcast_in_dim3A_21 = arith.constant 1.000000e+00 : f32
    %broadcast_in_dim3A_22 = vector.broadcast %broadcast_in_dim3A_21 : f32 to vector<16xf32>
    %scan3A_23 = arith.constant 0 : i32
    %scan3A_24 = arith.constant 0 : i32
    %scan3A_25 = arith.constant 128 : i32
    %scan3A_26 = arith.addi %scan3A_24, %scan3A_25 : i32
    %scan3A_27 = arith.constant 1 : i32
    scf.for %scan3A_56 = %scan3A_24 to %scan3A_26 step %scan3A_27  : i32 {
      %swap3A = arith.index_cast %scan3A_56 : i32 to index
      %swap3A_57 = arith.constant 0 : index
      %swap3A_58 = tpu.vector_load %arg5[%swap3A, %swap3A_57] {strides = array<i32>} : memref<128x128xf32, #tpu.memory_space<vmem>>, vector<1x16xf32>,
      %swap3A_59 = vector.shape_cast %swap3A_58 : vector<1x16xf32> to vector<16xf32>
      %swap3A_60 = vector.shape_cast %broadcast_in_dim3A_22 : vector<16xf32> to vector<1x16xf32>
      tpu.vector_store %arg5[%swap3A, %swap3A_57], %swap3A_60 {strides = array<i32>} : memref<128x128xf32, #tpu.memory_space<vmem>>, vector<1x16xf32>,
      %swap3A_61 = arith.index_cast %scan3A_56 : i32 to index
      %swap3A_62 = arith.constant 16 : index
      %swap3A_63 = tpu.vector_load %arg5[%swap3A_61, %swap3A_62] {strides = array<i32>} : memref<128x128xf32, #tpu.memory_space<vmem>>, vector<1x16xf32>,
      %swap3A_64 = vector.shape_cast %swap3A_63 : vector<1x16xf32> to vector<16xf32>
      %swap3A_65 = vector.shape_cast %broadcast_in_dim3A_22 : vector<16xf32> to vector<1x16xf32>
      tpu.vector_store %arg5[%swap3A_61, %swap3A_62], %swap3A_65 {strides = array<i32>} : memref<128x128xf32, #tpu.memory_space<vmem>>, vector<1x16xf32>,
      %swap3A_66 = arith.index_cast %scan3A_56 : i32 to index
      %swap3A_67 = arith.constant 32 : index
      %swap3A_68 = tpu.vector_load %arg5[%swap3A_66, %swap3A_67] {strides = array<i32>} : memref<128x128xf32, #tpu.memory_space<vmem>>, vector<1x16xf32>,
      %swap3A_69 = vector.shape_cast %swap3A_68 : vector<1x16xf32> to vector<16xf32>
      %swap3A_70 = vector.shape_cast %broadcast_in_dim3A_22 : vector<16xf32> to vector<1x16xf32>
      tpu.vector_store %arg5[%swap3A_66, %swap3A_67], %swap3A_70 {strides = array<i32>} : memref<128x128xf32, #tpu.memory_space<vmem>>, vector<1x16xf32>,
      %swap3A_71 = arith.index_cast %scan3A_56 : i32 to index
      %swap3A_72 = arith.constant 48 : index
      %swap3A_73 = tpu.vector_load %arg5[%swap3A_71, %swap3A_72] {strides = array<i32>} : memref<128x128xf32, #tpu.memory_space<vmem>>, vector<1x16xf32>,
      %swap3A_74 = vector.shape_cast %swap3A_73 : vector<1x16xf32> to vector<16xf32>
      %swap3A_75 = vector.shape_cast %broadcast_in_dim3A_22 : vector<16xf32> to vector<1x16xf32>
      tpu.vector_store %arg5[%swap3A_71, %swap3A_72], %swap3A_75 {strides = array<i32>} : memref<128x128xf32, #tpu.memory_space<vmem>>, vector<1x16xf32>,
      %swap3A_76 = arith.index_cast %scan3A_56 : i32 to index
      %swap3A_77 = arith.constant 64 : index
      %swap3A_78 = tpu.vector_load %arg5[%swap3A_76, %swap3A_77] {strides = array<i32>} : memref<128x128xf32, #tpu.memory_space<vmem>>, vector<1x16xf32>,
      %swap3A_79 = vector.shape_cast %swap3A_78 : vector<1x16xf32> to vector<16xf32>
      %swap3A_80 = vector.shape_cast %broadcast_in_dim3A_22 : vector<16xf32> to vector<1x16xf32>
      tpu.vector_store %arg5[%swap3A_76, %swap3A_77], %swap3A_80 {strides = array<i32>} : memref<128x128xf32, #tpu.memory_space<vmem>>, vector<1x16xf32>,
      %swap3A_81 = arith.index_cast %scan3A_56 : i32 to index
      %swap3A_82 = arith.constant 80 : index
      %swap3A_83 = tpu.vector_load %arg5[%swap3A_81, %swap3A_82] {strides = array<i32>} : memref<128x128xf32, #tpu.memory_space<vmem>>, vector<1x16xf32>,
      %swap3A_84 = vector.shape_cast %swap3A_83 : vector<1x16xf32> to vector<16xf32>
      %swap3A_85 = vector.shape_cast %broadcast_in_dim3A_22 : vector<16xf32> to vector<1x16xf32>
      tpu.vector_store %arg5[%swap3A_81, %swap3A_82], %swap3A_85 {strides = array<i32>} : memref<128x128xf32, #tpu.memory_space<vmem>>, vector<1x16xf32>,
      %swap3A_86 = arith.index_cast %scan3A_56 : i32 to index
      %swap3A_87 = arith.constant 96 : index
      %swap3A_88 = tpu.vector_load %arg5[%swap3A_86, %swap3A_87] {strides = array<i32>} : memref<128x128xf32, #tpu.memory_space<vmem>>, vector<1x16xf32>,
      %swap3A_89 = vector.shape_cast %swap3A_88 : vector<1x16xf32> to vector<16xf32>
      %swap3A_90 = vector.shape_cast %broadcast_in_dim3A_22 : vector<16xf32> to vector<1x16xf32>
      tpu.vector_store %arg5[%swap3A_86, %swap3A_87], %swap3A_90 {strides = array<i32>} : memref<128x128xf32, #tpu.memory_space<vmem>>, vector<1x16xf32>,
      %swap3A_91 = arith.index_cast %scan3A_56 : i32 to index
      %swap3A_92 = arith.constant 112 : index
      %swap3A_93 = tpu.vector_load %arg5[%swap3A_91, %swap3A_92] {strides = array<i32>} : memref<128x128xf32, #tpu.memory_space<vmem>>, vector<1x16xf32>,
      %swap3A_94 = vector.shape_cast %swap3A_93 : vector<1x16xf32> to vector<16xf32>
      %swap3A_95 = vector.shape_cast %broadcast_in_dim3A_22 : vector<16xf32> to vector<1x16xf32>
      tpu.vector_store %arg5[%swap3A_91, %swap3A_92], %swap3A_95 {strides = array<i32>} : memref<128x128xf32, #tpu.memory_space<vmem>>, vector<1x16xf32>,
    }
    %scan3A_28 = arith.constant 128 : i32
    %scan3A_29 = arith.constant 0 : i32
    %scan3A_30 = arith.constant 0 : i32
    %scan3A_31 = arith.constant 80 : i32
    %scan3A_32 = arith.addi %scan3A_30, %scan3A_31 : i32
    %scan3A_33 = arith.constant 1 : i32
    scf.for %scan3A_56 = %scan3A_30 to %scan3A_32 step %scan3A_33  : i32 {
      "tpu.region"() ({
        %run_scoped3A = tpu.sem_alloc : memref<!tpu.dma_semaphore, #tpu.memory_space<semaphore_mem>>
        %dma_start3A = arith.constant 0 : i32
        %dma_start3A_57 = tpu.memref_slice %arg4[%scan3A_56, %dma_start3A] : memref<80x128xi32, #tpu.memory_space<vmem>> -> memref<1x128xi32, #tpu.memory_space<vmem>>
        %dma_start3A_58 = tpu.memref_squeeze %dma_start3A_57 : memref<1x128xi32, #tpu.memory_space<vmem>> -> memref<128xi32, #tpu.memory_space<vmem>>
        %dma_start3A_59 = arith.constant 0 : i32
        %dma_start3A_60 = arith.constant 0 : i32
        %dma_start3A_61 = tpu.memref_slice %arg6[%dma_start3A_59, %dma_start3A_60] : memref<10240x128xf32, #tpu.memory_space<vmem_shared>> -> memref<10240x128xf32, #tpu.memory_space<vmem_shared>>
        tpu.enqueue_indirect_dma source(%arg5 : memref<128x128xf32, #tpu.memory_space<vmem>>) target(%dma_start3A_61 : memref<10240x128xf32, #tpu.memory_space<vmem_shared>>) offsets(%dma_start3A_58 : memref<128xi32, #tpu.memory_space<vmem>>) semaphore(%run_scoped3A : memref<!tpu.dma_semaphore, #tpu.memory_space<semaphore_mem>>) {add = true}
        %dma_wait3A = arith.constant 0 : i32
        %dma_wait3A_62 = tpu.memref_slice %arg4[%scan3A_56, %dma_wait3A] : memref<80x128xi32, #tpu.memory_space<vmem>> -> memref<1x128xi32, #tpu.memory_space<vmem>>
        %dma_wait3A_63 = tpu.memref_squeeze %dma_wait3A_62 : memref<1x128xi32, #tpu.memory_space<vmem>> -> memref<128xi32, #tpu.memory_space<vmem>>
        %dma_wait3A_64 = arith.constant 0 : i32
        %dma_wait3A_65 = arith.constant 0 : i32
        %dma_wait3A_66 = tpu.memref_slice %arg6[%dma_wait3A_64, %dma_wait3A_65] : memref<10240x128xf32, #tpu.memory_space<vmem_shared>> -> memref<10240x128xf32, #tpu.memory_space<vmem_shared>>
        tpu.wait_indirect_dma semaphore(%run_scoped3A : memref<!tpu.dma_semaphore, #tpu.memory_space<semaphore_mem>>) src(%arg5 : memref<128x128xf32, #tpu.memory_space<vmem>>) dst(%dma_wait3A_66 : memref<10240x128xf32, #tpu.memory_space<vmem_shared>>)
        tpu.yield
      }) : () -> ()
    }
    %scan3A_34 = arith.constant 80 : i32
    %barrier3A_35 = arith.constant 0 : index
    tpu.barrier barrier_id(%barrier3A_35)
    %add3A_36 = arith.constant 0 : i32
    %add3A_37 = arith.addi %mul3A_10, %add3A_36 : i32
    "tpu.region"() ({
      %run_scoped3A = tpu.sem_alloc : memref<!tpu.dma_semaphore, #tpu.memory_space<semaphore_mem>>
      %dma_start3A = arith.constant 0 : i32
      %dma_start3A_56 = tpu.memref_slice %arg6[%add3A_37, %dma_start3A] : memref<10240x128xf32, #tpu.memory_space<vmem_shared>> -> memref<128x128xf32, #tpu.memory_space<vmem_shared>>
      %dma_start3A_57 = arith.constant 0 : i32
      %dma_start3A_58 = tpu.memref_slice %arg6[%add3A_37, %dma_start3A_57] : memref<10240x128xf32, #tpu.memory_space<vmem_shared>> -> memref<128x128xf32, #tpu.memory_space<vmem_shared>>
      tpu.enqueue_dma source(%dma_start3A_58 : memref<128x128xf32, #tpu.memory_space<vmem_shared>>) target(%arg5 : memref<128x128xf32, #tpu.memory_space<vmem>>) target_semaphore(%run_scoped3A : memref<!tpu.dma_semaphore, #tpu.memory_space<semaphore_mem>>)
      %dma_wait3A = arith.constant 0 : i32
      %dma_wait3A_59 = tpu.memref_slice %arg6[%add3A_37, %dma_wait3A] : memref<10240x128xf32, #tpu.memory_space<vmem_shared>> -> memref<128x128xf32, #tpu.memory_space<vmem_shared>>
      %dma_wait3A_60 = arith.constant 0 : i32
      %dma_wait3A_61 = tpu.memref_slice %arg6[%add3A_37, %dma_wait3A_60] : memref<10240x128xf32, #tpu.memory_space<vmem_shared>> -> memref<128x128xf32, #tpu.memory_space<vmem_shared>>
      tpu.wait_dma2 semaphore(%run_scoped3A : memref<!tpu.dma_semaphore, #tpu.memory_space<semaphore_mem>>) src(%dma_wait3A_61 : memref<128x128xf32, #tpu.memory_space<vmem_shared>>) dst(%arg5 : memref<128x128xf32, #tpu.memory_space<vmem>>)
      tpu.yield
    }) : () -> ()
    %add3A_38 = arith.constant 0 : i32
    %add3A_39 = arith.addi %mul3A_10, %add3A_38 : i32
    "tpu.region"() ({
      %run_scoped3A = tpu.sem_alloc : memref<!tpu.dma_semaphore, #tpu.memory_space<semaphore_mem>>
      %dma_start3A = arith.constant 0 : i32
      %dma_start3A_56 = tpu.memref_slice %arg3[%arg0, %add3A_39, %dma_start3A] : memref<2x10240x128xf32, #tpu.memory_space<hbm>> -> memref<1x128x128xf32, #tpu.memory_space<hbm>>
      %dma_start3A_57 = tpu.memref_squeeze %dma_start3A_56 : memref<1x128x128xf32, #tpu.memory_space<hbm>> -> memref<128x128xf32, #tpu.memory_space<hbm>>
      %dma_start3A_58 = arith.constant 0 : i32
      %dma_start3A_59 = tpu.memref_slice %arg3[%arg0, %add3A_39, %dma_start3A_58] : memref<2x10240x128xf32, #tpu.memory_space<hbm>> -> memref<1x128x128xf32, #tpu.memory_space<hbm>>
      %dma_start3A_60 = tpu.memref_squeeze %dma_start3A_59 : memref<1x128x128xf32, #tpu.memory_space<hbm>> -> memref<128x128xf32, #tpu.memory_space<hbm>>
      tpu.enqueue_dma source(%arg5 : memref<128x128xf32, #tpu.memory_space<vmem>>) target(%dma_start3A_60 : memref<128x128xf32, #tpu.memory_space<hbm>>) target_semaphore(%run_scoped3A : memref<!tpu.dma_semaphore, #tpu.memory_space<semaphore_mem>>)
      %dma_wait3A = arith.constant 0 : i32
      %dma_wait3A_61 = tpu.memref_slice %arg3[%arg0, %add3A_39, %dma_wait3A] : memref<2x10240x128xf32, #tpu.memory_space<hbm>> -> memref<1x128x128xf32, #tpu.memory_space<hbm>>
      %dma_wait3A_62 = tpu.memref_squeeze %dma_wait3A_61 : memref<1x128x128xf32, #tpu.memory_space<hbm>> -> memref<128x128xf32, #tpu.memory_space<hbm>>
      %dma_wait3A_63 = arith.constant 0 : i32
      %dma_wait3A_64 = tpu.memref_slice %arg3[%arg0, %add3A_39, %dma_wait3A_63] : memref<2x10240x128xf32, #tpu.memory_space<hbm>> -> memref<1x128x128xf32, #tpu.memory_space<hbm>>
      %dma_wait3A_65 = tpu.memref_squeeze %dma_wait3A_64 : memref<1x128x128xf32, #tpu.memory_space<hbm>> -> memref<128x128xf32, #tpu.memory_space<hbm>>
      tpu.wait_dma2 semaphore(%run_scoped3A : memref<!tpu.dma_semaphore, #tpu.memory_space<semaphore_mem>>) src(%arg5 : memref<128x128xf32, #tpu.memory_space<vmem>>) dst(%dma_wait3A_65 : memref<128x128xf32, #tpu.memory_space<hbm>>)
      tpu.yield
    }) : () -> ()
    %add3A_40 = arith.constant 128 : i32
    %add3A_41 = arith.addi %mul3A_10, %add3A_40 : i32
    "tpu.region"() ({
      %run_scoped3A = tpu.sem_alloc : memref<!tpu.dma_semaphore, #tpu.memory_space<semaphore_mem>>
      %dma_start3A = arith.constant 0 : i32
      %dma_start3A_56 = tpu.memref_slice %arg6[%add3A_41, %dma_start3A] : memref<10240x128xf32, #tpu.memory_space<vmem_shared>> -> memref<128x128xf32, #tpu.memory_space<vmem_shared>>
      %dma_start3A_57 = arith.constant 0 : i32
      %dma_start3A_58 = tpu.memref_slice %arg6[%add3A_41, %dma_start3A_57] : memref<10240x128xf32, #tpu.memory_space<vmem_shared>> -> memref<128x128xf32, #tpu.memory_space<vmem_shared>>
      tpu.enqueue_dma source(%dma_start3A_58 : memref<128x128xf32, #tpu.memory_space<vmem_shared>>) target(%arg5 : memref<128x128xf32, #tpu.memory_space<vmem>>) target_semaphore(%run_scoped3A : memref<!tpu.dma_semaphore, #tpu.memory_space<semaphore_mem>>)
      %dma_wait3A = arith.constant 0 : i32
      %dma_wait3A_59 = tpu.memref_slice %arg6[%add3A_41, %dma_wait3A] : memref<10240x128xf32, #tpu.memory_space<vmem_shared>> -> memref<128x128xf32, #tpu.memory_space<vmem_shared>>
      %dma_wait3A_60 = arith.constant 0 : i32
      %dma_wait3A_61 = tpu.memref_slice %arg6[%add3A_41, %dma_wait3A_60] : memref<10240x128xf32, #tpu.memory_space<vmem_shared>> -> memref<128x128xf32, #tpu.memory_space<vmem_shared>>
      tpu.wait_dma2 semaphore(%run_scoped3A : memref<!tpu.dma_semaphore, #tpu.memory_space<semaphore_mem>>) src(%dma_wait3A_61 : memref<128x128xf32, #tpu.memory_space<vmem_shared>>) dst(%arg5 : memref<128x128xf32, #tpu.memory_space<vmem>>)
      tpu.yield
    }) : () -> ()
    %add3A_42 = arith.constant 128 : i32
    %add3A_43 = arith.addi %mul3A_10, %add3A_42 : i32
    "tpu.region"() ({
      %run_scoped3A = tpu.sem_alloc : memref<!tpu.dma_semaphore, #tpu.memory_space<semaphore_mem>>
      %dma_start3A = arith.constant 0 : i32
      %dma_start3A_56 = tpu.memref_slice %arg3[%arg0, %add3A_43, %dma_start3A] : memref<2x10240x128xf32, #tpu.memory_space<hbm>> -> memref<1x128x128xf32, #tpu.memory_space<hbm>>
      %dma_start3A_57 = tpu.memref_squeeze %dma_start3A_56 : memref<1x128x128xf32, #tpu.memory_space<hbm>> -> memref<128x128xf32, #tpu.memory_space<hbm>>
      %dma_start3A_58 = arith.constant 0 : i32
      %dma_start3A_59 = tpu.memref_slice %arg3[%arg0, %add3A_43, %dma_start3A_58] : memref<2x10240x128xf32, #tpu.memory_space<hbm>> -> memref<1x128x128xf32, #tpu.memory_space<hbm>>
      %dma_start3A_60 = tpu.memref_squeeze %dma_start3A_59 : memref<1x128x128xf32, #tpu.memory_space<hbm>> -> memref<128x128xf32, #tpu.memory_space<hbm>>
      tpu.enqueue_dma source(%arg5 : memref<128x128xf32, #tpu.memory_space<vmem>>) target(%dma_start3A_60 : memref<128x128xf32, #tpu.memory_space<hbm>>) target_semaphore(%run_scoped3A : memref<!tpu.dma_semaphore, #tpu.memory_space<semaphore_mem>>)
      %dma_wait3A = arith.constant 0 : i32
      %dma_wait3A_61 = tpu.memref_slice %arg3[%arg0, %add3A_43, %dma_wait3A] : memref<2x10240x128xf32, #tpu.memory_space<hbm>> -> memref<1x128x128xf32, #tpu.memory_space<hbm>>
      %dma_wait3A_62 = tpu.memref_squeeze %dma_wait3A_61 : memref<1x128x128xf32, #tpu.memory_space<hbm>> -> memref<128x128xf32, #tpu.memory_space<hbm>>
      %dma_wait3A_63 = arith.constant 0 : i32
      %dma_wait3A_64 = tpu.memref_slice %arg3[%arg0, %add3A_43, %dma_wait3A_63] : memref<2x10240x128xf32, #tpu.memory_space<hbm>> -> memref<1x128x128xf32, #tpu.memory_space<hbm>>
      %dma_wait3A_65 = tpu.memref_squeeze %dma_wait3A_64 : memref<1x128x128xf32, #tpu.memory_space<hbm>> -> memref<128x128xf32, #tpu.memory_space<hbm>>
      tpu.wait_dma2 semaphore(%run_scoped3A : memref<!tpu.dma_semaphore, #tpu.memory_space<semaphore_mem>>) src(%arg5 : memref<128x128xf32, #tpu.memory_space<vmem>>) dst(%dma_wait3A_65 : memref<128x128xf32, #tpu.memory_space<hbm>>)
      tpu.yield
    }) : () -> ()
    %add3A_44 = arith.constant 256 : i32
    %add3A_45 = arith.addi %mul3A_10, %add3A_44 : i32
    "tpu.region"() ({
      %run_scoped3A = tpu.sem_alloc : memref<!tpu.dma_semaphore, #tpu.memory_space<semaphore_mem>>
      %dma_start3A = arith.constant 0 : i32
      %dma_start3A_56 = tpu.memref_slice %arg6[%add3A_45, %dma_start3A] : memref<10240x128xf32, #tpu.memory_space<vmem_shared>> -> memref<128x128xf32, #tpu.memory_space<vmem_shared>>
      %dma_start3A_57 = arith.constant 0 : i32
      %dma_start3A_58 = tpu.memref_slice %arg6[%add3A_45, %dma_start3A_57] : memref<10240x128xf32, #tpu.memory_space<vmem_shared>> -> memref<128x128xf32, #tpu.memory_space<vmem_shared>>
      tpu.enqueue_dma source(%dma_start3A_58 : memref<128x128xf32, #tpu.memory_space<vmem_shared>>) target(%arg5 : memref<128x128xf32, #tpu.memory_space<vmem>>) target_semaphore(%run_scoped3A : memref<!tpu.dma_semaphore, #tpu.memory_space<semaphore_mem>>)
      %dma_wait3A = arith.constant 0 : i32
      %dma_wait3A_59 = tpu.memref_slice %arg6[%add3A_45, %dma_wait3A] : memref<10240x128xf32, #tpu.memory_space<vmem_shared>> -> memref<128x128xf32, #tpu.memory_space<vmem_shared>>
      %dma_wait3A_60 = arith.constant 0 : i32
      %dma_wait3A_61 = tpu.memref_slice %arg6[%add3A_45, %dma_wait3A_60] : memref<10240x128xf32, #tpu.memory_space<vmem_shared>> -> memref<128x128xf32, #tpu.memory_space<vmem_shared>>
      tpu.wait_dma2 semaphore(%run_scoped3A : memref<!tpu.dma_semaphore, #tpu.memory_space<semaphore_mem>>) src(%dma_wait3A_61 : memref<128x128xf32, #tpu.memory_space<vmem_shared>>) dst(%arg5 : memref<128x128xf32, #tpu.memory_space<vmem>>)
      tpu.yield
    }) : () -> ()
    %add3A_46 = arith.constant 256 : i32
    %add3A_47 = arith.addi %mul3A_10, %add3A_46 : i32
    "tpu.region"() ({
      %run_scoped3A = tpu.sem_alloc : memref<!tpu.dma_semaphore, #tpu.memory_space<semaphore_mem>>
      %dma_start3A = arith.constant 0 : i32
      %dma_start3A_56 = tpu.memref_slice %arg3[%arg0, %add3A_47, %dma_start3A] : memref<2x10240x128xf32, #tpu.memory_space<hbm>> -> memref<1x128x128xf32, #tpu.memory_space<hbm>>
      %dma_start3A_57 = tpu.memref_squeeze %dma_start3A_56 : memref<1x128x128xf32, #tpu.memory_space<hbm>> -> memref<128x128xf32, #tpu.memory_space<hbm>>
      %dma_start3A_58 = arith.constant 0 : i32
      %dma_start3A_59 = tpu.memref_slice %arg3[%arg0, %add3A_47, %dma_start3A_58] : memref<2x10240x128xf32, #tpu.memory_space<hbm>> -> memref<1x128x128xf32, #tpu.memory_space<hbm>>
      %dma_start3A_60 = tpu.memref_squeeze %dma_start3A_59 : memref<1x128x128xf32, #tpu.memory_space<hbm>> -> memref<128x128xf32, #tpu.memory_space<hbm>>
      tpu.enqueue_dma source(%arg5 : memref<128x128xf32, #tpu.memory_space<vmem>>) target(%dma_start3A_60 : memref<128x128xf32, #tpu.memory_space<hbm>>) target_semaphore(%run_scoped3A : memref<!tpu.dma_semaphore, #tpu.memory_space<semaphore_mem>>)
      %dma_wait3A = arith.constant 0 : i32
      %dma_wait3A_61 = tpu.memref_slice %arg3[%arg0, %add3A_47, %dma_wait3A] : memref<2x10240x128xf32, #tpu.memory_space<hbm>> -> memref<1x128x128xf32, #tpu.memory_space<hbm>>
      %dma_wait3A_62 = tpu.memref_squeeze %dma_wait3A_61 : memref<1x128x128xf32, #tpu.memory_space<hbm>> -> memref<128x128xf32, #tpu.memory_space<hbm>>
      %dma_wait3A_63 = arith.constant 0 : i32
      %dma_wait3A_64 = tpu.memref_slice %arg3[%arg0, %add3A_47, %dma_wait3A_63] : memref<2x10240x128xf32, #tpu.memory_space<hbm>> -> memref<1x128x128xf32, #tpu.memory_space<hbm>>
      %dma_wait3A_65 = tpu.memref_squeeze %dma_wait3A_64 : memref<1x128x128xf32, #tpu.memory_space<hbm>> -> memref<128x128xf32, #tpu.memory_space<hbm>>
      tpu.wait_dma2 semaphore(%run_scoped3A : memref<!tpu.dma_semaphore, #tpu.memory_space<semaphore_mem>>) src(%arg5 : memref<128x128xf32, #tpu.memory_space<vmem>>) dst(%dma_wait3A_65 : memref<128x128xf32, #tpu.memory_space<hbm>>)
      tpu.yield
    }) : () -> ()
    %add3A_48 = arith.constant 384 : i32
    %add3A_49 = arith.addi %mul3A_10, %add3A_48 : i32
    "tpu.region"() ({
      %run_scoped3A = tpu.sem_alloc : memref<!tpu.dma_semaphore, #tpu.memory_space<semaphore_mem>>
      %dma_start3A = arith.constant 0 : i32
      %dma_start3A_56 = tpu.memref_slice %arg6[%add3A_49, %dma_start3A] : memref<10240x128xf32, #tpu.memory_space<vmem_shared>> -> memref<128x128xf32, #tpu.memory_space<vmem_shared>>
      %dma_start3A_57 = arith.constant 0 : i32
      %dma_start3A_58 = tpu.memref_slice %arg6[%add3A_49, %dma_start3A_57] : memref<10240x128xf32, #tpu.memory_space<vmem_shared>> -> memref<128x128xf32, #tpu.memory_space<vmem_shared>>
      tpu.enqueue_dma source(%dma_start3A_58 : memref<128x128xf32, #tpu.memory_space<vmem_shared>>) target(%arg5 : memref<128x128xf32, #tpu.memory_space<vmem>>) target_semaphore(%run_scoped3A : memref<!tpu.dma_semaphore, #tpu.memory_space<semaphore_mem>>)
      %dma_wait3A = arith.constant 0 : i32
      %dma_wait3A_59 = tpu.memref_slice %arg6[%add3A_49, %dma_wait3A] : memref<10240x128xf32, #tpu.memory_space<vmem_shared>> -> memref<128x128xf32, #tpu.memory_space<vmem_shared>>
      %dma_wait3A_60 = arith.constant 0 : i32
      %dma_wait3A_61 = tpu.memref_slice %arg6[%add3A_49, %dma_wait3A_60] : memref<10240x128xf32, #tpu.memory_space<vmem_shared>> -> memref<128x128xf32, #tpu.memory_space<vmem_shared>>
      tpu.wait_dma2 semaphore(%run_scoped3A : memref<!tpu.dma_semaphore, #tpu.memory_space<semaphore_mem>>) src(%dma_wait3A_61 : memref<128x128xf32, #tpu.memory_space<vmem_shared>>) dst(%arg5 : memref<128x128xf32, #tpu.memory_space<vmem>>)
      tpu.yield
    }) : () -> ()
    %add3A_50 = arith.constant 384 : i32
    %add3A_51 = arith.addi %mul3A_10, %add3A_50 : i32
    "tpu.region"() ({
      %run_scoped3A = tpu.sem_alloc : memref<!tpu.dma_semaphore, #tpu.memory_space<semaphore_mem>>
      %dma_start3A = arith.constant 0 : i32
      %dma_start3A_56 = tpu.memref_slice %arg3[%arg0, %add3A_51, %dma_start3A] : memref<2x10240x128xf32, #tpu.memory_space<hbm>> -> memref<1x128x128xf32, #tpu.memory_space<hbm>>
      %dma_start3A_57 = tpu.memref_squeeze %dma_start3A_56 : memref<1x128x128xf32, #tpu.memory_space<hbm>> -> memref<128x128xf32, #tpu.memory_space<hbm>>
      %dma_start3A_58 = arith.constant 0 : i32
      %dma_start3A_59 = tpu.memref_slice %arg3[%arg0, %add3A_51, %dma_start3A_58] : memref<2x10240x128xf32, #tpu.memory_space<hbm>> -> memref<1x128x128xf32, #tpu.memory_space<hbm>>
      %dma_start3A_60 = tpu.memref_squeeze %dma_start3A_59 : memref<1x128x128xf32, #tpu.memory_space<hbm>> -> memref<128x128xf32, #tpu.memory_space<hbm>>
      tpu.enqueue_dma source(%arg5 : memref<128x128xf32, #tpu.memory_space<vmem>>) target(%dma_start3A_60 : memref<128x128xf32, #tpu.memory_space<hbm>>) target_semaphore(%run_scoped3A : memref<!tpu.dma_semaphore, #tpu.memory_space<semaphore_mem>>)
      %dma_wait3A = arith.constant 0 : i32
      %dma_wait3A_61 = tpu.memref_slice %arg3[%arg0, %add3A_51, %dma_wait3A] : memref<2x10240x128xf32, #tpu.memory_space<hbm>> -> memref<1x128x128xf32, #tpu.memory_space<hbm>>
      %dma_wait3A_62 = tpu.memref_squeeze %dma_wait3A_61 : memref<1x128x128xf32, #tpu.memory_space<hbm>> -> memref<128x128xf32, #tpu.memory_space<hbm>>
      %dma_wait3A_63 = arith.constant 0 : i32
      %dma_wait3A_64 = tpu.memref_slice %arg3[%arg0, %add3A_51, %dma_wait3A_63] : memref<2x10240x128xf32, #tpu.memory_space<hbm>> -> memref<1x128x128xf32, #tpu.memory_space<hbm>>
      %dma_wait3A_65 = tpu.memref_squeeze %dma_wait3A_64 : memref<1x128x128xf32, #tpu.memory_space<hbm>> -> memref<128x128xf32, #tpu.memory_space<hbm>>
      tpu.wait_dma2 semaphore(%run_scoped3A : memref<!tpu.dma_semaphore, #tpu.memory_space<semaphore_mem>>) src(%arg5 : memref<128x128xf32, #tpu.memory_space<vmem>>) dst(%dma_wait3A_65 : memref<128x128xf32, #tpu.memory_space<hbm>>)
      tpu.yield
    }) : () -> ()
    %add3A_52 = arith.constant 512 : i32
    %add3A_53 = arith.addi %mul3A_10, %add3A_52 : i32
    "tpu.region"() ({
      %run_scoped3A = tpu.sem_alloc : memref<!tpu.dma_semaphore, #tpu.memory_space<semaphore_mem>>
      %dma_start3A = arith.constant 0 : i32
      %dma_start3A_56 = tpu.memref_slice %arg6[%add3A_53, %dma_start3A] : memref<10240x128xf32, #tpu.memory_space<vmem_shared>> -> memref<128x128xf32, #tpu.memory_space<vmem_shared>>
      %dma_start3A_57 = arith.constant 0 : i32
      %dma_start3A_58 = tpu.memref_slice %arg6[%add3A_53, %dma_start3A_57] : memref<10240x128xf32, #tpu.memory_space<vmem_shared>> -> memref<128x128xf32, #tpu.memory_space<vmem_shared>>
      tpu.enqueue_dma source(%dma_start3A_58 : memref<128x128xf32, #tpu.memory_space<vmem_shared>>) target(%arg5 : memref<128x128xf32, #tpu.memory_space<vmem>>) target_semaphore(%run_scoped3A : memref<!tpu.dma_semaphore, #tpu.memory_space<semaphore_mem>>)
      %dma_wait3A = arith.constant 0 : i32
      %dma_wait3A_59 = tpu.memref_slice %arg6[%add3A_53, %dma_wait3A] : memref<10240x128xf32, #tpu.memory_space<vmem_shared>> -> memref<128x128xf32, #tpu.memory_space<vmem_shared>>
      %dma_wait3A_60 = arith.constant 0 : i32
      %dma_wait3A_61 = tpu.memref_slice %arg6[%add3A_53, %dma_wait3A_60] : memref<10240x128xf32, #tpu.memory_space<vmem_shared>> -> memref<128x128xf32, #tpu.memory_space<vmem_shared>>
      tpu.wait_dma2 semaphore(%run_scoped3A : memref<!tpu.dma_semaphore, #tpu.memory_space<semaphore_mem>>) src(%dma_wait3A_61 : memref<128x128xf32, #tpu.memory_space<vmem_shared>>) dst(%arg5 : memref<128x128xf32, #tpu.memory_space<vmem>>)
      tpu.yield
    }) : () -> ()
    %add3A_54 = arith.constant 512 : i32
    %add3A_55 = arith.addi %mul3A_10, %add3A_54 : i32
    "tpu.region"() ({
      %run_scoped3A = tpu.sem_alloc : memref<!tpu.dma_semaphore, #tpu.memory_space<semaphore_mem>>
      %dma_start3A = arith.constant 0 : i32
      %dma_start3A_56 = tpu.memref_slice %arg3[%arg0, %add3A_55, %dma_start3A] : memref<2x10240x128xf32, #tpu.memory_space<hbm>> -> memref<1x128x128xf32, #tpu.memory_space<hbm>>
      %dma_start3A_57 = tpu.memref_squeeze %dma_start3A_56 : memref<1x128x128xf32, #tpu.memory_space<hbm>> -> memref<128x128xf32, #tpu.memory_space<hbm>>
      %dma_start3A_58 = arith.constant 0 : i32
      %dma_start3A_59 = tpu.memref_slice %arg3[%arg0, %add3A_55, %dma_start3A_58] : memref<2x10240x128xf32, #tpu.memory_space<hbm>> -> memref<1x128x128xf32, #tpu.memory_space<hbm>>
      %dma_start3A_60 = tpu.memref_squeeze %dma_start3A_59 : memref<1x128x128xf32, #tpu.memory_space<hbm>> -> memref<128x128xf32, #tpu.memory_space<hbm>>
      tpu.enqueue_dma source(%arg5 : memref<128x128xf32, #tpu.memory_space<vmem>>) target(%dma_start3A_60 : memref<128x128xf32, #tpu.memory_space<hbm>>) target_semaphore(%run_scoped3A : memref<!tpu.dma_semaphore, #tpu.memory_space<semaphore_mem>>)
      %dma_wait3A = arith.constant 0 : i32
      %dma_wait3A_61 = tpu.memref_slice %arg3[%arg0, %add3A_55, %dma_wait3A] : memref<2x10240x128xf32, #tpu.memory_space<hbm>> -> memref<1x128x128xf32, #tpu.memory_space<hbm>>
      %dma_wait3A_62 = tpu.memref_squeeze %dma_wait3A_61 : memref<1x128x128xf32, #tpu.memory_space<hbm>> -> memref<128x128xf32, #tpu.memory_space<hbm>>
      %dma_wait3A_63 = arith.constant 0 : i32
      %dma_wait3A_64 = tpu.memref_slice %arg3[%arg0, %add3A_55, %dma_wait3A_63] : memref<2x10240x128xf32, #tpu.memory_space<hbm>> -> memref<1x128x128xf32, #tpu.memory_space<hbm>>
      %dma_wait3A_65 = tpu.memref_squeeze %dma_wait3A_64 : memref<1x128x128xf32, #tpu.memory_space<hbm>> -> memref<128x128xf32, #tpu.memory_space<hbm>>
      tpu.wait_dma2 semaphore(%run_scoped3A : memref<!tpu.dma_semaphore, #tpu.memory_space<semaphore_mem>>) src(%arg5 : memref<128x128xf32, #tpu.memory_space<vmem>>) dst(%dma_wait3A_65 : memref<128x128xf32, #tpu.memory_space<hbm>>)
      tpu.yield
    }) : () -> ()
    return
  }
}

#map = affine_map<(d0, d1) -> (0, 0, 0)>
#map1 = affine_map<(d0, d1) -> (0, 0)>
module attributes {stable_mosaic.version = 14 : i64} {
  func.func @_edge_scatter(%arg0: i32, %arg1: i32, %arg2: memref<2x10240x64xf32, #tpu.memory_space<hbm>>, %arg3: memref<2560x128xi32, #tpu.memory_space<hbm>>, %arg4: memref<2560x128xi32, #tpu.memory_space<hbm>>, %arg5: memref<2x10240x64xf32, #tpu.memory_space<hbm>>, %arg6: memref<80x128xi32, #tpu.memory_space<vmem>>, %arg7: memref<80x128xi32, #tpu.memory_space<vmem>>, %arg8: memref<128x64xf32, #tpu.memory_space<vmem>>, %arg9: memref<128x64xf32, #tpu.memory_space<vmem>>, %arg10: memref<128x64xf32, #tpu.memory_space<vmem>>, %arg11: memref<10240x64xf32, #tpu.memory_space<vmem_shared>>, %arg12: memref<10240x64xf32, #tpu.memory_space<vmem_shared>>, %arg13: memref<!tpu.dma_semaphore, #tpu.memory_space<semaphore_mem>>, %arg14: memref<!tpu.dma_semaphore, #tpu.memory_space<semaphore_mem>>, %arg15: memref<!tpu.dma_semaphore, #tpu.memory_space<semaphore_mem>>) attributes {dimension_semantics = [#tpu.dimension_semantics<core_parallel>, #tpu.dimension_semantics<subcore_parallel>], iteration_bounds = array<i64: 2, 16>, scalar_prefetch = 0 : i64, scratch_operands = 10 : i64, tpu.core_type = #tpu.core_type<sc_vector_subcore>, window_params = [{transform_indices = #map}, {transform_indices = #map1}, {transform_indices = #map1}, {transform_indices = #map}]} {
    %mul3A = arith.constant 640 : i32
    %mul3A_0 = arith.muli %arg1, %mul3A : i32
    %broadcast_in_dim3A = arith.constant 0.000000e+00 : f32
    %broadcast_in_dim3A_1 = vector.broadcast %broadcast_in_dim3A : f32 to vector<16xf32>
    %scan3A = arith.constant 0 : i32
    %scan3A_2 = arith.constant 0 : i32
    %scan3A_3 = arith.constant 128 : i32
    %scan3A_4 = arith.addi %scan3A_2, %scan3A_3 : i32
    %scan3A_5 = arith.constant 1 : i32
    scf.for %scan3A_192 = %scan3A_2 to %scan3A_4 step %scan3A_5  : i32 {
      %swap3A = arith.index_cast %scan3A_192 : i32 to index
      %swap3A_193 = arith.constant 0 : index
      %swap3A_194 = tpu.vector_load %arg9[%swap3A, %swap3A_193] {strides = array<i32>} : memref<128x64xf32, #tpu.memory_space<vmem>>, vector<1x16xf32>,
      %swap3A_195 = vector.shape_cast %swap3A_194 : vector<1x16xf32> to vector<16xf32>
      %swap3A_196 = vector.shape_cast %broadcast_in_dim3A_1 : vector<16xf32> to vector<1x16xf32>
      tpu.vector_store %arg9[%swap3A, %swap3A_193], %swap3A_196 {strides = array<i32>} : memref<128x64xf32, #tpu.memory_space<vmem>>, vector<1x16xf32>,
      %swap3A_197 = arith.index_cast %scan3A_192 : i32 to index
      %swap3A_198 = arith.constant 16 : index
      %swap3A_199 = tpu.vector_load %arg9[%swap3A_197, %swap3A_198] {strides = array<i32>} : memref<128x64xf32, #tpu.memory_space<vmem>>, vector<1x16xf32>,
      %swap3A_200 = vector.shape_cast %swap3A_199 : vector<1x16xf32> to vector<16xf32>
      %swap3A_201 = vector.shape_cast %broadcast_in_dim3A_1 : vector<16xf32> to vector<1x16xf32>
      tpu.vector_store %arg9[%swap3A_197, %swap3A_198], %swap3A_201 {strides = array<i32>} : memref<128x64xf32, #tpu.memory_space<vmem>>, vector<1x16xf32>,
      %swap3A_202 = arith.index_cast %scan3A_192 : i32 to index
      %swap3A_203 = arith.constant 32 : index
      %swap3A_204 = tpu.vector_load %arg9[%swap3A_202, %swap3A_203] {strides = array<i32>} : memref<128x64xf32, #tpu.memory_space<vmem>>, vector<1x16xf32>,
      %swap3A_205 = vector.shape_cast %swap3A_204 : vector<1x16xf32> to vector<16xf32>
      %swap3A_206 = vector.shape_cast %broadcast_in_dim3A_1 : vector<16xf32> to vector<1x16xf32>
      tpu.vector_store %arg9[%swap3A_202, %swap3A_203], %swap3A_206 {strides = array<i32>} : memref<128x64xf32, #tpu.memory_space<vmem>>, vector<1x16xf32>,
      %swap3A_207 = arith.index_cast %scan3A_192 : i32 to index
      %swap3A_208 = arith.constant 48 : index
      %swap3A_209 = tpu.vector_load %arg9[%swap3A_207, %swap3A_208] {strides = array<i32>} : memref<128x64xf32, #tpu.memory_space<vmem>>, vector<1x16xf32>,
      %swap3A_210 = vector.shape_cast %swap3A_209 : vector<1x16xf32> to vector<16xf32>
      %swap3A_211 = vector.shape_cast %broadcast_in_dim3A_1 : vector<16xf32> to vector<1x16xf32>
      tpu.vector_store %arg9[%swap3A_207, %swap3A_208], %swap3A_211 {strides = array<i32>} : memref<128x64xf32, #tpu.memory_space<vmem>>, vector<1x16xf32>,
    }
    %scan3A_6 = arith.constant 128 : i32
    %add3A = arith.constant 0 : i32
    %add3A_7 = arith.addi %mul3A_0, %add3A : i32
    "tpu.region"() ({
      %run_scoped3A_192 = tpu.sem_alloc : memref<!tpu.dma_semaphore, #tpu.memory_space<semaphore_mem>>
      %dma_start3A_193 = arith.constant 0 : i32
      %dma_start3A_194 = tpu.memref_slice %arg2[%arg0, %add3A_7, %dma_start3A_193] : memref<2x10240x64xf32, #tpu.memory_space<hbm>> -> memref<1x128x64xf32, #tpu.memory_space<hbm>>
      %dma_start3A_195 = tpu.memref_squeeze %dma_start3A_194 : memref<1x128x64xf32, #tpu.memory_space<hbm>> -> memref<128x64xf32, #tpu.memory_space<hbm>>
      %dma_start3A_196 = arith.constant 0 : i32
      %dma_start3A_197 = tpu.memref_slice %arg2[%arg0, %add3A_7, %dma_start3A_196] : memref<2x10240x64xf32, #tpu.memory_space<hbm>> -> memref<1x128x64xf32, #tpu.memory_space<hbm>>
      %dma_start3A_198 = tpu.memref_squeeze %dma_start3A_197 : memref<1x128x64xf32, #tpu.memory_space<hbm>> -> memref<128x64xf32, #tpu.memory_space<hbm>>
      tpu.enqueue_dma source(%dma_start3A_198 : memref<128x64xf32, #tpu.memory_space<hbm>>) target(%arg8 : memref<128x64xf32, #tpu.memory_space<vmem>>) target_semaphore(%run_scoped3A_192 : memref<!tpu.dma_semaphore, #tpu.memory_space<semaphore_mem>>)
      %dma_wait3A_199 = arith.constant 0 : i32
      %dma_wait3A_200 = tpu.memref_slice %arg2[%arg0, %add3A_7, %dma_wait3A_199] : memref<2x10240x64xf32, #tpu.memory_space<hbm>> -> memref<1x128x64xf32, #tpu.memory_space<hbm>>
      %dma_wait3A_201 = tpu.memref_squeeze %dma_wait3A_200 : memref<1x128x64xf32, #tpu.memory_space<hbm>> -> memref<128x64xf32, #tpu.memory_space<hbm>>
      %dma_wait3A_202 = arith.constant 0 : i32
      %dma_wait3A_203 = tpu.memref_slice %arg2[%arg0, %add3A_7, %dma_wait3A_202] : memref<2x10240x64xf32, #tpu.memory_space<hbm>> -> memref<1x128x64xf32, #tpu.memory_space<hbm>>
      %dma_wait3A_204 = tpu.memref_squeeze %dma_wait3A_203 : memref<1x128x64xf32, #tpu.memory_space<hbm>> -> memref<128x64xf32, #tpu.memory_space<hbm>>
      tpu.wait_dma2 semaphore(%run_scoped3A_192 : memref<!tpu.dma_semaphore, #tpu.memory_space<semaphore_mem>>) src(%dma_wait3A_204 : memref<128x64xf32, #tpu.memory_space<hbm>>) dst(%arg8 : memref<128x64xf32, #tpu.memory_space<vmem>>)
      tpu.yield
    }) : () -> ()
    %add3A_8 = arith.constant 0 : i32
    %add3A_9 = arith.addi %mul3A_0, %add3A_8 : i32
    "tpu.region"() ({
      %run_scoped3A_192 = tpu.sem_alloc : memref<!tpu.dma_semaphore, #tpu.memory_space<semaphore_mem>>
      %dma_start3A_193 = arith.constant 0 : i32
      %dma_start3A_194 = tpu.memref_slice %arg11[%add3A_9, %dma_start3A_193] : memref<10240x64xf32, #tpu.memory_space<vmem_shared>> -> memref<128x64xf32, #tpu.memory_space<vmem_shared>>
      %dma_start3A_195 = arith.constant 0 : i32
      %dma_start3A_196 = tpu.memref_slice %arg11[%add3A_9, %dma_start3A_195] : memref<10240x64xf32, #tpu.memory_space<vmem_shared>> -> memref<128x64xf32, #tpu.memory_space<vmem_shared>>
      tpu.enqueue_dma source(%arg8 : memref<128x64xf32, #tpu.memory_space<vmem>>) target(%dma_start3A_196 : memref<128x64xf32, #tpu.memory_space<vmem_shared>>) target_semaphore(%run_scoped3A_192 : memref<!tpu.dma_semaphore, #tpu.memory_space<semaphore_mem>>)
      %dma_wait3A_197 = arith.constant 0 : i32
      %dma_wait3A_198 = tpu.memref_slice %arg11[%add3A_9, %dma_wait3A_197] : memref<10240x64xf32, #tpu.memory_space<vmem_shared>> -> memref<128x64xf32, #tpu.memory_space<vmem_shared>>
      %dma_wait3A_199 = arith.constant 0 : i32
      %dma_wait3A_200 = tpu.memref_slice %arg11[%add3A_9, %dma_wait3A_199] : memref<10240x64xf32, #tpu.memory_space<vmem_shared>> -> memref<128x64xf32, #tpu.memory_space<vmem_shared>>
      tpu.wait_dma2 semaphore(%run_scoped3A_192 : memref<!tpu.dma_semaphore, #tpu.memory_space<semaphore_mem>>) src(%arg8 : memref<128x64xf32, #tpu.memory_space<vmem>>) dst(%dma_wait3A_200 : memref<128x64xf32, #tpu.memory_space<vmem_shared>>)
      tpu.yield
    }) : () -> ()
    %add3A_10 = arith.constant 0 : i32
    %add3A_11 = arith.addi %mul3A_0, %add3A_10 : i32
    "tpu.region"() ({
      %run_scoped3A_192 = tpu.sem_alloc : memref<!tpu.dma_semaphore, #tpu.memory_space<semaphore_mem>>
      %dma_start3A_193 = arith.constant 0 : i32
      %dma_start3A_194 = tpu.memref_slice %arg12[%add3A_11, %dma_start3A_193] : memref<10240x64xf32, #tpu.memory_space<vmem_shared>> -> memref<128x64xf32, #tpu.memory_space<vmem_shared>>
      %dma_start3A_195 = arith.constant 0 : i32
      %dma_start3A_196 = tpu.memref_slice %arg12[%add3A_11, %dma_start3A_195] : memref<10240x64xf32, #tpu.memory_space<vmem_shared>> -> memref<128x64xf32, #tpu.memory_space<vmem_shared>>
      tpu.enqueue_dma source(%arg9 : memref<128x64xf32, #tpu.memory_space<vmem>>) target(%dma_start3A_196 : memref<128x64xf32, #tpu.memory_space<vmem_shared>>) target_semaphore(%run_scoped3A_192 : memref<!tpu.dma_semaphore, #tpu.memory_space<semaphore_mem>>)
      %dma_wait3A_197 = arith.constant 0 : i32
      %dma_wait3A_198 = tpu.memref_slice %arg12[%add3A_11, %dma_wait3A_197] : memref<10240x64xf32, #tpu.memory_space<vmem_shared>> -> memref<128x64xf32, #tpu.memory_space<vmem_shared>>
      %dma_wait3A_199 = arith.constant 0 : i32
      %dma_wait3A_200 = tpu.memref_slice %arg12[%add3A_11, %dma_wait3A_199] : memref<10240x64xf32, #tpu.memory_space<vmem_shared>> -> memref<128x64xf32, #tpu.memory_space<vmem_shared>>
      tpu.wait_dma2 semaphore(%run_scoped3A_192 : memref<!tpu.dma_semaphore, #tpu.memory_space<semaphore_mem>>) src(%arg9 : memref<128x64xf32, #tpu.memory_space<vmem>>) dst(%dma_wait3A_200 : memref<128x64xf32, #tpu.memory_space<vmem_shared>>)
      tpu.yield
    }) : () -> ()
    %add3A_12 = arith.constant 128 : i32
    %add3A_13 = arith.addi %mul3A_0, %add3A_12 : i32
    "tpu.region"() ({
      %run_scoped3A_192 = tpu.sem_alloc : memref<!tpu.dma_semaphore, #tpu.memory_space<semaphore_mem>>
      %dma_start3A_193 = arith.constant 0 : i32
      %dma_start3A_194 = tpu.memref_slice %arg2[%arg0, %add3A_13, %dma_start3A_193] : memref<2x10240x64xf32, #tpu.memory_space<hbm>> -> memref<1x128x64xf32, #tpu.memory_space<hbm>>
      %dma_start3A_195 = tpu.memref_squeeze %dma_start3A_194 : memref<1x128x64xf32, #tpu.memory_space<hbm>> -> memref<128x64xf32, #tpu.memory_space<hbm>>
      %dma_start3A_196 = arith.constant 0 : i32
      %dma_start3A_197 = tpu.memref_slice %arg2[%arg0, %add3A_13, %dma_start3A_196] : memref<2x10240x64xf32, #tpu.memory_space<hbm>> -> memref<1x128x64xf32, #tpu.memory_space<hbm>>
      %dma_start3A_198 = tpu.memref_squeeze %dma_start3A_197 : memref<1x128x64xf32, #tpu.memory_space<hbm>> -> memref<128x64xf32, #tpu.memory_space<hbm>>
      tpu.enqueue_dma source(%dma_start3A_198 : memref<128x64xf32, #tpu.memory_space<hbm>>) target(%arg8 : memref<128x64xf32, #tpu.memory_space<vmem>>) target_semaphore(%run_scoped3A_192 : memref<!tpu.dma_semaphore, #tpu.memory_space<semaphore_mem>>)
      %dma_wait3A_199 = arith.constant 0 : i32
      %dma_wait3A_200 = tpu.memref_slice %arg2[%arg0, %add3A_13, %dma_wait3A_199] : memref<2x10240x64xf32, #tpu.memory_space<hbm>> -> memref<1x128x64xf32, #tpu.memory_space<hbm>>
      %dma_wait3A_201 = tpu.memref_squeeze %dma_wait3A_200 : memref<1x128x64xf32, #tpu.memory_space<hbm>> -> memref<128x64xf32, #tpu.memory_space<hbm>>
      %dma_wait3A_202 = arith.constant 0 : i32
      %dma_wait3A_203 = tpu.memref_slice %arg2[%arg0, %add3A_13, %dma_wait3A_202] : memref<2x10240x64xf32, #tpu.memory_space<hbm>> -> memref<1x128x64xf32, #tpu.memory_space<hbm>>
      %dma_wait3A_204 = tpu.memref_squeeze %dma_wait3A_203 : memref<1x128x64xf32, #tpu.memory_space<hbm>> -> memref<128x64xf32, #tpu.memory_space<hbm>>
      tpu.wait_dma2 semaphore(%run_scoped3A_192 : memref<!tpu.dma_semaphore, #tpu.memory_space<semaphore_mem>>) src(%dma_wait3A_204 : memref<128x64xf32, #tpu.memory_space<hbm>>) dst(%arg8 : memref<128x64xf32, #tpu.memory_space<vmem>>)
      tpu.yield
    }) : () -> ()
    %add3A_14 = arith.constant 128 : i32
    %add3A_15 = arith.addi %mul3A_0, %add3A_14 : i32
    "tpu.region"() ({
      %run_scoped3A_192 = tpu.sem_alloc : memref<!tpu.dma_semaphore, #tpu.memory_space<semaphore_mem>>
      %dma_start3A_193 = arith.constant 0 : i32
      %dma_start3A_194 = tpu.memref_slice %arg11[%add3A_15, %dma_start3A_193] : memref<10240x64xf32, #tpu.memory_space<vmem_shared>> -> memref<128x64xf32, #tpu.memory_space<vmem_shared>>
      %dma_start3A_195 = arith.constant 0 : i32
      %dma_start3A_196 = tpu.memref_slice %arg11[%add3A_15, %dma_start3A_195] : memref<10240x64xf32, #tpu.memory_space<vmem_shared>> -> memref<128x64xf32, #tpu.memory_space<vmem_shared>>
      tpu.enqueue_dma source(%arg8 : memref<128x64xf32, #tpu.memory_space<vmem>>) target(%dma_start3A_196 : memref<128x64xf32, #tpu.memory_space<vmem_shared>>) target_semaphore(%run_scoped3A_192 : memref<!tpu.dma_semaphore, #tpu.memory_space<semaphore_mem>>)
      %dma_wait3A_197 = arith.constant 0 : i32
      %dma_wait3A_198 = tpu.memref_slice %arg11[%add3A_15, %dma_wait3A_197] : memref<10240x64xf32, #tpu.memory_space<vmem_shared>> -> memref<128x64xf32, #tpu.memory_space<vmem_shared>>
      %dma_wait3A_199 = arith.constant 0 : i32
      %dma_wait3A_200 = tpu.memref_slice %arg11[%add3A_15, %dma_wait3A_199] : memref<10240x64xf32, #tpu.memory_space<vmem_shared>> -> memref<128x64xf32, #tpu.memory_space<vmem_shared>>
      tpu.wait_dma2 semaphore(%run_scoped3A_192 : memref<!tpu.dma_semaphore, #tpu.memory_space<semaphore_mem>>) src(%arg8 : memref<128x64xf32, #tpu.memory_space<vmem>>) dst(%dma_wait3A_200 : memref<128x64xf32, #tpu.memory_space<vmem_shared>>)
      tpu.yield
    }) : () -> ()
    %add3A_16 = arith.constant 128 : i32
    %add3A_17 = arith.addi %mul3A_0, %add3A_16 : i32
    "tpu.region"() ({
      %run_scoped3A_192 = tpu.sem_alloc : memref<!tpu.dma_semaphore, #tpu.memory_space<semaphore_mem>>
      %dma_start3A_193 = arith.constant 0 : i32
      %dma_start3A_194 = tpu.memref_slice %arg12[%add3A_17, %dma_start3A_193] : memref<10240x64xf32, #tpu.memory_space<vmem_shared>> -> memref<128x64xf32, #tpu.memory_space<vmem_shared>>
      %dma_start3A_195 = arith.constant 0 : i32
      %dma_start3A_196 = tpu.memref_slice %arg12[%add3A_17, %dma_start3A_195] : memref<10240x64xf32, #tpu.memory_space<vmem_shared>> -> memref<128x64xf32, #tpu.memory_space<vmem_shared>>
      tpu.enqueue_dma source(%arg9 : memref<128x64xf32, #tpu.memory_space<vmem>>) target(%dma_start3A_196 : memref<128x64xf32, #tpu.memory_space<vmem_shared>>) target_semaphore(%run_scoped3A_192 : memref<!tpu.dma_semaphore, #tpu.memory_space<semaphore_mem>>)
      %dma_wait3A_197 = arith.constant 0 : i32
      %dma_wait3A_198 = tpu.memref_slice %arg12[%add3A_17, %dma_wait3A_197] : memref<10240x64xf32, #tpu.memory_space<vmem_shared>> -> memref<128x64xf32, #tpu.memory_space<vmem_shared>>
      %dma_wait3A_199 = arith.constant 0 : i32
      %dma_wait3A_200 = tpu.memref_slice %arg12[%add3A_17, %dma_wait3A_199] : memref<10240x64xf32, #tpu.memory_space<vmem_shared>> -> memref<128x64xf32, #tpu.memory_space<vmem_shared>>
      tpu.wait_dma2 semaphore(%run_scoped3A_192 : memref<!tpu.dma_semaphore, #tpu.memory_space<semaphore_mem>>) src(%arg9 : memref<128x64xf32, #tpu.memory_space<vmem>>) dst(%dma_wait3A_200 : memref<128x64xf32, #tpu.memory_space<vmem_shared>>)
      tpu.yield
    }) : () -> ()
    %add3A_18 = arith.constant 256 : i32
    %add3A_19 = arith.addi %mul3A_0, %add3A_18 : i32
    "tpu.region"() ({
      %run_scoped3A_192 = tpu.sem_alloc : memref<!tpu.dma_semaphore, #tpu.memory_space<semaphore_mem>>
      %dma_start3A_193 = arith.constant 0 : i32
      %dma_start3A_194 = tpu.memref_slice %arg2[%arg0, %add3A_19, %dma_start3A_193] : memref<2x10240x64xf32, #tpu.memory_space<hbm>> -> memref<1x128x64xf32, #tpu.memory_space<hbm>>
      %dma_start3A_195 = tpu.memref_squeeze %dma_start3A_194 : memref<1x128x64xf32, #tpu.memory_space<hbm>> -> memref<128x64xf32, #tpu.memory_space<hbm>>
      %dma_start3A_196 = arith.constant 0 : i32
      %dma_start3A_197 = tpu.memref_slice %arg2[%arg0, %add3A_19, %dma_start3A_196] : memref<2x10240x64xf32, #tpu.memory_space<hbm>> -> memref<1x128x64xf32, #tpu.memory_space<hbm>>
      %dma_start3A_198 = tpu.memref_squeeze %dma_start3A_197 : memref<1x128x64xf32, #tpu.memory_space<hbm>> -> memref<128x64xf32, #tpu.memory_space<hbm>>
      tpu.enqueue_dma source(%dma_start3A_198 : memref<128x64xf32, #tpu.memory_space<hbm>>) target(%arg8 : memref<128x64xf32, #tpu.memory_space<vmem>>) target_semaphore(%run_scoped3A_192 : memref<!tpu.dma_semaphore, #tpu.memory_space<semaphore_mem>>)
      %dma_wait3A_199 = arith.constant 0 : i32
      %dma_wait3A_200 = tpu.memref_slice %arg2[%arg0, %add3A_19, %dma_wait3A_199] : memref<2x10240x64xf32, #tpu.memory_space<hbm>> -> memref<1x128x64xf32, #tpu.memory_space<hbm>>
      %dma_wait3A_201 = tpu.memref_squeeze %dma_wait3A_200 : memref<1x128x64xf32, #tpu.memory_space<hbm>> -> memref<128x64xf32, #tpu.memory_space<hbm>>
      %dma_wait3A_202 = arith.constant 0 : i32
      %dma_wait3A_203 = tpu.memref_slice %arg2[%arg0, %add3A_19, %dma_wait3A_202] : memref<2x10240x64xf32, #tpu.memory_space<hbm>> -> memref<1x128x64xf32, #tpu.memory_space<hbm>>
      %dma_wait3A_204 = tpu.memref_squeeze %dma_wait3A_203 : memref<1x128x64xf32, #tpu.memory_space<hbm>> -> memref<128x64xf32, #tpu.memory_space<hbm>>
      tpu.wait_dma2 semaphore(%run_scoped3A_192 : memref<!tpu.dma_semaphore, #tpu.memory_space<semaphore_mem>>) src(%dma_wait3A_204 : memref<128x64xf32, #tpu.memory_space<hbm>>) dst(%arg8 : memref<128x64xf32, #tpu.memory_space<vmem>>)
      tpu.yield
    }) : () -> ()
    %add3A_20 = arith.constant 256 : i32
    %add3A_21 = arith.addi %mul3A_0, %add3A_20 : i32
    "tpu.region"() ({
      %run_scoped3A_192 = tpu.sem_alloc : memref<!tpu.dma_semaphore, #tpu.memory_space<semaphore_mem>>
      %dma_start3A_193 = arith.constant 0 : i32
      %dma_start3A_194 = tpu.memref_slice %arg11[%add3A_21, %dma_start3A_193] : memref<10240x64xf32, #tpu.memory_space<vmem_shared>> -> memref<128x64xf32, #tpu.memory_space<vmem_shared>>
      %dma_start3A_195 = arith.constant 0 : i32
      %dma_start3A_196 = tpu.memref_slice %arg11[%add3A_21, %dma_start3A_195] : memref<10240x64xf32, #tpu.memory_space<vmem_shared>> -> memref<128x64xf32, #tpu.memory_space<vmem_shared>>
      tpu.enqueue_dma source(%arg8 : memref<128x64xf32, #tpu.memory_space<vmem>>) target(%dma_start3A_196 : memref<128x64xf32, #tpu.memory_space<vmem_shared>>) target_semaphore(%run_scoped3A_192 : memref<!tpu.dma_semaphore, #tpu.memory_space<semaphore_mem>>)
      %dma_wait3A_197 = arith.constant 0 : i32
      %dma_wait3A_198 = tpu.memref_slice %arg11[%add3A_21, %dma_wait3A_197] : memref<10240x64xf32, #tpu.memory_space<vmem_shared>> -> memref<128x64xf32, #tpu.memory_space<vmem_shared>>
      %dma_wait3A_199 = arith.constant 0 : i32
      %dma_wait3A_200 = tpu.memref_slice %arg11[%add3A_21, %dma_wait3A_199] : memref<10240x64xf32, #tpu.memory_space<vmem_shared>> -> memref<128x64xf32, #tpu.memory_space<vmem_shared>>
      tpu.wait_dma2 semaphore(%run_scoped3A_192 : memref<!tpu.dma_semaphore, #tpu.memory_space<semaphore_mem>>) src(%arg8 : memref<128x64xf32, #tpu.memory_space<vmem>>) dst(%dma_wait3A_200 : memref<128x64xf32, #tpu.memory_space<vmem_shared>>)
      tpu.yield
    }) : () -> ()
    %add3A_22 = arith.constant 256 : i32
    %add3A_23 = arith.addi %mul3A_0, %add3A_22 : i32
    "tpu.region"() ({
      %run_scoped3A_192 = tpu.sem_alloc : memref<!tpu.dma_semaphore, #tpu.memory_space<semaphore_mem>>
      %dma_start3A_193 = arith.constant 0 : i32
      %dma_start3A_194 = tpu.memref_slice %arg12[%add3A_23, %dma_start3A_193] : memref<10240x64xf32, #tpu.memory_space<vmem_shared>> -> memref<128x64xf32, #tpu.memory_space<vmem_shared>>
      %dma_start3A_195 = arith.constant 0 : i32
      %dma_start3A_196 = tpu.memref_slice %arg12[%add3A_23, %dma_start3A_195] : memref<10240x64xf32, #tpu.memory_space<vmem_shared>> -> memref<128x64xf32, #tpu.memory_space<vmem_shared>>
      tpu.enqueue_dma source(%arg9 : memref<128x64xf32, #tpu.memory_space<vmem>>) target(%dma_start3A_196 : memref<128x64xf32, #tpu.memory_space<vmem_shared>>) target_semaphore(%run_scoped3A_192 : memref<!tpu.dma_semaphore, #tpu.memory_space<semaphore_mem>>)
      %dma_wait3A_197 = arith.constant 0 : i32
      %dma_wait3A_198 = tpu.memref_slice %arg12[%add3A_23, %dma_wait3A_197] : memref<10240x64xf32, #tpu.memory_space<vmem_shared>> -> memref<128x64xf32, #tpu.memory_space<vmem_shared>>
      %dma_wait3A_199 = arith.constant 0 : i32
      %dma_wait3A_200 = tpu.memref_slice %arg12[%add3A_23, %dma_wait3A_199] : memref<10240x64xf32, #tpu.memory_space<vmem_shared>> -> memref<128x64xf32, #tpu.memory_space<vmem_shared>>
      tpu.wait_dma2 semaphore(%run_scoped3A_192 : memref<!tpu.dma_semaphore, #tpu.memory_space<semaphore_mem>>) src(%arg9 : memref<128x64xf32, #tpu.memory_space<vmem>>) dst(%dma_wait3A_200 : memref<128x64xf32, #tpu.memory_space<vmem_shared>>)
      tpu.yield
    }) : () -> ()
    %add3A_24 = arith.constant 384 : i32
    %add3A_25 = arith.addi %mul3A_0, %add3A_24 : i32
    "tpu.region"() ({
      %run_scoped3A_192 = tpu.sem_alloc : memref<!tpu.dma_semaphore, #tpu.memory_space<semaphore_mem>>
      %dma_start3A_193 = arith.constant 0 : i32
      %dma_start3A_194 = tpu.memref_slice %arg2[%arg0, %add3A_25, %dma_start3A_193] : memref<2x10240x64xf32, #tpu.memory_space<hbm>> -> memref<1x128x64xf32, #tpu.memory_space<hbm>>
      %dma_start3A_195 = tpu.memref_squeeze %dma_start3A_194 : memref<1x128x64xf32, #tpu.memory_space<hbm>> -> memref<128x64xf32, #tpu.memory_space<hbm>>
      %dma_start3A_196 = arith.constant 0 : i32
      %dma_start3A_197 = tpu.memref_slice %arg2[%arg0, %add3A_25, %dma_start3A_196] : memref<2x10240x64xf32, #tpu.memory_space<hbm>> -> memref<1x128x64xf32, #tpu.memory_space<hbm>>
      %dma_start3A_198 = tpu.memref_squeeze %dma_start3A_197 : memref<1x128x64xf32, #tpu.memory_space<hbm>> -> memref<128x64xf32, #tpu.memory_space<hbm>>
      tpu.enqueue_dma source(%dma_start3A_198 : memref<128x64xf32, #tpu.memory_space<hbm>>) target(%arg8 : memref<128x64xf32, #tpu.memory_space<vmem>>) target_semaphore(%run_scoped3A_192 : memref<!tpu.dma_semaphore, #tpu.memory_space<semaphore_mem>>)
      %dma_wait3A_199 = arith.constant 0 : i32
      %dma_wait3A_200 = tpu.memref_slice %arg2[%arg0, %add3A_25, %dma_wait3A_199] : memref<2x10240x64xf32, #tpu.memory_space<hbm>> -> memref<1x128x64xf32, #tpu.memory_space<hbm>>
      %dma_wait3A_201 = tpu.memref_squeeze %dma_wait3A_200 : memref<1x128x64xf32, #tpu.memory_space<hbm>> -> memref<128x64xf32, #tpu.memory_space<hbm>>
      %dma_wait3A_202 = arith.constant 0 : i32
      %dma_wait3A_203 = tpu.memref_slice %arg2[%arg0, %add3A_25, %dma_wait3A_202] : memref<2x10240x64xf32, #tpu.memory_space<hbm>> -> memref<1x128x64xf32, #tpu.memory_space<hbm>>
      %dma_wait3A_204 = tpu.memref_squeeze %dma_wait3A_203 : memref<1x128x64xf32, #tpu.memory_space<hbm>> -> memref<128x64xf32, #tpu.memory_space<hbm>>
      tpu.wait_dma2 semaphore(%run_scoped3A_192 : memref<!tpu.dma_semaphore, #tpu.memory_space<semaphore_mem>>) src(%dma_wait3A_204 : memref<128x64xf32, #tpu.memory_space<hbm>>) dst(%arg8 : memref<128x64xf32, #tpu.memory_space<vmem>>)
      tpu.yield
    }) : () -> ()
    %add3A_26 = arith.constant 384 : i32
    %add3A_27 = arith.addi %mul3A_0, %add3A_26 : i32
    "tpu.region"() ({
      %run_scoped3A_192 = tpu.sem_alloc : memref<!tpu.dma_semaphore, #tpu.memory_space<semaphore_mem>>
      %dma_start3A_193 = arith.constant 0 : i32
      %dma_start3A_194 = tpu.memref_slice %arg11[%add3A_27, %dma_start3A_193] : memref<10240x64xf32, #tpu.memory_space<vmem_shared>> -> memref<128x64xf32, #tpu.memory_space<vmem_shared>>
      %dma_start3A_195 = arith.constant 0 : i32
      %dma_start3A_196 = tpu.memref_slice %arg11[%add3A_27, %dma_start3A_195] : memref<10240x64xf32, #tpu.memory_space<vmem_shared>> -> memref<128x64xf32, #tpu.memory_space<vmem_shared>>
      tpu.enqueue_dma source(%arg8 : memref<128x64xf32, #tpu.memory_space<vmem>>) target(%dma_start3A_196 : memref<128x64xf32, #tpu.memory_space<vmem_shared>>) target_semaphore(%run_scoped3A_192 : memref<!tpu.dma_semaphore, #tpu.memory_space<semaphore_mem>>)
      %dma_wait3A_197 = arith.constant 0 : i32
      %dma_wait3A_198 = tpu.memref_slice %arg11[%add3A_27, %dma_wait3A_197] : memref<10240x64xf32, #tpu.memory_space<vmem_shared>> -> memref<128x64xf32, #tpu.memory_space<vmem_shared>>
      %dma_wait3A_199 = arith.constant 0 : i32
      %dma_wait3A_200 = tpu.memref_slice %arg11[%add3A_27, %dma_wait3A_199] : memref<10240x64xf32, #tpu.memory_space<vmem_shared>> -> memref<128x64xf32, #tpu.memory_space<vmem_shared>>
      tpu.wait_dma2 semaphore(%run_scoped3A_192 : memref<!tpu.dma_semaphore, #tpu.memory_space<semaphore_mem>>) src(%arg8 : memref<128x64xf32, #tpu.memory_space<vmem>>) dst(%dma_wait3A_200 : memref<128x64xf32, #tpu.memory_space<vmem_shared>>)
      tpu.yield
    }) : () -> ()
    %add3A_28 = arith.constant 384 : i32
    %add3A_29 = arith.addi %mul3A_0, %add3A_28 : i32
    "tpu.region"() ({
      %run_scoped3A_192 = tpu.sem_alloc : memref<!tpu.dma_semaphore, #tpu.memory_space<semaphore_mem>>
      %dma_start3A_193 = arith.constant 0 : i32
      %dma_start3A_194 = tpu.memref_slice %arg12[%add3A_29, %dma_start3A_193] : memref<10240x64xf32, #tpu.memory_space<vmem_shared>> -> memref<128x64xf32, #tpu.memory_space<vmem_shared>>
      %dma_start3A_195 = arith.constant 0 : i32
      %dma_start3A_196 = tpu.memref_slice %arg12[%add3A_29, %dma_start3A_195] : memref<10240x64xf32, #tpu.memory_space<vmem_shared>> -> memref<128x64xf32, #tpu.memory_space<vmem_shared>>
      tpu.enqueue_dma source(%arg9 : memref<128x64xf32, #tpu.memory_space<vmem>>) target(%dma_start3A_196 : memref<128x64xf32, #tpu.memory_space<vmem_shared>>) target_semaphore(%run_scoped3A_192 : memref<!tpu.dma_semaphore, #tpu.memory_space<semaphore_mem>>)
      %dma_wait3A_197 = arith.constant 0 : i32
      %dma_wait3A_198 = tpu.memref_slice %arg12[%add3A_29, %dma_wait3A_197] : memref<10240x64xf32, #tpu.memory_space<vmem_shared>> -> memref<128x64xf32, #tpu.memory_space<vmem_shared>>
      %dma_wait3A_199 = arith.constant 0 : i32
      %dma_wait3A_200 = tpu.memref_slice %arg12[%add3A_29, %dma_wait3A_199] : memref<10240x64xf32, #tpu.memory_space<vmem_shared>> -> memref<128x64xf32, #tpu.memory_space<vmem_shared>>
      tpu.wait_dma2 semaphore(%run_scoped3A_192 : memref<!tpu.dma_semaphore, #tpu.memory_space<semaphore_mem>>) src(%arg9 : memref<128x64xf32, #tpu.memory_space<vmem>>) dst(%dma_wait3A_200 : memref<128x64xf32, #tpu.memory_space<vmem_shared>>)
      tpu.yield
    }) : () -> ()
    %add3A_30 = arith.constant 512 : i32
    %add3A_31 = arith.addi %mul3A_0, %add3A_30 : i32
    "tpu.region"() ({
      %run_scoped3A_192 = tpu.sem_alloc : memref<!tpu.dma_semaphore, #tpu.memory_space<semaphore_mem>>
      %dma_start3A_193 = arith.constant 0 : i32
      %dma_start3A_194 = tpu.memref_slice %arg2[%arg0, %add3A_31, %dma_start3A_193] : memref<2x10240x64xf32, #tpu.memory_space<hbm>> -> memref<1x128x64xf32, #tpu.memory_space<hbm>>
      %dma_start3A_195 = tpu.memref_squeeze %dma_start3A_194 : memref<1x128x64xf32, #tpu.memory_space<hbm>> -> memref<128x64xf32, #tpu.memory_space<hbm>>
      %dma_start3A_196 = arith.constant 0 : i32
      %dma_start3A_197 = tpu.memref_slice %arg2[%arg0, %add3A_31, %dma_start3A_196] : memref<2x10240x64xf32, #tpu.memory_space<hbm>> -> memref<1x128x64xf32, #tpu.memory_space<hbm>>
      %dma_start3A_198 = tpu.memref_squeeze %dma_start3A_197 : memref<1x128x64xf32, #tpu.memory_space<hbm>> -> memref<128x64xf32, #tpu.memory_space<hbm>>
      tpu.enqueue_dma source(%dma_start3A_198 : memref<128x64xf32, #tpu.memory_space<hbm>>) target(%arg8 : memref<128x64xf32, #tpu.memory_space<vmem>>) target_semaphore(%run_scoped3A_192 : memref<!tpu.dma_semaphore, #tpu.memory_space<semaphore_mem>>)
      %dma_wait3A_199 = arith.constant 0 : i32
      %dma_wait3A_200 = tpu.memref_slice %arg2[%arg0, %add3A_31, %dma_wait3A_199] : memref<2x10240x64xf32, #tpu.memory_space<hbm>> -> memref<1x128x64xf32, #tpu.memory_space<hbm>>
      %dma_wait3A_201 = tpu.memref_squeeze %dma_wait3A_200 : memref<1x128x64xf32, #tpu.memory_space<hbm>> -> memref<128x64xf32, #tpu.memory_space<hbm>>
      %dma_wait3A_202 = arith.constant 0 : i32
      %dma_wait3A_203 = tpu.memref_slice %arg2[%arg0, %add3A_31, %dma_wait3A_202] : memref<2x10240x64xf32, #tpu.memory_space<hbm>> -> memref<1x128x64xf32, #tpu.memory_space<hbm>>
      %dma_wait3A_204 = tpu.memref_squeeze %dma_wait3A_203 : memref<1x128x64xf32, #tpu.memory_space<hbm>> -> memref<128x64xf32, #tpu.memory_space<hbm>>
      tpu.wait_dma2 semaphore(%run_scoped3A_192 : memref<!tpu.dma_semaphore, #tpu.memory_space<semaphore_mem>>) src(%dma_wait3A_204 : memref<128x64xf32, #tpu.memory_space<hbm>>) dst(%arg8 : memref<128x64xf32, #tpu.memory_space<vmem>>)
      tpu.yield
    }) : () -> ()
    %add3A_32 = arith.constant 512 : i32
    %add3A_33 = arith.addi %mul3A_0, %add3A_32 : i32
    "tpu.region"() ({
      %run_scoped3A_192 = tpu.sem_alloc : memref<!tpu.dma_semaphore, #tpu.memory_space<semaphore_mem>>
      %dma_start3A_193 = arith.constant 0 : i32
      %dma_start3A_194 = tpu.memref_slice %arg11[%add3A_33, %dma_start3A_193] : memref<10240x64xf32, #tpu.memory_space<vmem_shared>> -> memref<128x64xf32, #tpu.memory_space<vmem_shared>>
      %dma_start3A_195 = arith.constant 0 : i32
      %dma_start3A_196 = tpu.memref_slice %arg11[%add3A_33, %dma_start3A_195] : memref<10240x64xf32, #tpu.memory_space<vmem_shared>> -> memref<128x64xf32, #tpu.memory_space<vmem_shared>>
      tpu.enqueue_dma source(%arg8 : memref<128x64xf32, #tpu.memory_space<vmem>>) target(%dma_start3A_196 : memref<128x64xf32, #tpu.memory_space<vmem_shared>>) target_semaphore(%run_scoped3A_192 : memref<!tpu.dma_semaphore, #tpu.memory_space<semaphore_mem>>)
      %dma_wait3A_197 = arith.constant 0 : i32
      %dma_wait3A_198 = tpu.memref_slice %arg11[%add3A_33, %dma_wait3A_197] : memref<10240x64xf32, #tpu.memory_space<vmem_shared>> -> memref<128x64xf32, #tpu.memory_space<vmem_shared>>
      %dma_wait3A_199 = arith.constant 0 : i32
      %dma_wait3A_200 = tpu.memref_slice %arg11[%add3A_33, %dma_wait3A_199] : memref<10240x64xf32, #tpu.memory_space<vmem_shared>> -> memref<128x64xf32, #tpu.memory_space<vmem_shared>>
      tpu.wait_dma2 semaphore(%run_scoped3A_192 : memref<!tpu.dma_semaphore, #tpu.memory_space<semaphore_mem>>) src(%arg8 : memref<128x64xf32, #tpu.memory_space<vmem>>) dst(%dma_wait3A_200 : memref<128x64xf32, #tpu.memory_space<vmem_shared>>)
      tpu.yield
    }) : () -> ()
    %add3A_34 = arith.constant 512 : i32
    %add3A_35 = arith.addi %mul3A_0, %add3A_34 : i32
    "tpu.region"() ({
      %run_scoped3A_192 = tpu.sem_alloc : memref<!tpu.dma_semaphore, #tpu.memory_space<semaphore_mem>>
      %dma_start3A_193 = arith.constant 0 : i32
      %dma_start3A_194 = tpu.memref_slice %arg12[%add3A_35, %dma_start3A_193] : memref<10240x64xf32, #tpu.memory_space<vmem_shared>> -> memref<128x64xf32, #tpu.memory_space<vmem_shared>>
      %dma_start3A_195 = arith.constant 0 : i32
      %dma_start3A_196 = tpu.memref_slice %arg12[%add3A_35, %dma_start3A_195] : memref<10240x64xf32, #tpu.memory_space<vmem_shared>> -> memref<128x64xf32, #tpu.memory_space<vmem_shared>>
      tpu.enqueue_dma source(%arg9 : memref<128x64xf32, #tpu.memory_space<vmem>>) target(%dma_start3A_196 : memref<128x64xf32, #tpu.memory_space<vmem_shared>>) target_semaphore(%run_scoped3A_192 : memref<!tpu.dma_semaphore, #tpu.memory_space<semaphore_mem>>)
      %dma_wait3A_197 = arith.constant 0 : i32
      %dma_wait3A_198 = tpu.memref_slice %arg12[%add3A_35, %dma_wait3A_197] : memref<10240x64xf32, #tpu.memory_space<vmem_shared>> -> memref<128x64xf32, #tpu.memory_space<vmem_shared>>
      %dma_wait3A_199 = arith.constant 0 : i32
      %dma_wait3A_200 = tpu.memref_slice %arg12[%add3A_35, %dma_wait3A_199] : memref<10240x64xf32, #tpu.memory_space<vmem_shared>> -> memref<128x64xf32, #tpu.memory_space<vmem_shared>>
      tpu.wait_dma2 semaphore(%run_scoped3A_192 : memref<!tpu.dma_semaphore, #tpu.memory_space<semaphore_mem>>) src(%arg9 : memref<128x64xf32, #tpu.memory_space<vmem>>) dst(%dma_wait3A_200 : memref<128x64xf32, #tpu.memory_space<vmem_shared>>)
      tpu.yield
    }) : () -> ()
    %barrier3A = arith.constant 0 : index
    tpu.barrier barrier_id(%barrier3A)
    %mul3A_36 = arith.constant 2 : i32
    %mul3A_37 = arith.muli %arg1, %mul3A_36 : i32
    %add3A_38 = arith.constant 0 : i32
    %add3A_39 = arith.addi %mul3A_37, %add3A_38 : i32
    %mul3A_40 = arith.constant 80 : i32
    %mul3A_41 = arith.muli %add3A_39, %mul3A_40 : i32
    "tpu.region"() ({
      %run_scoped3A_192 = tpu.sem_alloc : memref<!tpu.dma_semaphore, #tpu.memory_space<semaphore_mem>>
      %dma_start3A_193 = arith.constant 0 : i32
      %dma_start3A_194 = tpu.memref_slice %arg3[%mul3A_41, %dma_start3A_193] : memref<2560x128xi32, #tpu.memory_space<hbm>> -> memref<80x128xi32, #tpu.memory_space<hbm>>
      %dma_start3A_195 = arith.constant 0 : i32
      %dma_start3A_196 = tpu.memref_slice %arg3[%mul3A_41, %dma_start3A_195] : memref<2560x128xi32, #tpu.memory_space<hbm>> -> memref<80x128xi32, #tpu.memory_space<hbm>>
      tpu.enqueue_dma source(%dma_start3A_196 : memref<80x128xi32, #tpu.memory_space<hbm>>) target(%arg6 : memref<80x128xi32, #tpu.memory_space<vmem>>) target_semaphore(%run_scoped3A_192 : memref<!tpu.dma_semaphore, #tpu.memory_space<semaphore_mem>>)
      %dma_wait3A_197 = arith.constant 0 : i32
      %dma_wait3A_198 = tpu.memref_slice %arg3[%mul3A_41, %dma_wait3A_197] : memref<2560x128xi32, #tpu.memory_space<hbm>> -> memref<80x128xi32, #tpu.memory_space<hbm>>
      %dma_wait3A_199 = arith.constant 0 : i32
      %dma_wait3A_200 = tpu.memref_slice %arg3[%mul3A_41, %dma_wait3A_199] : memref<2560x128xi32, #tpu.memory_space<hbm>> -> memref<80x128xi32, #tpu.memory_space<hbm>>
      tpu.wait_dma2 semaphore(%run_scoped3A_192 : memref<!tpu.dma_semaphore, #tpu.memory_space<semaphore_mem>>) src(%dma_wait3A_200 : memref<80x128xi32, #tpu.memory_space<hbm>>) dst(%arg6 : memref<80x128xi32, #tpu.memory_space<vmem>>)
      tpu.yield
    }) : () -> ()
    %mul3A_42 = arith.constant 2 : i32
    %mul3A_43 = arith.muli %arg1, %mul3A_42 : i32
    %add3A_44 = arith.constant 0 : i32
    %add3A_45 = arith.addi %mul3A_43, %add3A_44 : i32
    %mul3A_46 = arith.constant 80 : i32
    %mul3A_47 = arith.muli %add3A_45, %mul3A_46 : i32
    "tpu.region"() ({
      %run_scoped3A_192 = tpu.sem_alloc : memref<!tpu.dma_semaphore, #tpu.memory_space<semaphore_mem>>
      %dma_start3A_193 = arith.constant 0 : i32
      %dma_start3A_194 = tpu.memref_slice %arg4[%mul3A_47, %dma_start3A_193] : memref<2560x128xi32, #tpu.memory_space<hbm>> -> memref<80x128xi32, #tpu.memory_space<hbm>>
      %dma_start3A_195 = arith.constant 0 : i32
      %dma_start3A_196 = tpu.memref_slice %arg4[%mul3A_47, %dma_start3A_195] : memref<2560x128xi32, #tpu.memory_space<hbm>> -> memref<80x128xi32, #tpu.memory_space<hbm>>
      tpu.enqueue_dma source(%dma_start3A_196 : memref<80x128xi32, #tpu.memory_space<hbm>>) target(%arg7 : memref<80x128xi32, #tpu.memory_space<vmem>>) target_semaphore(%run_scoped3A_192 : memref<!tpu.dma_semaphore, #tpu.memory_space<semaphore_mem>>)
      %dma_wait3A_197 = arith.constant 0 : i32
      %dma_wait3A_198 = tpu.memref_slice %arg4[%mul3A_47, %dma_wait3A_197] : memref<2560x128xi32, #tpu.memory_space<hbm>> -> memref<80x128xi32, #tpu.memory_space<hbm>>
      %dma_wait3A_199 = arith.constant 0 : i32
      %dma_wait3A_200 = tpu.memref_slice %arg4[%mul3A_47, %dma_wait3A_199] : memref<2560x128xi32, #tpu.memory_space<hbm>> -> memref<80x128xi32, #tpu.memory_space<hbm>>
      tpu.wait_dma2 semaphore(%run_scoped3A_192 : memref<!tpu.dma_semaphore, #tpu.memory_space<semaphore_mem>>) src(%dma_wait3A_200 : memref<80x128xi32, #tpu.memory_space<hbm>>) dst(%arg7 : memref<80x128xi32, #tpu.memory_space<vmem>>)
      tpu.yield
    }) : () -> ()
    %dma_start3A = arith.constant 0 : i32
    %dma_start3A_48 = arith.constant 0 : i32
    %dma_start3A_49 = tpu.memref_slice %arg6[%dma_start3A, %dma_start3A_48] : memref<80x128xi32, #tpu.memory_space<vmem>> -> memref<1x128xi32, #tpu.memory_space<vmem>>
    %dma_start3A_50 = tpu.memref_squeeze %dma_start3A_49 : memref<1x128xi32, #tpu.memory_space<vmem>> -> memref<128xi32, #tpu.memory_space<vmem>>
    %dma_start3A_51 = arith.constant 0 : i32
    %dma_start3A_52 = arith.constant 0 : i32
    %dma_start3A_53 = tpu.memref_slice %arg11[%dma_start3A_51, %dma_start3A_52] : memref<10240x64xf32, #tpu.memory_space<vmem_shared>> -> memref<10240x64xf32, #tpu.memory_space<vmem_shared>>
    tpu.enqueue_indirect_dma source(%dma_start3A_53 : memref<10240x64xf32, #tpu.memory_space<vmem_shared>>) target(%arg8 : memref<128x64xf32, #tpu.memory_space<vmem>>) offsets(%dma_start3A_50 : memref<128xi32, #tpu.memory_space<vmem>>) semaphore(%arg13 : memref<!tpu.dma_semaphore, #tpu.memory_space<semaphore_mem>>)
    %dma_start3A_54 = arith.constant 1 : i32
    %dma_start3A_55 = arith.constant 0 : i32
    %dma_start3A_56 = tpu.memref_slice %arg6[%dma_start3A_54, %dma_start3A_55] : memref<80x128xi32, #tpu.memory_space<vmem>> -> memref<1x128xi32, #tpu.memory_space<vmem>>
    %dma_start3A_57 = tpu.memref_squeeze %dma_start3A_56 : memref<1x128xi32, #tpu.memory_space<vmem>> -> memref<128xi32, #tpu.memory_space<vmem>>
    %dma_start3A_58 = arith.constant 0 : i32
    %dma_start3A_59 = arith.constant 0 : i32
    %dma_start3A_60 = tpu.memref_slice %arg11[%dma_start3A_58, %dma_start3A_59] : memref<10240x64xf32, #tpu.memory_space<vmem_shared>> -> memref<10240x64xf32, #tpu.memory_space<vmem_shared>>
    tpu.enqueue_indirect_dma source(%dma_start3A_60 : memref<10240x64xf32, #tpu.memory_space<vmem_shared>>) target(%arg9 : memref<128x64xf32, #tpu.memory_space<vmem>>) offsets(%dma_start3A_57 : memref<128xi32, #tpu.memory_space<vmem>>) semaphore(%arg14 : memref<!tpu.dma_semaphore, #tpu.memory_space<semaphore_mem>>)
    %dma_start3A_61 = arith.constant 2 : i32
    %dma_start3A_62 = arith.constant 0 : i32
    %dma_start3A_63 = tpu.memref_slice %arg6[%dma_start3A_61, %dma_start3A_62] : memref<80x128xi32, #tpu.memory_space<vmem>> -> memref<1x128xi32, #tpu.memory_space<vmem>>
    %dma_start3A_64 = tpu.memref_squeeze %dma_start3A_63 : memref<1x128xi32, #tpu.memory_space<vmem>> -> memref<128xi32, #tpu.memory_space<vmem>>
    %dma_start3A_65 = arith.constant 0 : i32
    %dma_start3A_66 = arith.constant 0 : i32
    %dma_start3A_67 = tpu.memref_slice %arg11[%dma_start3A_65, %dma_start3A_66] : memref<10240x64xf32, #tpu.memory_space<vmem_shared>> -> memref<10240x64xf32, #tpu.memory_space<vmem_shared>>
    tpu.enqueue_indirect_dma source(%dma_start3A_67 : memref<10240x64xf32, #tpu.memory_space<vmem_shared>>) target(%arg10 : memref<128x64xf32, #tpu.memory_space<vmem>>) offsets(%dma_start3A_64 : memref<128xi32, #tpu.memory_space<vmem>>) semaphore(%arg15 : memref<!tpu.dma_semaphore, #tpu.memory_space<semaphore_mem>>)
    %scan3A_68 = arith.constant 0 : i32
    %scan3A_69 = arith.constant 0 : i32
    %scan3A_70 = arith.constant 26 : i32
    %scan3A_71 = arith.addi %scan3A_69, %scan3A_70 : i32
    %scan3A_72 = arith.constant 1 : i32
    scf.for %scan3A_192 = %scan3A_69 to %scan3A_71 step %scan3A_72  : i32 {
      %mul3A_193 = arith.constant 3 : i32
      %mul3A_194 = arith.muli %scan3A_192, %mul3A_193 : i32
      %add3A_195 = arith.constant 0 : i32
      %add3A_196 = arith.addi %mul3A_194, %add3A_195 : i32
      %dma_wait3A_197 = arith.constant 0 : i32
      %dma_wait3A_198 = tpu.memref_slice %arg6[%add3A_196, %dma_wait3A_197] : memref<80x128xi32, #tpu.memory_space<vmem>> -> memref<1x128xi32, #tpu.memory_space<vmem>>
      %dma_wait3A_199 = tpu.memref_squeeze %dma_wait3A_198 : memref<1x128xi32, #tpu.memory_space<vmem>> -> memref<128xi32, #tpu.memory_space<vmem>>
      %dma_wait3A_200 = arith.constant 0 : i32
      %dma_wait3A_201 = arith.constant 0 : i32
      %dma_wait3A_202 = tpu.memref_slice %arg11[%dma_wait3A_200, %dma_wait3A_201] : memref<10240x64xf32, #tpu.memory_space<vmem_shared>> -> memref<10240x64xf32, #tpu.memory_space<vmem_shared>>
      tpu.wait_indirect_dma semaphore(%arg13 : memref<!tpu.dma_semaphore, #tpu.memory_space<semaphore_mem>>) src(%dma_wait3A_202 : memref<10240x64xf32, #tpu.memory_space<vmem_shared>>) dst(%arg8 : memref<128x64xf32, #tpu.memory_space<vmem>>)
      "tpu.region"() ({
        %run_scoped3A_235 = tpu.sem_alloc : memref<!tpu.dma_semaphore, #tpu.memory_space<semaphore_mem>>
        %dma_start3A_236 = arith.constant 0 : i32
        %dma_start3A_237 = tpu.memref_slice %arg7[%add3A_196, %dma_start3A_236] : memref<80x128xi32, #tpu.memory_space<vmem>> -> memref<1x128xi32, #tpu.memory_space<vmem>>
        %dma_start3A_238 = tpu.memref_squeeze %dma_start3A_237 : memref<1x128xi32, #tpu.memory_space<vmem>> -> memref<128xi32, #tpu.memory_space<vmem>>
        %dma_start3A_239 = arith.constant 0 : i32
        %dma_start3A_240 = arith.constant 0 : i32
        %dma_start3A_241 = tpu.memref_slice %arg12[%dma_start3A_239, %dma_start3A_240] : memref<10240x64xf32, #tpu.memory_space<vmem_shared>> -> memref<10240x64xf32, #tpu.memory_space<vmem_shared>>
        tpu.enqueue_indirect_dma source(%arg8 : memref<128x64xf32, #tpu.memory_space<vmem>>) target(%dma_start3A_241 : memref<10240x64xf32, #tpu.memory_space<vmem_shared>>) offsets(%dma_start3A_238 : memref<128xi32, #tpu.memory_space<vmem>>) semaphore(%run_scoped3A_235 : memref<!tpu.dma_semaphore, #tpu.memory_space<semaphore_mem>>) {add = true}
        %dma_wait3A_242 = arith.constant 0 : i32
        %dma_wait3A_243 = tpu.memref_slice %arg7[%add3A_196, %dma_wait3A_242] : memref<80x128xi32, #tpu.memory_space<vmem>> -> memref<1x128xi32, #tpu.memory_space<vmem>>
        %dma_wait3A_244 = tpu.memref_squeeze %dma_wait3A_243 : memref<1x128xi32, #tpu.memory_space<vmem>> -> memref<128xi32, #tpu.memory_space<vmem>>
        %dma_wait3A_245 = arith.constant 0 : i32
        %dma_wait3A_246 = arith.constant 0 : i32
        %dma_wait3A_247 = tpu.memref_slice %arg12[%dma_wait3A_245, %dma_wait3A_246] : memref<10240x64xf32, #tpu.memory_space<vmem_shared>> -> memref<10240x64xf32, #tpu.memory_space<vmem_shared>>
        tpu.wait_indirect_dma semaphore(%run_scoped3A_235 : memref<!tpu.dma_semaphore, #tpu.memory_space<semaphore_mem>>) src(%arg8 : memref<128x64xf32, #tpu.memory_space<vmem>>) dst(%dma_wait3A_247 : memref<10240x64xf32, #tpu.memory_space<vmem_shared>>)
        tpu.yield
      }) : () -> ()
      %lt3A = arith.constant 25 : i32
      %lt3A_203 = arith.cmpi slt, %scan3A_192, %lt3A : i32
      %convert_element_type3A = arith.extui %lt3A_203 : i1 to i32
      %cond3A = arith.constant 0 : i32
      %cond3A_204 = arith.cmpi ne, %convert_element_type3A, %cond3A : i32
      scf.if %cond3A_204 {
        %add3A_235 = arith.constant 3 : i32
        %add3A_236 = arith.addi %add3A_196, %add3A_235 : i32
        %dma_start3A_237 = arith.constant 0 : i32
        %dma_start3A_238 = tpu.memref_slice %arg6[%add3A_236, %dma_start3A_237] : memref<80x128xi32, #tpu.memory_space<vmem>> -> memref<1x128xi32, #tpu.memory_space<vmem>>
        %dma_start3A_239 = tpu.memref_squeeze %dma_start3A_238 : memref<1x128xi32, #tpu.memory_space<vmem>> -> memref<128xi32, #tpu.memory_space<vmem>>
        %dma_start3A_240 = arith.constant 0 : i32
        %dma_start3A_241 = arith.constant 0 : i32
        %dma_start3A_242 = tpu.memref_slice %arg11[%dma_start3A_240, %dma_start3A_241] : memref<10240x64xf32, #tpu.memory_space<vmem_shared>> -> memref<10240x64xf32, #tpu.memory_space<vmem_shared>>
        tpu.enqueue_indirect_dma source(%dma_start3A_242 : memref<10240x64xf32, #tpu.memory_space<vmem_shared>>) target(%arg8 : memref<128x64xf32, #tpu.memory_space<vmem>>) offsets(%dma_start3A_239 : memref<128xi32, #tpu.memory_space<vmem>>) semaphore(%arg13 : memref<!tpu.dma_semaphore, #tpu.memory_space<semaphore_mem>>)
      } else {
      }
      %mul3A_205 = arith.constant 3 : i32
      %mul3A_206 = arith.muli %scan3A_192, %mul3A_205 : i32
      %add3A_207 = arith.constant 1 : i32
      %add3A_208 = arith.addi %mul3A_206, %add3A_207 : i32
      %dma_wait3A_209 = arith.constant 0 : i32
      %dma_wait3A_210 = tpu.memref_slice %arg6[%add3A_208, %dma_wait3A_209] : memref<80x128xi32, #tpu.memory_space<vmem>> -> memref<1x128xi32, #tpu.memory_space<vmem>>
      %dma_wait3A_211 = tpu.memref_squeeze %dma_wait3A_210 : memref<1x128xi32, #tpu.memory_space<vmem>> -> memref<128xi32, #tpu.memory_space<vmem>>
      %dma_wait3A_212 = arith.constant 0 : i32
      %dma_wait3A_213 = arith.constant 0 : i32
      %dma_wait3A_214 = tpu.memref_slice %arg11[%dma_wait3A_212, %dma_wait3A_213] : memref<10240x64xf32, #tpu.memory_space<vmem_shared>> -> memref<10240x64xf32, #tpu.memory_space<vmem_shared>>
      tpu.wait_indirect_dma semaphore(%arg14 : memref<!tpu.dma_semaphore, #tpu.memory_space<semaphore_mem>>) src(%dma_wait3A_214 : memref<10240x64xf32, #tpu.memory_space<vmem_shared>>) dst(%arg9 : memref<128x64xf32, #tpu.memory_space<vmem>>)
      "tpu.region"() ({
        %run_scoped3A_235 = tpu.sem_alloc : memref<!tpu.dma_semaphore, #tpu.memory_space<semaphore_mem>>
        %dma_start3A_236 = arith.constant 0 : i32
        %dma_start3A_237 = tpu.memref_slice %arg7[%add3A_208, %dma_start3A_236] : memref<80x128xi32, #tpu.memory_space<vmem>> -> memref<1x128xi32, #tpu.memory_space<vmem>>
        %dma_start3A_238 = tpu.memref_squeeze %dma_start3A_237 : memref<1x128xi32, #tpu.memory_space<vmem>> -> memref<128xi32, #tpu.memory_space<vmem>>
        %dma_start3A_239 = arith.constant 0 : i32
        %dma_start3A_240 = arith.constant 0 : i32
        %dma_start3A_241 = tpu.memref_slice %arg12[%dma_start3A_239, %dma_start3A_240] : memref<10240x64xf32, #tpu.memory_space<vmem_shared>> -> memref<10240x64xf32, #tpu.memory_space<vmem_shared>>
        tpu.enqueue_indirect_dma source(%arg9 : memref<128x64xf32, #tpu.memory_space<vmem>>) target(%dma_start3A_241 : memref<10240x64xf32, #tpu.memory_space<vmem_shared>>) offsets(%dma_start3A_238 : memref<128xi32, #tpu.memory_space<vmem>>) semaphore(%run_scoped3A_235 : memref<!tpu.dma_semaphore, #tpu.memory_space<semaphore_mem>>) {add = true}
        %dma_wait3A_242 = arith.constant 0 : i32
        %dma_wait3A_243 = tpu.memref_slice %arg7[%add3A_208, %dma_wait3A_242] : memref<80x128xi32, #tpu.memory_space<vmem>> -> memref<1x128xi32, #tpu.memory_space<vmem>>
        %dma_wait3A_244 = tpu.memref_squeeze %dma_wait3A_243 : memref<1x128xi32, #tpu.memory_space<vmem>> -> memref<128xi32, #tpu.memory_space<vmem>>
        %dma_wait3A_245 = arith.constant 0 : i32
        %dma_wait3A_246 = arith.constant 0 : i32
        %dma_wait3A_247 = tpu.memref_slice %arg12[%dma_wait3A_245, %dma_wait3A_246] : memref<10240x64xf32, #tpu.memory_space<vmem_shared>> -> memref<10240x64xf32, #tpu.memory_space<vmem_shared>>
        tpu.wait_indirect_dma semaphore(%run_scoped3A_235 : memref<!tpu.dma_semaphore, #tpu.memory_space<semaphore_mem>>) src(%arg9 : memref<128x64xf32, #tpu.memory_space<vmem>>) dst(%dma_wait3A_247 : memref<10240x64xf32, #tpu.memory_space<vmem_shared>>)
        tpu.yield
      }) : () -> ()
      %lt3A_215 = arith.constant 25 : i32
      %lt3A_216 = arith.cmpi slt, %scan3A_192, %lt3A_215 : i32
      %convert_element_type3A_217 = arith.extui %lt3A_216 : i1 to i32
      %cond3A_218 = arith.constant 0 : i32
      %cond3A_219 = arith.cmpi ne, %convert_element_type3A_217, %cond3A_218 : i32
      scf.if %cond3A_219 {
        %add3A_235 = arith.constant 3 : i32
        %add3A_236 = arith.addi %add3A_208, %add3A_235 : i32
        %dma_start3A_237 = arith.constant 0 : i32
        %dma_start3A_238 = tpu.memref_slice %arg6[%add3A_236, %dma_start3A_237] : memref<80x128xi32, #tpu.memory_space<vmem>> -> memref<1x128xi32, #tpu.memory_space<vmem>>
        %dma_start3A_239 = tpu.memref_squeeze %dma_start3A_238 : memref<1x128xi32, #tpu.memory_space<vmem>> -> memref<128xi32, #tpu.memory_space<vmem>>
        %dma_start3A_240 = arith.constant 0 : i32
        %dma_start3A_241 = arith.constant 0 : i32
        %dma_start3A_242 = tpu.memref_slice %arg11[%dma_start3A_240, %dma_start3A_241] : memref<10240x64xf32, #tpu.memory_space<vmem_shared>> -> memref<10240x64xf32, #tpu.memory_space<vmem_shared>>
        tpu.enqueue_indirect_dma source(%dma_start3A_242 : memref<10240x64xf32, #tpu.memory_space<vmem_shared>>) target(%arg9 : memref<128x64xf32, #tpu.memory_space<vmem>>) offsets(%dma_start3A_239 : memref<128xi32, #tpu.memory_space<vmem>>) semaphore(%arg14 : memref<!tpu.dma_semaphore, #tpu.memory_space<semaphore_mem>>)
      } else {
      }
      %mul3A_220 = arith.constant 3 : i32
      %mul3A_221 = arith.muli %scan3A_192, %mul3A_220 : i32
      %add3A_222 = arith.constant 2 : i32
      %add3A_223 = arith.addi %mul3A_221, %add3A_222 : i32
      %dma_wait3A_224 = arith.constant 0 : i32
      %dma_wait3A_225 = tpu.memref_slice %arg6[%add3A_223, %dma_wait3A_224] : memref<80x128xi32, #tpu.memory_space<vmem>> -> memref<1x128xi32, #tpu.memory_space<vmem>>
      %dma_wait3A_226 = tpu.memref_squeeze %dma_wait3A_225 : memref<1x128xi32, #tpu.memory_space<vmem>> -> memref<128xi32, #tpu.memory_space<vmem>>
      %dma_wait3A_227 = arith.constant 0 : i32
      %dma_wait3A_228 = arith.constant 0 : i32
      %dma_wait3A_229 = tpu.memref_slice %arg11[%dma_wait3A_227, %dma_wait3A_228] : memref<10240x64xf32, #tpu.memory_space<vmem_shared>> -> memref<10240x64xf32, #tpu.memory_space<vmem_shared>>
      tpu.wait_indirect_dma semaphore(%arg15 : memref<!tpu.dma_semaphore, #tpu.memory_space<semaphore_mem>>) src(%dma_wait3A_229 : memref<10240x64xf32, #tpu.memory_space<vmem_shared>>) dst(%arg10 : memref<128x64xf32, #tpu.memory_space<vmem>>)
      "tpu.region"() ({
        %run_scoped3A_235 = tpu.sem_alloc : memref<!tpu.dma_semaphore, #tpu.memory_space<semaphore_mem>>
        %dma_start3A_236 = arith.constant 0 : i32
        %dma_start3A_237 = tpu.memref_slice %arg7[%add3A_223, %dma_start3A_236] : memref<80x128xi32, #tpu.memory_space<vmem>> -> memref<1x128xi32, #tpu.memory_space<vmem>>
        %dma_start3A_238 = tpu.memref_squeeze %dma_start3A_237 : memref<1x128xi32, #tpu.memory_space<vmem>> -> memref<128xi32, #tpu.memory_space<vmem>>
        %dma_start3A_239 = arith.constant 0 : i32
        %dma_start3A_240 = arith.constant 0 : i32
        %dma_start3A_241 = tpu.memref_slice %arg12[%dma_start3A_239, %dma_start3A_240] : memref<10240x64xf32, #tpu.memory_space<vmem_shared>> -> memref<10240x64xf32, #tpu.memory_space<vmem_shared>>
        tpu.enqueue_indirect_dma source(%arg10 : memref<128x64xf32, #tpu.memory_space<vmem>>) target(%dma_start3A_241 : memref<10240x64xf32, #tpu.memory_space<vmem_shared>>) offsets(%dma_start3A_238 : memref<128xi32, #tpu.memory_space<vmem>>) semaphore(%run_scoped3A_235 : memref<!tpu.dma_semaphore, #tpu.memory_space<semaphore_mem>>) {add = true}
        %dma_wait3A_242 = arith.constant 0 : i32
        %dma_wait3A_243 = tpu.memref_slice %arg7[%add3A_223, %dma_wait3A_242] : memref<80x128xi32, #tpu.memory_space<vmem>> -> memref<1x128xi32, #tpu.memory_space<vmem>>
        %dma_wait3A_244 = tpu.memref_squeeze %dma_wait3A_243 : memref<1x128xi32, #tpu.memory_space<vmem>> -> memref<128xi32, #tpu.memory_space<vmem>>
        %dma_wait3A_245 = arith.constant 0 : i32
        %dma_wait3A_246 = arith.constant 0 : i32
        %dma_wait3A_247 = tpu.memref_slice %arg12[%dma_wait3A_245, %dma_wait3A_246] : memref<10240x64xf32, #tpu.memory_space<vmem_shared>> -> memref<10240x64xf32, #tpu.memory_space<vmem_shared>>
        tpu.wait_indirect_dma semaphore(%run_scoped3A_235 : memref<!tpu.dma_semaphore, #tpu.memory_space<semaphore_mem>>) src(%arg10 : memref<128x64xf32, #tpu.memory_space<vmem>>) dst(%dma_wait3A_247 : memref<10240x64xf32, #tpu.memory_space<vmem_shared>>)
        tpu.yield
      }) : () -> ()
      %lt3A_230 = arith.constant 25 : i32
      %lt3A_231 = arith.cmpi slt, %scan3A_192, %lt3A_230 : i32
      %convert_element_type3A_232 = arith.extui %lt3A_231 : i1 to i32
      %cond3A_233 = arith.constant 0 : i32
      %cond3A_234 = arith.cmpi ne, %convert_element_type3A_232, %cond3A_233 : i32
      scf.if %cond3A_234 {
        %add3A_235 = arith.constant 3 : i32
        %add3A_236 = arith.addi %add3A_223, %add3A_235 : i32
        %dma_start3A_237 = arith.constant 0 : i32
        %dma_start3A_238 = tpu.memref_slice %arg6[%add3A_236, %dma_start3A_237] : memref<80x128xi32, #tpu.memory_space<vmem>> -> memref<1x128xi32, #tpu.memory_space<vmem>>
        %dma_start3A_239 = tpu.memref_squeeze %dma_start3A_238 : memref<1x128xi32, #tpu.memory_space<vmem>> -> memref<128xi32, #tpu.memory_space<vmem>>
        %dma_start3A_240 = arith.constant 0 : i32
        %dma_start3A_241 = arith.constant 0 : i32
        %dma_start3A_242 = tpu.memref_slice %arg11[%dma_start3A_240, %dma_start3A_241] : memref<10240x64xf32, #tpu.memory_space<vmem_shared>> -> memref<10240x64xf32, #tpu.memory_space<vmem_shared>>
        tpu.enqueue_indirect_dma source(%dma_start3A_242 : memref<10240x64xf32, #tpu.memory_space<vmem_shared>>) target(%arg10 : memref<128x64xf32, #tpu.memory_space<vmem>>) offsets(%dma_start3A_239 : memref<128xi32, #tpu.memory_space<vmem>>) semaphore(%arg15 : memref<!tpu.dma_semaphore, #tpu.memory_space<semaphore_mem>>)
      } else {
      }
    }
    %scan3A_73 = arith.constant 26 : i32
    %dma_start3A_74 = arith.constant 78 : i32
    %dma_start3A_75 = arith.constant 0 : i32
    %dma_start3A_76 = tpu.memref_slice %arg6[%dma_start3A_74, %dma_start3A_75] : memref<80x128xi32, #tpu.memory_space<vmem>> -> memref<1x128xi32, #tpu.memory_space<vmem>>
    %dma_start3A_77 = tpu.memref_squeeze %dma_start3A_76 : memref<1x128xi32, #tpu.memory_space<vmem>> -> memref<128xi32, #tpu.memory_space<vmem>>
    %dma_start3A_78 = arith.constant 0 : i32
    %dma_start3A_79 = arith.constant 0 : i32
    %dma_start3A_80 = tpu.memref_slice %arg11[%dma_start3A_78, %dma_start3A_79] : memref<10240x64xf32, #tpu.memory_space<vmem_shared>> -> memref<10240x64xf32, #tpu.memory_space<vmem_shared>>
    tpu.enqueue_indirect_dma source(%dma_start3A_80 : memref<10240x64xf32, #tpu.memory_space<vmem_shared>>) target(%arg8 : memref<128x64xf32, #tpu.memory_space<vmem>>) offsets(%dma_start3A_77 : memref<128xi32, #tpu.memory_space<vmem>>) semaphore(%arg13 : memref<!tpu.dma_semaphore, #tpu.memory_space<semaphore_mem>>)
    %dma_wait3A = arith.constant 78 : i32
    %dma_wait3A_81 = arith.constant 0 : i32
    %dma_wait3A_82 = tpu.memref_slice %arg6[%dma_wait3A, %dma_wait3A_81] : memref<80x128xi32, #tpu.memory_space<vmem>> -> memref<1x128xi32, #tpu.memory_space<vmem>>
    %dma_wait3A_83 = tpu.memref_squeeze %dma_wait3A_82 : memref<1x128xi32, #tpu.memory_space<vmem>> -> memref<128xi32, #tpu.memory_space<vmem>>
    %dma_wait3A_84 = arith.constant 0 : i32
    %dma_wait3A_85 = arith.constant 0 : i32
    %dma_wait3A_86 = tpu.memref_slice %arg11[%dma_wait3A_84, %dma_wait3A_85] : memref<10240x64xf32, #tpu.memory_space<vmem_shared>> -> memref<10240x64xf32, #tpu.memory_space<vmem_shared>>
    tpu.wait_indirect_dma semaphore(%arg13 : memref<!tpu.dma_semaphore, #tpu.memory_space<semaphore_mem>>) src(%dma_wait3A_86 : memref<10240x64xf32, #tpu.memory_space<vmem_shared>>) dst(%arg8 : memref<128x64xf32, #tpu.memory_space<vmem>>)
    %run_scoped3A = arith.constant 78 : i32
    "tpu.region"() ({
      %run_scoped3A_192 = tpu.sem_alloc : memref<!tpu.dma_semaphore, #tpu.memory_space<semaphore_mem>>
      %dma_start3A_193 = arith.constant 0 : i32
      %dma_start3A_194 = tpu.memref_slice %arg7[%run_scoped3A, %dma_start3A_193] : memref<80x128xi32, #tpu.memory_space<vmem>> -> memref<1x128xi32, #tpu.memory_space<vmem>>
      %dma_start3A_195 = tpu.memref_squeeze %dma_start3A_194 : memref<1x128xi32, #tpu.memory_space<vmem>> -> memref<128xi32, #tpu.memory_space<vmem>>
      %dma_start3A_196 = arith.constant 0 : i32
      %dma_start3A_197 = arith.constant 0 : i32
      %dma_start3A_198 = tpu.memref_slice %arg12[%dma_start3A_196, %dma_start3A_197] : memref<10240x64xf32, #tpu.memory_space<vmem_shared>> -> memref<10240x64xf32, #tpu.memory_space<vmem_shared>>
      tpu.enqueue_indirect_dma source(%arg8 : memref<128x64xf32, #tpu.memory_space<vmem>>) target(%dma_start3A_198 : memref<10240x64xf32, #tpu.memory_space<vmem_shared>>) offsets(%dma_start3A_195 : memref<128xi32, #tpu.memory_space<vmem>>) semaphore(%run_scoped3A_192 : memref<!tpu.dma_semaphore, #tpu.memory_space<semaphore_mem>>) {add = true}
      %dma_wait3A_199 = arith.constant 0 : i32
      %dma_wait3A_200 = tpu.memref_slice %arg7[%run_scoped3A, %dma_wait3A_199] : memref<80x128xi32, #tpu.memory_space<vmem>> -> memref<1x128xi32, #tpu.memory_space<vmem>>
      %dma_wait3A_201 = tpu.memref_squeeze %dma_wait3A_200 : memref<1x128xi32, #tpu.memory_space<vmem>> -> memref<128xi32, #tpu.memory_space<vmem>>
      %dma_wait3A_202 = arith.constant 0 : i32
      %dma_wait3A_203 = arith.constant 0 : i32
      %dma_wait3A_204 = tpu.memref_slice %arg12[%dma_wait3A_202, %dma_wait3A_203] : memref<10240x64xf32, #tpu.memory_space<vmem_shared>> -> memref<10240x64xf32, #tpu.memory_space<vmem_shared>>
      tpu.wait_indirect_dma semaphore(%run_scoped3A_192 : memref<!tpu.dma_semaphore, #tpu.memory_space<semaphore_mem>>) src(%arg8 : memref<128x64xf32, #tpu.memory_space<vmem>>) dst(%dma_wait3A_204 : memref<10240x64xf32, #tpu.memory_space<vmem_shared>>)
      tpu.yield
    }) : () -> ()
    %dma_start3A_87 = arith.constant 79 : i32
    %dma_start3A_88 = arith.constant 0 : i32
    %dma_start3A_89 = tpu.memref_slice %arg6[%dma_start3A_87, %dma_start3A_88] : memref<80x128xi32, #tpu.memory_space<vmem>> -> memref<1x128xi32, #tpu.memory_space<vmem>>
    %dma_start3A_90 = tpu.memref_squeeze %dma_start3A_89 : memref<1x128xi32, #tpu.memory_space<vmem>> -> memref<128xi32, #tpu.memory_space<vmem>>
    %dma_start3A_91 = arith.constant 0 : i32
    %dma_start3A_92 = arith.constant 0 : i32
    %dma_start3A_93 = tpu.memref_slice %arg11[%dma_start3A_91, %dma_start3A_92] : memref<10240x64xf32, #tpu.memory_space<vmem_shared>> -> memref<10240x64xf32, #tpu.memory_space<vmem_shared>>
    tpu.enqueue_indirect_dma source(%dma_start3A_93 : memref<10240x64xf32, #tpu.memory_space<vmem_shared>>) target(%arg8 : memref<128x64xf32, #tpu.memory_space<vmem>>) offsets(%dma_start3A_90 : memref<128xi32, #tpu.memory_space<vmem>>) semaphore(%arg13 : memref<!tpu.dma_semaphore, #tpu.memory_space<semaphore_mem>>)
    %dma_wait3A_94 = arith.constant 79 : i32
    %dma_wait3A_95 = arith.constant 0 : i32
    %dma_wait3A_96 = tpu.memref_slice %arg6[%dma_wait3A_94, %dma_wait3A_95] : memref<80x128xi32, #tpu.memory_space<vmem>> -> memref<1x128xi32, #tpu.memory_space<vmem>>
    %dma_wait3A_97 = tpu.memref_squeeze %dma_wait3A_96 : memref<1x128xi32, #tpu.memory_space<vmem>> -> memref<128xi32, #tpu.memory_space<vmem>>
    %dma_wait3A_98 = arith.constant 0 : i32
    %dma_wait3A_99 = arith.constant 0 : i32
    %dma_wait3A_100 = tpu.memref_slice %arg11[%dma_wait3A_98, %dma_wait3A_99] : memref<10240x64xf32, #tpu.memory_space<vmem_shared>> -> memref<10240x64xf32, #tpu.memory_space<vmem_shared>>
    tpu.wait_indirect_dma semaphore(%arg13 : memref<!tpu.dma_semaphore, #tpu.memory_space<semaphore_mem>>) src(%dma_wait3A_100 : memref<10240x64xf32, #tpu.memory_space<vmem_shared>>) dst(%arg8 : memref<128x64xf32, #tpu.memory_space<vmem>>)
    %run_scoped3A_101 = arith.constant 79 : i32
    "tpu.region"() ({
      %run_scoped3A_192 = tpu.sem_alloc : memref<!tpu.dma_semaphore, #tpu.memory_space<semaphore_mem>>
      %dma_start3A_193 = arith.constant 0 : i32
      %dma_start3A_194 = tpu.memref_slice %arg7[%run_scoped3A_101, %dma_start3A_193] : memref<80x128xi32, #tpu.memory_space<vmem>> -> memref<1x128xi32, #tpu.memory_space<vmem>>
      %dma_start3A_195 = tpu.memref_squeeze %dma_start3A_194 : memref<1x128xi32, #tpu.memory_space<vmem>> -> memref<128xi32, #tpu.memory_space<vmem>>
      %dma_start3A_196 = arith.constant 0 : i32
      %dma_start3A_197 = arith.constant 0 : i32
      %dma_start3A_198 = tpu.memref_slice %arg12[%dma_start3A_196, %dma_start3A_197] : memref<10240x64xf32, #tpu.memory_space<vmem_shared>> -> memref<10240x64xf32, #tpu.memory_space<vmem_shared>>
      tpu.enqueue_indirect_dma source(%arg8 : memref<128x64xf32, #tpu.memory_space<vmem>>) target(%dma_start3A_198 : memref<10240x64xf32, #tpu.memory_space<vmem_shared>>) offsets(%dma_start3A_195 : memref<128xi32, #tpu.memory_space<vmem>>) semaphore(%run_scoped3A_192 : memref<!tpu.dma_semaphore, #tpu.memory_space<semaphore_mem>>) {add = true}
      %dma_wait3A_199 = arith.constant 0 : i32
      %dma_wait3A_200 = tpu.memref_slice %arg7[%run_scoped3A_101, %dma_wait3A_199] : memref<80x128xi32, #tpu.memory_space<vmem>> -> memref<1x128xi32, #tpu.memory_space<vmem>>
      %dma_wait3A_201 = tpu.memref_squeeze %dma_wait3A_200 : memref<1x128xi32, #tpu.memory_space<vmem>> -> memref<128xi32, #tpu.memory_space<vmem>>
      %dma_wait3A_202 = arith.constant 0 : i32
      %dma_wait3A_203 = arith.constant 0 : i32
      %dma_wait3A_204 = tpu.memref_slice %arg12[%dma_wait3A_202, %dma_wait3A_203] : memref<10240x64xf32, #tpu.memory_space<vmem_shared>> -> memref<10240x64xf32, #tpu.memory_space<vmem_shared>>
      tpu.wait_indirect_dma semaphore(%run_scoped3A_192 : memref<!tpu.dma_semaphore, #tpu.memory_space<semaphore_mem>>) src(%arg8 : memref<128x64xf32, #tpu.memory_space<vmem>>) dst(%dma_wait3A_204 : memref<10240x64xf32, #tpu.memory_space<vmem_shared>>)
      tpu.yield
    }) : () -> ()
    %mul3A_102 = arith.constant 2 : i32
    %mul3A_103 = arith.muli %arg1, %mul3A_102 : i32
    %add3A_104 = arith.constant 1 : i32
    %add3A_105 = arith.addi %mul3A_103, %add3A_104 : i32
    %mul3A_106 = arith.constant 80 : i32
    %mul3A_107 = arith.muli %add3A_105, %mul3A_106 : i32
    "tpu.region"() ({
      %run_scoped3A_192 = tpu.sem_alloc : memref<!tpu.dma_semaphore, #tpu.memory_space<semaphore_mem>>
      %dma_start3A_193 = arith.constant 0 : i32
      %dma_start3A_194 = tpu.memref_slice %arg3[%mul3A_107, %dma_start3A_193] : memref<2560x128xi32, #tpu.memory_space<hbm>> -> memref<80x128xi32, #tpu.memory_space<hbm>>
      %dma_start3A_195 = arith.constant 0 : i32
      %dma_start3A_196 = tpu.memref_slice %arg3[%mul3A_107, %dma_start3A_195] : memref<2560x128xi32, #tpu.memory_space<hbm>> -> memref<80x128xi32, #tpu.memory_space<hbm>>
      tpu.enqueue_dma source(%dma_start3A_196 : memref<80x128xi32, #tpu.memory_space<hbm>>) target(%arg6 : memref<80x128xi32, #tpu.memory_space<vmem>>) target_semaphore(%run_scoped3A_192 : memref<!tpu.dma_semaphore, #tpu.memory_space<semaphore_mem>>)
      %dma_wait3A_197 = arith.constant 0 : i32
      %dma_wait3A_198 = tpu.memref_slice %arg3[%mul3A_107, %dma_wait3A_197] : memref<2560x128xi32, #tpu.memory_space<hbm>> -> memref<80x128xi32, #tpu.memory_space<hbm>>
      %dma_wait3A_199 = arith.constant 0 : i32
      %dma_wait3A_200 = tpu.memref_slice %arg3[%mul3A_107, %dma_wait3A_199] : memref<2560x128xi32, #tpu.memory_space<hbm>> -> memref<80x128xi32, #tpu.memory_space<hbm>>
      tpu.wait_dma2 semaphore(%run_scoped3A_192 : memref<!tpu.dma_semaphore, #tpu.memory_space<semaphore_mem>>) src(%dma_wait3A_200 : memref<80x128xi32, #tpu.memory_space<hbm>>) dst(%arg6 : memref<80x128xi32, #tpu.memory_space<vmem>>)
      tpu.yield
    }) : () -> ()
    %mul3A_108 = arith.constant 2 : i32
    %mul3A_109 = arith.muli %arg1, %mul3A_108 : i32
    %add3A_110 = arith.constant 1 : i32
    %add3A_111 = arith.addi %mul3A_109, %add3A_110 : i32
    %mul3A_112 = arith.constant 80 : i32
    %mul3A_113 = arith.muli %add3A_111, %mul3A_112 : i32
    "tpu.region"() ({
      %run_scoped3A_192 = tpu.sem_alloc : memref<!tpu.dma_semaphore, #tpu.memory_space<semaphore_mem>>
      %dma_start3A_193 = arith.constant 0 : i32
      %dma_start3A_194 = tpu.memref_slice %arg4[%mul3A_113, %dma_start3A_193] : memref<2560x128xi32, #tpu.memory_space<hbm>> -> memref<80x128xi32, #tpu.memory_space<hbm>>
      %dma_start3A_195 = arith.constant 0 : i32
      %dma_start3A_196 = tpu.memref_slice %arg4[%mul3A_113, %dma_start3A_195] : memref<2560x128xi32, #tpu.memory_space<hbm>> -> memref<80x128xi32, #tpu.memory_space<hbm>>
      tpu.enqueue_dma source(%dma_start3A_196 : memref<80x128xi32, #tpu.memory_space<hbm>>) target(%arg7 : memref<80x128xi32, #tpu.memory_space<vmem>>) target_semaphore(%run_scoped3A_192 : memref<!tpu.dma_semaphore, #tpu.memory_space<semaphore_mem>>)
      %dma_wait3A_197 = arith.constant 0 : i32
      %dma_wait3A_198 = tpu.memref_slice %arg4[%mul3A_113, %dma_wait3A_197] : memref<2560x128xi32, #tpu.memory_space<hbm>> -> memref<80x128xi32, #tpu.memory_space<hbm>>
      %dma_wait3A_199 = arith.constant 0 : i32
      %dma_wait3A_200 = tpu.memref_slice %arg4[%mul3A_113, %dma_wait3A_199] : memref<2560x128xi32, #tpu.memory_space<hbm>> -> memref<80x128xi32, #tpu.memory_space<hbm>>
      tpu.wait_dma2 semaphore(%run_scoped3A_192 : memref<!tpu.dma_semaphore, #tpu.memory_space<semaphore_mem>>) src(%dma_wait3A_200 : memref<80x128xi32, #tpu.memory_space<hbm>>) dst(%arg7 : memref<80x128xi32, #tpu.memory_space<vmem>>)
      tpu.yield
    }) : () -> ()
    %dma_start3A_114 = arith.constant 0 : i32
    %dma_start3A_115 = arith.constant 0 : i32
    %dma_start3A_116 = tpu.memref_slice %arg6[%dma_start3A_114, %dma_start3A_115] : memref<80x128xi32, #tpu.memory_space<vmem>> -> memref<1x128xi32, #tpu.memory_space<vmem>>
    %dma_start3A_117 = tpu.memref_squeeze %dma_start3A_116 : memref<1x128xi32, #tpu.memory_space<vmem>> -> memref<128xi32, #tpu.memory_space<vmem>>
    %dma_start3A_118 = arith.constant 0 : i32
    %dma_start3A_119 = arith.constant 0 : i32
    %dma_start3A_120 = tpu.memref_slice %arg11[%dma_start3A_118, %dma_start3A_119] : memref<10240x64xf32, #tpu.memory_space<vmem_shared>> -> memref<10240x64xf32, #tpu.memory_space<vmem_shared>>
    tpu.enqueue_indirect_dma source(%dma_start3A_120 : memref<10240x64xf32, #tpu.memory_space<vmem_shared>>) target(%arg8 : memref<128x64xf32, #tpu.memory_space<vmem>>) offsets(%dma_start3A_117 : memref<128xi32, #tpu.memory_space<vmem>>) semaphore(%arg13 : memref<!tpu.dma_semaphore, #tpu.memory_space<semaphore_mem>>)
    %dma_start3A_121 = arith.constant 1 : i32
    %dma_start3A_122 = arith.constant 0 : i32
    %dma_start3A_123 = tpu.memref_slice %arg6[%dma_start3A_121, %dma_start3A_122] : memref<80x128xi32, #tpu.memory_space<vmem>> -> memref<1x128xi32, #tpu.memory_space<vmem>>
    %dma_start3A_124 = tpu.memref_squeeze %dma_start3A_123 : memref<1x128xi32, #tpu.memory_space<vmem>> -> memref<128xi32, #tpu.memory_space<vmem>>
    %dma_start3A_125 = arith.constant 0 : i32
    %dma_start3A_126 = arith.constant 0 : i32
    %dma_start3A_127 = tpu.memref_slice %arg11[%dma_start3A_125, %dma_start3A_126] : memref<10240x64xf32, #tpu.memory_space<vmem_shared>> -> memref<10240x64xf32, #tpu.memory_space<vmem_shared>>
    tpu.enqueue_indirect_dma source(%dma_start3A_127 : memref<10240x64xf32, #tpu.memory_space<vmem_shared>>) target(%arg9 : memref<128x64xf32, #tpu.memory_space<vmem>>) offsets(%dma_start3A_124 : memref<128xi32, #tpu.memory_space<vmem>>) semaphore(%arg14 : memref<!tpu.dma_semaphore, #tpu.memory_space<semaphore_mem>>)
    %dma_start3A_128 = arith.constant 2 : i32
    %dma_start3A_129 = arith.constant 0 : i32
    %dma_start3A_130 = tpu.memref_slice %arg6[%dma_start3A_128, %dma_start3A_129] : memref<80x128xi32, #tpu.memory_space<vmem>> -> memref<1x128xi32, #tpu.memory_space<vmem>>
    %dma_start3A_131 = tpu.memref_squeeze %dma_start3A_130 : memref<1x128xi32, #tpu.memory_space<vmem>> -> memref<128xi32, #tpu.memory_space<vmem>>
    %dma_start3A_132 = arith.constant 0 : i32
    %dma_start3A_133 = arith.constant 0 : i32
    %dma_start3A_134 = tpu.memref_slice %arg11[%dma_start3A_132, %dma_start3A_133] : memref<10240x64xf32, #tpu.memory_space<vmem_shared>> -> memref<10240x64xf32, #tpu.memory_space<vmem_shared>>
    tpu.enqueue_indirect_dma source(%dma_start3A_134 : memref<10240x64xf32, #tpu.memory_space<vmem_shared>>) target(%arg10 : memref<128x64xf32, #tpu.memory_space<vmem>>) offsets(%dma_start3A_131 : memref<128xi32, #tpu.memory_space<vmem>>) semaphore(%arg15 : memref<!tpu.dma_semaphore, #tpu.memory_space<semaphore_mem>>)
    %scan3A_135 = arith.constant 0 : i32
    %scan3A_136 = arith.constant 0 : i32
    %scan3A_137 = arith.constant 26 : i32
    %scan3A_138 = arith.addi %scan3A_136, %scan3A_137 : i32
    %scan3A_139 = arith.constant 1 : i32
    scf.for %scan3A_192 = %scan3A_136 to %scan3A_138 step %scan3A_139  : i32 {
      %mul3A_193 = arith.constant 3 : i32
      %mul3A_194 = arith.muli %scan3A_192, %mul3A_193 : i32
      %add3A_195 = arith.constant 0 : i32
      %add3A_196 = arith.addi %mul3A_194, %add3A_195 : i32
      %dma_wait3A_197 = arith.constant 0 : i32
      %dma_wait3A_198 = tpu.memref_slice %arg6[%add3A_196, %dma_wait3A_197] : memref<80x128xi32, #tpu.memory_space<vmem>> -> memref<1x128xi32, #tpu.memory_space<vmem>>
      %dma_wait3A_199 = tpu.memref_squeeze %dma_wait3A_198 : memref<1x128xi32, #tpu.memory_space<vmem>> -> memref<128xi32, #tpu.memory_space<vmem>>
      %dma_wait3A_200 = arith.constant 0 : i32
      %dma_wait3A_201 = arith.constant 0 : i32
      %dma_wait3A_202 = tpu.memref_slice %arg11[%dma_wait3A_200, %dma_wait3A_201] : memref<10240x64xf32, #tpu.memory_space<vmem_shared>> -> memref<10240x64xf32, #tpu.memory_space<vmem_shared>>
      tpu.wait_indirect_dma semaphore(%arg13 : memref<!tpu.dma_semaphore, #tpu.memory_space<semaphore_mem>>) src(%dma_wait3A_202 : memref<10240x64xf32, #tpu.memory_space<vmem_shared>>) dst(%arg8 : memref<128x64xf32, #tpu.memory_space<vmem>>)
      "tpu.region"() ({
        %run_scoped3A_235 = tpu.sem_alloc : memref<!tpu.dma_semaphore, #tpu.memory_space<semaphore_mem>>
        %dma_start3A_236 = arith.constant 0 : i32
        %dma_start3A_237 = tpu.memref_slice %arg7[%add3A_196, %dma_start3A_236] : memref<80x128xi32, #tpu.memory_space<vmem>> -> memref<1x128xi32, #tpu.memory_space<vmem>>
        %dma_start3A_238 = tpu.memref_squeeze %dma_start3A_237 : memref<1x128xi32, #tpu.memory_space<vmem>> -> memref<128xi32, #tpu.memory_space<vmem>>
        %dma_start3A_239 = arith.constant 0 : i32
        %dma_start3A_240 = arith.constant 0 : i32
        %dma_start3A_241 = tpu.memref_slice %arg12[%dma_start3A_239, %dma_start3A_240] : memref<10240x64xf32, #tpu.memory_space<vmem_shared>> -> memref<10240x64xf32, #tpu.memory_space<vmem_shared>>
        tpu.enqueue_indirect_dma source(%arg8 : memref<128x64xf32, #tpu.memory_space<vmem>>) target(%dma_start3A_241 : memref<10240x64xf32, #tpu.memory_space<vmem_shared>>) offsets(%dma_start3A_238 : memref<128xi32, #tpu.memory_space<vmem>>) semaphore(%run_scoped3A_235 : memref<!tpu.dma_semaphore, #tpu.memory_space<semaphore_mem>>) {add = true}
        %dma_wait3A_242 = arith.constant 0 : i32
        %dma_wait3A_243 = tpu.memref_slice %arg7[%add3A_196, %dma_wait3A_242] : memref<80x128xi32, #tpu.memory_space<vmem>> -> memref<1x128xi32, #tpu.memory_space<vmem>>
        %dma_wait3A_244 = tpu.memref_squeeze %dma_wait3A_243 : memref<1x128xi32, #tpu.memory_space<vmem>> -> memref<128xi32, #tpu.memory_space<vmem>>
        %dma_wait3A_245 = arith.constant 0 : i32
        %dma_wait3A_246 = arith.constant 0 : i32
        %dma_wait3A_247 = tpu.memref_slice %arg12[%dma_wait3A_245, %dma_wait3A_246] : memref<10240x64xf32, #tpu.memory_space<vmem_shared>> -> memref<10240x64xf32, #tpu.memory_space<vmem_shared>>
        tpu.wait_indirect_dma semaphore(%run_scoped3A_235 : memref<!tpu.dma_semaphore, #tpu.memory_space<semaphore_mem>>) src(%arg8 : memref<128x64xf32, #tpu.memory_space<vmem>>) dst(%dma_wait3A_247 : memref<10240x64xf32, #tpu.memory_space<vmem_shared>>)
        tpu.yield
      }) : () -> ()
      %lt3A = arith.constant 25 : i32
      %lt3A_203 = arith.cmpi slt, %scan3A_192, %lt3A : i32
      %convert_element_type3A = arith.extui %lt3A_203 : i1 to i32
      %cond3A = arith.constant 0 : i32
      %cond3A_204 = arith.cmpi ne, %convert_element_type3A, %cond3A : i32
      scf.if %cond3A_204 {
        %add3A_235 = arith.constant 3 : i32
        %add3A_236 = arith.addi %add3A_196, %add3A_235 : i32
        %dma_start3A_237 = arith.constant 0 : i32
        %dma_start3A_238 = tpu.memref_slice %arg6[%add3A_236, %dma_start3A_237] : memref<80x128xi32, #tpu.memory_space<vmem>> -> memref<1x128xi32, #tpu.memory_space<vmem>>
        %dma_start3A_239 = tpu.memref_squeeze %dma_start3A_238 : memref<1x128xi32, #tpu.memory_space<vmem>> -> memref<128xi32, #tpu.memory_space<vmem>>
        %dma_start3A_240 = arith.constant 0 : i32
        %dma_start3A_241 = arith.constant 0 : i32
        %dma_start3A_242 = tpu.memref_slice %arg11[%dma_start3A_240, %dma_start3A_241] : memref<10240x64xf32, #tpu.memory_space<vmem_shared>> -> memref<10240x64xf32, #tpu.memory_space<vmem_shared>>
        tpu.enqueue_indirect_dma source(%dma_start3A_242 : memref<10240x64xf32, #tpu.memory_space<vmem_shared>>) target(%arg8 : memref<128x64xf32, #tpu.memory_space<vmem>>) offsets(%dma_start3A_239 : memref<128xi32, #tpu.memory_space<vmem>>) semaphore(%arg13 : memref<!tpu.dma_semaphore, #tpu.memory_space<semaphore_mem>>)
      } else {
      }
      %mul3A_205 = arith.constant 3 : i32
      %mul3A_206 = arith.muli %scan3A_192, %mul3A_205 : i32
      %add3A_207 = arith.constant 1 : i32
      %add3A_208 = arith.addi %mul3A_206, %add3A_207 : i32
      %dma_wait3A_209 = arith.constant 0 : i32
      %dma_wait3A_210 = tpu.memref_slice %arg6[%add3A_208, %dma_wait3A_209] : memref<80x128xi32, #tpu.memory_space<vmem>> -> memref<1x128xi32, #tpu.memory_space<vmem>>
      %dma_wait3A_211 = tpu.memref_squeeze %dma_wait3A_210 : memref<1x128xi32, #tpu.memory_space<vmem>> -> memref<128xi32, #tpu.memory_space<vmem>>
      %dma_wait3A_212 = arith.constant 0 : i32
      %dma_wait3A_213 = arith.constant 0 : i32
      %dma_wait3A_214 = tpu.memref_slice %arg11[%dma_wait3A_212, %dma_wait3A_213] : memref<10240x64xf32, #tpu.memory_space<vmem_shared>> -> memref<10240x64xf32, #tpu.memory_space<vmem_shared>>
      tpu.wait_indirect_dma semaphore(%arg14 : memref<!tpu.dma_semaphore, #tpu.memory_space<semaphore_mem>>) src(%dma_wait3A_214 : memref<10240x64xf32, #tpu.memory_space<vmem_shared>>) dst(%arg9 : memref<128x64xf32, #tpu.memory_space<vmem>>)
      "tpu.region"() ({
        %run_scoped3A_235 = tpu.sem_alloc : memref<!tpu.dma_semaphore, #tpu.memory_space<semaphore_mem>>
        %dma_start3A_236 = arith.constant 0 : i32
        %dma_start3A_237 = tpu.memref_slice %arg7[%add3A_208, %dma_start3A_236] : memref<80x128xi32, #tpu.memory_space<vmem>> -> memref<1x128xi32, #tpu.memory_space<vmem>>
        %dma_start3A_238 = tpu.memref_squeeze %dma_start3A_237 : memref<1x128xi32, #tpu.memory_space<vmem>> -> memref<128xi32, #tpu.memory_space<vmem>>
        %dma_start3A_239 = arith.constant 0 : i32
        %dma_start3A_240 = arith.constant 0 : i32
        %dma_start3A_241 = tpu.memref_slice %arg12[%dma_start3A_239, %dma_start3A_240] : memref<10240x64xf32, #tpu.memory_space<vmem_shared>> -> memref<10240x64xf32, #tpu.memory_space<vmem_shared>>
        tpu.enqueue_indirect_dma source(%arg9 : memref<128x64xf32, #tpu.memory_space<vmem>>) target(%dma_start3A_241 : memref<10240x64xf32, #tpu.memory_space<vmem_shared>>) offsets(%dma_start3A_238 : memref<128xi32, #tpu.memory_space<vmem>>) semaphore(%run_scoped3A_235 : memref<!tpu.dma_semaphore, #tpu.memory_space<semaphore_mem>>) {add = true}
        %dma_wait3A_242 = arith.constant 0 : i32
        %dma_wait3A_243 = tpu.memref_slice %arg7[%add3A_208, %dma_wait3A_242] : memref<80x128xi32, #tpu.memory_space<vmem>> -> memref<1x128xi32, #tpu.memory_space<vmem>>
        %dma_wait3A_244 = tpu.memref_squeeze %dma_wait3A_243 : memref<1x128xi32, #tpu.memory_space<vmem>> -> memref<128xi32, #tpu.memory_space<vmem>>
        %dma_wait3A_245 = arith.constant 0 : i32
        %dma_wait3A_246 = arith.constant 0 : i32
        %dma_wait3A_247 = tpu.memref_slice %arg12[%dma_wait3A_245, %dma_wait3A_246] : memref<10240x64xf32, #tpu.memory_space<vmem_shared>> -> memref<10240x64xf32, #tpu.memory_space<vmem_shared>>
        tpu.wait_indirect_dma semaphore(%run_scoped3A_235 : memref<!tpu.dma_semaphore, #tpu.memory_space<semaphore_mem>>) src(%arg9 : memref<128x64xf32, #tpu.memory_space<vmem>>) dst(%dma_wait3A_247 : memref<10240x64xf32, #tpu.memory_space<vmem_shared>>)
        tpu.yield
      }) : () -> ()
      %lt3A_215 = arith.constant 25 : i32
      %lt3A_216 = arith.cmpi slt, %scan3A_192, %lt3A_215 : i32
      %convert_element_type3A_217 = arith.extui %lt3A_216 : i1 to i32
      %cond3A_218 = arith.constant 0 : i32
      %cond3A_219 = arith.cmpi ne, %convert_element_type3A_217, %cond3A_218 : i32
      scf.if %cond3A_219 {
        %add3A_235 = arith.constant 3 : i32
        %add3A_236 = arith.addi %add3A_208, %add3A_235 : i32
        %dma_start3A_237 = arith.constant 0 : i32
        %dma_start3A_238 = tpu.memref_slice %arg6[%add3A_236, %dma_start3A_237] : memref<80x128xi32, #tpu.memory_space<vmem>> -> memref<1x128xi32, #tpu.memory_space<vmem>>
        %dma_start3A_239 = tpu.memref_squeeze %dma_start3A_238 : memref<1x128xi32, #tpu.memory_space<vmem>> -> memref<128xi32, #tpu.memory_space<vmem>>
        %dma_start3A_240 = arith.constant 0 : i32
        %dma_start3A_241 = arith.constant 0 : i32
        %dma_start3A_242 = tpu.memref_slice %arg11[%dma_start3A_240, %dma_start3A_241] : memref<10240x64xf32, #tpu.memory_space<vmem_shared>> -> memref<10240x64xf32, #tpu.memory_space<vmem_shared>>
        tpu.enqueue_indirect_dma source(%dma_start3A_242 : memref<10240x64xf32, #tpu.memory_space<vmem_shared>>) target(%arg9 : memref<128x64xf32, #tpu.memory_space<vmem>>) offsets(%dma_start3A_239 : memref<128xi32, #tpu.memory_space<vmem>>) semaphore(%arg14 : memref<!tpu.dma_semaphore, #tpu.memory_space<semaphore_mem>>)
      } else {
      }
      %mul3A_220 = arith.constant 3 : i32
      %mul3A_221 = arith.muli %scan3A_192, %mul3A_220 : i32
      %add3A_222 = arith.constant 2 : i32
      %add3A_223 = arith.addi %mul3A_221, %add3A_222 : i32
      %dma_wait3A_224 = arith.constant 0 : i32
      %dma_wait3A_225 = tpu.memref_slice %arg6[%add3A_223, %dma_wait3A_224] : memref<80x128xi32, #tpu.memory_space<vmem>> -> memref<1x128xi32, #tpu.memory_space<vmem>>
      %dma_wait3A_226 = tpu.memref_squeeze %dma_wait3A_225 : memref<1x128xi32, #tpu.memory_space<vmem>> -> memref<128xi32, #tpu.memory_space<vmem>>
      %dma_wait3A_227 = arith.constant 0 : i32
      %dma_wait3A_228 = arith.constant 0 : i32
      %dma_wait3A_229 = tpu.memref_slice %arg11[%dma_wait3A_227, %dma_wait3A_228] : memref<10240x64xf32, #tpu.memory_space<vmem_shared>> -> memref<10240x64xf32, #tpu.memory_space<vmem_shared>>
      tpu.wait_indirect_dma semaphore(%arg15 : memref<!tpu.dma_semaphore, #tpu.memory_space<semaphore_mem>>) src(%dma_wait3A_229 : memref<10240x64xf32, #tpu.memory_space<vmem_shared>>) dst(%arg10 : memref<128x64xf32, #tpu.memory_space<vmem>>)
      "tpu.region"() ({
        %run_scoped3A_235 = tpu.sem_alloc : memref<!tpu.dma_semaphore, #tpu.memory_space<semaphore_mem>>
        %dma_start3A_236 = arith.constant 0 : i32
        %dma_start3A_237 = tpu.memref_slice %arg7[%add3A_223, %dma_start3A_236] : memref<80x128xi32, #tpu.memory_space<vmem>> -> memref<1x128xi32, #tpu.memory_space<vmem>>
        %dma_start3A_238 = tpu.memref_squeeze %dma_start3A_237 : memref<1x128xi32, #tpu.memory_space<vmem>> -> memref<128xi32, #tpu.memory_space<vmem>>
        %dma_start3A_239 = arith.constant 0 : i32
        %dma_start3A_240 = arith.constant 0 : i32
        %dma_start3A_241 = tpu.memref_slice %arg12[%dma_start3A_239, %dma_start3A_240] : memref<10240x64xf32, #tpu.memory_space<vmem_shared>> -> memref<10240x64xf32, #tpu.memory_space<vmem_shared>>
        tpu.enqueue_indirect_dma source(%arg10 : memref<128x64xf32, #tpu.memory_space<vmem>>) target(%dma_start3A_241 : memref<10240x64xf32, #tpu.memory_space<vmem_shared>>) offsets(%dma_start3A_238 : memref<128xi32, #tpu.memory_space<vmem>>) semaphore(%run_scoped3A_235 : memref<!tpu.dma_semaphore, #tpu.memory_space<semaphore_mem>>) {add = true}
        %dma_wait3A_242 = arith.constant 0 : i32
        %dma_wait3A_243 = tpu.memref_slice %arg7[%add3A_223, %dma_wait3A_242] : memref<80x128xi32, #tpu.memory_space<vmem>> -> memref<1x128xi32, #tpu.memory_space<vmem>>
        %dma_wait3A_244 = tpu.memref_squeeze %dma_wait3A_243 : memref<1x128xi32, #tpu.memory_space<vmem>> -> memref<128xi32, #tpu.memory_space<vmem>>
        %dma_wait3A_245 = arith.constant 0 : i32
        %dma_wait3A_246 = arith.constant 0 : i32
        %dma_wait3A_247 = tpu.memref_slice %arg12[%dma_wait3A_245, %dma_wait3A_246] : memref<10240x64xf32, #tpu.memory_space<vmem_shared>> -> memref<10240x64xf32, #tpu.memory_space<vmem_shared>>
        tpu.wait_indirect_dma semaphore(%run_scoped3A_235 : memref<!tpu.dma_semaphore, #tpu.memory_space<semaphore_mem>>) src(%arg10 : memref<128x64xf32, #tpu.memory_space<vmem>>) dst(%dma_wait3A_247 : memref<10240x64xf32, #tpu.memory_space<vmem_shared>>)
        tpu.yield
      }) : () -> ()
      %lt3A_230 = arith.constant 25 : i32
      %lt3A_231 = arith.cmpi slt, %scan3A_192, %lt3A_230 : i32
      %convert_element_type3A_232 = arith.extui %lt3A_231 : i1 to i32
      %cond3A_233 = arith.constant 0 : i32
      %cond3A_234 = arith.cmpi ne, %convert_element_type3A_232, %cond3A_233 : i32
      scf.if %cond3A_234 {
        %add3A_235 = arith.constant 3 : i32
        %add3A_236 = arith.addi %add3A_223, %add3A_235 : i32
        %dma_start3A_237 = arith.constant 0 : i32
        %dma_start3A_238 = tpu.memref_slice %arg6[%add3A_236, %dma_start3A_237] : memref<80x128xi32, #tpu.memory_space<vmem>> -> memref<1x128xi32, #tpu.memory_space<vmem>>
        %dma_start3A_239 = tpu.memref_squeeze %dma_start3A_238 : memref<1x128xi32, #tpu.memory_space<vmem>> -> memref<128xi32, #tpu.memory_space<vmem>>
        %dma_start3A_240 = arith.constant 0 : i32
        %dma_start3A_241 = arith.constant 0 : i32
        %dma_start3A_242 = tpu.memref_slice %arg11[%dma_start3A_240, %dma_start3A_241] : memref<10240x64xf32, #tpu.memory_space<vmem_shared>> -> memref<10240x64xf32, #tpu.memory_space<vmem_shared>>
        tpu.enqueue_indirect_dma source(%dma_start3A_242 : memref<10240x64xf32, #tpu.memory_space<vmem_shared>>) target(%arg10 : memref<128x64xf32, #tpu.memory_space<vmem>>) offsets(%dma_start3A_239 : memref<128xi32, #tpu.memory_space<vmem>>) semaphore(%arg15 : memref<!tpu.dma_semaphore, #tpu.memory_space<semaphore_mem>>)
      } else {
      }
    }
    %scan3A_140 = arith.constant 26 : i32
    %dma_start3A_141 = arith.constant 78 : i32
    %dma_start3A_142 = arith.constant 0 : i32
    %dma_start3A_143 = tpu.memref_slice %arg6[%dma_start3A_141, %dma_start3A_142] : memref<80x128xi32, #tpu.memory_space<vmem>> -> memref<1x128xi32, #tpu.memory_space<vmem>>
    %dma_start3A_144 = tpu.memref_squeeze %dma_start3A_143 : memref<1x128xi32, #tpu.memory_space<vmem>> -> memref<128xi32, #tpu.memory_space<vmem>>
    %dma_start3A_145 = arith.constant 0 : i32
    %dma_start3A_146 = arith.constant 0 : i32
    %dma_start3A_147 = tpu.memref_slice %arg11[%dma_start3A_145, %dma_start3A_146] : memref<10240x64xf32, #tpu.memory_space<vmem_shared>> -> memref<10240x64xf32, #tpu.memory_space<vmem_shared>>
    tpu.enqueue_indirect_dma source(%dma_start3A_147 : memref<10240x64xf32, #tpu.memory_space<vmem_shared>>) target(%arg8 : memref<128x64xf32, #tpu.memory_space<vmem>>) offsets(%dma_start3A_144 : memref<128xi32, #tpu.memory_space<vmem>>) semaphore(%arg13 : memref<!tpu.dma_semaphore, #tpu.memory_space<semaphore_mem>>)
    %dma_wait3A_148 = arith.constant 78 : i32
    %dma_wait3A_149 = arith.constant 0 : i32
    %dma_wait3A_150 = tpu.memref_slice %arg6[%dma_wait3A_148, %dma_wait3A_149] : memref<80x128xi32, #tpu.memory_space<vmem>> -> memref<1x128xi32, #tpu.memory_space<vmem>>
    %dma_wait3A_151 = tpu.memref_squeeze %dma_wait3A_150 : memref<1x128xi32, #tpu.memory_space<vmem>> -> memref<128xi32, #tpu.memory_space<vmem>>
    %dma_wait3A_152 = arith.constant 0 : i32
    %dma_wait3A_153 = arith.constant 0 : i32
    %dma_wait3A_154 = tpu.memref_slice %arg11[%dma_wait3A_152, %dma_wait3A_153] : memref<10240x64xf32, #tpu.memory_space<vmem_shared>> -> memref<10240x64xf32, #tpu.memory_space<vmem_shared>>
    tpu.wait_indirect_dma semaphore(%arg13 : memref<!tpu.dma_semaphore, #tpu.memory_space<semaphore_mem>>) src(%dma_wait3A_154 : memref<10240x64xf32, #tpu.memory_space<vmem_shared>>) dst(%arg8 : memref<128x64xf32, #tpu.memory_space<vmem>>)
    %run_scoped3A_155 = arith.constant 78 : i32
    "tpu.region"() ({
      %run_scoped3A_192 = tpu.sem_alloc : memref<!tpu.dma_semaphore, #tpu.memory_space<semaphore_mem>>
      %dma_start3A_193 = arith.constant 0 : i32
      %dma_start3A_194 = tpu.memref_slice %arg7[%run_scoped3A_155, %dma_start3A_193] : memref<80x128xi32, #tpu.memory_space<vmem>> -> memref<1x128xi32, #tpu.memory_space<vmem>>
      %dma_start3A_195 = tpu.memref_squeeze %dma_start3A_194 : memref<1x128xi32, #tpu.memory_space<vmem>> -> memref<128xi32, #tpu.memory_space<vmem>>
      %dma_start3A_196 = arith.constant 0 : i32
      %dma_start3A_197 = arith.constant 0 : i32
      %dma_start3A_198 = tpu.memref_slice %arg12[%dma_start3A_196, %dma_start3A_197] : memref<10240x64xf32, #tpu.memory_space<vmem_shared>> -> memref<10240x64xf32, #tpu.memory_space<vmem_shared>>
      tpu.enqueue_indirect_dma source(%arg8 : memref<128x64xf32, #tpu.memory_space<vmem>>) target(%dma_start3A_198 : memref<10240x64xf32, #tpu.memory_space<vmem_shared>>) offsets(%dma_start3A_195 : memref<128xi32, #tpu.memory_space<vmem>>) semaphore(%run_scoped3A_192 : memref<!tpu.dma_semaphore, #tpu.memory_space<semaphore_mem>>) {add = true}
      %dma_wait3A_199 = arith.constant 0 : i32
      %dma_wait3A_200 = tpu.memref_slice %arg7[%run_scoped3A_155, %dma_wait3A_199] : memref<80x128xi32, #tpu.memory_space<vmem>> -> memref<1x128xi32, #tpu.memory_space<vmem>>
      %dma_wait3A_201 = tpu.memref_squeeze %dma_wait3A_200 : memref<1x128xi32, #tpu.memory_space<vmem>> -> memref<128xi32, #tpu.memory_space<vmem>>
      %dma_wait3A_202 = arith.constant 0 : i32
      %dma_wait3A_203 = arith.constant 0 : i32
      %dma_wait3A_204 = tpu.memref_slice %arg12[%dma_wait3A_202, %dma_wait3A_203] : memref<10240x64xf32, #tpu.memory_space<vmem_shared>> -> memref<10240x64xf32, #tpu.memory_space<vmem_shared>>
      tpu.wait_indirect_dma semaphore(%run_scoped3A_192 : memref<!tpu.dma_semaphore, #tpu.memory_space<semaphore_mem>>) src(%arg8 : memref<128x64xf32, #tpu.memory_space<vmem>>) dst(%dma_wait3A_204 : memref<10240x64xf32, #tpu.memory_space<vmem_shared>>)
      tpu.yield
    }) : () -> ()
    %dma_start3A_156 = arith.constant 79 : i32
    %dma_start3A_157 = arith.constant 0 : i32
    %dma_start3A_158 = tpu.memref_slice %arg6[%dma_start3A_156, %dma_start3A_157] : memref<80x128xi32, #tpu.memory_space<vmem>> -> memref<1x128xi32, #tpu.memory_space<vmem>>
    %dma_start3A_159 = tpu.memref_squeeze %dma_start3A_158 : memref<1x128xi32, #tpu.memory_space<vmem>> -> memref<128xi32, #tpu.memory_space<vmem>>
    %dma_start3A_160 = arith.constant 0 : i32
    %dma_start3A_161 = arith.constant 0 : i32
    %dma_start3A_162 = tpu.memref_slice %arg11[%dma_start3A_160, %dma_start3A_161] : memref<10240x64xf32, #tpu.memory_space<vmem_shared>> -> memref<10240x64xf32, #tpu.memory_space<vmem_shared>>
    tpu.enqueue_indirect_dma source(%dma_start3A_162 : memref<10240x64xf32, #tpu.memory_space<vmem_shared>>) target(%arg8 : memref<128x64xf32, #tpu.memory_space<vmem>>) offsets(%dma_start3A_159 : memref<128xi32, #tpu.memory_space<vmem>>) semaphore(%arg13 : memref<!tpu.dma_semaphore, #tpu.memory_space<semaphore_mem>>)
    %dma_wait3A_163 = arith.constant 79 : i32
    %dma_wait3A_164 = arith.constant 0 : i32
    %dma_wait3A_165 = tpu.memref_slice %arg6[%dma_wait3A_163, %dma_wait3A_164] : memref<80x128xi32, #tpu.memory_space<vmem>> -> memref<1x128xi32, #tpu.memory_space<vmem>>
    %dma_wait3A_166 = tpu.memref_squeeze %dma_wait3A_165 : memref<1x128xi32, #tpu.memory_space<vmem>> -> memref<128xi32, #tpu.memory_space<vmem>>
    %dma_wait3A_167 = arith.constant 0 : i32
    %dma_wait3A_168 = arith.constant 0 : i32
    %dma_wait3A_169 = tpu.memref_slice %arg11[%dma_wait3A_167, %dma_wait3A_168] : memref<10240x64xf32, #tpu.memory_space<vmem_shared>> -> memref<10240x64xf32, #tpu.memory_space<vmem_shared>>
    tpu.wait_indirect_dma semaphore(%arg13 : memref<!tpu.dma_semaphore, #tpu.memory_space<semaphore_mem>>) src(%dma_wait3A_169 : memref<10240x64xf32, #tpu.memory_space<vmem_shared>>) dst(%arg8 : memref<128x64xf32, #tpu.memory_space<vmem>>)
    %run_scoped3A_170 = arith.constant 79 : i32
    "tpu.region"() ({
      %run_scoped3A_192 = tpu.sem_alloc : memref<!tpu.dma_semaphore, #tpu.memory_space<semaphore_mem>>
      %dma_start3A_193 = arith.constant 0 : i32
      %dma_start3A_194 = tpu.memref_slice %arg7[%run_scoped3A_170, %dma_start3A_193] : memref<80x128xi32, #tpu.memory_space<vmem>> -> memref<1x128xi32, #tpu.memory_space<vmem>>
      %dma_start3A_195 = tpu.memref_squeeze %dma_start3A_194 : memref<1x128xi32, #tpu.memory_space<vmem>> -> memref<128xi32, #tpu.memory_space<vmem>>
      %dma_start3A_196 = arith.constant 0 : i32
      %dma_start3A_197 = arith.constant 0 : i32
      %dma_start3A_198 = tpu.memref_slice %arg12[%dma_start3A_196, %dma_start3A_197] : memref<10240x64xf32, #tpu.memory_space<vmem_shared>> -> memref<10240x64xf32, #tpu.memory_space<vmem_shared>>
      tpu.enqueue_indirect_dma source(%arg8 : memref<128x64xf32, #tpu.memory_space<vmem>>) target(%dma_start3A_198 : memref<10240x64xf32, #tpu.memory_space<vmem_shared>>) offsets(%dma_start3A_195 : memref<128xi32, #tpu.memory_space<vmem>>) semaphore(%run_scoped3A_192 : memref<!tpu.dma_semaphore, #tpu.memory_space<semaphore_mem>>) {add = true}
      %dma_wait3A_199 = arith.constant 0 : i32
      %dma_wait3A_200 = tpu.memref_slice %arg7[%run_scoped3A_170, %dma_wait3A_199] : memref<80x128xi32, #tpu.memory_space<vmem>> -> memref<1x128xi32, #tpu.memory_space<vmem>>
      %dma_wait3A_201 = tpu.memref_squeeze %dma_wait3A_200 : memref<1x128xi32, #tpu.memory_space<vmem>> -> memref<128xi32, #tpu.memory_space<vmem>>
      %dma_wait3A_202 = arith.constant 0 : i32
      %dma_wait3A_203 = arith.constant 0 : i32
      %dma_wait3A_204 = tpu.memref_slice %arg12[%dma_wait3A_202, %dma_wait3A_203] : memref<10240x64xf32, #tpu.memory_space<vmem_shared>> -> memref<10240x64xf32, #tpu.memory_space<vmem_shared>>
      tpu.wait_indirect_dma semaphore(%run_scoped3A_192 : memref<!tpu.dma_semaphore, #tpu.memory_space<semaphore_mem>>) src(%arg8 : memref<128x64xf32, #tpu.memory_space<vmem>>) dst(%dma_wait3A_204 : memref<10240x64xf32, #tpu.memory_space<vmem_shared>>)
      tpu.yield
    }) : () -> ()
    %barrier3A_171 = arith.constant 0 : index
    tpu.barrier barrier_id(%barrier3A_171)
    %add3A_172 = arith.constant 0 : i32
    %add3A_173 = arith.addi %mul3A_0, %add3A_172 : i32
    "tpu.region"() ({
      %run_scoped3A_192 = tpu.sem_alloc : memref<!tpu.dma_semaphore, #tpu.memory_space<semaphore_mem>>
      %dma_start3A_193 = arith.constant 0 : i32
      %dma_start3A_194 = tpu.memref_slice %arg12[%add3A_173, %dma_start3A_193] : memref<10240x64xf32, #tpu.memory_space<vmem_shared>> -> memref<128x64xf32, #tpu.memory_space<vmem_shared>>
      %dma_start3A_195 = arith.constant 0 : i32
      %dma_start3A_196 = tpu.memref_slice %arg12[%add3A_173, %dma_start3A_195] : memref<10240x64xf32, #tpu.memory_space<vmem_shared>> -> memref<128x64xf32, #tpu.memory_space<vmem_shared>>
      tpu.enqueue_dma source(%dma_start3A_196 : memref<128x64xf32, #tpu.memory_space<vmem_shared>>) target(%arg8 : memref<128x64xf32, #tpu.memory_space<vmem>>) target_semaphore(%run_scoped3A_192 : memref<!tpu.dma_semaphore, #tpu.memory_space<semaphore_mem>>)
      %dma_wait3A_197 = arith.constant 0 : i32
      %dma_wait3A_198 = tpu.memref_slice %arg12[%add3A_173, %dma_wait3A_197] : memref<10240x64xf32, #tpu.memory_space<vmem_shared>> -> memref<128x64xf32, #tpu.memory_space<vmem_shared>>
      %dma_wait3A_199 = arith.constant 0 : i32
      %dma_wait3A_200 = tpu.memref_slice %arg12[%add3A_173, %dma_wait3A_199] : memref<10240x64xf32, #tpu.memory_space<vmem_shared>> -> memref<128x64xf32, #tpu.memory_space<vmem_shared>>
      tpu.wait_dma2 semaphore(%run_scoped3A_192 : memref<!tpu.dma_semaphore, #tpu.memory_space<semaphore_mem>>) src(%dma_wait3A_200 : memref<128x64xf32, #tpu.memory_space<vmem_shared>>) dst(%arg8 : memref<128x64xf32, #tpu.memory_space<vmem>>)
      tpu.yield
    }) : () -> ()
    %add3A_174 = arith.constant 0 : i32
    %add3A_175 = arith.addi %mul3A_0, %add3A_174 : i32
    "tpu.region"() ({
      %run_scoped3A_192 = tpu.sem_alloc : memref<!tpu.dma_semaphore, #tpu.memory_space<semaphore_mem>>
      %dma_start3A_193 = arith.constant 0 : i32
      %dma_start3A_194 = tpu.memref_slice %arg5[%arg0, %add3A_175, %dma_start3A_193] : memref<2x10240x64xf32, #tpu.memory_space<hbm>> -> memref<1x128x64xf32, #tpu.memory_space<hbm>>
      %dma_start3A_195 = tpu.memref_squeeze %dma_start3A_194 : memref<1x128x64xf32, #tpu.memory_space<hbm>> -> memref<128x64xf32, #tpu.memory_space<hbm>>
      %dma_start3A_196 = arith.constant 0 : i32
      %dma_start3A_197 = tpu.memref_slice %arg5[%arg0, %add3A_175, %dma_start3A_196] : memref<2x10240x64xf32, #tpu.memory_space<hbm>> -> memref<1x128x64xf32, #tpu.memory_space<hbm>>
      %dma_start3A_198 = tpu.memref_squeeze %dma_start3A_197 : memref<1x128x64xf32, #tpu.memory_space<hbm>> -> memref<128x64xf32, #tpu.memory_space<hbm>>
      tpu.enqueue_dma source(%arg8 : memref<128x64xf32, #tpu.memory_space<vmem>>) target(%dma_start3A_198 : memref<128x64xf32, #tpu.memory_space<hbm>>) target_semaphore(%run_scoped3A_192 : memref<!tpu.dma_semaphore, #tpu.memory_space<semaphore_mem>>)
      %dma_wait3A_199 = arith.constant 0 : i32
      %dma_wait3A_200 = tpu.memref_slice %arg5[%arg0, %add3A_175, %dma_wait3A_199] : memref<2x10240x64xf32, #tpu.memory_space<hbm>> -> memref<1x128x64xf32, #tpu.memory_space<hbm>>
      %dma_wait3A_201 = tpu.memref_squeeze %dma_wait3A_200 : memref<1x128x64xf32, #tpu.memory_space<hbm>> -> memref<128x64xf32, #tpu.memory_space<hbm>>
      %dma_wait3A_202 = arith.constant 0 : i32
      %dma_wait3A_203 = tpu.memref_slice %arg5[%arg0, %add3A_175, %dma_wait3A_202] : memref<2x10240x64xf32, #tpu.memory_space<hbm>> -> memref<1x128x64xf32, #tpu.memory_space<hbm>>
      %dma_wait3A_204 = tpu.memref_squeeze %dma_wait3A_203 : memref<1x128x64xf32, #tpu.memory_space<hbm>> -> memref<128x64xf32, #tpu.memory_space<hbm>>
      tpu.wait_dma2 semaphore(%run_scoped3A_192 : memref<!tpu.dma_semaphore, #tpu.memory_space<semaphore_mem>>) src(%arg8 : memref<128x64xf32, #tpu.memory_space<vmem>>) dst(%dma_wait3A_204 : memref<128x64xf32, #tpu.memory_space<hbm>>)
      tpu.yield
    }) : () -> ()
    %add3A_176 = arith.constant 128 : i32
    %add3A_177 = arith.addi %mul3A_0, %add3A_176 : i32
    "tpu.region"() ({
      %run_scoped3A_192 = tpu.sem_alloc : memref<!tpu.dma_semaphore, #tpu.memory_space<semaphore_mem>>
      %dma_start3A_193 = arith.constant 0 : i32
      %dma_start3A_194 = tpu.memref_slice %arg12[%add3A_177, %dma_start3A_193] : memref<10240x64xf32, #tpu.memory_space<vmem_shared>> -> memref<128x64xf32, #tpu.memory_space<vmem_shared>>
      %dma_start3A_195 = arith.constant 0 : i32
      %dma_start3A_196 = tpu.memref_slice %arg12[%add3A_177, %dma_start3A_195] : memref<10240x64xf32, #tpu.memory_space<vmem_shared>> -> memref<128x64xf32, #tpu.memory_space<vmem_shared>>
      tpu.enqueue_dma source(%dma_start3A_196 : memref<128x64xf32, #tpu.memory_space<vmem_shared>>) target(%arg8 : memref<128x64xf32, #tpu.memory_space<vmem>>) target_semaphore(%run_scoped3A_192 : memref<!tpu.dma_semaphore, #tpu.memory_space<semaphore_mem>>)
      %dma_wait3A_197 = arith.constant 0 : i32
      %dma_wait3A_198 = tpu.memref_slice %arg12[%add3A_177, %dma_wait3A_197] : memref<10240x64xf32, #tpu.memory_space<vmem_shared>> -> memref<128x64xf32, #tpu.memory_space<vmem_shared>>
      %dma_wait3A_199 = arith.constant 0 : i32
      %dma_wait3A_200 = tpu.memref_slice %arg12[%add3A_177, %dma_wait3A_199] : memref<10240x64xf32, #tpu.memory_space<vmem_shared>> -> memref<128x64xf32, #tpu.memory_space<vmem_shared>>
      tpu.wait_dma2 semaphore(%run_scoped3A_192 : memref<!tpu.dma_semaphore, #tpu.memory_space<semaphore_mem>>) src(%dma_wait3A_200 : memref<128x64xf32, #tpu.memory_space<vmem_shared>>) dst(%arg8 : memref<128x64xf32, #tpu.memory_space<vmem>>)
      tpu.yield
    }) : () -> ()
    %add3A_178 = arith.constant 128 : i32
    %add3A_179 = arith.addi %mul3A_0, %add3A_178 : i32
    "tpu.region"() ({
      %run_scoped3A_192 = tpu.sem_alloc : memref<!tpu.dma_semaphore, #tpu.memory_space<semaphore_mem>>
      %dma_start3A_193 = arith.constant 0 : i32
      %dma_start3A_194 = tpu.memref_slice %arg5[%arg0, %add3A_179, %dma_start3A_193] : memref<2x10240x64xf32, #tpu.memory_space<hbm>> -> memref<1x128x64xf32, #tpu.memory_space<hbm>>
      %dma_start3A_195 = tpu.memref_squeeze %dma_start3A_194 : memref<1x128x64xf32, #tpu.memory_space<hbm>> -> memref<128x64xf32, #tpu.memory_space<hbm>>
      %dma_start3A_196 = arith.constant 0 : i32
      %dma_start3A_197 = tpu.memref_slice %arg5[%arg0, %add3A_179, %dma_start3A_196] : memref<2x10240x64xf32, #tpu.memory_space<hbm>> -> memref<1x128x64xf32, #tpu.memory_space<hbm>>
      %dma_start3A_198 = tpu.memref_squeeze %dma_start3A_197 : memref<1x128x64xf32, #tpu.memory_space<hbm>> -> memref<128x64xf32, #tpu.memory_space<hbm>>
      tpu.enqueue_dma source(%arg8 : memref<128x64xf32, #tpu.memory_space<vmem>>) target(%dma_start3A_198 : memref<128x64xf32, #tpu.memory_space<hbm>>) target_semaphore(%run_scoped3A_192 : memref<!tpu.dma_semaphore, #tpu.memory_space<semaphore_mem>>)
      %dma_wait3A_199 = arith.constant 0 : i32
      %dma_wait3A_200 = tpu.memref_slice %arg5[%arg0, %add3A_179, %dma_wait3A_199] : memref<2x10240x64xf32, #tpu.memory_space<hbm>> -> memref<1x128x64xf32, #tpu.memory_space<hbm>>
      %dma_wait3A_201 = tpu.memref_squeeze %dma_wait3A_200 : memref<1x128x64xf32, #tpu.memory_space<hbm>> -> memref<128x64xf32, #tpu.memory_space<hbm>>
      %dma_wait3A_202 = arith.constant 0 : i32
      %dma_wait3A_203 = tpu.memref_slice %arg5[%arg0, %add3A_179, %dma_wait3A_202] : memref<2x10240x64xf32, #tpu.memory_space<hbm>> -> memref<1x128x64xf32, #tpu.memory_space<hbm>>
      %dma_wait3A_204 = tpu.memref_squeeze %dma_wait3A_203 : memref<1x128x64xf32, #tpu.memory_space<hbm>> -> memref<128x64xf32, #tpu.memory_space<hbm>>
      tpu.wait_dma2 semaphore(%run_scoped3A_192 : memref<!tpu.dma_semaphore, #tpu.memory_space<semaphore_mem>>) src(%arg8 : memref<128x64xf32, #tpu.memory_space<vmem>>) dst(%dma_wait3A_204 : memref<128x64xf32, #tpu.memory_space<hbm>>)
      tpu.yield
    }) : () -> ()
    %add3A_180 = arith.constant 256 : i32
    %add3A_181 = arith.addi %mul3A_0, %add3A_180 : i32
    "tpu.region"() ({
      %run_scoped3A_192 = tpu.sem_alloc : memref<!tpu.dma_semaphore, #tpu.memory_space<semaphore_mem>>
      %dma_start3A_193 = arith.constant 0 : i32
      %dma_start3A_194 = tpu.memref_slice %arg12[%add3A_181, %dma_start3A_193] : memref<10240x64xf32, #tpu.memory_space<vmem_shared>> -> memref<128x64xf32, #tpu.memory_space<vmem_shared>>
      %dma_start3A_195 = arith.constant 0 : i32
      %dma_start3A_196 = tpu.memref_slice %arg12[%add3A_181, %dma_start3A_195] : memref<10240x64xf32, #tpu.memory_space<vmem_shared>> -> memref<128x64xf32, #tpu.memory_space<vmem_shared>>
      tpu.enqueue_dma source(%dma_start3A_196 : memref<128x64xf32, #tpu.memory_space<vmem_shared>>) target(%arg8 : memref<128x64xf32, #tpu.memory_space<vmem>>) target_semaphore(%run_scoped3A_192 : memref<!tpu.dma_semaphore, #tpu.memory_space<semaphore_mem>>)
      %dma_wait3A_197 = arith.constant 0 : i32
      %dma_wait3A_198 = tpu.memref_slice %arg12[%add3A_181, %dma_wait3A_197] : memref<10240x64xf32, #tpu.memory_space<vmem_shared>> -> memref<128x64xf32, #tpu.memory_space<vmem_shared>>
      %dma_wait3A_199 = arith.constant 0 : i32
      %dma_wait3A_200 = tpu.memref_slice %arg12[%add3A_181, %dma_wait3A_199] : memref<10240x64xf32, #tpu.memory_space<vmem_shared>> -> memref<128x64xf32, #tpu.memory_space<vmem_shared>>
      tpu.wait_dma2 semaphore(%run_scoped3A_192 : memref<!tpu.dma_semaphore, #tpu.memory_space<semaphore_mem>>) src(%dma_wait3A_200 : memref<128x64xf32, #tpu.memory_space<vmem_shared>>) dst(%arg8 : memref<128x64xf32, #tpu.memory_space<vmem>>)
      tpu.yield
    }) : () -> ()
    %add3A_182 = arith.constant 256 : i32
    %add3A_183 = arith.addi %mul3A_0, %add3A_182 : i32
    "tpu.region"() ({
      %run_scoped3A_192 = tpu.sem_alloc : memref<!tpu.dma_semaphore, #tpu.memory_space<semaphore_mem>>
      %dma_start3A_193 = arith.constant 0 : i32
      %dma_start3A_194 = tpu.memref_slice %arg5[%arg0, %add3A_183, %dma_start3A_193] : memref<2x10240x64xf32, #tpu.memory_space<hbm>> -> memref<1x128x64xf32, #tpu.memory_space<hbm>>
      %dma_start3A_195 = tpu.memref_squeeze %dma_start3A_194 : memref<1x128x64xf32, #tpu.memory_space<hbm>> -> memref<128x64xf32, #tpu.memory_space<hbm>>
      %dma_start3A_196 = arith.constant 0 : i32
      %dma_start3A_197 = tpu.memref_slice %arg5[%arg0, %add3A_183, %dma_start3A_196] : memref<2x10240x64xf32, #tpu.memory_space<hbm>> -> memref<1x128x64xf32, #tpu.memory_space<hbm>>
      %dma_start3A_198 = tpu.memref_squeeze %dma_start3A_197 : memref<1x128x64xf32, #tpu.memory_space<hbm>> -> memref<128x64xf32, #tpu.memory_space<hbm>>
      tpu.enqueue_dma source(%arg8 : memref<128x64xf32, #tpu.memory_space<vmem>>) target(%dma_start3A_198 : memref<128x64xf32, #tpu.memory_space<hbm>>) target_semaphore(%run_scoped3A_192 : memref<!tpu.dma_semaphore, #tpu.memory_space<semaphore_mem>>)
      %dma_wait3A_199 = arith.constant 0 : i32
      %dma_wait3A_200 = tpu.memref_slice %arg5[%arg0, %add3A_183, %dma_wait3A_199] : memref<2x10240x64xf32, #tpu.memory_space<hbm>> -> memref<1x128x64xf32, #tpu.memory_space<hbm>>
      %dma_wait3A_201 = tpu.memref_squeeze %dma_wait3A_200 : memref<1x128x64xf32, #tpu.memory_space<hbm>> -> memref<128x64xf32, #tpu.memory_space<hbm>>
      %dma_wait3A_202 = arith.constant 0 : i32
      %dma_wait3A_203 = tpu.memref_slice %arg5[%arg0, %add3A_183, %dma_wait3A_202] : memref<2x10240x64xf32, #tpu.memory_space<hbm>> -> memref<1x128x64xf32, #tpu.memory_space<hbm>>
      %dma_wait3A_204 = tpu.memref_squeeze %dma_wait3A_203 : memref<1x128x64xf32, #tpu.memory_space<hbm>> -> memref<128x64xf32, #tpu.memory_space<hbm>>
      tpu.wait_dma2 semaphore(%run_scoped3A_192 : memref<!tpu.dma_semaphore, #tpu.memory_space<semaphore_mem>>) src(%arg8 : memref<128x64xf32, #tpu.memory_space<vmem>>) dst(%dma_wait3A_204 : memref<128x64xf32, #tpu.memory_space<hbm>>)
      tpu.yield
    }) : () -> ()
    %add3A_184 = arith.constant 384 : i32
    %add3A_185 = arith.addi %mul3A_0, %add3A_184 : i32
    "tpu.region"() ({
      %run_scoped3A_192 = tpu.sem_alloc : memref<!tpu.dma_semaphore, #tpu.memory_space<semaphore_mem>>
      %dma_start3A_193 = arith.constant 0 : i32
      %dma_start3A_194 = tpu.memref_slice %arg12[%add3A_185, %dma_start3A_193] : memref<10240x64xf32, #tpu.memory_space<vmem_shared>> -> memref<128x64xf32, #tpu.memory_space<vmem_shared>>
      %dma_start3A_195 = arith.constant 0 : i32
      %dma_start3A_196 = tpu.memref_slice %arg12[%add3A_185, %dma_start3A_195] : memref<10240x64xf32, #tpu.memory_space<vmem_shared>> -> memref<128x64xf32, #tpu.memory_space<vmem_shared>>
      tpu.enqueue_dma source(%dma_start3A_196 : memref<128x64xf32, #tpu.memory_space<vmem_shared>>) target(%arg8 : memref<128x64xf32, #tpu.memory_space<vmem>>) target_semaphore(%run_scoped3A_192 : memref<!tpu.dma_semaphore, #tpu.memory_space<semaphore_mem>>)
      %dma_wait3A_197 = arith.constant 0 : i32
      %dma_wait3A_198 = tpu.memref_slice %arg12[%add3A_185, %dma_wait3A_197] : memref<10240x64xf32, #tpu.memory_space<vmem_shared>> -> memref<128x64xf32, #tpu.memory_space<vmem_shared>>
      %dma_wait3A_199 = arith.constant 0 : i32
      %dma_wait3A_200 = tpu.memref_slice %arg12[%add3A_185, %dma_wait3A_199] : memref<10240x64xf32, #tpu.memory_space<vmem_shared>> -> memref<128x64xf32, #tpu.memory_space<vmem_shared>>
      tpu.wait_dma2 semaphore(%run_scoped3A_192 : memref<!tpu.dma_semaphore, #tpu.memory_space<semaphore_mem>>) src(%dma_wait3A_200 : memref<128x64xf32, #tpu.memory_space<vmem_shared>>) dst(%arg8 : memref<128x64xf32, #tpu.memory_space<vmem>>)
      tpu.yield
    }) : () -> ()
    %add3A_186 = arith.constant 384 : i32
    %add3A_187 = arith.addi %mul3A_0, %add3A_186 : i32
    "tpu.region"() ({
      %run_scoped3A_192 = tpu.sem_alloc : memref<!tpu.dma_semaphore, #tpu.memory_space<semaphore_mem>>
      %dma_start3A_193 = arith.constant 0 : i32
      %dma_start3A_194 = tpu.memref_slice %arg5[%arg0, %add3A_187, %dma_start3A_193] : memref<2x10240x64xf32, #tpu.memory_space<hbm>> -> memref<1x128x64xf32, #tpu.memory_space<hbm>>
      %dma_start3A_195 = tpu.memref_squeeze %dma_start3A_194 : memref<1x128x64xf32, #tpu.memory_space<hbm>> -> memref<128x64xf32, #tpu.memory_space<hbm>>
      %dma_start3A_196 = arith.constant 0 : i32
      %dma_start3A_197 = tpu.memref_slice %arg5[%arg0, %add3A_187, %dma_start3A_196] : memref<2x10240x64xf32, #tpu.memory_space<hbm>> -> memref<1x128x64xf32, #tpu.memory_space<hbm>>
      %dma_start3A_198 = tpu.memref_squeeze %dma_start3A_197 : memref<1x128x64xf32, #tpu.memory_space<hbm>> -> memref<128x64xf32, #tpu.memory_space<hbm>>
      tpu.enqueue_dma source(%arg8 : memref<128x64xf32, #tpu.memory_space<vmem>>) target(%dma_start3A_198 : memref<128x64xf32, #tpu.memory_space<hbm>>) target_semaphore(%run_scoped3A_192 : memref<!tpu.dma_semaphore, #tpu.memory_space<semaphore_mem>>)
      %dma_wait3A_199 = arith.constant 0 : i32
      %dma_wait3A_200 = tpu.memref_slice %arg5[%arg0, %add3A_187, %dma_wait3A_199] : memref<2x10240x64xf32, #tpu.memory_space<hbm>> -> memref<1x128x64xf32, #tpu.memory_space<hbm>>
      %dma_wait3A_201 = tpu.memref_squeeze %dma_wait3A_200 : memref<1x128x64xf32, #tpu.memory_space<hbm>> -> memref<128x64xf32, #tpu.memory_space<hbm>>
      %dma_wait3A_202 = arith.constant 0 : i32
      %dma_wait3A_203 = tpu.memref_slice %arg5[%arg0, %add3A_187, %dma_wait3A_202] : memref<2x10240x64xf32, #tpu.memory_space<hbm>> -> memref<1x128x64xf32, #tpu.memory_space<hbm>>
      %dma_wait3A_204 = tpu.memref_squeeze %dma_wait3A_203 : memref<1x128x64xf32, #tpu.memory_space<hbm>> -> memref<128x64xf32, #tpu.memory_space<hbm>>
      tpu.wait_dma2 semaphore(%run_scoped3A_192 : memref<!tpu.dma_semaphore, #tpu.memory_space<semaphore_mem>>) src(%arg8 : memref<128x64xf32, #tpu.memory_space<vmem>>) dst(%dma_wait3A_204 : memref<128x64xf32, #tpu.memory_space<hbm>>)
      tpu.yield
    }) : () -> ()
    %add3A_188 = arith.constant 512 : i32
    %add3A_189 = arith.addi %mul3A_0, %add3A_188 : i32
    "tpu.region"() ({
      %run_scoped3A_192 = tpu.sem_alloc : memref<!tpu.dma_semaphore, #tpu.memory_space<semaphore_mem>>
      %dma_start3A_193 = arith.constant 0 : i32
      %dma_start3A_194 = tpu.memref_slice %arg12[%add3A_189, %dma_start3A_193] : memref<10240x64xf32, #tpu.memory_space<vmem_shared>> -> memref<128x64xf32, #tpu.memory_space<vmem_shared>>
      %dma_start3A_195 = arith.constant 0 : i32
      %dma_start3A_196 = tpu.memref_slice %arg12[%add3A_189, %dma_start3A_195] : memref<10240x64xf32, #tpu.memory_space<vmem_shared>> -> memref<128x64xf32, #tpu.memory_space<vmem_shared>>
      tpu.enqueue_dma source(%dma_start3A_196 : memref<128x64xf32, #tpu.memory_space<vmem_shared>>) target(%arg8 : memref<128x64xf32, #tpu.memory_space<vmem>>) target_semaphore(%run_scoped3A_192 : memref<!tpu.dma_semaphore, #tpu.memory_space<semaphore_mem>>)
      %dma_wait3A_197 = arith.constant 0 : i32
      %dma_wait3A_198 = tpu.memref_slice %arg12[%add3A_189, %dma_wait3A_197] : memref<10240x64xf32, #tpu.memory_space<vmem_shared>> -> memref<128x64xf32, #tpu.memory_space<vmem_shared>>
      %dma_wait3A_199 = arith.constant 0 : i32
      %dma_wait3A_200 = tpu.memref_slice %arg12[%add3A_189, %dma_wait3A_199] : memref<10240x64xf32, #tpu.memory_space<vmem_shared>> -> memref<128x64xf32, #tpu.memory_space<vmem_shared>>
      tpu.wait_dma2 semaphore(%run_scoped3A_192 : memref<!tpu.dma_semaphore, #tpu.memory_space<semaphore_mem>>) src(%dma_wait3A_200 : memref<128x64xf32, #tpu.memory_space<vmem_shared>>) dst(%arg8 : memref<128x64xf32, #tpu.memory_space<vmem>>)
      tpu.yield
    }) : () -> ()
    %add3A_190 = arith.constant 512 : i32
    %add3A_191 = arith.addi %mul3A_0, %add3A_190 : i32
    "tpu.region"() ({
      %run_scoped3A_192 = tpu.sem_alloc : memref<!tpu.dma_semaphore, #tpu.memory_space<semaphore_mem>>
      %dma_start3A_193 = arith.constant 0 : i32
      %dma_start3A_194 = tpu.memref_slice %arg5[%arg0, %add3A_191, %dma_start3A_193] : memref<2x10240x64xf32, #tpu.memory_space<hbm>> -> memref<1x128x64xf32, #tpu.memory_space<hbm>>
      %dma_start3A_195 = tpu.memref_squeeze %dma_start3A_194 : memref<1x128x64xf32, #tpu.memory_space<hbm>> -> memref<128x64xf32, #tpu.memory_space<hbm>>
      %dma_start3A_196 = arith.constant 0 : i32
      %dma_start3A_197 = tpu.memref_slice %arg5[%arg0, %add3A_191, %dma_start3A_196] : memref<2x10240x64xf32, #tpu.memory_space<hbm>> -> memref<1x128x64xf32, #tpu.memory_space<hbm>>
      %dma_start3A_198 = tpu.memref_squeeze %dma_start3A_197 : memref<1x128x64xf32, #tpu.memory_space<hbm>> -> memref<128x64xf32, #tpu.memory_space<hbm>>
      tpu.enqueue_dma source(%arg8 : memref<128x64xf32, #tpu.memory_space<vmem>>) target(%dma_start3A_198 : memref<128x64xf32, #tpu.memory_space<hbm>>) target_semaphore(%run_scoped3A_192 : memref<!tpu.dma_semaphore, #tpu.memory_space<semaphore_mem>>)
      %dma_wait3A_199 = arith.constant 0 : i32
      %dma_wait3A_200 = tpu.memref_slice %arg5[%arg0, %add3A_191, %dma_wait3A_199] : memref<2x10240x64xf32, #tpu.memory_space<hbm>> -> memref<1x128x64xf32, #tpu.memory_space<hbm>>
      %dma_wait3A_201 = tpu.memref_squeeze %dma_wait3A_200 : memref<1x128x64xf32, #tpu.memory_space<hbm>> -> memref<128x64xf32, #tpu.memory_space<hbm>>
      %dma_wait3A_202 = arith.constant 0 : i32
      %dma_wait3A_203 = tpu.memref_slice %arg5[%arg0, %add3A_191, %dma_wait3A_202] : memref<2x10240x64xf32, #tpu.memory_space<hbm>> -> memref<1x128x64xf32, #tpu.memory_space<hbm>>
      %dma_wait3A_204 = tpu.memref_squeeze %dma_wait3A_203 : memref<1x128x64xf32, #tpu.memory_space<hbm>> -> memref<128x64xf32, #tpu.memory_space<hbm>>
      tpu.wait_dma2 semaphore(%run_scoped3A_192 : memref<!tpu.dma_semaphore, #tpu.memory_space<semaphore_mem>>) src(%arg8 : memref<128x64xf32, #tpu.memory_space<vmem>>) dst(%dma_wait3A_204 : memref<128x64xf32, #tpu.memory_space<hbm>>)
      tpu.yield
    }) : () -> ()
    return
  }
}

module attributes {stable_mosaic.version = 14 : i64} {
  func.func @_k1_body(%arg0: memref<10000x128xf32, #tpu.memory_space<vmem>>, %arg1: memref<128x128xf32, #tpu.memory_space<vmem>>, %arg2: memref<10000x128xf32, #tpu.memory_space<vmem>>, %arg3: memref<10000x128xf32, #tpu.memory_space<vmem>>, %arg4: memref<10000x128xf32, #tpu.memory_space<vmem>>, %arg5: memref<10000x128xf32, #tpu.memory_space<vmem>>, %arg6: memref<2x10240x64xf32, #tpu.memory_space<vmem>>) attributes {dimension_semantics = [], scalar_prefetch = 0 : i64, scratch_operands = 0 : i64, tpu.core_type = #tpu.core_type<tc>} {
    %get3A = arith.constant 0 : index
    %get3A_0 = arith.constant 0 : index
    %get3A_1 = vector.load %arg2[%get3A, %get3A_0] : memref<10000x128xf32, #tpu.memory_space<vmem>>, vector<10000x128xf32>
    %get3A_2 = arith.constant 0 : index
    %get3A_3 = arith.constant 0 : index
    %get3A_4 = vector.load %arg3[%get3A_2, %get3A_3] : memref<10000x128xf32, #tpu.memory_space<vmem>>, vector<10000x128xf32>
    %add3A = arith.addf %get3A_1, %get3A_4 : vector<10000x128xf32>
    %add3A_5 = arith.constant 1.000000e+00 : f32
    %add3A_6 = vector.broadcast %add3A_5 : f32 to vector<10000x128xf32>
    %add3A_7 = arith.addf %add3A, %add3A_6 : vector<10000x128xf32>
    %rsqrt3A = math.rsqrt %add3A_7 : vector<10000x128xf32>
    %get3A_8 = arith.constant 0 : index
    %get3A_9 = arith.constant 0 : index
    %get3A_10 = vector.load %arg0[%get3A_8, %get3A_9] : memref<10000x128xf32, #tpu.memory_space<vmem>>, vector<10000x128xf32>
    %get3A_11 = arith.constant 0 : index
    %get3A_12 = arith.constant 0 : index
    %get3A_13 = vector.load %arg1[%get3A_11, %get3A_12] : memref<128x128xf32, #tpu.memory_space<vmem>>, vector<128x128xf32>
    %dot_general3A = arith.constant dense<0.000000e+00> : vector<10000x128xf32>
    %dot_general3A_14 = tpu.matmul %get3A_10, %get3A_13, %dot_general3A {dimension_numbers = #tpu.dot_dimension_numbers<[1], [0], [0], [1], [0, 0, 1, 1], [], []>, transpose_lhs_hint = false} : vector<10000x128xf32>, vector<128x128xf32>, vector<10000x128xf32> -> vector<10000x128xf32>
    %mul3A = arith.mulf %rsqrt3A, %dot_general3A_14 : vector<10000x128xf32>
    %swap3A = arith.constant 0 : index
    %swap3A_15 = arith.constant 0 : index
    %swap3A_16 = vector.load %arg4[%swap3A, %swap3A_15] : memref<10000x128xf32, #tpu.memory_space<vmem>>, vector<10000x128xf32>
    tpu.vector_store %arg4[%swap3A, %swap3A_15], %mul3A {strides = array<i32>} : memref<10000x128xf32, #tpu.memory_space<vmem>>, vector<10000x128xf32>,
    %swap3A_17 = arith.constant 0 : index
    %swap3A_18 = arith.constant 0 : index
    %swap3A_19 = vector.load %arg5[%swap3A_17, %swap3A_18] : memref<10000x128xf32, #tpu.memory_space<vmem>>, vector<10000x128xf32>
    tpu.vector_store %arg5[%swap3A_17, %swap3A_18], %rsqrt3A {strides = array<i32>} : memref<10000x128xf32, #tpu.memory_space<vmem>>, vector<10000x128xf32>,
    %slice3A = vector.extract_strided_slice %mul3A {offsets = [0, 0], sizes = [10000, 64], strides = [1, 1]} : vector<10000x128xf32> to vector<10000x64xf32>
    %swap3A_20 = arith.constant 0 : index
    %swap3A_21 = arith.constant 0 : index
    %swap3A_22 = arith.constant 0 : index
    %swap3A_23 = vector.load %arg6[%swap3A_20, %swap3A_21, %swap3A_22] : memref<2x10240x64xf32, #tpu.memory_space<vmem>>, vector<1x10000x64xf32>
    %swap3A_24 = vector.shape_cast %swap3A_23 : vector<1x10000x64xf32> to vector<10000x64xf32>
    %swap3A_25 = vector.shape_cast %slice3A : vector<10000x64xf32> to vector<1x10000x64xf32>
    tpu.vector_store %arg6[%swap3A_20, %swap3A_21, %swap3A_22], %swap3A_25 {strides = array<i32>} : memref<2x10240x64xf32, #tpu.memory_space<vmem>>, vector<1x10000x64xf32>,
    %slice3A_26 = vector.extract_strided_slice %mul3A {offsets = [0, 64], sizes = [10000, 64], strides = [1, 1]} : vector<10000x128xf32> to vector<10000x64xf32>
    %swap3A_27 = arith.constant 1 : index
    %swap3A_28 = arith.constant 0 : index
    %swap3A_29 = arith.constant 0 : index
    %swap3A_30 = vector.load %arg6[%swap3A_27, %swap3A_28, %swap3A_29] : memref<2x10240x64xf32, #tpu.memory_space<vmem>>, vector<1x10000x64xf32>
    %swap3A_31 = vector.shape_cast %swap3A_30 : vector<1x10000x64xf32> to vector<10000x64xf32>
    %swap3A_32 = vector.shape_cast %slice3A_26 : vector<10000x64xf32> to vector<1x10000x64xf32>
    tpu.vector_store %arg6[%swap3A_27, %swap3A_28, %swap3A_29], %swap3A_32 {strides = array<i32>} : memref<2x10240x64xf32, #tpu.memory_space<vmem>>, vector<1x10000x64xf32>,
    return
  }
}

module attributes {stable_mosaic.version = 14 : i64} {
  func.func @_k2_body(%arg0: memref<2x10240x64xf32, #tpu.memory_space<vmem>>, %arg1: memref<10000x128xf32, #tpu.memory_space<vmem>>, %arg2: memref<10000x128xf32, #tpu.memory_space<vmem>>, %arg3: memref<1x128xf32, #tpu.memory_space<vmem>>, %arg4: memref<128x128xf32, #tpu.memory_space<vmem>>, %arg5: memref<10000x128xf32, #tpu.memory_space<vmem>>, %arg6: memref<2x10240x64xf32, #tpu.memory_space<vmem>>) attributes {dimension_semantics = [], scalar_prefetch = 0 : i64, scratch_operands = 0 : i64, tpu.core_type = #tpu.core_type<tc>} {
    %get3A = arith.constant 0 : index
    %get3A_0 = arith.constant 0 : index
    %get3A_1 = arith.constant 0 : index
    %get3A_2 = vector.load %arg0[%get3A, %get3A_0, %get3A_1] : memref<2x10240x64xf32, #tpu.memory_space<vmem>>, vector<2x10240x64xf32>
    %slice3A = vector.extract_strided_slice %get3A_2 {offsets = [0, 0, 0], sizes = [1, 10000, 64], strides = [1, 1, 1]} : vector<2x10240x64xf32> to vector<1x10000x64xf32>
    %squeeze3A = vector.shape_cast %slice3A : vector<1x10000x64xf32> to vector<10000x64xf32>
    %slice3A_3 = vector.extract_strided_slice %get3A_2 {offsets = [1, 0, 0], sizes = [1, 10000, 64], strides = [1, 1, 1]} : vector<2x10240x64xf32> to vector<1x10000x64xf32>
    %squeeze3A_4 = vector.shape_cast %slice3A_3 : vector<1x10000x64xf32> to vector<10000x64xf32>
    %concatenate3A = tpu.concatenate %squeeze3A, %squeeze3A_4 in 1 : vector<10000x64xf32>, vector<10000x64xf32> -> vector<10000x128xf32>
    %get3A_5 = arith.constant 0 : index
    %get3A_6 = arith.constant 0 : index
    %get3A_7 = vector.load %arg2[%get3A_5, %get3A_6] : memref<10000x128xf32, #tpu.memory_space<vmem>>, vector<10000x128xf32>
    %get3A_8 = arith.constant 0 : index
    %get3A_9 = arith.constant 0 : index
    %get3A_10 = vector.load %arg1[%get3A_8, %get3A_9] : memref<10000x128xf32, #tpu.memory_space<vmem>>, vector<10000x128xf32>
    %add3A = arith.addf %concatenate3A, %get3A_10 : vector<10000x128xf32>
    %mul3A = arith.mulf %get3A_7, %add3A : vector<10000x128xf32>
    %get3A_11 = arith.constant 0 : index
    %get3A_12 = arith.constant 0 : index
    %get3A_13 = vector.load %arg3[%get3A_11, %get3A_12] : memref<1x128xf32, #tpu.memory_space<vmem>>, vector<1x128xf32>
    %add3A_14 = vector.broadcast %get3A_13 : vector<1x128xf32> to vector<10000x128xf32>
    %add3A_15 = arith.addf %mul3A, %add3A_14 : vector<10000x128xf32>
    %max3A = arith.constant 0.000000e+00 : f32
    %max3A_16 = vector.broadcast %max3A : f32 to vector<10000x128xf32>
    %max3A_17 = arith.maximumf %add3A_15, %max3A_16 : vector<10000x128xf32>
    %get3A_18 = arith.constant 0 : index
    %get3A_19 = arith.constant 0 : index
    %get3A_20 = vector.load %arg4[%get3A_18, %get3A_19] : memref<128x128xf32, #tpu.memory_space<vmem>>, vector<128x128xf32>
    %dot_general3A = arith.constant dense<0.000000e+00> : vector<10000x128xf32>
    %dot_general3A_21 = tpu.matmul %max3A_17, %get3A_20, %dot_general3A {dimension_numbers = #tpu.dot_dimension_numbers<[1], [0], [0], [1], [0, 0, 1, 1], [], []>, transpose_lhs_hint = false} : vector<10000x128xf32>, vector<128x128xf32>, vector<10000x128xf32> -> vector<10000x128xf32>
    %mul3A_22 = arith.mulf %get3A_7, %dot_general3A_21 : vector<10000x128xf32>
    %swap3A = arith.constant 0 : index
    %swap3A_23 = arith.constant 0 : index
    %swap3A_24 = vector.load %arg5[%swap3A, %swap3A_23] : memref<10000x128xf32, #tpu.memory_space<vmem>>, vector<10000x128xf32>
    tpu.vector_store %arg5[%swap3A, %swap3A_23], %mul3A_22 {strides = array<i32>} : memref<10000x128xf32, #tpu.memory_space<vmem>>, vector<10000x128xf32>,
    %slice3A_25 = vector.extract_strided_slice %mul3A_22 {offsets = [0, 0], sizes = [10000, 64], strides = [1, 1]} : vector<10000x128xf32> to vector<10000x64xf32>
    %swap3A_26 = arith.constant 0 : index
    %swap3A_27 = arith.constant 0 : index
    %swap3A_28 = arith.constant 0 : index
    %swap3A_29 = vector.load %arg6[%swap3A_26, %swap3A_27, %swap3A_28] : memref<2x10240x64xf32, #tpu.memory_space<vmem>>, vector<1x10000x64xf32>
    %swap3A_30 = vector.shape_cast %swap3A_29 : vector<1x10000x64xf32> to vector<10000x64xf32>
    %swap3A_31 = vector.shape_cast %slice3A_25 : vector<10000x64xf32> to vector<1x10000x64xf32>
    tpu.vector_store %arg6[%swap3A_26, %swap3A_27, %swap3A_28], %swap3A_31 {strides = array<i32>} : memref<2x10240x64xf32, #tpu.memory_space<vmem>>, vector<1x10000x64xf32>,
    %slice3A_32 = vector.extract_strided_slice %mul3A_22 {offsets = [0, 64], sizes = [10000, 64], strides = [1, 1]} : vector<10000x128xf32> to vector<10000x64xf32>
    %swap3A_33 = arith.constant 1 : index
    %swap3A_34 = arith.constant 0 : index
    %swap3A_35 = arith.constant 0 : index
    %swap3A_36 = vector.load %arg6[%swap3A_33, %swap3A_34, %swap3A_35] : memref<2x10240x64xf32, #tpu.memory_space<vmem>>, vector<1x10000x64xf32>
    %swap3A_37 = vector.shape_cast %swap3A_36 : vector<1x10000x64xf32> to vector<10000x64xf32>
    %swap3A_38 = vector.shape_cast %slice3A_32 : vector<10000x64xf32> to vector<1x10000x64xf32>
    tpu.vector_store %arg6[%swap3A_33, %swap3A_34, %swap3A_35], %swap3A_38 {strides = array<i32>} : memref<2x10240x64xf32, #tpu.memory_space<vmem>>, vector<1x10000x64xf32>,
    return
  }
}

module attributes {stable_mosaic.version = 14 : i64} {
  func.func @_k3_body(%arg0: memref<2x10240x64xf32, #tpu.memory_space<vmem>>, %arg1: memref<10000x128xf32, #tpu.memory_space<vmem>>, %arg2: memref<10000x128xf32, #tpu.memory_space<vmem>>, %arg3: memref<1x128xf32, #tpu.memory_space<vmem>>, %arg4: memref<1x128xf32, #tpu.memory_space<vmem>>, %arg5: memref<1x128xf32, #tpu.memory_space<vmem>>, %arg6: memref<1x2xf32, #tpu.memory_space<vmem>>, %arg7: memref<1x10000xi32, #tpu.memory_space<vmem>>, %arg8: memref<128x10xf32, #tpu.memory_space<vmem>>, %arg9: memref<1x10xf32, #tpu.memory_space<vmem>>, %arg10: memref<64x10xf32, #tpu.memory_space<vmem>>) attributes {dimension_semantics = [], scalar_prefetch = 0 : i64, scratch_operands = 0 : i64, tpu.core_type = #tpu.core_type<tc>} {
    %get3A = arith.constant 0 : index
    %get3A_0 = arith.constant 0 : index
    %get3A_1 = arith.constant 0 : index
    %get3A_2 = vector.load %arg0[%get3A, %get3A_0, %get3A_1] : memref<2x10240x64xf32, #tpu.memory_space<vmem>>, vector<2x10240x64xf32>
    %slice3A = vector.extract_strided_slice %get3A_2 {offsets = [0, 0, 0], sizes = [1, 10000, 64], strides = [1, 1, 1]} : vector<2x10240x64xf32> to vector<1x10000x64xf32>
    %squeeze3A = vector.shape_cast %slice3A : vector<1x10000x64xf32> to vector<10000x64xf32>
    %slice3A_3 = vector.extract_strided_slice %get3A_2 {offsets = [1, 0, 0], sizes = [1, 10000, 64], strides = [1, 1, 1]} : vector<2x10240x64xf32> to vector<1x10000x64xf32>
    %squeeze3A_4 = vector.shape_cast %slice3A_3 : vector<1x10000x64xf32> to vector<10000x64xf32>
    %concatenate3A = tpu.concatenate %squeeze3A, %squeeze3A_4 in 1 : vector<10000x64xf32>, vector<10000x64xf32> -> vector<10000x128xf32>
    %get3A_5 = arith.constant 0 : index
    %get3A_6 = arith.constant 0 : index
    %get3A_7 = vector.load %arg2[%get3A_5, %get3A_6] : memref<10000x128xf32, #tpu.memory_space<vmem>>, vector<10000x128xf32>
    %get3A_8 = arith.constant 0 : index
    %get3A_9 = arith.constant 0 : index
    %get3A_10 = vector.load %arg1[%get3A_8, %get3A_9] : memref<10000x128xf32, #tpu.memory_space<vmem>>, vector<10000x128xf32>
    %add3A = arith.addf %concatenate3A, %get3A_10 : vector<10000x128xf32>
    %mul3A = arith.mulf %get3A_7, %add3A : vector<10000x128xf32>
    %get3A_11 = arith.constant 0 : index
    %get3A_12 = arith.constant 0 : index
    %get3A_13 = vector.load %arg3[%get3A_11, %get3A_12] : memref<1x128xf32, #tpu.memory_space<vmem>>, vector<1x128xf32>
    %add3A_14 = vector.broadcast %get3A_13 : vector<1x128xf32> to vector<10000x128xf32>
    %add3A_15 = arith.addf %mul3A, %add3A_14 : vector<10000x128xf32>
    %max3A = arith.constant 0.000000e+00 : f32
    %max3A_16 = vector.broadcast %max3A : f32 to vector<10000x128xf32>
    %max3A_17 = arith.maximumf %add3A_15, %max3A_16 : vector<10000x128xf32>
    %get3A_18 = arith.constant 0 : index
    %get3A_19 = arith.constant 0 : index
    %get3A_20 = vector.load %arg4[%get3A_18, %get3A_19] : memref<1x128xf32, #tpu.memory_space<vmem>>, vector<1x128xf32>
    %mul3A_21 = vector.broadcast %get3A_20 : vector<1x128xf32> to vector<10000x128xf32>
    %mul3A_22 = arith.mulf %max3A_17, %mul3A_21 : vector<10000x128xf32>
    %reduce_sum3A = arith.constant dense<0.000000e+00> : vector<10000xf32>
    %reduce_sum3A_23 = vector.multi_reduction <add>, %mul3A_22, %reduce_sum3A [1] : vector<10000x128xf32> to vector<10000xf32>
    %broadcast_in_dim3A = vector.shape_cast %reduce_sum3A_23 : vector<10000xf32> to vector<10000x1xf32>
    %get3A_24 = arith.constant 0 : index
    %get3A_25 = arith.constant 0 : index
    %get3A_26 = vector.load %arg6[%get3A_24, %get3A_25] : memref<1x2xf32, #tpu.memory_space<vmem>>, vector<1x1xf32>
    %get3A_27 = vector.extract %get3A_26[0, 0] : f32 from vector<1x1xf32>
    %add3A_28 = vector.broadcast %get3A_27 : f32 to vector<10000x1xf32>
    %add3A_29 = arith.addf %broadcast_in_dim3A, %add3A_28 : vector<10000x1xf32>
    %get3A_30 = arith.constant 0 : index
    %get3A_31 = arith.constant 0 : index
    %get3A_32 = vector.load %arg5[%get3A_30, %get3A_31] : memref<1x128xf32, #tpu.memory_space<vmem>>, vector<1x128xf32>
    %mul3A_33 = vector.broadcast %get3A_32 : vector<1x128xf32> to vector<10000x128xf32>
    %mul3A_34 = arith.mulf %max3A_17, %mul3A_33 : vector<10000x128xf32>
    %reduce_sum3A_35 = arith.constant dense<0.000000e+00> : vector<10000xf32>
    %reduce_sum3A_36 = vector.multi_reduction <add>, %mul3A_34, %reduce_sum3A_35 [1] : vector<10000x128xf32> to vector<10000xf32>
    %broadcast_in_dim3A_37 = vector.shape_cast %reduce_sum3A_36 : vector<10000xf32> to vector<10000x1xf32>
    %get3A_38 = arith.constant 0 : index
    %get3A_39 = arith.constant 1 : index
    %get3A_40 = vector.load %arg6[%get3A_38, %get3A_39] : memref<1x2xf32, #tpu.memory_space<vmem>>, vector<1x1xf32>
    %get3A_41 = vector.extract %get3A_40[0, 0] : f32 from vector<1x1xf32>
    %add3A_42 = vector.broadcast %get3A_41 : f32 to vector<10000x1xf32>
    %add3A_43 = arith.addf %broadcast_in_dim3A_37, %add3A_42 : vector<10000x1xf32>
    %logistic3A = arith.negf %add3A_43 : vector<10000x1xf32>
    %logistic3A_44 = math.exp %logistic3A : vector<10000x1xf32>
    %logistic3A_45 = arith.constant 1.000000e+00 : f32
    %logistic3A_46 = vector.broadcast %logistic3A_45 : f32 to vector<10000x1xf32>
    %logistic3A_47 = arith.addf %logistic3A_46, %logistic3A_44 : vector<10000x1xf32>
    %logistic3A_48 = arith.divf %logistic3A_46, %logistic3A_47 : vector<10000x1xf32>
    %mul3A_49 = arith.mulf %add3A_29, %logistic3A_48 : vector<10000x1xf32>
    %mul3A_50 = vector.broadcast %mul3A_49 : vector<10000x1xf32> to vector<10000x128xf32>
    %mul3A_51 = arith.mulf %max3A_17, %mul3A_50 : vector<10000x128xf32>
    %iota3A = tpu.iota {dimensions = array<i32: 0>} : vector<64x10000xi32>
    %get3A_52 = arith.constant 0 : index
    %get3A_53 = arith.constant 0 : index
    %get3A_54 = vector.load %arg7[%get3A_52, %get3A_53] : memref<1x10000xi32, #tpu.memory_space<vmem>>, vector<1x10000xi32>
    %eq3A = vector.broadcast %get3A_54 : vector<1x10000xi32> to vector<64x10000xi32>
    %eq3A_55 = arith.cmpi eq, %eq3A, %iota3A : vector<64x10000xi32>
    %convert_element_type3A = arith.extui %eq3A_55 : vector<64x10000xi1> to vector<64x10000xi32>
    %convert_element_type3A_56 = arith.sitofp %convert_element_type3A : vector<64x10000xi32> to vector<64x10000xf32>
    %dot_general3A = arith.constant dense<0.000000e+00> : vector<64x128xf32>
    %dot_general3A_57 = tpu.matmul %convert_element_type3A_56, %mul3A_51, %dot_general3A {dimension_numbers = #tpu.dot_dimension_numbers<[1], [0], [0], [1], [0, 0, 1, 1], [], []>, transpose_lhs_hint = false} : vector<64x10000xf32>, vector<10000x128xf32>, vector<64x128xf32> -> vector<64x128xf32>
    %get3A_58 = arith.constant 0 : index
    %get3A_59 = arith.constant 0 : index
    %get3A_60 = vector.load %arg8[%get3A_58, %get3A_59] : memref<128x10xf32, #tpu.memory_space<vmem>>, vector<128x10xf32>
    %dot_general3A_61 = arith.constant dense<0.000000e+00> : vector<64x10xf32>
    %dot_general3A_62 = tpu.matmul %dot_general3A_57, %get3A_60, %dot_general3A_61 {dimension_numbers = #tpu.dot_dimension_numbers<[1], [0], [0], [1], [0, 0, 1, 1], [], []>, transpose_lhs_hint = false} : vector<64x128xf32>, vector<128x10xf32>, vector<64x10xf32> -> vector<64x10xf32>
    %get3A_63 = arith.constant 0 : index
    %get3A_64 = arith.constant 0 : index
    %get3A_65 = vector.load %arg9[%get3A_63, %get3A_64] : memref<1x10xf32, #tpu.memory_space<vmem>>, vector<1x10xf32>
    %add3A_66 = vector.broadcast %get3A_65 : vector<1x10xf32> to vector<64x10xf32>
    %add3A_67 = arith.addf %dot_general3A_62, %add3A_66 : vector<64x10xf32>
    %swap3A = arith.constant 0 : index
    %swap3A_68 = arith.constant 0 : index
    %swap3A_69 = vector.load %arg10[%swap3A, %swap3A_68] : memref<64x10xf32, #tpu.memory_space<vmem>>, vector<64x10xf32>
    tpu.vector_store %arg10[%swap3A, %swap3A_68], %add3A_67 {strides = array<i32>} : memref<64x10xf32, #tpu.memory_space<vmem>>, vector<64x10xf32>,
    return
  }
}

</mosaic_0001>

<sc_bundles>
// kernel: kernel.11.cloned.1.call-start
scs
__scs_entry_jumppad:
0x0: {  	(pc) =	sbr.rel $0x88, $3  }
0x1: {  	(tag) =	ssettag $0x0;
	lr =	simm.s32 $0x1  }
0x2: {  	[smem:$0x3F94] =	sst lr;
	_ =	strace $0xD0000000  }
0x3: {  	_ = 	snop  }
0x4: {  	_ = 	snop  }
0x5: {  	_ = 	snop  }
0x6: {  	_ = 	snop  }
0x7: {  	_ = 	snop  }
__scs_overlays_trampoline_lowered:
0x8: {  	[smem:$0x3FA3] =	sst s0  }
0x9: {  	[smem:$0x3FA4] =	sst s1  }
0xa: {  	[smem:$0x3FA5] =	sst s2  }
0xb: {  	[smem:$0x3FA6] =	sst s3  }
0xc: {  	[smem:$0x3FA7] =	sst s4  }
0xd: {  	[smem:$0x3FA8] =	sst s5  }
0xe: {  	[smem:$0x3FA9] =	sst s6  }
0xf: {  	[smem:$0x3FAA] =	sst s7  }
0x10: {  	[smem:$0x3FAB] =	sst s8  }
0x11: {  	[smem:$0x3FAC] =	sst s9;
	s0 =	simm.s32 @!p0 $0x0  }
0x12: {  	s1 =	sld [smem:$0x3F92];
	s0 =	simm.s32 @p0 $0x1  }
0x13: {  	[smem:$0x3FAD] =	sst s0;
	s0 =	simm.s32 @!p1 $0x0  }
0x14: {  	s2 =	sld [smem:$0x3F91];
	s0 =	simm.s32 @p1 $0x1  }
0x15: {  	[smem:$0x3FAE] =	sst s0;
	s0 =	simm.s32 @!p2 $0x0  }
0x16: {  	s3 =	sld [smem:$0x3FDB];
	s0 =	simm.s32 @p2 $0x1  }
0x17: {  	s4 =	simm.s32 $0x1BF5;
	[smem:$0x3FB0] =	sst s0  }
0x18: {  	s0 =	sld [smem:$0x3F93];
	_ =	swait.ge [sflag:s4], $0x0  }
0x19: {  	s7 =	sld [smem:$0x3F94]  }
0x1a: {  	s8 =	sadd.s32 $0xFFFFE003, lr  }
0x1b: {  	s9 =	sadd.s32 $0xFFFFFEF7, lr;
	s5 =	simm.s32 $0xFFFFFFFF;
	p2 =	slt.u32 s8, $0xFFFFF086  }
0x1c: {  	p1 =	slt.u32 s9, $0xF7A;
	s5 =	simm.s32 @!p2 $0x0  }
0x1d: {  	s5 =	simm.s32 @p1 $0x1;
	p0 =	seq.s32 s7, s2  }
0x1e: {  	s7 =	smul.u32 @!p0 $0xF7A, s2;
	p2 =	seq.s32 @!p0 s5, $0x0  }
0x1f: {  	s9 =	smul.u32 $0xF7A, s1;
	s8 =	simm.s32 @!p0 $0x1BF5;
	p2 =	por !p2, p0  }
0x20: {  	[sflag:s8] =	ssyncset.s32 @!p0 $0xFFFFF086;
	s6 =	sadd.s32 @!p0 s3, s7;
	s7 =	simm.s32 @!p0 $0x108  }
0x21: {  	s3 =	sadd.s32 s3, s9;
	s6 =	sadd.s32 @!p0 $0x88, s6;
	s7 =	simm.s32 @p2 $0x1082  }
0x22: {  	[simem:s7], [sflag:s8] =	dma.local @!p0 [hbm:s6], $0xF7A  }
0x23: {  	s9 =	sor.u32 $0xD0000000, s2;
	s6 =	simm.s32 $0x108;
	_ =	swait.ge @!p0 [sflag:s8], $0x0  }
0x24: {  	s3 =	sadd.s32 $0x88, s3;
	s6 =	simm.s32 @!p1 $0x1082;
	[sflag:s4] =	ssyncset.s32 $0xFFFFF086  }
0x25: {  	[simem:s6], [sflag:s4] =	dma.local [hbm:s3], $0xF7A  }
0x26: {  	[smem:$0x3F94] =	sst s1;
	(tag) =	ssettag s2;
	_ =	strace s9  }
0x27: {  	s1 =	sld [smem:$0x3FA4]  }
0x28: {  	s2 =	sld [smem:$0x3FA5]  }
0x29: {  	s4 =	sld [smem:$0x3FA7]  }
0x2a: {  	p0 =	seq.s32 s5, $0x0;
	s5 =	sld [smem:$0x3FA8]  }
0x2b: {  	s6 =	sld [smem:$0x3FA9]  }
0x2c: {  	s7 =	sld [smem:$0x3FAA]  }
0x2d: {  	s3 =	simm.s32 $0x108;
	s8 =	sld [smem:$0x3FAB]  }
0x2e: {  	s3 =	simm.s32 @!p0 $0x1082;
	s9 =	sld [smem:$0x3FAC]  }
0x2f: {  	lr =	sadd.s32 s0, s3;
	s0 =	sld [smem:$0x3FA3]  }
0x30: {  	s3 =	sld [smem:$0x3FA6]  }
0x31: {  	[smem:$0x3FAF] =	sst s10  }
0x32: {  	s10 =	sld [smem:$0x3FAD];
	_ =	sdelay $0x3  }
0x33: {  	p0 =	seq.s32 s10, $0x1;
	s10 =	sld [smem:$0x3FAF];
	_ =	sdelay $0x3  }
0x34: {  	[smem:$0x3FAF] =	sst s10  }
0x35: {  	s10 =	sld [smem:$0x3FAE];
	_ =	sdelay $0x3  }
0x36: {  	p1 =	seq.s32 s10, $0x1;
	s10 =	sld [smem:$0x3FAF];
	_ =	sdelay $0x3  }
0x37: {  	[smem:$0x3FAF] =	sst s10  }
0x38: {  	s10 =	sld [smem:$0x3FB0]  }
0x39: {  	_ = 	snop;
	(pc) =	sbr.ind lr, $3  }
0x3a: {  	_ = 	snop  }
0x3b: {  	_ = 	snop  }
0x3c: {  	p2 =	seq.s32 s10, $0x1;
	s10 =	sld [smem:$0x3FAF]  }
0x3d: {  	_ =	shalt  }
0x3e: {  	_ =	shalt  }
0x3f: {  	_ =	shalt  }
0x40: {  	_ =	shalt  }
0x41: {  	_ =	shalt  }
0x42: {  	_ =	shalt  }
0x43: {  	_ =	shalt  }
0x44: {  	_ =	shalt  }
0x45: {  	_ =	shalt  }
0x46: {  	_ =	shalt  }
0x47: {  	_ =	shalt  }
0x48: {  	_ =	shalt  }
0x49: {  	_ =	shalt  }
0x4a: {  	_ =	shalt  }
0x4b: {  	_ =	shalt  }
0x4c: {  	_ =	shalt  }
0x4d: {  	_ =	shalt  }
0x4e: {  	_ =	shalt  }
0x4f: {  	_ =	shalt  }
0x50: {  	_ =	shalt  }
0x51: {  	_ =	shalt  }
0x52: {  	_ =	shalt  }
0x53: {  	_ =	shalt  }
0x54: {  	_ =	shalt  }
0x55: {  	_ =	shalt  }
0x56: {  	_ =	shalt  }
0x57: {  	_ =	shalt  }
0x58: {  	_ =	shalt  }
0x59: {  	_ =	shalt  }
0x5a: {  	_ =	shalt  }
0x5b: {  	_ =	shalt  }
0x5c: {  	_ =	shalt  }
0x5d: {  	_ =	shalt  }
0x5e: {  	_ =	shalt  }
0x5f: {  	_ =	shalt  }
0x60: {  	_ =	shalt  }
0x61: {  	_ =	shalt  }
0x62: {  	_ =	shalt  }
0x63: {  	_ =	shalt  }
0x64: {  	_ =	shalt  }
0x65: {  	_ =	shalt  }
0x66: {  	_ =	shalt  }
0x67: {  	_ =	shalt  }
0x68: {  	_ =	shalt  }
0x69: {  	_ =	shalt  }
0x6a: {  	_ =	shalt  }
0x6b: {  	_ =	shalt  }
0x6c: {  	_ =	shalt  }
0x6d: {  	_ =	shalt  }
0x6e: {  	_ =	shalt  }
0x6f: {  	_ =	shalt  }
0x70: {  	_ =	shalt  }
0x71: {  	_ =	shalt  }
0x72: {  	_ =	shalt  }
0x73: {  	_ =	shalt  }
0x74: {  	_ =	shalt  }
0x75: {  	_ =	shalt  }
0x76: {  	_ =	shalt  }
0x77: {  	_ =	shalt  }
0x78: {  	_ =	shalt  }
0x79: {  	_ =	shalt  }
0x7a: {  	_ =	shalt  }
0x7b: {  	_ =	shalt  }
0x7c: {  	_ =	shalt  }
0x7d: {  	_ =	shalt  }
0x7e: {  	_ =	shalt  }
0x7f: {  	_ =	shalt  }
0x80: {  	_ =	shalt  }
0x81: {  	_ =	shalt  }
0x82: {  	_ =	shalt  }
0x83: {  	_ =	shalt  }
0x84: {  	_ =	shalt  }
0x85: {  	_ =	shalt  }
0x86: {  	_ =	shalt  }
0x87: {  	_ =	shalt  }
.Lfunc_end0:
.L_simem_size_0:
called_computation.1_lowered:
.L_overlay_start_0:
0x88: {  	s2 =	sld [smem:$0x3FD9]  }
0x89: {  	s3 =	sld [smem:$0x3FFE];
	_ =	sdelay $0x1  }
0x8a: {  	s1 =	srdreg.scid  }
0x8b: {  	s0 =	sand.u32 $0x1, s1  }
0x8c: {  	s16 =	sshll.u32 s0, $0xA;
	s2 =	sadd.s32 s3, s2  }
0x8d: {  	s2 =	sadd.s32 s2, s16  }
0x8e: {  	[smem:$0x3FBB] =	sst s2  }
0x8f: {  	_ = 	snop  }
0x90: {  	(tm) =	ssettm $0x1  }
0x91: {  	s17 =	sld [smem:$0x3FFB];
	_ =	sdelay $0x3  }
0x92: {  	_ =	strace s17  }
0x93: {  	s2 =	sld [smem:$0x3FFC];
	_ =	sdelay $0x3  }
0x94: {  	_ =	strace s2  }
0x95: {  	s2 =	sld [smem:$0x3FFD];
	_ =	sdelay $0x3  }
0x96: {  	_ =	strace s2  }
0x97: {  	_ =	strace $0x8FFFFFFF  }
0x98: {  	s18 =	sld [smem:$0x3FDB];
	_ =	sdelay $0x1  }
0x99: {  	s19 =	simm.s32 $_scs_section_size  }
0x9a: {  	s4 =	simm.s32 $_size__tile_overlayer_lowered;
	s5 =	simm.s32 $_tile_overlayer_lowered  }
0x9b: {  	s22 =	simm.s32 $0x1BFF;
	s21 =	sshll.u32 s5, $0x1;
	s2 =	sadd.s32 s19, s18  }
0x9c: {  	s6 =	simm.s32 $0x0;
	s20 =	sshll.u32 s4, $0x1;
	s4 =	sadd.s32 s21, s2  }
0x9d: {  	[timem:s6], [sflag:s22] =	dma.local [hbm:s4], s20  }
0x9e: {  	_ =	swait.ge [sflag:s22], s20  }
0x9f: {  	s3 =	ssub.s32 $0x0, s20;
	[sflag:s22] =	ssyncset.done $0x0  }
0xa0: {  	[sflag:s22] =	ssyncadd.s32 s3;
	_ =	sdelay $0x1  }
0xa1: {  	s23 =	simm.s32 $0x1B8B  }
0xa2: {  	_ =	swait.ge [sflag:s23], $0x1  }
0xa3: {  	[sflag:s23] =	ssyncset.done $0x0  }
0xa4: {  	s25 =	simm.s32 $0x1B8E;
	s24 =	sld [smem:$0x3FFE];
	[sflag:s23] =	ssyncadd.s32 $0xFFFFFFFF  }
0xa5: {  	s26 =	simm.s32 $execute0_lowered;
	[smem:$0x3FD2] =	sst s25  }
0xa6: {  	s4 =	sshll.u32 s26, $0x1;
	_ =	strace $0x80000049;
	[dreg:$0x1] =	wrdreg $0xFFFFFFFF  }
0xa7: {  	s28 =	simm.s32 $_size_execute0_lowered;
	s2 =	sadd.s32 s2, s4;
	[dreg:$0x0] =	wrdreg $0x0  }
0xa8: {  	s4 =	sshll.u32 s28, $0x1;
	[dreg:$0x2] =	wrdreg s2  }
0xa9: {  	[dreg:$0x3] =	wrdreg s4  }
0xaa: {  	[dreg:$0x4] =	wrdreg $0xC0  }
0xab: {  	_ =	task [dreg:s6], $0x5FFFF  }
0xac: {  	[dreg:$0x1] =	wrdreg $0xFFFFFFFF  }
0xad: {  	[dreg:$0x0] =	wrdreg $0x60  }
0xae: {  	[dreg:$0x2] =	wrdreg s24  }
0xaf: {  	[dreg:$0x3] =	wrdreg $0xB0000  }
0xb0: {  	[dreg:$0x4] =	wrdreg $0x150000  }
0xb1: {  	[dreg:$0x5] =	wrdreg $0x9  }
0xb2: {  	_ =	task.clear_ibuf [dreg:s6], $0x6FFFF;
	_ =	strace $0x90000049  }
0xb3: {  	s29 =	simm.s32 $0x9;
	_ =	strace $0x8000004B  }
0xb4: {  	_ =	swait.ge [sflag:s29], $0x1  }
0xb5: {  	[sflag:s29] =	ssyncadd.s32 $0xFFFFFFFF  }
0xb6: {  	_ =	strace $0x9000004B  }
0xb7: {  	_ =	sfence  }
0xb8: {  	s30 =	sld [smem:$0x0];
	_ =	sdelay $0x2  }
0xb9: {  	s31 =	sshll.u32 s1, $0xD;
	s1 =	sshrl.u32 s1, $0x2  }
0xba: {  	s3 =	sand.u32 $0x4000, s31;
	s1 =	sadd.s32 s1, s30  }
0xbb: {  	s0 =	sor.u32 s3, s0;
	s1 =	sshll.u32 s1, $0x11  }
0xbc: {  	s0 =	sor.u32 s1, s0  }
0xbd: {  	s0 =	sadd.s32 $0x8F2B, s0  }
0xbe: {  	[sflag:s0] =	ssyncadd.remote.s32 $0x1  }
0xbf: {  	_ =	sfence.sel $0xFFFF  }
0xc0: {  	[dreg:$0x0] =	wrdreg $0xFFFFFFFF;
	(pc) =	sbr.abs _section_cstart, $3  }
0xc1: {  	[dreg:$0x1] =	wrdreg $0xFFFFFFFF  }
0xc2: {  	_ =	task.clear_ibuf [dreg:s6], $0x2FFFF;
	_ =	strace $0x9FFFFFFF  }
0xc3: {  	(tm) =	ssettm $0x7FFFFFFF  }
tec
execute0_lowered:
.L_overlay_start_1:
0x0: {  	(tag) =	ssettag $0x1  }
0x1: {  	s0 =	rddreg [dreg:$0x0]  }
0x2: {  	s1 =	rddreg [dreg:$0x1]  }
0x3: {  	s2 =	rddreg [dreg:$0x2];
	s3 =	simm.s32 $0x0  }
0x4: {  	s4 =	srdreg.scid;
	s19 =	stileid.u32;
	s31 =	simm.s32 $0x5000  }
0x5: {  	[smem:$0x7FF] =	sst s3;
	s5 =	sadd.s32 $0x70400, s0;
	s8 =	smul.u32 $0xA000, s19  }
0x6: {  	s4 =	sand.u32 $0x1, s4;
	s6 =	sadd.s32 $0x66400, s0;
	s16 =	smul.u32 $0x5000, s19  }
0x7: {  	s9 =	sadd.s32 $0x5C400, s0;
	s0 =	sadd.s32 $0x2400, s0;
	s19 =	smul.u32 $0xA00, s19  }
0x8: {  	_ =	strace $0x8000004A;
	s7 =	ssub.s32 $0x2, s4;
	s4 =	smul.u32 $0xA0000, s4  }
0x9: {  	s10 =	sshrl.u32 s7, $0x1;
	s13 =	sadd.s32 $0x4000, s8;
	s18 =	sadd.s32 $0x8000, s8  }
0xa: {  	s16 =	sshrl.u32 s16, $0x3;
	s20 =	sadd.s32 s6, s19;
	s19 =	sadd.s32 s9, s19  }
0xb: {  	s23 =	sadd.s32 s8, s1;
	s7 =	ssub.s32 s7, s10;
	[dreg:$0x7] =	wrdreg s20  }
0xc: {  	s10 =	sadd.s32 $0x2000, s8;
	s11 =	sadd.s32 s8, s4;
	[dreg:$0x8] =	wrdreg s19  }
0xd: {  	s14 =	sadd.s32 s4, s13;
	s16 =	sadd.s32 $0x500, s16;
	[dreg:$0x12] =	wrdreg s23  }
0xe: {  	s28 =	sadd.s32 s18, s1;
	s29 =	sadd.s32 s18, s2;
	s12 =	sadd.s32 s4, s10  }
0xf: {  	s11 =	sshrl.u32 s11, $0x3;
	s14 =	sshrl.u32 s14, $0x3;
	s6 =	sadd.s32 s6, s16  }
0x10: {  	s9 =	sadd.s32 s9, s16;
	s24 =	sadd.s32 s10, s1;
	s30 =	smax.u32 s7, $0x1  }
0x11: {  	s7 =	simm.s32 $0x100;
	s12 =	sshrl.u32 s12, $0x3;
	[dreg:$0x9] =	wrdreg s6  }
0x12: {  	s15 =	sadd.s32 s5, s11;
	s26 =	sadd.s32 s5, s14;
	[dreg:$0xa] =	wrdreg s9  }
0x13: {  	s19 =	sadd.s32 s0, s11;
	s21 =	sadd.s32 s0, s14;
	[dreg:$0x13] =	wrdreg s24  }
0x14: {  	s24 =	sadd.s32 s13, s2;
	s6 =	simm.s32 $0x80;
	[dreg:$0x4] =	wrdreg s15  }
0x15: {  	s9 =	simm.s32 $0x1;
	s11 =	simm.s32 $0x3;
	[dreg:$0x6] =	wrdreg s26  }
0x16: {  	s14 =	simm.s32 $0x4E80;
	s25 =	sadd.s32 s5, s12;
	[dreg:$0xd] =	wrdreg s19  }
0x17: {  	s15 =	sadd.s32 $0x6000, s8;
	s20 =	sadd.s32 s0, s12;
	[dreg:$0xf] =	wrdreg s21  }
0x18: {  	s12 =	simm.s32 $0x4D80;
	s19 =	simm.s32 $0x0;
	[dreg:$0x5] =	wrdreg s25  }
0x19: {  	s17 =	sadd.s32 s4, s15;
	s4 =	sadd.s32 s4, s18;
	[dreg:$0xe] =	wrdreg s20  }
0x1a: {  	s20 =	sadd.s32 s8, s2;
	s25 =	sadd.s32 s13, s1;
	s26 =	sadd.s32 s15, s1  }
0x1b: {  	s8 =	simm.s32 $0x9000;
	s13 =	simm.s32 $0x4E00;
	s18 =	simm.s32 $0x4F80  }
0x1c: {  	s17 =	sshrl.u32 s17, $0x3;
	s4 =	sshrl.u32 s4, $0x3;
	[dreg:$0x14] =	wrdreg s25  }
0x1d: {  	[dreg:$0x15] =	wrdreg s26;
	s26 =	sadd.s32 s15, s2;
	s16 =	sadd.s32 s5, s17  }
0x1e: {  	s15 =	simm.s32 $0x2700;
	s5 =	sadd.s32 s5, s4;
	[dreg:$0xb] =	wrdreg s16  }
0x1f: {  	s22 =	sadd.s32 s0, s17;
	s0 =	sadd.s32 s0, s4;
	[dreg:$0xc] =	wrdreg s5  }
0x20: {  	s4 =	simm.s32 $0x7000;
	s17 =	simm.s32 $0x2780;
	[dreg:$0x10] =	wrdreg s22  }
0x21: {  	[dreg:$0x11] =	wrdreg s0;
	s22 =	sadd.s32 s10, s2;
	s0 =	simm.s32 $0x4  }
0x22: {  	v0 =	vimm.f32 $0.0e+00;
	s5 =	simm.s32 $0x2800;
	s10 =	simm.s32 $0x2;
	s16 =	simm.s32 $0x4F00  }
.LBB2_1:
0x23: {  	s23 =	simm.s32 $0x100;
	s21 =	simm.s32 $0x0  }
.LBB2_2:
0x24: {  	p0 =	sne.s32 s23, $0x7F00;
	[tilespmem:s21+$0x7030] =	vst v0;
	s25 =	smov.u32 s23;
	s23 =	sadd.s32 $0x100, s23  }
.Ltmp0:
0x25: {  	[tilespmem:s21+$0x7020] =	vst v0;
	(pc) =	sbr.rel @p0 .LBB2_2-.Ltmp0, $3  }
0x26: {  	[tilespmem:s21+$0x7000] =	vst v0  }
0x27: {  	[tilespmem:s21+$0x7010] =	vst v0;
	_ =	sdelay $0x1  }
0x28: {  	s21 =	sshra.s32 s25, $0x2  }
0x29: {  	[tilespmem:s21+$0x7030] =	vst v0  }
0x2a: {  	[tilespmem:s21+$0x7020] =	vst v0  }
0x2b: {  	[tilespmem:s21+$0x7000] =	vst v0  }
0x2c: {  	[tilespmem:s21+$0x7010] =	vst v0;
	s21 =	simm.s32 $0x0;
	s23 =	rddreg [dreg:$0x4]  }
0x2d: {  	[tilespmem:s31], [sflag:$0x4] =	stream.linear.gather [hbm4b:s23+s21], $0x2000, $0x38;
	[tilespmem:$0x1F000] =	vst v63  }
0x2e: {  	_ =	swait.ge [sflag:s0], $0x2000  }
0x2f: {  	[sflag:s0] =	ssyncset.done $0x0  }
0x30: {  	s25 =	rddreg [dreg:$0x12];
	[sflag:s0] =	ssyncadd.s32 $0xFFFFE000  }
0x31: {  	[spmem:s25] =	stream.linear.scatter [tilespmem:s31], [sflag:$0x4], $0x2000, $0x38;
	[tilespmem:$0x1F000] =	vst v63  }
0x32: {  	_ =	swait.ge [sflag:s0], $0x2000  }
0x33: {  	[sflag:s0] =	ssyncset.done $0x0  }
0x34: {  	[sflag:s0] =	ssyncadd.s32 $0xFFFFE000  }
0x35: {  	[spmem:s20] =	stream.linear.scatter [tilespmem:s4], [sflag:$0x4], $0x2000, $0x38;
	[tilespmem:$0x1F000] =	vst v63  }
0x36: {  	_ =	swait.ge [sflag:s0], $0x2000  }
0x37: {  	[sflag:s0] =	ssyncset.done $0x0  }
0x38: {  	s25 =	rddreg [dreg:$0x5];
	[sflag:s0] =	ssyncadd.s32 $0xFFFFE000  }
0x39: {  	[tilespmem:s31], [sflag:$0x4] =	stream.linear.gather [hbm4b:s25+s21], $0x2000, $0x38;
	[tilespmem:$0x1F000] =	vst v63  }
0x3a: {  	_ =	swait.ge [sflag:s0], $0x2000  }
0x3b: {  	[sflag:s0] =	ssyncset.done $0x0  }
0x3c: {  	s25 =	rddreg [dreg:$0x13];
	[sflag:s0] =	ssyncadd.s32 $0xFFFFE000  }
0x3d: {  	[spmem:s25] =	stream.linear.scatter [tilespmem:s31], [sflag:$0x4], $0x2000, $0x38;
	[tilespmem:$0x1F000] =	vst v63  }
0x3e: {  	_ =	swait.ge [sflag:s0], $0x2000  }
0x3f: {  	[sflag:s0] =	ssyncset.done $0x0  }
0x40: {  	[sflag:s0] =	ssyncadd.s32 $0xFFFFE000  }
0x41: {  	[spmem:s22] =	stream.linear.scatter [tilespmem:s4], [sflag:$0x4], $0x2000, $0x38;
	[tilespmem:$0x1F000] =	vst v63  }
0x42: {  	_ =	swait.ge [sflag:s0], $0x2000  }
0x43: {  	[sflag:s0] =	ssyncset.done $0x0  }
0x44: {  	s25 =	rddreg [dreg:$0x6];
	[sflag:s0] =	ssyncadd.s32 $0xFFFFE000  }
0x45: {  	[tilespmem:s31], [sflag:$0x4] =	stream.linear.gather [hbm4b:s25+s21], $0x2000, $0x38;
	[tilespmem:$0x1F000] =	vst v63  }
0x46: {  	_ =	swait.ge [sflag:s0], $0x2000  }
0x47: {  	[sflag:s0] =	ssyncset.done $0x0  }
0x48: {  	s25 =	rddreg [dreg:$0x14];
	[sflag:s0] =	ssyncadd.s32 $0xFFFFE000  }
0x49: {  	[spmem:s25] =	stream.linear.scatter [tilespmem:s31], [sflag:$0x4], $0x2000, $0x38;
	[tilespmem:$0x1F000] =	vst v63  }
0x4a: {  	_ =	swait.ge [sflag:s0], $0x2000  }
0x4b: {  	[sflag:s0] =	ssyncset.done $0x0  }
0x4c: {  	[sflag:s0] =	ssyncadd.s32 $0xFFFFE000  }
0x4d: {  	[spmem:s24] =	stream.linear.scatter [tilespmem:s4], [sflag:$0x4], $0x2000, $0x38;
	[tilespmem:$0x1F000] =	vst v63  }
0x4e: {  	_ =	swait.ge [sflag:s0], $0x2000  }
0x4f: {  	[sflag:s0] =	ssyncset.done $0x0  }
0x50: {  	s25 =	rddreg [dreg:$0xb];
	[sflag:s0] =	ssyncadd.s32 $0xFFFFE000  }
0x51: {  	[tilespmem:s31], [sflag:$0x4] =	stream.linear.gather [hbm4b:s25+s21], $0x2000, $0x38;
	[tilespmem:$0x1F000] =	vst v63  }
0x52: {  	_ =	swait.ge [sflag:s0], $0x2000  }
0x53: {  	[sflag:s0] =	ssyncset.done $0x0  }
0x54: {  	s25 =	rddreg [dreg:$0x15];
	[sflag:s0] =	ssyncadd.s32 $0xFFFFE000  }
0x55: {  	[spmem:s25] =	stream.linear.scatter [tilespmem:s31], [sflag:$0x4], $0x2000, $0x38;
	[tilespmem:$0x1F000] =	vst v63  }
0x56: {  	_ =	swait.ge [sflag:s0], $0x2000  }
0x57: {  	[sflag:s0] =	ssyncset.done $0x0  }
0x58: {  	[sflag:s0] =	ssyncadd.s32 $0xFFFFE000  }
0x59: {  	[spmem:s26] =	stream.linear.scatter [tilespmem:s4], [sflag:$0x4], $0x2000, $0x38;
	[tilespmem:$0x1F000] =	vst v63  }
0x5a: {  	_ =	swait.ge [sflag:s0], $0x2000  }
0x5b: {  	[sflag:s0] =	ssyncset.done $0x0  }
0x5c: {  	s25 =	rddreg [dreg:$0xc];
	[sflag:s0] =	ssyncadd.s32 $0xFFFFE000  }
0x5d: {  	[tilespmem:s31], [sflag:$0x4] =	stream.linear.gather [hbm4b:s25+s21], $0x2000, $0x38;
	[tilespmem:$0x1F000] =	vst v63  }
0x5e: {  	_ =	swait.ge [sflag:s0], $0x2000  }
0x5f: {  	[sflag:s0] =	ssyncset.done $0x0  }
0x60: {  	[sflag:s0] =	ssyncadd.s32 $0xFFFFE000  }
0x61: {  	[spmem:s28] =	stream.linear.scatter [tilespmem:s31], [sflag:$0x4], $0x2000, $0x38;
	[tilespmem:$0x1F000] =	vst v63  }
0x62: {  	_ =	swait.ge [sflag:s0], $0x2000  }
0x63: {  	[sflag:s0] =	ssyncset.done $0x0  }
0x64: {  	[sflag:s0] =	ssyncadd.s32 $0xFFFFE000  }
0x65: {  	[spmem:s29] =	stream.linear.scatter [tilespmem:s4], [sflag:$0x4], $0x2000, $0x38;
	[tilespmem:$0x1F000] =	vst v63  }
0x66: {  	_ =	swait.ge [sflag:s0], $0x2000  }
0x67: {  	[sflag:s0] =	ssyncset.done $0x0  }
0x68: {  	[sflag:s0] =	ssyncadd.s32 $0xFFFFE000  }
0x69: {  	[bflag:$0x0] =	sbarrier.arrive $0xFFFF  }
0x6a: {  	s25 =	rddreg [dreg:$0x7]  }
0x6b: {  	[tilespmem:s21], [sflag:$0x4] =	stream.linear.gather [hbm4b:s25+s21], $0x2800, $0x38;
	[tilespmem:$0x1F000] =	vst v63  }
0x6c: {  	_ =	swait.ge [sflag:s0], $0x2800  }
0x6d: {  	[sflag:s0] =	ssyncset.done $0x0  }
0x6e: {  	s25 =	rddreg [dreg:$0x8];
	[sflag:s0] =	ssyncadd.s32 $0xFFFFD800  }
0x6f: {  	[tilespmem:s5], [sflag:$0x4] =	stream.linear.gather [hbm4b:s25+s21], $0x2800, $0x38;
	[tilespmem:$0x1F000] =	vst v63  }
0x70: {  	_ =	swait.ge [sflag:s0], $0x2800  }
0x71: {  	[sflag:s0] =	ssyncset.done $0x0  }
0x72: {  	[sflag:s0] =	ssyncadd.s32 $0xFFFFD800  }
0x73: {  	[tilespmem:s31], [sflag:$0x1] =	stream.indirect.gather [spmem:s1], $0x40, s21, s6, $0xb8;
	[tilespmem:$0x1F000] =	vst v63  }
0x74: {  	_ = 	snop  }
0x75: {  	[tilespmem:s4], [sflag:$0x2] =	stream.indirect.gather [spmem:s1], $0x40, s6, s6, $0xb8;
	[tilespmem:$0x1F000] =	vst v63  }
0x76: {  	_ = 	snop  }
0x77: {  	[tilespmem:s8], [sflag:$0x3] =	stream.indirect.gather [spmem:s1], $0x40, s7, s6, $0xb8;
	[tilespmem:$0x1F000] =	vst v63  }
0x78: {  	_ =	swait.ge [sflag:s9], $0x2000  }
0x79: {  	[sflag:s9] =	ssyncset.done $0x0  }
0x7a: {  	s25 =	simm.s32 $0x2800;
	[sflag:s9] =	ssyncadd.s32 $0xFFFFE000  }
0x7b: {  	[spmem:s2] =	stream.indirect.scatter.add.f32 [tilespmem:s31], [sflag:$0x4], $0x40, s25, s6, $0xb8;
	[tilespmem:$0x1F000] =	vst v63  }
0x7c: {  	_ =	swait.ge [sflag:s0], $0x2000  }
0x7d: {  	[sflag:s0] =	ssyncset.done $0x0  }
0x7e: {  	s23 =	simm.s32 $0x180;
	[sflag:s0] =	ssyncadd.s32 $0xFFFFE000  }
0x7f: {  	[tilespmem:s31], [sflag:$0x1] =	stream.indirect.gather [spmem:s1], $0x40, s23, s6, $0xb8;
	[tilespmem:$0x1F000] =	vst v63  }
0x80: {  	_ =	swait.ge [sflag:s10], $0x2000  }
0x81: {  	[sflag:s10] =	ssyncset.done $0x0  }
0x82: {  	s25 =	simm.s32 $0x2880;
	[sflag:s10] =	ssyncadd.s32 $0xFFFFE000  }
0x83: {  	[spmem:s2] =	stream.indirect.scatter.add.f32 [tilespmem:s4], [sflag:$0x4], $0x40, s25, s6, $0xb8;
	[tilespmem:$0x1F000] =	vst v63  }
0x84: {  	_ =	swait.ge [sflag:s0], $0x2000  }
0x85: {  	[sflag:s0] =	ssyncset.done $0x0  }
0x86: {  	s23 =	simm.s32 $0x200;
	[sflag:s0] =	ssyncadd.s32 $0xFFFFE000  }
0x87: {  	[tilespmem:s4], [sflag:$0x2] =	stream.indirect.gather [spmem:s1], $0x40, s23, s6, $0xb8;
	[tilespmem:$0x1F000] =	vst v63  }
0x88: {  	_ =	swait.ge [sflag:s11], $0x2000  }
0x89: {  	[sflag:s11] =	ssyncset.done $0x0  }
0x8a: {  	s25 =	simm.s32 $0x2900;
	[sflag:s11] =	ssyncadd.s32 $0xFFFFE000  }
0x8b: {  	[spmem:s2] =	stream.indirect.scatter.add.f32 [tilespmem:s8], [sflag:$0x4], $0x40, s25, s6, $0xb8;
	[tilespmem:$0x1F000] =	vst v63  }
0x8c: {  	_ =	swait.ge [sflag:s0], $0x2000  }
0x8d: {  	[sflag:s0] =	ssyncset.done $0x0  }
0x8e: {  	s21 =	simm.s32 $0x600;
	s23 =	simm.s32 $0x280;
	[sflag:s0] =	ssyncadd.s32 $0xFFFFE000  }
.LBB2_4:
0x8f: {  	[tilespmem:s8], [sflag:$0x3] =	stream.indirect.gather [spmem:s1], $0x40, s23, s6, $0xb8;
	[tilespmem:$0x1F000] =	vst v63  }
0x90: {  	s23 =	smov.u32 s21  }
0x91: {  	p0 =	sne.s32 s21, $0x9000;
	s21 =	sadd.s32 $0x600, s21;
	_ =	swait.ge [sflag:s9], $0x2000  }
0x92: {  	s23 =	sshra.s32 s23, $0x2;
	[sflag:s9] =	ssyncset.done $0x0  }
0x93: {  	s25 =	sadd.s32 $0x2800, s23;
	[sflag:s9] =	ssyncadd.s32 $0xFFFFE000  }
0x94: {  	[spmem:s2] =	stream.indirect.scatter.add.f32 [tilespmem:s31], [sflag:$0x4], $0x40, s25, s6, $0xb8;
	[tilespmem:$0x1F000] =	vst v63  }
0x95: {  	_ =	swait.ge [sflag:s0], $0x2000  }
0x96: {  	[sflag:s0] =	ssyncset.done $0x0  }
0x97: {  	s25 =	sadd.s32 $0x180, s23;
	[sflag:s0] =	ssyncadd.s32 $0xFFFFE000  }
0x98: {  	[tilespmem:s31], [sflag:$0x1] =	stream.indirect.gather [spmem:s1], $0x40, s25, s6, $0xb8;
	[tilespmem:$0x1F000] =	vst v63  }
0x99: {  	_ =	swait.ge [sflag:s10], $0x2000  }
0x9a: {  	[sflag:s10] =	ssyncset.done $0x0  }
0x9b: {  	s25 =	sadd.s32 $0x2880, s23;
	[sflag:s10] =	ssyncadd.s32 $0xFFFFE000  }
0x9c: {  	[spmem:s2] =	stream.indirect.scatter.add.f32 [tilespmem:s4], [sflag:$0x4], $0x40, s25, s6, $0xb8;
	[tilespmem:$0x1F000] =	vst v63  }
0x9d: {  	_ =	swait.ge [sflag:s0], $0x2000  }
0x9e: {  	[sflag:s0] =	ssyncset.done $0x0  }
0x9f: {  	s25 =	sadd.s32 $0x200, s23;
	[sflag:s0] =	ssyncadd.s32 $0xFFFFE000  }
0xa0: {  	[tilespmem:s4], [sflag:$0x2] =	stream.indirect.gather [spmem:s1], $0x40, s25, s6, $0xb8;
	[tilespmem:$0x1F000] =	vst v63  }
0xa1: {  	_ =	swait.ge [sflag:s11], $0x2000  }
0xa2: {  	[sflag:s11] =	ssyncset.done $0x0  }
.Ltmp1:
0xa3: {  	s25 =	sadd.s32 $0x2900, s23;
	[sflag:s11] =	ssyncadd.s32 $0xFFFFE000;
	(pc) =	sbr.rel @p0 .LBB2_4-.Ltmp1, $4  }
0xa4: {  	[spmem:s2] =	stream.indirect.scatter.add.f32 [tilespmem:s8], [sflag:$0x4], $0x40, s25, s6, $0xb8;
	[tilespmem:$0x1F000] =	vst v63  }
0xa5: {  	_ =	swait.ge [sflag:s0], $0x2000  }
0xa6: {  	[sflag:s0] =	ssyncset.done $0x0  }
0xa7: {  	s23 =	sadd.s32 $0x280, s23;
	[sflag:s0] =	ssyncadd.s32 $0xFFFFE000  }
0xa8: {  	[tilespmem:s8], [sflag:$0x3] =	stream.indirect.gather [spmem:s1], $0x40, s23, s6, $0xb8;
	[tilespmem:$0x1F000] =	vst v63  }
0xa9: {  	_ =	swait.ge [sflag:s9], $0x2000  }
0xaa: {  	[sflag:s9] =	ssyncset.done $0x0  }
0xab: {  	[sflag:s9] =	ssyncadd.s32 $0xFFFFE000  }
0xac: {  	[spmem:s2] =	stream.indirect.scatter.add.f32 [tilespmem:s31], [sflag:$0x4], $0x40, s12, s6, $0xb8;
	[tilespmem:$0x1F000] =	vst v63  }
0xad: {  	_ =	swait.ge [sflag:s0], $0x2000  }
0xae: {  	[sflag:s0] =	ssyncset.done $0x0  }
0xaf: {  	[sflag:s0] =	ssyncadd.s32 $0xFFFFE000  }
0xb0: {  	_ =	swait.ge [sflag:s10], $0x2000  }
0xb1: {  	[sflag:s10] =	ssyncset.done $0x0  }
0xb2: {  	[sflag:s10] =	ssyncadd.s32 $0xFFFFE000  }
0xb3: {  	[spmem:s2] =	stream.indirect.scatter.add.f32 [tilespmem:s4], [sflag:$0x4], $0x40, s13, s6, $0xb8;
	[tilespmem:$0x1F000] =	vst v63  }
0xb4: {  	_ =	swait.ge [sflag:s0], $0x2000  }
0xb5: {  	[sflag:s0] =	ssyncset.done $0x0  }
0xb6: {  	[sflag:s0] =	ssyncadd.s32 $0xFFFFE000  }
0xb7: {  	_ =	swait.ge [sflag:s11], $0x2000  }
0xb8: {  	[sflag:s11] =	ssyncset.done $0x0  }
0xb9: {  	[sflag:s11] =	ssyncadd.s32 $0xFFFFE000  }
0xba: {  	[spmem:s2] =	stream.indirect.scatter.add.f32 [tilespmem:s8], [sflag:$0x4], $0x40, s14, s6, $0xb8;
	[tilespmem:$0x1F000] =	vst v63  }
0xbb: {  	_ =	swait.ge [sflag:s0], $0x2000  }
0xbc: {  	[sflag:s0] =	ssyncset.done $0x0  }
0xbd: {  	[sflag:s0] =	ssyncadd.s32 $0xFFFFE000  }
0xbe: {  	[tilespmem:s31], [sflag:$0x1] =	stream.indirect.gather [spmem:s1], $0x40, s15, s6, $0xb8;
	[tilespmem:$0x1F000] =	vst v63  }
0xbf: {  	_ =	swait.ge [sflag:s9], $0x2000  }
0xc0: {  	[sflag:s9] =	ssyncset.done $0x0  }
0xc1: {  	[sflag:s9] =	ssyncadd.s32 $0xFFFFE000  }
0xc2: {  	[spmem:s2] =	stream.indirect.scatter.add.f32 [tilespmem:s31], [sflag:$0x4], $0x40, s16, s6, $0xb8;
	[tilespmem:$0x1F000] =	vst v63  }
0xc3: {  	_ =	swait.ge [sflag:s0], $0x2000  }
0xc4: {  	[sflag:s0] =	ssyncset.done $0x0  }
0xc5: {  	[sflag:s0] =	ssyncadd.s32 $0xFFFFE000  }
0xc6: {  	[tilespmem:s31], [sflag:$0x1] =	stream.indirect.gather [spmem:s1], $0x40, s17, s6, $0xb8;
	[tilespmem:$0x1F000] =	vst v63  }
0xc7: {  	_ =	swait.ge [sflag:s9], $0x2000  }
0xc8: {  	[sflag:s9] =	ssyncset.done $0x0  }
0xc9: {  	[sflag:s9] =	ssyncadd.s32 $0xFFFFE000  }
0xca: {  	[spmem:s2] =	stream.indirect.scatter.add.f32 [tilespmem:s31], [sflag:$0x4], $0x40, s18, s6, $0xb8;
	[tilespmem:$0x1F000] =	vst v63  }
0xcb: {  	_ =	swait.ge [sflag:s0], $0x2000  }
0xcc: {  	[sflag:s0] =	ssyncset.done $0x0  }
0xcd: {  	s21 =	simm.s32 $0x0;
	s25 =	rddreg [dreg:$0x9];
	[sflag:s0] =	ssyncadd.s32 $0xFFFFE000  }
0xce: {  	[tilespmem:s21], [sflag:$0x4] =	stream.linear.gather [hbm4b:s25+s21], $0x2800, $0x38;
	[tilespmem:$0x1F000] =	vst v63  }
0xcf: {  	_ =	swait.ge [sflag:s0], $0x2800  }
0xd0: {  	[sflag:s0] =	ssyncset.done $0x0  }
0xd1: {  	s25 =	rddreg [dreg:$0xa];
	[sflag:s0] =	ssyncadd.s32 $0xFFFFD800  }
0xd2: {  	[tilespmem:s5], [sflag:$0x4] =	stream.linear.gather [hbm4b:s25+s21], $0x2800, $0x38;
	[tilespmem:$0x1F000] =	vst v63  }
0xd3: {  	_ =	swait.ge [sflag:s0], $0x2800  }
0xd4: {  	[sflag:s0] =	ssyncset.done $0x0  }
0xd5: {  	[sflag:s0] =	ssyncadd.s32 $0xFFFFD800  }
0xd6: {  	[tilespmem:s31], [sflag:$0x1] =	stream.indirect.gather [spmem:s1], $0x40, s21, s6, $0xb8;
	[tilespmem:$0x1F000] =	vst v63  }
0xd7: {  	_ = 	snop  }
0xd8: {  	[tilespmem:s4], [sflag:$0x2] =	stream.indirect.gather [spmem:s1], $0x40, s6, s6, $0xb8;
	[tilespmem:$0x1F000] =	vst v63  }
0xd9: {  	_ = 	snop  }
0xda: {  	[tilespmem:s8], [sflag:$0x3] =	stream.indirect.gather [spmem:s1], $0x40, s7, s6, $0xb8;
	[tilespmem:$0x1F000] =	vst v63  }
0xdb: {  	_ =	swait.ge [sflag:s9], $0x2000  }
0xdc: {  	[sflag:s9] =	ssyncset.done $0x0  }
0xdd: {  	s25 =	simm.s32 $0x2800;
	[sflag:s9] =	ssyncadd.s32 $0xFFFFE000  }
0xde: {  	[spmem:s2] =	stream.indirect.scatter.add.f32 [tilespmem:s31], [sflag:$0x4], $0x40, s25, s6, $0xb8;
	[tilespmem:$0x1F000] =	vst v63  }
0xdf: {  	_ =	swait.ge [sflag:s0], $0x2000  }
0xe0: {  	[sflag:s0] =	ssyncset.done $0x0  }
0xe1: {  	s23 =	simm.s32 $0x180;
	[sflag:s0] =	ssyncadd.s32 $0xFFFFE000  }
0xe2: {  	[tilespmem:s31], [sflag:$0x1] =	stream.indirect.gather [spmem:s1], $0x40, s23, s6, $0xb8;
	[tilespmem:$0x1F000] =	vst v63  }
0xe3: {  	_ =	swait.ge [sflag:s10], $0x2000  }
0xe4: {  	[sflag:s10] =	ssyncset.done $0x0  }
0xe5: {  	s25 =	simm.s32 $0x2880;
	[sflag:s10] =	ssyncadd.s32 $0xFFFFE000  }
0xe6: {  	[spmem:s2] =	stream.indirect.scatter.add.f32 [tilespmem:s4], [sflag:$0x4], $0x40, s25, s6, $0xb8;
	[tilespmem:$0x1F000] =	vst v63  }
0xe7: {  	_ =	swait.ge [sflag:s0], $0x2000  }
0xe8: {  	[sflag:s0] =	ssyncset.done $0x0  }
0xe9: {  	s23 =	simm.s32 $0x200;
	[sflag:s0] =	ssyncadd.s32 $0xFFFFE000  }
0xea: {  	[tilespmem:s4], [sflag:$0x2] =	stream.indirect.gather [spmem:s1], $0x40, s23, s6, $0xb8;
	[tilespmem:$0x1F000] =	vst v63  }
0xeb: {  	_ =	swait.ge [sflag:s11], $0x2000  }
0xec: {  	[sflag:s11] =	ssyncset.done $0x0  }
0xed: {  	s25 =	simm.s32 $0x2900;
	[sflag:s11] =	ssyncadd.s32 $0xFFFFE000  }
0xee: {  	[spmem:s2] =	stream.indirect.scatter.add.f32 [tilespmem:s8], [sflag:$0x4], $0x40, s25, s6, $0xb8;
	[tilespmem:$0x1F000] =	vst v63  }
0xef: {  	_ =	swait.ge [sflag:s0], $0x2000  }
0xf0: {  	[sflag:s0] =	ssyncset.done $0x0  }
0xf1: {  	s21 =	simm.s32 $0x600;
	s23 =	simm.s32 $0x280;
	[sflag:s0] =	ssyncadd.s32 $0xFFFFE000  }
.LBB2_6:
0xf2: {  	[tilespmem:s8], [sflag:$0x3] =	stream.indirect.gather [spmem:s1], $0x40, s23, s6, $0xb8;
	[tilespmem:$0x1F000] =	vst v63  }
0xf3: {  	s23 =	smov.u32 s21  }
0xf4: {  	p0 =	sne.s32 s21, $0x9000;
	s21 =	sadd.s32 $0x600, s21;
	_ =	swait.ge [sflag:s9], $0x2000  }
0xf5: {  	s23 =	sshra.s32 s23, $0x2;
	[sflag:s9] =	ssyncset.done $0x0  }
0xf6: {  	s25 =	sadd.s32 $0x2800, s23;
	[sflag:s9] =	ssyncadd.s32 $0xFFFFE000  }
0xf7: {  	[spmem:s2] =	stream.indirect.scatter.add.f32 [tilespmem:s31], [sflag:$0x4], $0x40, s25, s6, $0xb8;
	[tilespmem:$0x1F000] =	vst v63  }
0xf8: {  	_ =	swait.ge [sflag:s0], $0x2000  }
0xf9: {  	[sflag:s0] =	ssyncset.done $0x0  }
0xfa: {  	s25 =	sadd.s32 $0x180, s23;
	[sflag:s0] =	ssyncadd.s32 $0xFFFFE000  }
0xfb: {  	[tilespmem:s31], [sflag:$0x1] =	stream.indirect.gather [spmem:s1], $0x40, s25, s6, $0xb8;
	[tilespmem:$0x1F000] =	vst v63  }
0xfc: {  	_ =	swait.ge [sflag:s10], $0x2000  }
0xfd: {  	[sflag:s10] =	ssyncset.done $0x0  }
0xfe: {  	s25 =	sadd.s32 $0x2880, s23;
	[sflag:s10] =	ssyncadd.s32 $0xFFFFE000  }
0xff: {  	[spmem:s2] =	stream.indirect.scatter.add.f32 [tilespmem:s4], [sflag:$0x4], $0x40, s25, s6, $0xb8;
	[tilespmem:$0x1F000] =	vst v63  }
0x100: {  	_ =	swait.ge [sflag:s0], $0x2000  }
0x101: {  	[sflag:s0] =	ssyncset.done $0x0  }
0x102: {  	s25 =	sadd.s32 $0x200, s23;
	[sflag:s0] =	ssyncadd.s32 $0xFFFFE000  }
0x103: {  	[tilespmem:s4], [sflag:$0x2] =	stream.indirect.gather [spmem:s1], $0x40, s25, s6, $0xb8;
	[tilespmem:$0x1F000] =	vst v63  }
0x104: {  	_ =	swait.ge [sflag:s11], $0x2000  }
0x105: {  	[sflag:s11] =	ssyncset.done $0x0  }
.Ltmp2:
0x106: {  	s25 =	sadd.s32 $0x2900, s23;
	[sflag:s11] =	ssyncadd.s32 $0xFFFFE000;
	(pc) =	sbr.rel @p0 .LBB2_6-.Ltmp2, $4  }
0x107: {  	[spmem:s2] =	stream.indirect.scatter.add.f32 [tilespmem:s8], [sflag:$0x4], $0x40, s25, s6, $0xb8;
	[tilespmem:$0x1F000] =	vst v63  }
0x108: {  	_ =	swait.ge [sflag:s0], $0x2000  }
0x109: {  	[sflag:s0] =	ssyncset.done $0x0  }
0x10a: {  	s23 =	sadd.s32 $0x280, s23;
	[sflag:s0] =	ssyncadd.s32 $0xFFFFE000  }
0x10b: {  	[tilespmem:s8], [sflag:$0x3] =	stream.indirect.gather [spmem:s1], $0x40, s23, s6, $0xb8;
	[tilespmem:$0x1F000] =	vst v63  }
0x10c: {  	_ =	swait.ge [sflag:s9], $0x2000  }
0x10d: {  	[sflag:s9] =	ssyncset.done $0x0  }
0x10e: {  	[sflag:s9] =	ssyncadd.s32 $0xFFFFE000  }
0x10f: {  	[spmem:s2] =	stream.indirect.scatter.add.f32 [tilespmem:s31], [sflag:$0x4], $0x40, s12, s6, $0xb8;
	[tilespmem:$0x1F000] =	vst v63  }
0x110: {  	_ =	swait.ge [sflag:s0], $0x2000  }
0x111: {  	[sflag:s0] =	ssyncset.done $0x0  }
0x112: {  	[sflag:s0] =	ssyncadd.s32 $0xFFFFE000  }
0x113: {  	_ =	swait.ge [sflag:s10], $0x2000  }
0x114: {  	[sflag:s10] =	ssyncset.done $0x0  }
0x115: {  	[sflag:s10] =	ssyncadd.s32 $0xFFFFE000  }
0x116: {  	[spmem:s2] =	stream.indirect.scatter.add.f32 [tilespmem:s4], [sflag:$0x4], $0x40, s13, s6, $0xb8;
	[tilespmem:$0x1F000] =	vst v63  }
0x117: {  	_ =	swait.ge [sflag:s0], $0x2000  }
0x118: {  	[sflag:s0] =	ssyncset.done $0x0  }
0x119: {  	[sflag:s0] =	ssyncadd.s32 $0xFFFFE000  }
0x11a: {  	_ =	swait.ge [sflag:s11], $0x2000  }
0x11b: {  	[sflag:s11] =	ssyncset.done $0x0  }
0x11c: {  	[sflag:s11] =	ssyncadd.s32 $0xFFFFE000  }
0x11d: {  	[spmem:s2] =	stream.indirect.scatter.add.f32 [tilespmem:s8], [sflag:$0x4], $0x40, s14, s6, $0xb8;
	[tilespmem:$0x1F000] =	vst v63  }
0x11e: {  	_ =	swait.ge [sflag:s0], $0x2000  }
0x11f: {  	[sflag:s0] =	ssyncset.done $0x0  }
0x120: {  	[sflag:s0] =	ssyncadd.s32 $0xFFFFE000  }
0x121: {  	[tilespmem:s31], [sflag:$0x1] =	stream.indirect.gather [spmem:s1], $0x40, s15, s6, $0xb8;
	[tilespmem:$0x1F000] =	vst v63  }
0x122: {  	_ =	swait.ge [sflag:s9], $0x2000  }
0x123: {  	[sflag:s9] =	ssyncset.done $0x0  }
0x124: {  	[sflag:s9] =	ssyncadd.s32 $0xFFFFE000  }
0x125: {  	[spmem:s2] =	stream.indirect.scatter.add.f32 [tilespmem:s31], [sflag:$0x4], $0x40, s16, s6, $0xb8;
	[tilespmem:$0x1F000] =	vst v63  }
0x126: {  	_ =	swait.ge [sflag:s0], $0x2000  }
0x127: {  	[sflag:s0] =	ssyncset.done $0x0  }
0x128: {  	[sflag:s0] =	ssyncadd.s32 $0xFFFFE000  }
0x129: {  	[tilespmem:s31], [sflag:$0x1] =	stream.indirect.gather [spmem:s1], $0x40, s17, s6, $0xb8;
	[tilespmem:$0x1F000] =	vst v63  }
0x12a: {  	_ =	swait.ge [sflag:s9], $0x2000  }
0x12b: {  	[sflag:s9] =	ssyncset.done $0x0  }
0x12c: {  	[sflag:s9] =	ssyncadd.s32 $0xFFFFE000  }
0x12d: {  	[spmem:s2] =	stream.indirect.scatter.add.f32 [tilespmem:s31], [sflag:$0x4], $0x40, s18, s6, $0xb8;
	[tilespmem:$0x1F000] =	vst v63  }
0x12e: {  	_ =	swait.ge [sflag:s0], $0x2000  }
0x12f: {  	[sflag:s0] =	ssyncset.done $0x0  }
0x130: {  	[sflag:s0] =	ssyncadd.s32 $0xFFFFE000  }
0x131: {  	[bflag:$0x0] =	sbarrier.arrive $0xFFFF  }
0x132: {  	[tilespmem:s31], [sflag:$0x4] =	stream.linear.gather [spmem:s20], $0x2000, $0x38;
	[tilespmem:$0x1F000] =	vst v63  }
0x133: {  	_ =	swait.ge [sflag:s0], $0x2000  }
0x134: {  	[sflag:s0] =	ssyncset.done $0x0  }
0x135: {  	s21 =	rddreg [dreg:$0xd];
	[sflag:s0] =	ssyncadd.s32 $0xFFFFE000  }
0x136: {  	[hbm4b:s21+s3] =	stream.linear.scatter [tilespmem:s31], [sflag:$0x4], $0x2000, $0x38;
	[tilespmem:$0x1F000] =	vst v63  }
0x137: {  	_ =	swait.ge [sflag:s0], $0x2000  }
0x138: {  	[sflag:s0] =	ssyncset.done $0x0  }
0x139: {  	[sflag:s0] =	ssyncadd.s32 $0xFFFFE000  }
0x13a: {  	[tilespmem:s31], [sflag:$0x4] =	stream.linear.gather [spmem:s22], $0x2000, $0x38;
	[tilespmem:$0x1F000] =	vst v63  }
0x13b: {  	_ =	swait.ge [sflag:s0], $0x2000  }
0x13c: {  	[sflag:s0] =	ssyncset.done $0x0  }
0x13d: {  	s23 =	rddreg [dreg:$0xe];
	[sflag:s0] =	ssyncadd.s32 $0xFFFFE000  }
0x13e: {  	[hbm4b:s23+s3] =	stream.linear.scatter [tilespmem:s31], [sflag:$0x4], $0x2000, $0x38;
	[tilespmem:$0x1F000] =	vst v63  }
0x13f: {  	_ =	swait.ge [sflag:s0], $0x2000  }
0x140: {  	[sflag:s0] =	ssyncset.done $0x0  }
0x141: {  	[sflag:s0] =	ssyncadd.s32 $0xFFFFE000  }
0x142: {  	[tilespmem:s31], [sflag:$0x4] =	stream.linear.gather [spmem:s24], $0x2000, $0x38;
	[tilespmem:$0x1F000] =	vst v63  }
0x143: {  	_ =	swait.ge [sflag:s0], $0x2000  }
0x144: {  	[sflag:s0] =	ssyncset.done $0x0  }
0x145: {  	s25 =	rddreg [dreg:$0xf];
	[sflag:s0] =	ssyncadd.s32 $0xFFFFE000  }
0x146: {  	[hbm4b:s25+s3] =	stream.linear.scatter [tilespmem:s31], [sflag:$0x4], $0x2000, $0x38;
	[tilespmem:$0x1F000] =	vst v63  }
0x147: {  	_ =	swait.ge [sflag:s0], $0x2000  }
0x148: {  	[sflag:s0] =	ssyncset.done $0x0  }
0x149: {  	[sflag:s0] =	ssyncadd.s32 $0xFFFFE000  }
0x14a: {  	[tilespmem:s31], [sflag:$0x4] =	stream.linear.gather [spmem:s26], $0x2000, $0x38;
	[tilespmem:$0x1F000] =	vst v63  }
0x14b: {  	_ =	swait.ge [sflag:s0], $0x2000  }
0x14c: {  	[sflag:s0] =	ssyncset.done $0x0  }
0x14d: {  	s23 =	rddreg [dreg:$0x10];
	[sflag:s0] =	ssyncadd.s32 $0xFFFFE000  }
0x14e: {  	[hbm4b:s23+s3] =	stream.linear.scatter [tilespmem:s31], [sflag:$0x4], $0x2000, $0x38;
	[tilespmem:$0x1F000] =	vst v63  }
0x14f: {  	_ =	swait.ge [sflag:s0], $0x2000  }
0x150: {  	[sflag:s0] =	ssyncset.done $0x0  }
0x151: {  	[sflag:s0] =	ssyncadd.s32 $0xFFFFE000  }
0x152: {  	[tilespmem:s31], [sflag:$0x4] =	stream.linear.gather [spmem:s29], $0x2000, $0x38;
	[tilespmem:$0x1F000] =	vst v63  }
0x153: {  	s19 =	sadd.s32 $0x1, s19;
	_ =	swait.ge [sflag:s0], $0x2000  }
0x154: {  	p0 =	sne.s32 s19, s30;
	[sflag:s0] =	ssyncset.done $0x0  }
.Ltmp3:
0x155: {  	s25 =	rddreg [dreg:$0x11];
	[sflag:s0] =	ssyncadd.s32 $0xFFFFE000;
	(pc) =	sbr.rel @p0 .LBB2_1-.Ltmp3, $4  }
0x156: {  	[hbm4b:s25+s3] =	stream.linear.scatter [tilespmem:s31], [sflag:$0x4], $0x2000, $0x38;
	[tilespmem:$0x1F000] =	vst v63  }
0x157: {  	_ =	swait.ge [sflag:s0], $0x2000  }
0x158: {  	[sflag:s0] =	ssyncset.done $0x0  }
0x159: {  	[sflag:s0] =	ssyncadd.s32 $0xFFFFE000  }
0x15a: {  	_ =	sfence.sel $0x180000  }
0x15b: {  	[bflag:$0x0] =	sbarrier.arrive $0xFFFF  }
0x15c: {  	_ =	strace $0x9000004A  }
0x15d: {  	s0 =	stileid.u32;
	[bflag:$0x2] =	sbarrier.arrive $0xFFFF  }
0x15e: {  	p0 =	sne.s32 s0, $0x0;
	s0 =	rddreg [dreg:$0x3]  }
0x15f: {  	s0 =	sadd.s32 @!p0 $0x100000, s0  }
0x160: {  	[sflag:s0] =	ssyncadd.tile.s32 @!p0 $0x1;
	_ =	shalt  }
.Lfunc_end2:
_tile_overlayer_lowered:
.L_overlay_start_2:
0x161: {  	(tag) =	ssettag $0x2  }
0x162: {  	s0 =	rddreg [dreg:$0x0];
	s2 =	stileid.u32  }
0x163: {  	s1 =	rddreg [dreg:$0x1];
	p0 =	sne.s32 s2, $0x0  }
0x164: {  	s3 =	rddreg [dreg:$0x2];
	[bflag:$0x3] =	sbarrier.arrive $0xFFFF;
	s2 =	simm.s32 @!p0 $0x1C04  }
0x165: {  	[timem:s3], [sflag:s2] =	dma.local @!p0 [hbm:s0], s1  }
0x166: {  	s0 =	simm.s32 @!p0 $0x4  }
0x167: {  	_ =	swait.ge @!p0 [sflag:s0], s1  }
0x168: {  	s1 =	ssub.s32 @!p0 $0x0, s1;
	[sflag:s0] =	ssyncset.done @!p0 $0x0  }
0x169: {  	[sflag:s0] =	ssyncadd.s32 @!p0 s1  }
0x16a: {  	[bflag:$0x3] =	sbarrier.arrive $0xFFFF  }
0x16b: {  	_ =	shalt  }

// kernel: kernel.14.cloned.1.call-start
scs
__scs_entry_jumppad:
0x0: {  	(pc) =	sbr.rel $0x88, $3  }
0x1: {  	(tag) =	ssettag $0x0;
	lr =	simm.s32 $0x1  }
0x2: {  	[smem:$0x3F94] =	sst lr;
	_ =	strace $0xD0000000  }
0x3: {  	_ = 	snop  }
0x4: {  	_ = 	snop  }
0x5: {  	_ = 	snop  }
0x6: {  	_ = 	snop  }
0x7: {  	_ = 	snop  }
__scs_overlays_trampoline_lowered:
0x8: {  	[smem:$0x3FA3] =	sst s0  }
0x9: {  	[smem:$0x3FA4] =	sst s1  }
0xa: {  	[smem:$0x3FA5] =	sst s2  }
0xb: {  	[smem:$0x3FA6] =	sst s3  }
0xc: {  	[smem:$0x3FA7] =	sst s4  }
0xd: {  	[smem:$0x3FA8] =	sst s5  }
0xe: {  	[smem:$0x3FA9] =	sst s6  }
0xf: {  	[smem:$0x3FAA] =	sst s7  }
0x10: {  	[smem:$0x3FAB] =	sst s8  }
0x11: {  	[smem:$0x3FAC] =	sst s9;
	s0 =	simm.s32 @!p0 $0x0  }
0x12: {  	s1 =	sld [smem:$0x3F92];
	s0 =	simm.s32 @p0 $0x1  }
0x13: {  	[smem:$0x3FAD] =	sst s0;
	s0 =	simm.s32 @!p1 $0x0  }
0x14: {  	s2 =	sld [smem:$0x3F91];
	s0 =	simm.s32 @p1 $0x1  }
0x15: {  	[smem:$0x3FAE] =	sst s0;
	s0 =	simm.s32 @!p2 $0x0  }
0x16: {  	s3 =	sld [smem:$0x3FDB];
	s0 =	simm.s32 @p2 $0x1  }
0x17: {  	s4 =	simm.s32 $0x1BF5;
	[smem:$0x3FB0] =	sst s0  }
0x18: {  	s0 =	sld [smem:$0x3F93];
	_ =	swait.ge [sflag:s4], $0x0  }
0x19: {  	s7 =	sld [smem:$0x3F94]  }
0x1a: {  	s8 =	sadd.s32 $0xFFFFE003, lr  }
0x1b: {  	s9 =	sadd.s32 $0xFFFFFEF7, lr;
	s5 =	simm.s32 $0xFFFFFFFF;
	p2 =	slt.u32 s8, $0xFFFFF086  }
0x1c: {  	p1 =	slt.u32 s9, $0xF7A;
	s5 =	simm.s32 @!p2 $0x0  }
0x1d: {  	s5 =	simm.s32 @p1 $0x1;
	p0 =	seq.s32 s7, s2  }
0x1e: {  	s7 =	smul.u32 @!p0 $0xF7A, s2;
	p2 =	seq.s32 @!p0 s5, $0x0  }
0x1f: {  	s9 =	smul.u32 $0xF7A, s1;
	s8 =	simm.s32 @!p0 $0x1BF5;
	p2 =	por !p2, p0  }
0x20: {  	[sflag:s8] =	ssyncset.s32 @!p0 $0xFFFFF086;
	s6 =	sadd.s32 @!p0 s3, s7;
	s7 =	simm.s32 @!p0 $0x108  }
0x21: {  	s3 =	sadd.s32 s3, s9;
	s6 =	sadd.s32 @!p0 $0x88, s6;
	s7 =	simm.s32 @p2 $0x1082  }
0x22: {  	[simem:s7], [sflag:s8] =	dma.local @!p0 [hbm:s6], $0xF7A  }
0x23: {  	s9 =	sor.u32 $0xD0000000, s2;
	s6 =	simm.s32 $0x108;
	_ =	swait.ge @!p0 [sflag:s8], $0x0  }
0x24: {  	s3 =	sadd.s32 $0x88, s3;
	s6 =	simm.s32 @!p1 $0x1082;
	[sflag:s4] =	ssyncset.s32 $0xFFFFF086  }
0x25: {  	[simem:s6], [sflag:s4] =	dma.local [hbm:s3], $0xF7A  }
0x26: {  	[smem:$0x3F94] =	sst s1;
	(tag) =	ssettag s2;
	_ =	strace s9  }
0x27: {  	s1 =	sld [smem:$0x3FA4]  }
0x28: {  	s2 =	sld [smem:$0x3FA5]  }
0x29: {  	s4 =	sld [smem:$0x3FA7]  }
0x2a: {  	p0 =	seq.s32 s5, $0x0;
	s5 =	sld [smem:$0x3FA8]  }
0x2b: {  	s6 =	sld [smem:$0x3FA9]  }
0x2c: {  	s7 =	sld [smem:$0x3FAA]  }
0x2d: {  	s3 =	simm.s32 $0x108;
	s8 =	sld [smem:$0x3FAB]  }
0x2e: {  	s3 =	simm.s32 @!p0 $0x1082;
	s9 =	sld [smem:$0x3FAC]  }
0x2f: {  	lr =	sadd.s32 s0, s3;
	s0 =	sld [smem:$0x3FA3]  }
0x30: {  	s3 =	sld [smem:$0x3FA6]  }
0x31: {  	[smem:$0x3FAF] =	sst s10  }
0x32: {  	s10 =	sld [smem:$0x3FAD];
	_ =	sdelay $0x3  }
0x33: {  	p0 =	seq.s32 s10, $0x1;
	s10 =	sld [smem:$0x3FAF];
	_ =	sdelay $0x3  }
0x34: {  	[smem:$0x3FAF] =	sst s10  }
0x35: {  	s10 =	sld [smem:$0x3FAE];
	_ =	sdelay $0x3  }
0x36: {  	p1 =	seq.s32 s10, $0x1;
	s10 =	sld [smem:$0x3FAF];
	_ =	sdelay $0x3  }
0x37: {  	[smem:$0x3FAF] =	sst s10  }
0x38: {  	s10 =	sld [smem:$0x3FB0]  }
0x39: {  	_ = 	snop;
	(pc) =	sbr.ind lr, $3  }
0x3a: {  	_ = 	snop  }
0x3b: {  	_ = 	snop  }
0x3c: {  	p2 =	seq.s32 s10, $0x1;
	s10 =	sld [smem:$0x3FAF]  }
0x3d: {  	_ =	shalt  }
0x3e: {  	_ =	shalt  }
0x3f: {  	_ =	shalt  }
0x40: {  	_ =	shalt  }
0x41: {  	_ =	shalt  }
0x42: {  	_ =	shalt  }
0x43: {  	_ =	shalt  }
0x44: {  	_ =	shalt  }
0x45: {  	_ =	shalt  }
0x46: {  	_ =	shalt  }
0x47: {  	_ =	shalt  }
0x48: {  	_ =	shalt  }
0x49: {  	_ =	shalt  }
0x4a: {  	_ =	shalt  }
0x4b: {  	_ =	shalt  }
0x4c: {  	_ =	shalt  }
0x4d: {  	_ =	shalt  }
0x4e: {  	_ =	shalt  }
0x4f: {  	_ =	shalt  }
0x50: {  	_ =	shalt  }
0x51: {  	_ =	shalt  }
0x52: {  	_ =	shalt  }
0x53: {  	_ =	shalt  }
0x54: {  	_ =	shalt  }
0x55: {  	_ =	shalt  }
0x56: {  	_ =	shalt  }
0x57: {  	_ =	shalt  }
0x58: {  	_ =	shalt  }
0x59: {  	_ =	shalt  }
0x5a: {  	_ =	shalt  }
0x5b: {  	_ =	shalt  }
0x5c: {  	_ =	shalt  }
0x5d: {  	_ =	shalt  }
0x5e: {  	_ =	shalt  }
0x5f: {  	_ =	shalt  }
0x60: {  	_ =	shalt  }
0x61: {  	_ =	shalt  }
0x62: {  	_ =	shalt  }
0x63: {  	_ =	shalt  }
0x64: {  	_ =	shalt  }
0x65: {  	_ =	shalt  }
0x66: {  	_ =	shalt  }
0x67: {  	_ =	shalt  }
0x68: {  	_ =	shalt  }
0x69: {  	_ =	shalt  }
0x6a: {  	_ =	shalt  }
0x6b: {  	_ =	shalt  }
0x6c: {  	_ =	shalt  }
0x6d: {  	_ =	shalt  }
0x6e: {  	_ =	shalt  }
0x6f: {  	_ =	shalt  }
0x70: {  	_ =	shalt  }
0x71: {  	_ =	shalt  }
0x72: {  	_ =	shalt  }
0x73: {  	_ =	shalt  }
0x74: {  	_ =	shalt  }
0x75: {  	_ =	shalt  }
0x76: {  	_ =	shalt  }
0x77: {  	_ =	shalt  }
0x78: {  	_ =	shalt  }
0x79: {  	_ =	shalt  }
0x7a: {  	_ =	shalt  }
0x7b: {  	_ =	shalt  }
0x7c: {  	_ =	shalt  }
0x7d: {  	_ =	shalt  }
0x7e: {  	_ =	shalt  }
0x7f: {  	_ =	shalt  }
0x80: {  	_ =	shalt  }
0x81: {  	_ =	shalt  }
0x82: {  	_ =	shalt  }
0x83: {  	_ =	shalt  }
0x84: {  	_ =	shalt  }
0x85: {  	_ =	shalt  }
0x86: {  	_ =	shalt  }
0x87: {  	_ =	shalt  }
.Lfunc_end0:
.L_simem_size_0:
called_computation.2_lowered:
.L_overlay_start_0:
0x88: {  	s2 =	sld [smem:$0x3FD9]  }
0x89: {  	s3 =	sld [smem:$0x3FFE];
	_ =	sdelay $0x1  }
0x8a: {  	s1 =	srdreg.scid  }
0x8b: {  	s0 =	sand.u32 $0x1, s1  }
0x8c: {  	s16 =	sshll.u32 s0, $0xA;
	s2 =	sadd.s32 s3, s2  }
0x8d: {  	s2 =	sadd.s32 s2, s16  }
0x8e: {  	[smem:$0x3FBB] =	sst s2  }
0x8f: {  	_ = 	snop  }
0x90: {  	(tm) =	ssettm $0x1  }
0x91: {  	s17 =	sld [smem:$0x3FFB];
	_ =	sdelay $0x3  }
0x92: {  	_ =	strace s17  }
0x93: {  	s2 =	sld [smem:$0x3FFC];
	_ =	sdelay $0x3  }
0x94: {  	_ =	strace s2  }
0x95: {  	s2 =	sld [smem:$0x3FFD];
	_ =	sdelay $0x3  }
0x96: {  	_ =	strace s2  }
0x97: {  	_ =	strace $0x8FFFFFFF  }
0x98: {  	s18 =	sld [smem:$0x3FDB];
	_ =	sdelay $0x1  }
0x99: {  	s19 =	simm.s32 $_scs_section_size  }
0x9a: {  	s4 =	simm.s32 $_size__tile_overlayer_lowered;
	s5 =	simm.s32 $_tile_overlayer_lowered  }
0x9b: {  	s22 =	simm.s32 $0x1BFF;
	s21 =	sshll.u32 s5, $0x1;
	s2 =	sadd.s32 s19, s18  }
0x9c: {  	s6 =	simm.s32 $0x0;
	s20 =	sshll.u32 s4, $0x1;
	s4 =	sadd.s32 s21, s2  }
0x9d: {  	[timem:s6], [sflag:s22] =	dma.local [hbm:s4], s20  }
0x9e: {  	_ =	swait.ge [sflag:s22], s20  }
0x9f: {  	s3 =	ssub.s32 $0x0, s20;
	[sflag:s22] =	ssyncset.done $0x0  }
0xa0: {  	[sflag:s22] =	ssyncadd.s32 s3;
	_ =	sdelay $0x1  }
0xa1: {  	s23 =	simm.s32 $0x1B8B  }
0xa2: {  	_ =	swait.ge [sflag:s23], $0x1  }
0xa3: {  	[sflag:s23] =	ssyncset.done $0x0  }
0xa4: {  	s25 =	simm.s32 $0x1B8E;
	s24 =	sld [smem:$0x3FFE];
	[sflag:s23] =	ssyncadd.s32 $0xFFFFFFFF  }
0xa5: {  	s26 =	simm.s32 $execute0_lowered;
	[smem:$0x3FD2] =	sst s25  }
0xa6: {  	s4 =	sshll.u32 s26, $0x1;
	_ =	strace $0x8000004C;
	[dreg:$0x1] =	wrdreg $0xFFFFFFFF  }
0xa7: {  	s28 =	simm.s32 $_size_execute0_lowered;
	s2 =	sadd.s32 s2, s4;
	[dreg:$0x0] =	wrdreg $0x0  }
0xa8: {  	s4 =	sshll.u32 s28, $0x1;
	[dreg:$0x2] =	wrdreg s2  }
0xa9: {  	[dreg:$0x3] =	wrdreg s4  }
0xaa: {  	[dreg:$0x4] =	wrdreg $0xC0  }
0xab: {  	_ =	task [dreg:s6], $0x5FFFF  }
0xac: {  	[dreg:$0x1] =	wrdreg $0xFFFFFFFF  }
0xad: {  	[dreg:$0x0] =	wrdreg $0x60  }
0xae: {  	[dreg:$0x2] =	wrdreg s24  }
0xaf: {  	[dreg:$0x3] =	wrdreg $0xB0000  }
0xb0: {  	[dreg:$0x4] =	wrdreg $0x150000  }
0xb1: {  	[dreg:$0x5] =	wrdreg $0x9  }
0xb2: {  	_ =	task.clear_ibuf [dreg:s6], $0x6FFFF;
	_ =	strace $0x9000004C  }
0xb3: {  	s29 =	simm.s32 $0x9;
	_ =	strace $0x8000004E  }
0xb4: {  	_ =	swait.ge [sflag:s29], $0x1  }
0xb5: {  	[sflag:s29] =	ssyncadd.s32 $0xFFFFFFFF  }
0xb6: {  	_ =	strace $0x9000004E  }
0xb7: {  	_ =	sfence  }
0xb8: {  	s30 =	sld [smem:$0x0];
	_ =	sdelay $0x2  }
0xb9: {  	s31 =	sshll.u32 s1, $0xD;
	s1 =	sshrl.u32 s1, $0x2  }
0xba: {  	s3 =	sand.u32 $0x4000, s31;
	s1 =	sadd.s32 s1, s30  }
0xbb: {  	s0 =	sor.u32 s3, s0;
	s1 =	sshll.u32 s1, $0x11  }
0xbc: {  	s0 =	sor.u32 s1, s0  }
0xbd: {  	s0 =	sadd.s32 $0x8F2B, s0  }
0xbe: {  	[sflag:s0] =	ssyncadd.remote.s32 $0x1  }
0xbf: {  	_ =	sfence.sel $0xFFFF  }
0xc0: {  	[dreg:$0x0] =	wrdreg $0xFFFFFFFF;
	(pc) =	sbr.abs _section_cstart, $3  }
0xc1: {  	[dreg:$0x1] =	wrdreg $0xFFFFFFFF  }
0xc2: {  	_ =	task.clear_ibuf [dreg:s6], $0x2FFFF;
	_ =	strace $0x9FFFFFFF  }
0xc3: {  	(tm) =	ssettm $0x7FFFFFFF  }
tec
execute0_lowered:
.L_overlay_start_1:
0x0: {  	(tag) =	ssettag $0x1  }
0x1: {  	s0 =	rddreg [dreg:$0x0]  }
0x2: {  	s1 =	rddreg [dreg:$0x1]  }
0x3: {  	s2 =	rddreg [dreg:$0x2];
	s3 =	simm.s32 $0x0  }
0x4: {  	s4 =	srdreg.scid;
	s19 =	stileid.u32;
	s31 =	simm.s32 $0x5000  }
0x5: {  	[smem:$0x7FF] =	sst s3;
	s5 =	sadd.s32 $0x70400, s0;
	s8 =	smul.u32 $0xA000, s19  }
0x6: {  	s4 =	sand.u32 $0x1, s4;
	s6 =	sadd.s32 $0x66400, s0;
	s16 =	smul.u32 $0x5000, s19  }
0x7: {  	s9 =	sadd.s32 $0x5C400, s0;
	s0 =	sadd.s32 $0x2400, s0;
	s19 =	smul.u32 $0xA00, s19  }
0x8: {  	_ =	strace $0x8000004D;
	s7 =	ssub.s32 $0x2, s4;
	s4 =	smul.u32 $0xA0000, s4  }
0x9: {  	s10 =	sshrl.u32 s7, $0x1;
	s13 =	sadd.s32 $0x4000, s8;
	s18 =	sadd.s32 $0x8000, s8  }
0xa: {  	s16 =	sshrl.u32 s16, $0x3;
	s20 =	sadd.s32 s6, s19;
	s19 =	sadd.s32 s9, s19  }
0xb: {  	s23 =	sadd.s32 s8, s1;
	s7 =	ssub.s32 s7, s10;
	[dreg:$0x7] =	wrdreg s20  }
0xc: {  	s10 =	sadd.s32 $0x2000, s8;
	s11 =	sadd.s32 s8, s4;
	[dreg:$0x8] =	wrdreg s19  }
0xd: {  	s14 =	sadd.s32 s4, s13;
	s16 =	sadd.s32 $0x500, s16;
	[dreg:$0x12] =	wrdreg s23  }
0xe: {  	s28 =	sadd.s32 s18, s1;
	s29 =	sadd.s32 s18, s2;
	s12 =	sadd.s32 s4, s10  }
0xf: {  	s11 =	sshrl.u32 s11, $0x3;
	s14 =	sshrl.u32 s14, $0x3;
	s6 =	sadd.s32 s6, s16  }
0x10: {  	s9 =	sadd.s32 s9, s16;
	s24 =	sadd.s32 s10, s1;
	s30 =	smax.u32 s7, $0x1  }
0x11: {  	s7 =	simm.s32 $0x100;
	s12 =	sshrl.u32 s12, $0x3;
	[dreg:$0x9] =	wrdreg s6  }
0x12: {  	s15 =	sadd.s32 s5, s11;
	s26 =	sadd.s32 s5, s14;
	[dreg:$0xa] =	wrdreg s9  }
0x13: {  	s19 =	sadd.s32 s0, s11;
	s21 =	sadd.s32 s0, s14;
	[dreg:$0x13] =	wrdreg s24  }
0x14: {  	s24 =	sadd.s32 s13, s2;
	s6 =	simm.s32 $0x80;
	[dreg:$0x4] =	wrdreg s15  }
0x15: {  	s9 =	simm.s32 $0x1;
	s11 =	simm.s32 $0x3;
	[dreg:$0x6] =	wrdreg s26  }
0x16: {  	s14 =	simm.s32 $0x4E80;
	s25 =	sadd.s32 s5, s12;
	[dreg:$0xd] =	wrdreg s19  }
0x17: {  	s15 =	sadd.s32 $0x6000, s8;
	s20 =	sadd.s32 s0, s12;
	[dreg:$0xf] =	wrdreg s21  }
0x18: {  	s12 =	simm.s32 $0x4D80;
	s19 =	simm.s32 $0x0;
	[dreg:$0x5] =	wrdreg s25  }
0x19: {  	s17 =	sadd.s32 s4, s15;
	s4 =	sadd.s32 s4, s18;
	[dreg:$0xe] =	wrdreg s20  }
0x1a: {  	s20 =	sadd.s32 s8, s2;
	s25 =	sadd.s32 s13, s1;
	s26 =	sadd.s32 s15, s1  }
0x1b: {  	s8 =	simm.s32 $0x9000;
	s13 =	simm.s32 $0x4E00;
	s18 =	simm.s32 $0x4F80  }
0x1c: {  	s17 =	sshrl.u32 s17, $0x3;
	s4 =	sshrl.u32 s4, $0x3;
	[dreg:$0x14] =	wrdreg s25  }
0x1d: {  	[dreg:$0x15] =	wrdreg s26;
	s26 =	sadd.s32 s15, s2;
	s16 =	sadd.s32 s5, s17  }
0x1e: {  	s15 =	simm.s32 $0x2700;
	s5 =	sadd.s32 s5, s4;
	[dreg:$0xb] =	wrdreg s16  }
0x1f: {  	s22 =	sadd.s32 s0, s17;
	s0 =	sadd.s32 s0, s4;
	[dreg:$0xc] =	wrdreg s5  }
0x20: {  	s4 =	simm.s32 $0x7000;
	s17 =	simm.s32 $0x2780;
	[dreg:$0x10] =	wrdreg s22  }
0x21: {  	[dreg:$0x11] =	wrdreg s0;
	s22 =	sadd.s32 s10, s2;
	s0 =	simm.s32 $0x4  }
0x22: {  	v0 =	vimm.f32 $0.0e+00;
	s5 =	simm.s32 $0x2800;
	s10 =	simm.s32 $0x2;
	s16 =	simm.s32 $0x4F00  }
.LBB2_1:
0x23: {  	s23 =	simm.s32 $0x100;
	s21 =	simm.s32 $0x0  }
.LBB2_2:
0x24: {  	p0 =	sne.s32 s23, $0x7F00;
	[tilespmem:s21+$0x7030] =	vst v0;
	s25 =	smov.u32 s23;
	s23 =	sadd.s32 $0x100, s23  }
.Ltmp0:
0x25: {  	[tilespmem:s21+$0x7020] =	vst v0;
	(pc) =	sbr.rel @p0 .LBB2_2-.Ltmp0, $3  }
0x26: {  	[tilespmem:s21+$0x7000] =	vst v0  }
0x27: {  	[tilespmem:s21+$0x7010] =	vst v0;
	_ =	sdelay $0x1  }
0x28: {  	s21 =	sshra.s32 s25, $0x2  }
0x29: {  	[tilespmem:s21+$0x7030] =	vst v0  }
0x2a: {  	[tilespmem:s21+$0x7020] =	vst v0  }
0x2b: {  	[tilespmem:s21+$0x7000] =	vst v0  }
0x2c: {  	[tilespmem:s21+$0x7010] =	vst v0;
	s21 =	simm.s32 $0x0;
	s23 =	rddreg [dreg:$0x4]  }
0x2d: {  	[tilespmem:s31], [sflag:$0x4] =	stream.linear.gather [hbm4b:s23+s21], $0x2000, $0x38;
	[tilespmem:$0x1F000] =	vst v63  }
0x2e: {  	_ =	swait.ge [sflag:s0], $0x2000  }
0x2f: {  	[sflag:s0] =	ssyncset.done $0x0  }
0x30: {  	s25 =	rddreg [dreg:$0x12];
	[sflag:s0] =	ssyncadd.s32 $0xFFFFE000  }
0x31: {  	[spmem:s25] =	stream.linear.scatter [tilespmem:s31], [sflag:$0x4], $0x2000, $0x38;
	[tilespmem:$0x1F000] =	vst v63  }
0x32: {  	_ =	swait.ge [sflag:s0], $0x2000  }
0x33: {  	[sflag:s0] =	ssyncset.done $0x0  }
0x34: {  	[sflag:s0] =	ssyncadd.s32 $0xFFFFE000  }
0x35: {  	[spmem:s20] =	stream.linear.scatter [tilespmem:s4], [sflag:$0x4], $0x2000, $0x38;
	[tilespmem:$0x1F000] =	vst v63  }
0x36: {  	_ =	swait.ge [sflag:s0], $0x2000  }
0x37: {  	[sflag:s0] =	ssyncset.done $0x0  }
0x38: {  	s25 =	rddreg [dreg:$0x5];
	[sflag:s0] =	ssyncadd.s32 $0xFFFFE000  }
0x39: {  	[tilespmem:s31], [sflag:$0x4] =	stream.linear.gather [hbm4b:s25+s21], $0x2000, $0x38;
	[tilespmem:$0x1F000] =	vst v63  }
0x3a: {  	_ =	swait.ge [sflag:s0], $0x2000  }
0x3b: {  	[sflag:s0] =	ssyncset.done $0x0  }
0x3c: {  	s25 =	rddreg [dreg:$0x13];
	[sflag:s0] =	ssyncadd.s32 $0xFFFFE000  }
0x3d: {  	[spmem:s25] =	stream.linear.scatter [tilespmem:s31], [sflag:$0x4], $0x2000, $0x38;
	[tilespmem:$0x1F000] =	vst v63  }
0x3e: {  	_ =	swait.ge [sflag:s0], $0x2000  }
0x3f: {  	[sflag:s0] =	ssyncset.done $0x0  }
0x40: {  	[sflag:s0] =	ssyncadd.s32 $0xFFFFE000  }
0x41: {  	[spmem:s22] =	stream.linear.scatter [tilespmem:s4], [sflag:$0x4], $0x2000, $0x38;
	[tilespmem:$0x1F000] =	vst v63  }
0x42: {  	_ =	swait.ge [sflag:s0], $0x2000  }
0x43: {  	[sflag:s0] =	ssyncset.done $0x0  }
0x44: {  	s25 =	rddreg [dreg:$0x6];
	[sflag:s0] =	ssyncadd.s32 $0xFFFFE000  }
0x45: {  	[tilespmem:s31], [sflag:$0x4] =	stream.linear.gather [hbm4b:s25+s21], $0x2000, $0x38;
	[tilespmem:$0x1F000] =	vst v63  }
0x46: {  	_ =	swait.ge [sflag:s0], $0x2000  }
0x47: {  	[sflag:s0] =	ssyncset.done $0x0  }
0x48: {  	s25 =	rddreg [dreg:$0x14];
	[sflag:s0] =	ssyncadd.s32 $0xFFFFE000  }
0x49: {  	[spmem:s25] =	stream.linear.scatter [tilespmem:s31], [sflag:$0x4], $0x2000, $0x38;
	[tilespmem:$0x1F000] =	vst v63  }
0x4a: {  	_ =	swait.ge [sflag:s0], $0x2000  }
0x4b: {  	[sflag:s0] =	ssyncset.done $0x0  }
0x4c: {  	[sflag:s0] =	ssyncadd.s32 $0xFFFFE000  }
0x4d: {  	[spmem:s24] =	stream.linear.scatter [tilespmem:s4], [sflag:$0x4], $0x2000, $0x38;
	[tilespmem:$0x1F000] =	vst v63  }
0x4e: {  	_ =	swait.ge [sflag:s0], $0x2000  }
0x4f: {  	[sflag:s0] =	ssyncset.done $0x0  }
0x50: {  	s25 =	rddreg [dreg:$0xb];
	[sflag:s0] =	ssyncadd.s32 $0xFFFFE000  }
0x51: {  	[tilespmem:s31], [sflag:$0x4] =	stream.linear.gather [hbm4b:s25+s21], $0x2000, $0x38;
	[tilespmem:$0x1F000] =	vst v63  }
0x52: {  	_ =	swait.ge [sflag:s0], $0x2000  }
0x53: {  	[sflag:s0] =	ssyncset.done $0x0  }
0x54: {  	s25 =	rddreg [dreg:$0x15];
	[sflag:s0] =	ssyncadd.s32 $0xFFFFE000  }
0x55: {  	[spmem:s25] =	stream.linear.scatter [tilespmem:s31], [sflag:$0x4], $0x2000, $0x38;
	[tilespmem:$0x1F000] =	vst v63  }
0x56: {  	_ =	swait.ge [sflag:s0], $0x2000  }
0x57: {  	[sflag:s0] =	ssyncset.done $0x0  }
0x58: {  	[sflag:s0] =	ssyncadd.s32 $0xFFFFE000  }
0x59: {  	[spmem:s26] =	stream.linear.scatter [tilespmem:s4], [sflag:$0x4], $0x2000, $0x38;
	[tilespmem:$0x1F000] =	vst v63  }
0x5a: {  	_ =	swait.ge [sflag:s0], $0x2000  }
0x5b: {  	[sflag:s0] =	ssyncset.done $0x0  }
0x5c: {  	s25 =	rddreg [dreg:$0xc];
	[sflag:s0] =	ssyncadd.s32 $0xFFFFE000  }
0x5d: {  	[tilespmem:s31], [sflag:$0x4] =	stream.linear.gather [hbm4b:s25+s21], $0x2000, $0x38;
	[tilespmem:$0x1F000] =	vst v63  }
0x5e: {  	_ =	swait.ge [sflag:s0], $0x2000  }
0x5f: {  	[sflag:s0] =	ssyncset.done $0x0  }
0x60: {  	[sflag:s0] =	ssyncadd.s32 $0xFFFFE000  }
0x61: {  	[spmem:s28] =	stream.linear.scatter [tilespmem:s31], [sflag:$0x4], $0x2000, $0x38;
	[tilespmem:$0x1F000] =	vst v63  }
0x62: {  	_ =	swait.ge [sflag:s0], $0x2000  }
0x63: {  	[sflag:s0] =	ssyncset.done $0x0  }
0x64: {  	[sflag:s0] =	ssyncadd.s32 $0xFFFFE000  }
0x65: {  	[spmem:s29] =	stream.linear.scatter [tilespmem:s4], [sflag:$0x4], $0x2000, $0x38;
	[tilespmem:$0x1F000] =	vst v63  }
0x66: {  	_ =	swait.ge [sflag:s0], $0x2000  }
0x67: {  	[sflag:s0] =	ssyncset.done $0x0  }
0x68: {  	[sflag:s0] =	ssyncadd.s32 $0xFFFFE000  }
0x69: {  	[bflag:$0x0] =	sbarrier.arrive $0xFFFF  }
0x6a: {  	s25 =	rddreg [dreg:$0x7]  }
0x6b: {  	[tilespmem:s21], [sflag:$0x4] =	stream.linear.gather [hbm4b:s25+s21], $0x2800, $0x38;
	[tilespmem:$0x1F000] =	vst v63  }
0x6c: {  	_ =	swait.ge [sflag:s0], $0x2800  }
0x6d: {  	[sflag:s0] =	ssyncset.done $0x0  }
0x6e: {  	s25 =	rddreg [dreg:$0x8];
	[sflag:s0] =	ssyncadd.s32 $0xFFFFD800  }
0x6f: {  	[tilespmem:s5], [sflag:$0x4] =	stream.linear.gather [hbm4b:s25+s21], $0x2800, $0x38;
	[tilespmem:$0x1F000] =	vst v63  }
0x70: {  	_ =	swait.ge [sflag:s0], $0x2800  }
0x71: {  	[sflag:s0] =	ssyncset.done $0x0  }
0x72: {  	[sflag:s0] =	ssyncadd.s32 $0xFFFFD800  }
0x73: {  	[tilespmem:s31], [sflag:$0x1] =	stream.indirect.gather [spmem:s1], $0x40, s21, s6, $0xb8;
	[tilespmem:$0x1F000] =	vst v63  }
0x74: {  	_ = 	snop  }
0x75: {  	[tilespmem:s4], [sflag:$0x2] =	stream.indirect.gather [spmem:s1], $0x40, s6, s6, $0xb8;
	[tilespmem:$0x1F000] =	vst v63  }
0x76: {  	_ = 	snop  }
0x77: {  	[tilespmem:s8], [sflag:$0x3] =	stream.indirect.gather [spmem:s1], $0x40, s7, s6, $0xb8;
	[tilespmem:$0x1F000] =	vst v63  }
0x78: {  	_ =	swait.ge [sflag:s9], $0x2000  }
0x79: {  	[sflag:s9] =	ssyncset.done $0x0  }
0x7a: {  	s25 =	simm.s32 $0x2800;
	[sflag:s9] =	ssyncadd.s32 $0xFFFFE000  }
0x7b: {  	[spmem:s2] =	stream.indirect.scatter.add.f32 [tilespmem:s31], [sflag:$0x4], $0x40, s25, s6, $0xb8;
	[tilespmem:$0x1F000] =	vst v63  }
0x7c: {  	_ =	swait.ge [sflag:s0], $0x2000  }
0x7d: {  	[sflag:s0] =	ssyncset.done $0x0  }
0x7e: {  	s23 =	simm.s32 $0x180;
	[sflag:s0] =	ssyncadd.s32 $0xFFFFE000  }
0x7f: {  	[tilespmem:s31], [sflag:$0x1] =	stream.indirect.gather [spmem:s1], $0x40, s23, s6, $0xb8;
	[tilespmem:$0x1F000] =	vst v63  }
0x80: {  	_ =	swait.ge [sflag:s10], $0x2000  }
0x81: {  	[sflag:s10] =	ssyncset.done $0x0  }
0x82: {  	s25 =	simm.s32 $0x2880;
	[sflag:s10] =	ssyncadd.s32 $0xFFFFE000  }
0x83: {  	[spmem:s2] =	stream.indirect.scatter.add.f32 [tilespmem:s4], [sflag:$0x4], $0x40, s25, s6, $0xb8;
	[tilespmem:$0x1F000] =	vst v63  }
0x84: {  	_ =	swait.ge [sflag:s0], $0x2000  }
0x85: {  	[sflag:s0] =	ssyncset.done $0x0  }
0x86: {  	s23 =	simm.s32 $0x200;
	[sflag:s0] =	ssyncadd.s32 $0xFFFFE000  }
0x87: {  	[tilespmem:s4], [sflag:$0x2] =	stream.indirect.gather [spmem:s1], $0x40, s23, s6, $0xb8;
	[tilespmem:$0x1F000] =	vst v63  }
0x88: {  	_ =	swait.ge [sflag:s11], $0x2000  }
0x89: {  	[sflag:s11] =	ssyncset.done $0x0  }
0x8a: {  	s25 =	simm.s32 $0x2900;
	[sflag:s11] =	ssyncadd.s32 $0xFFFFE000  }
0x8b: {  	[spmem:s2] =	stream.indirect.scatter.add.f32 [tilespmem:s8], [sflag:$0x4], $0x40, s25, s6, $0xb8;
	[tilespmem:$0x1F000] =	vst v63  }
0x8c: {  	_ =	swait.ge [sflag:s0], $0x2000  }
0x8d: {  	[sflag:s0] =	ssyncset.done $0x0  }
0x8e: {  	s21 =	simm.s32 $0x600;
	s23 =	simm.s32 $0x280;
	[sflag:s0] =	ssyncadd.s32 $0xFFFFE000  }
.LBB2_4:
0x8f: {  	[tilespmem:s8], [sflag:$0x3] =	stream.indirect.gather [spmem:s1], $0x40, s23, s6, $0xb8;
	[tilespmem:$0x1F000] =	vst v63  }
0x90: {  	s23 =	smov.u32 s21  }
0x91: {  	p0 =	sne.s32 s21, $0x9000;
	s21 =	sadd.s32 $0x600, s21;
	_ =	swait.ge [sflag:s9], $0x2000  }
0x92: {  	s23 =	sshra.s32 s23, $0x2;
	[sflag:s9] =	ssyncset.done $0x0  }
0x93: {  	s25 =	sadd.s32 $0x2800, s23;
	[sflag:s9] =	ssyncadd.s32 $0xFFFFE000  }
0x94: {  	[spmem:s2] =	stream.indirect.scatter.add.f32 [tilespmem:s31], [sflag:$0x4], $0x40, s25, s6, $0xb8;
	[tilespmem:$0x1F000] =	vst v63  }
0x95: {  	_ =	swait.ge [sflag:s0], $0x2000  }
0x96: {  	[sflag:s0] =	ssyncset.done $0x0  }
0x97: {  	s25 =	sadd.s32 $0x180, s23;
	[sflag:s0] =	ssyncadd.s32 $0xFFFFE000  }
0x98: {  	[tilespmem:s31], [sflag:$0x1] =	stream.indirect.gather [spmem:s1], $0x40, s25, s6, $0xb8;
	[tilespmem:$0x1F000] =	vst v63  }
0x99: {  	_ =	swait.ge [sflag:s10], $0x2000  }
0x9a: {  	[sflag:s10] =	ssyncset.done $0x0  }
0x9b: {  	s25 =	sadd.s32 $0x2880, s23;
	[sflag:s10] =	ssyncadd.s32 $0xFFFFE000  }
0x9c: {  	[spmem:s2] =	stream.indirect.scatter.add.f32 [tilespmem:s4], [sflag:$0x4], $0x40, s25, s6, $0xb8;
	[tilespmem:$0x1F000] =	vst v63  }
0x9d: {  	_ =	swait.ge [sflag:s0], $0x2000  }
0x9e: {  	[sflag:s0] =	ssyncset.done $0x0  }
0x9f: {  	s25 =	sadd.s32 $0x200, s23;
	[sflag:s0] =	ssyncadd.s32 $0xFFFFE000  }
0xa0: {  	[tilespmem:s4], [sflag:$0x2] =	stream.indirect.gather [spmem:s1], $0x40, s25, s6, $0xb8;
	[tilespmem:$0x1F000] =	vst v63  }
0xa1: {  	_ =	swait.ge [sflag:s11], $0x2000  }
0xa2: {  	[sflag:s11] =	ssyncset.done $0x0  }
.Ltmp1:
0xa3: {  	s25 =	sadd.s32 $0x2900, s23;
	[sflag:s11] =	ssyncadd.s32 $0xFFFFE000;
	(pc) =	sbr.rel @p0 .LBB2_4-.Ltmp1, $4  }
0xa4: {  	[spmem:s2] =	stream.indirect.scatter.add.f32 [tilespmem:s8], [sflag:$0x4], $0x40, s25, s6, $0xb8;
	[tilespmem:$0x1F000] =	vst v63  }
0xa5: {  	_ =	swait.ge [sflag:s0], $0x2000  }
0xa6: {  	[sflag:s0] =	ssyncset.done $0x0  }
0xa7: {  	s23 =	sadd.s32 $0x280, s23;
	[sflag:s0] =	ssyncadd.s32 $0xFFFFE000  }
0xa8: {  	[tilespmem:s8], [sflag:$0x3] =	stream.indirect.gather [spmem:s1], $0x40, s23, s6, $0xb8;
	[tilespmem:$0x1F000] =	vst v63  }
0xa9: {  	_ =	swait.ge [sflag:s9], $0x2000  }
0xaa: {  	[sflag:s9] =	ssyncset.done $0x0  }
0xab: {  	[sflag:s9] =	ssyncadd.s32 $0xFFFFE000  }
0xac: {  	[spmem:s2] =	stream.indirect.scatter.add.f32 [tilespmem:s31], [sflag:$0x4], $0x40, s12, s6, $0xb8;
	[tilespmem:$0x1F000] =	vst v63  }
0xad: {  	_ =	swait.ge [sflag:s0], $0x2000  }
0xae: {  	[sflag:s0] =	ssyncset.done $0x0  }
0xaf: {  	[sflag:s0] =	ssyncadd.s32 $0xFFFFE000  }
0xb0: {  	_ =	swait.ge [sflag:s10], $0x2000  }
0xb1: {  	[sflag:s10] =	ssyncset.done $0x0  }
0xb2: {  	[sflag:s10] =	ssyncadd.s32 $0xFFFFE000  }
0xb3: {  	[spmem:s2] =	stream.indirect.scatter.add.f32 [tilespmem:s4], [sflag:$0x4], $0x40, s13, s6, $0xb8;
	[tilespmem:$0x1F000] =	vst v63  }
0xb4: {  	_ =	swait.ge [sflag:s0], $0x2000  }
0xb5: {  	[sflag:s0] =	ssyncset.done $0x0  }
0xb6: {  	[sflag:s0] =	ssyncadd.s32 $0xFFFFE000  }
0xb7: {  	_ =	swait.ge [sflag:s11], $0x2000  }
0xb8: {  	[sflag:s11] =	ssyncset.done $0x0  }
0xb9: {  	[sflag:s11] =	ssyncadd.s32 $0xFFFFE000  }
0xba: {  	[spmem:s2] =	stream.indirect.scatter.add.f32 [tilespmem:s8], [sflag:$0x4], $0x40, s14, s6, $0xb8;
	[tilespmem:$0x1F000] =	vst v63  }
0xbb: {  	_ =	swait.ge [sflag:s0], $0x2000  }
0xbc: {  	[sflag:s0] =	ssyncset.done $0x0  }
0xbd: {  	[sflag:s0] =	ssyncadd.s32 $0xFFFFE000  }
0xbe: {  	[tilespmem:s31], [sflag:$0x1] =	stream.indirect.gather [spmem:s1], $0x40, s15, s6, $0xb8;
	[tilespmem:$0x1F000] =	vst v63  }
0xbf: {  	_ =	swait.ge [sflag:s9], $0x2000  }
0xc0: {  	[sflag:s9] =	ssyncset.done $0x0  }
0xc1: {  	[sflag:s9] =	ssyncadd.s32 $0xFFFFE000  }
0xc2: {  	[spmem:s2] =	stream.indirect.scatter.add.f32 [tilespmem:s31], [sflag:$0x4], $0x40, s16, s6, $0xb8;
	[tilespmem:$0x1F000] =	vst v63  }
0xc3: {  	_ =	swait.ge [sflag:s0], $0x2000  }
0xc4: {  	[sflag:s0] =	ssyncset.done $0x0  }
0xc5: {  	[sflag:s0] =	ssyncadd.s32 $0xFFFFE000  }
0xc6: {  	[tilespmem:s31], [sflag:$0x1] =	stream.indirect.gather [spmem:s1], $0x40, s17, s6, $0xb8;
	[tilespmem:$0x1F000] =	vst v63  }
0xc7: {  	_ =	swait.ge [sflag:s9], $0x2000  }
0xc8: {  	[sflag:s9] =	ssyncset.done $0x0  }
0xc9: {  	[sflag:s9] =	ssyncadd.s32 $0xFFFFE000  }
0xca: {  	[spmem:s2] =	stream.indirect.scatter.add.f32 [tilespmem:s31], [sflag:$0x4], $0x40, s18, s6, $0xb8;
	[tilespmem:$0x1F000] =	vst v63  }
0xcb: {  	_ =	swait.ge [sflag:s0], $0x2000  }
0xcc: {  	[sflag:s0] =	ssyncset.done $0x0  }
0xcd: {  	s21 =	simm.s32 $0x0;
	s25 =	rddreg [dreg:$0x9];
	[sflag:s0] =	ssyncadd.s32 $0xFFFFE000  }
0xce: {  	[tilespmem:s21], [sflag:$0x4] =	stream.linear.gather [hbm4b:s25+s21], $0x2800, $0x38;
	[tilespmem:$0x1F000] =	vst v63  }
0xcf: {  	_ =	swait.ge [sflag:s0], $0x2800  }
0xd0: {  	[sflag:s0] =	ssyncset.done $0x0  }
0xd1: {  	s25 =	rddreg [dreg:$0xa];
	[sflag:s0] =	ssyncadd.s32 $0xFFFFD800  }
0xd2: {  	[tilespmem:s5], [sflag:$0x4] =	stream.linear.gather [hbm4b:s25+s21], $0x2800, $0x38;
	[tilespmem:$0x1F000] =	vst v63  }
0xd3: {  	_ =	swait.ge [sflag:s0], $0x2800  }
0xd4: {  	[sflag:s0] =	ssyncset.done $0x0  }
0xd5: {  	[sflag:s0] =	ssyncadd.s32 $0xFFFFD800  }
0xd6: {  	[tilespmem:s31], [sflag:$0x1] =	stream.indirect.gather [spmem:s1], $0x40, s21, s6, $0xb8;
	[tilespmem:$0x1F000] =	vst v63  }
0xd7: {  	_ = 	snop  }
0xd8: {  	[tilespmem:s4], [sflag:$0x2] =	stream.indirect.gather [spmem:s1], $0x40, s6, s6, $0xb8;
	[tilespmem:$0x1F000] =	vst v63  }
0xd9: {  	_ = 	snop  }
0xda: {  	[tilespmem:s8], [sflag:$0x3] =	stream.indirect.gather [spmem:s1], $0x40, s7, s6, $0xb8;
	[tilespmem:$0x1F000] =	vst v63  }
0xdb: {  	_ =	swait.ge [sflag:s9], $0x2000  }
0xdc: {  	[sflag:s9] =	ssyncset.done $0x0  }
0xdd: {  	s25 =	simm.s32 $0x2800;
	[sflag:s9] =	ssyncadd.s32 $0xFFFFE000  }
0xde: {  	[spmem:s2] =	stream.indirect.scatter.add.f32 [tilespmem:s31], [sflag:$0x4], $0x40, s25, s6, $0xb8;
	[tilespmem:$0x1F000] =	vst v63  }
0xdf: {  	_ =	swait.ge [sflag:s0], $0x2000  }
0xe0: {  	[sflag:s0] =	ssyncset.done $0x0  }
0xe1: {  	s23 =	simm.s32 $0x180;
	[sflag:s0] =	ssyncadd.s32 $0xFFFFE000  }
0xe2: {  	[tilespmem:s31], [sflag:$0x1] =	stream.indirect.gather [spmem:s1], $0x40, s23, s6, $0xb8;
	[tilespmem:$0x1F000] =	vst v63  }
0xe3: {  	_ =	swait.ge [sflag:s10], $0x2000  }
0xe4: {  	[sflag:s10] =	ssyncset.done $0x0  }
0xe5: {  	s25 =	simm.s32 $0x2880;
	[sflag:s10] =	ssyncadd.s32 $0xFFFFE000  }
0xe6: {  	[spmem:s2] =	stream.indirect.scatter.add.f32 [tilespmem:s4], [sflag:$0x4], $0x40, s25, s6, $0xb8;
	[tilespmem:$0x1F000] =	vst v63  }
0xe7: {  	_ =	swait.ge [sflag:s0], $0x2000  }
0xe8: {  	[sflag:s0] =	ssyncset.done $0x0  }
0xe9: {  	s23 =	simm.s32 $0x200;
	[sflag:s0] =	ssyncadd.s32 $0xFFFFE000  }
0xea: {  	[tilespmem:s4], [sflag:$0x2] =	stream.indirect.gather [spmem:s1], $0x40, s23, s6, $0xb8;
	[tilespmem:$0x1F000] =	vst v63  }
0xeb: {  	_ =	swait.ge [sflag:s11], $0x2000  }
0xec: {  	[sflag:s11] =	ssyncset.done $0x0  }
0xed: {  	s25 =	simm.s32 $0x2900;
	[sflag:s11] =	ssyncadd.s32 $0xFFFFE000  }
0xee: {  	[spmem:s2] =	stream.indirect.scatter.add.f32 [tilespmem:s8], [sflag:$0x4], $0x40, s25, s6, $0xb8;
	[tilespmem:$0x1F000] =	vst v63  }
0xef: {  	_ =	swait.ge [sflag:s0], $0x2000  }
0xf0: {  	[sflag:s0] =	ssyncset.done $0x0  }
0xf1: {  	s21 =	simm.s32 $0x600;
	s23 =	simm.s32 $0x280;
	[sflag:s0] =	ssyncadd.s32 $0xFFFFE000  }
.LBB2_6:
0xf2: {  	[tilespmem:s8], [sflag:$0x3] =	stream.indirect.gather [spmem:s1], $0x40, s23, s6, $0xb8;
	[tilespmem:$0x1F000] =	vst v63  }
0xf3: {  	s23 =	smov.u32 s21  }
0xf4: {  	p0 =	sne.s32 s21, $0x9000;
	s21 =	sadd.s32 $0x600, s21;
	_ =	swait.ge [sflag:s9], $0x2000  }
0xf5: {  	s23 =	sshra.s32 s23, $0x2;
	[sflag:s9] =	ssyncset.done $0x0  }
0xf6: {  	s25 =	sadd.s32 $0x2800, s23;
	[sflag:s9] =	ssyncadd.s32 $0xFFFFE000  }
0xf7: {  	[spmem:s2] =	stream.indirect.scatter.add.f32 [tilespmem:s31], [sflag:$0x4], $0x40, s25, s6, $0xb8;
	[tilespmem:$0x1F000] =	vst v63  }
0xf8: {  	_ =	swait.ge [sflag:s0], $0x2000  }
0xf9: {  	[sflag:s0] =	ssyncset.done $0x0  }
0xfa: {  	s25 =	sadd.s32 $0x180, s23;
	[sflag:s0] =	ssyncadd.s32 $0xFFFFE000  }
0xfb: {  	[tilespmem:s31], [sflag:$0x1] =	stream.indirect.gather [spmem:s1], $0x40, s25, s6, $0xb8;
	[tilespmem:$0x1F000] =	vst v63  }
0xfc: {  	_ =	swait.ge [sflag:s10], $0x2000  }
0xfd: {  	[sflag:s10] =	ssyncset.done $0x0  }
0xfe: {  	s25 =	sadd.s32 $0x2880, s23;
	[sflag:s10] =	ssyncadd.s32 $0xFFFFE000  }
0xff: {  	[spmem:s2] =	stream.indirect.scatter.add.f32 [tilespmem:s4], [sflag:$0x4], $0x40, s25, s6, $0xb8;
	[tilespmem:$0x1F000] =	vst v63  }
0x100: {  	_ =	swait.ge [sflag:s0], $0x2000  }
0x101: {  	[sflag:s0] =	ssyncset.done $0x0  }
0x102: {  	s25 =	sadd.s32 $0x200, s23;
	[sflag:s0] =	ssyncadd.s32 $0xFFFFE000  }
0x103: {  	[tilespmem:s4], [sflag:$0x2] =	stream.indirect.gather [spmem:s1], $0x40, s25, s6, $0xb8;
	[tilespmem:$0x1F000] =	vst v63  }
0x104: {  	_ =	swait.ge [sflag:s11], $0x2000  }
0x105: {  	[sflag:s11] =	ssyncset.done $0x0  }
.Ltmp2:
0x106: {  	s25 =	sadd.s32 $0x2900, s23;
	[sflag:s11] =	ssyncadd.s32 $0xFFFFE000;
	(pc) =	sbr.rel @p0 .LBB2_6-.Ltmp2, $4  }
0x107: {  	[spmem:s2] =	stream.indirect.scatter.add.f32 [tilespmem:s8], [sflag:$0x4], $0x40, s25, s6, $0xb8;
	[tilespmem:$0x1F000] =	vst v63  }
0x108: {  	_ =	swait.ge [sflag:s0], $0x2000  }
0x109: {  	[sflag:s0] =	ssyncset.done $0x0  }
0x10a: {  	s23 =	sadd.s32 $0x280, s23;
	[sflag:s0] =	ssyncadd.s32 $0xFFFFE000  }
0x10b: {  	[tilespmem:s8], [sflag:$0x3] =	stream.indirect.gather [spmem:s1], $0x40, s23, s6, $0xb8;
	[tilespmem:$0x1F000] =	vst v63  }
0x10c: {  	_ =	swait.ge [sflag:s9], $0x2000  }
0x10d: {  	[sflag:s9] =	ssyncset.done $0x0  }
0x10e: {  	[sflag:s9] =	ssyncadd.s32 $0xFFFFE000  }
0x10f: {  	[spmem:s2] =	stream.indirect.scatter.add.f32 [tilespmem:s31], [sflag:$0x4], $0x40, s12, s6, $0xb8;
	[tilespmem:$0x1F000] =	vst v63  }
0x110: {  	_ =	swait.ge [sflag:s0], $0x2000  }
0x111: {  	[sflag:s0] =	ssyncset.done $0x0  }
0x112: {  	[sflag:s0] =	ssyncadd.s32 $0xFFFFE000  }
0x113: {  	_ =	swait.ge [sflag:s10], $0x2000  }
0x114: {  	[sflag:s10] =	ssyncset.done $0x0  }
0x115: {  	[sflag:s10] =	ssyncadd.s32 $0xFFFFE000  }
0x116: {  	[spmem:s2] =	stream.indirect.scatter.add.f32 [tilespmem:s4], [sflag:$0x4], $0x40, s13, s6, $0xb8;
	[tilespmem:$0x1F000] =	vst v63  }
0x117: {  	_ =	swait.ge [sflag:s0], $0x2000  }
0x118: {  	[sflag:s0] =	ssyncset.done $0x0  }
0x119: {  	[sflag:s0] =	ssyncadd.s32 $0xFFFFE000  }
0x11a: {  	_ =	swait.ge [sflag:s11], $0x2000  }
0x11b: {  	[sflag:s11] =	ssyncset.done $0x0  }
0x11c: {  	[sflag:s11] =	ssyncadd.s32 $0xFFFFE000  }
0x11d: {  	[spmem:s2] =	stream.indirect.scatter.add.f32 [tilespmem:s8], [sflag:$0x4], $0x40, s14, s6, $0xb8;
	[tilespmem:$0x1F000] =	vst v63  }
0x11e: {  	_ =	swait.ge [sflag:s0], $0x2000  }
0x11f: {  	[sflag:s0] =	ssyncset.done $0x0  }
0x120: {  	[sflag:s0] =	ssyncadd.s32 $0xFFFFE000  }
0x121: {  	[tilespmem:s31], [sflag:$0x1] =	stream.indirect.gather [spmem:s1], $0x40, s15, s6, $0xb8;
	[tilespmem:$0x1F000] =	vst v63  }
0x122: {  	_ =	swait.ge [sflag:s9], $0x2000  }
0x123: {  	[sflag:s9] =	ssyncset.done $0x0  }
0x124: {  	[sflag:s9] =	ssyncadd.s32 $0xFFFFE000  }
0x125: {  	[spmem:s2] =	stream.indirect.scatter.add.f32 [tilespmem:s31], [sflag:$0x4], $0x40, s16, s6, $0xb8;
	[tilespmem:$0x1F000] =	vst v63  }
0x126: {  	_ =	swait.ge [sflag:s0], $0x2000  }
0x127: {  	[sflag:s0] =	ssyncset.done $0x0  }
0x128: {  	[sflag:s0] =	ssyncadd.s32 $0xFFFFE000  }
0x129: {  	[tilespmem:s31], [sflag:$0x1] =	stream.indirect.gather [spmem:s1], $0x40, s17, s6, $0xb8;
	[tilespmem:$0x1F000] =	vst v63  }
0x12a: {  	_ =	swait.ge [sflag:s9], $0x2000  }
0x12b: {  	[sflag:s9] =	ssyncset.done $0x0  }
0x12c: {  	[sflag:s9] =	ssyncadd.s32 $0xFFFFE000  }
0x12d: {  	[spmem:s2] =	stream.indirect.scatter.add.f32 [tilespmem:s31], [sflag:$0x4], $0x40, s18, s6, $0xb8;
	[tilespmem:$0x1F000] =	vst v63  }
0x12e: {  	_ =	swait.ge [sflag:s0], $0x2000  }
0x12f: {  	[sflag:s0] =	ssyncset.done $0x0  }
0x130: {  	[sflag:s0] =	ssyncadd.s32 $0xFFFFE000  }
0x131: {  	[bflag:$0x0] =	sbarrier.arrive $0xFFFF  }
0x132: {  	[tilespmem:s31], [sflag:$0x4] =	stream.linear.gather [spmem:s20], $0x2000, $0x38;
	[tilespmem:$0x1F000] =	vst v63  }
0x133: {  	_ =	swait.ge [sflag:s0], $0x2000  }
0x134: {  	[sflag:s0] =	ssyncset.done $0x0  }
0x135: {  	s21 =	rddreg [dreg:$0xd];
	[sflag:s0] =	ssyncadd.s32 $0xFFFFE000  }
0x136: {  	[hbm4b:s21+s3] =	stream.linear.scatter [tilespmem:s31], [sflag:$0x4], $0x2000, $0x38;
	[tilespmem:$0x1F000] =	vst v63  }
0x137: {  	_ =	swait.ge [sflag:s0], $0x2000  }
0x138: {  	[sflag:s0] =	ssyncset.done $0x0  }
0x139: {  	[sflag:s0] =	ssyncadd.s32 $0xFFFFE000  }
0x13a: {  	[tilespmem:s31], [sflag:$0x4] =	stream.linear.gather [spmem:s22], $0x2000, $0x38;
	[tilespmem:$0x1F000] =	vst v63  }
0x13b: {  	_ =	swait.ge [sflag:s0], $0x2000  }
0x13c: {  	[sflag:s0] =	ssyncset.done $0x0  }
0x13d: {  	s23 =	rddreg [dreg:$0xe];
	[sflag:s0] =	ssyncadd.s32 $0xFFFFE000  }
0x13e: {  	[hbm4b:s23+s3] =	stream.linear.scatter [tilespmem:s31], [sflag:$0x4], $0x2000, $0x38;
	[tilespmem:$0x1F000] =	vst v63  }
0x13f: {  	_ =	swait.ge [sflag:s0], $0x2000  }
0x140: {  	[sflag:s0] =	ssyncset.done $0x0  }
0x141: {  	[sflag:s0] =	ssyncadd.s32 $0xFFFFE000  }
0x142: {  	[tilespmem:s31], [sflag:$0x4] =	stream.linear.gather [spmem:s24], $0x2000, $0x38;
	[tilespmem:$0x1F000] =	vst v63  }
0x143: {  	_ =	swait.ge [sflag:s0], $0x2000  }
0x144: {  	[sflag:s0] =	ssyncset.done $0x0  }
0x145: {  	s25 =	rddreg [dreg:$0xf];
	[sflag:s0] =	ssyncadd.s32 $0xFFFFE000  }
0x146: {  	[hbm4b:s25+s3] =	stream.linear.scatter [tilespmem:s31], [sflag:$0x4], $0x2000, $0x38;
	[tilespmem:$0x1F000] =	vst v63  }
0x147: {  	_ =	swait.ge [sflag:s0], $0x2000  }
0x148: {  	[sflag:s0] =	ssyncset.done $0x0  }
0x149: {  	[sflag:s0] =	ssyncadd.s32 $0xFFFFE000  }
0x14a: {  	[tilespmem:s31], [sflag:$0x4] =	stream.linear.gather [spmem:s26], $0x2000, $0x38;
	[tilespmem:$0x1F000] =	vst v63  }
0x14b: {  	_ =	swait.ge [sflag:s0], $0x2000  }
0x14c: {  	[sflag:s0] =	ssyncset.done $0x0  }
0x14d: {  	s23 =	rddreg [dreg:$0x10];
	[sflag:s0] =	ssyncadd.s32 $0xFFFFE000  }
0x14e: {  	[hbm4b:s23+s3] =	stream.linear.scatter [tilespmem:s31], [sflag:$0x4], $0x2000, $0x38;
	[tilespmem:$0x1F000] =	vst v63  }
0x14f: {  	_ =	swait.ge [sflag:s0], $0x2000  }
0x150: {  	[sflag:s0] =	ssyncset.done $0x0  }
0x151: {  	[sflag:s0] =	ssyncadd.s32 $0xFFFFE000  }
0x152: {  	[tilespmem:s31], [sflag:$0x4] =	stream.linear.gather [spmem:s29], $0x2000, $0x38;
	[tilespmem:$0x1F000] =	vst v63  }
0x153: {  	s19 =	sadd.s32 $0x1, s19;
	_ =	swait.ge [sflag:s0], $0x2000  }
0x154: {  	p0 =	sne.s32 s19, s30;
	[sflag:s0] =	ssyncset.done $0x0  }
.Ltmp3:
0x155: {  	s25 =	rddreg [dreg:$0x11];
	[sflag:s0] =	ssyncadd.s32 $0xFFFFE000;
	(pc) =	sbr.rel @p0 .LBB2_1-.Ltmp3, $4  }
0x156: {  	[hbm4b:s25+s3] =	stream.linear.scatter [tilespmem:s31], [sflag:$0x4], $0x2000, $0x38;
	[tilespmem:$0x1F000] =	vst v63  }
0x157: {  	_ =	swait.ge [sflag:s0], $0x2000  }
0x158: {  	[sflag:s0] =	ssyncset.done $0x0  }
0x159: {  	[sflag:s0] =	ssyncadd.s32 $0xFFFFE000  }
0x15a: {  	_ =	sfence.sel $0x180000  }
0x15b: {  	[bflag:$0x0] =	sbarrier.arrive $0xFFFF  }
0x15c: {  	_ =	strace $0x9000004D  }
0x15d: {  	s0 =	stileid.u32;
	[bflag:$0x2] =	sbarrier.arrive $0xFFFF  }
0x15e: {  	p0 =	sne.s32 s0, $0x0;
	s0 =	rddreg [dreg:$0x3]  }
0x15f: {  	s0 =	sadd.s32 @!p0 $0x100000, s0  }
0x160: {  	[sflag:s0] =	ssyncadd.tile.s32 @!p0 $0x1;
	_ =	shalt  }
.Lfunc_end2:
_tile_overlayer_lowered:
.L_overlay_start_2:
0x161: {  	(tag) =	ssettag $0x2  }
0x162: {  	s0 =	rddreg [dreg:$0x0];
	s2 =	stileid.u32  }
0x163: {  	s1 =	rddreg [dreg:$0x1];
	p0 =	sne.s32 s2, $0x0  }
0x164: {  	s3 =	rddreg [dreg:$0x2];
	[bflag:$0x3] =	sbarrier.arrive $0xFFFF;
	s2 =	simm.s32 @!p0 $0x1C04  }
0x165: {  	[timem:s3], [sflag:s2] =	dma.local @!p0 [hbm:s0], s1  }
0x166: {  	s0 =	simm.s32 @!p0 $0x4  }
0x167: {  	_ =	swait.ge @!p0 [sflag:s0], s1  }
0x168: {  	s1 =	ssub.s32 @!p0 $0x0, s1;
	[sflag:s0] =	ssyncset.done @!p0 $0x0  }
0x169: {  	[sflag:s0] =	ssyncadd.s32 @!p0 s1  }
0x16a: {  	[bflag:$0x3] =	sbarrier.arrive $0xFFFF  }
0x16b: {  	_ =	shalt  }

// kernel: kernel.8.cloned.1.call-start
scs
__scs_entry_jumppad:
0x0: {  	(pc) =	sbr.rel $0x88, $3  }
0x1: {  	(tag) =	ssettag $0x0;
	lr =	simm.s32 $0x1  }
0x2: {  	[smem:$0x3F94] =	sst lr;
	_ =	strace $0xD0000000  }
0x3: {  	_ = 	snop  }
0x4: {  	_ = 	snop  }
0x5: {  	_ = 	snop  }
0x6: {  	_ = 	snop  }
0x7: {  	_ = 	snop  }
__scs_overlays_trampoline_lowered:
0x8: {  	[smem:$0x3FA3] =	sst s0  }
0x9: {  	[smem:$0x3FA4] =	sst s1  }
0xa: {  	[smem:$0x3FA5] =	sst s2  }
0xb: {  	[smem:$0x3FA6] =	sst s3  }
0xc: {  	[smem:$0x3FA7] =	sst s4  }
0xd: {  	[smem:$0x3FA8] =	sst s5  }
0xe: {  	[smem:$0x3FA9] =	sst s6  }
0xf: {  	[smem:$0x3FAA] =	sst s7  }
0x10: {  	[smem:$0x3FAB] =	sst s8  }
0x11: {  	[smem:$0x3FAC] =	sst s9;
	s0 =	simm.s32 @!p0 $0x0  }
0x12: {  	s1 =	sld [smem:$0x3F92];
	s0 =	simm.s32 @p0 $0x1  }
0x13: {  	[smem:$0x3FAD] =	sst s0;
	s0 =	simm.s32 @!p1 $0x0  }
0x14: {  	s2 =	sld [smem:$0x3F91];
	s0 =	simm.s32 @p1 $0x1  }
0x15: {  	[smem:$0x3FAE] =	sst s0;
	s0 =	simm.s32 @!p2 $0x0  }
0x16: {  	s3 =	sld [smem:$0x3FDB];
	s0 =	simm.s32 @p2 $0x1  }
0x17: {  	s4 =	simm.s32 $0x1BF5;
	[smem:$0x3FB0] =	sst s0  }
0x18: {  	s0 =	sld [smem:$0x3F93];
	_ =	swait.ge [sflag:s4], $0x0  }
0x19: {  	s7 =	sld [smem:$0x3F94]  }
0x1a: {  	s8 =	sadd.s32 $0xFFFFE003, lr  }
0x1b: {  	s9 =	sadd.s32 $0xFFFFFEF7, lr;
	s5 =	simm.s32 $0xFFFFFFFF;
	p2 =	slt.u32 s8, $0xFFFFF086  }
0x1c: {  	p1 =	slt.u32 s9, $0xF7A;
	s5 =	simm.s32 @!p2 $0x0  }
0x1d: {  	s5 =	simm.s32 @p1 $0x1;
	p0 =	seq.s32 s7, s2  }
0x1e: {  	s7 =	smul.u32 @!p0 $0xF7A, s2;
	p2 =	seq.s32 @!p0 s5, $0x0  }
0x1f: {  	s9 =	smul.u32 $0xF7A, s1;
	s8 =	simm.s32 @!p0 $0x1BF5;
	p2 =	por !p2, p0  }
0x20: {  	[sflag:s8] =	ssyncset.s32 @!p0 $0xFFFFF086;
	s6 =	sadd.s32 @!p0 s3, s7;
	s7 =	simm.s32 @!p0 $0x108  }
0x21: {  	s3 =	sadd.s32 s3, s9;
	s6 =	sadd.s32 @!p0 $0x88, s6;
	s7 =	simm.s32 @p2 $0x1082  }
0x22: {  	[simem:s7], [sflag:s8] =	dma.local @!p0 [hbm:s6], $0xF7A  }
0x23: {  	s9 =	sor.u32 $0xD0000000, s2;
	s6 =	simm.s32 $0x108;
	_ =	swait.ge @!p0 [sflag:s8], $0x0  }
0x24: {  	s3 =	sadd.s32 $0x88, s3;
	s6 =	simm.s32 @!p1 $0x1082;
	[sflag:s4] =	ssyncset.s32 $0xFFFFF086  }
0x25: {  	[simem:s6], [sflag:s4] =	dma.local [hbm:s3], $0xF7A  }
0x26: {  	[smem:$0x3F94] =	sst s1;
	(tag) =	ssettag s2;
	_ =	strace s9  }
0x27: {  	s1 =	sld [smem:$0x3FA4]  }
0x28: {  	s2 =	sld [smem:$0x3FA5]  }
0x29: {  	s4 =	sld [smem:$0x3FA7]  }
0x2a: {  	p0 =	seq.s32 s5, $0x0;
	s5 =	sld [smem:$0x3FA8]  }
0x2b: {  	s6 =	sld [smem:$0x3FA9]  }
0x2c: {  	s7 =	sld [smem:$0x3FAA]  }
0x2d: {  	s3 =	simm.s32 $0x108;
	s8 =	sld [smem:$0x3FAB]  }
0x2e: {  	s3 =	simm.s32 @!p0 $0x1082;
	s9 =	sld [smem:$0x3FAC]  }
0x2f: {  	lr =	sadd.s32 s0, s3;
	s0 =	sld [smem:$0x3FA3]  }
0x30: {  	s3 =	sld [smem:$0x3FA6]  }
0x31: {  	[smem:$0x3FAF] =	sst s10  }
0x32: {  	s10 =	sld [smem:$0x3FAD];
	_ =	sdelay $0x3  }
0x33: {  	p0 =	seq.s32 s10, $0x1;
	s10 =	sld [smem:$0x3FAF];
	_ =	sdelay $0x3  }
0x34: {  	[smem:$0x3FAF] =	sst s10  }
0x35: {  	s10 =	sld [smem:$0x3FAE];
	_ =	sdelay $0x3  }
0x36: {  	p1 =	seq.s32 s10, $0x1;
	s10 =	sld [smem:$0x3FAF];
	_ =	sdelay $0x3  }
0x37: {  	[smem:$0x3FAF] =	sst s10  }
0x38: {  	s10 =	sld [smem:$0x3FB0]  }
0x39: {  	_ = 	snop;
	(pc) =	sbr.ind lr, $3  }
0x3a: {  	_ = 	snop  }
0x3b: {  	_ = 	snop  }
0x3c: {  	p2 =	seq.s32 s10, $0x1;
	s10 =	sld [smem:$0x3FAF]  }
0x3d: {  	_ =	shalt  }
0x3e: {  	_ =	shalt  }
0x3f: {  	_ =	shalt  }
0x40: {  	_ =	shalt  }
0x41: {  	_ =	shalt  }
0x42: {  	_ =	shalt  }
0x43: {  	_ =	shalt  }
0x44: {  	_ =	shalt  }
0x45: {  	_ =	shalt  }
0x46: {  	_ =	shalt  }
0x47: {  	_ =	shalt  }
0x48: {  	_ =	shalt  }
0x49: {  	_ =	shalt  }
0x4a: {  	_ =	shalt  }
0x4b: {  	_ =	shalt  }
0x4c: {  	_ =	shalt  }
0x4d: {  	_ =	shalt  }
0x4e: {  	_ =	shalt  }
0x4f: {  	_ =	shalt  }
0x50: {  	_ =	shalt  }
0x51: {  	_ =	shalt  }
0x52: {  	_ =	shalt  }
0x53: {  	_ =	shalt  }
0x54: {  	_ =	shalt  }
0x55: {  	_ =	shalt  }
0x56: {  	_ =	shalt  }
0x57: {  	_ =	shalt  }
0x58: {  	_ =	shalt  }
0x59: {  	_ =	shalt  }
0x5a: {  	_ =	shalt  }
0x5b: {  	_ =	shalt  }
0x5c: {  	_ =	shalt  }
0x5d: {  	_ =	shalt  }
0x5e: {  	_ =	shalt  }
0x5f: {  	_ =	shalt  }
0x60: {  	_ =	shalt  }
0x61: {  	_ =	shalt  }
0x62: {  	_ =	shalt  }
0x63: {  	_ =	shalt  }
0x64: {  	_ =	shalt  }
0x65: {  	_ =	shalt  }
0x66: {  	_ =	shalt  }
0x67: {  	_ =	shalt  }
0x68: {  	_ =	shalt  }
0x69: {  	_ =	shalt  }
0x6a: {  	_ =	shalt  }
0x6b: {  	_ =	shalt  }
0x6c: {  	_ =	shalt  }
0x6d: {  	_ =	shalt  }
0x6e: {  	_ =	shalt  }
0x6f: {  	_ =	shalt  }
0x70: {  	_ =	shalt  }
0x71: {  	_ =	shalt  }
0x72: {  	_ =	shalt  }
0x73: {  	_ =	shalt  }
0x74: {  	_ =	shalt  }
0x75: {  	_ =	shalt  }
0x76: {  	_ =	shalt  }
0x77: {  	_ =	shalt  }
0x78: {  	_ =	shalt  }
0x79: {  	_ =	shalt  }
0x7a: {  	_ =	shalt  }
0x7b: {  	_ =	shalt  }
0x7c: {  	_ =	shalt  }
0x7d: {  	_ =	shalt  }
0x7e: {  	_ =	shalt  }
0x7f: {  	_ =	shalt  }
0x80: {  	_ =	shalt  }
0x81: {  	_ =	shalt  }
0x82: {  	_ =	shalt  }
0x83: {  	_ =	shalt  }
0x84: {  	_ =	shalt  }
0x85: {  	_ =	shalt  }
0x86: {  	_ =	shalt  }
0x87: {  	_ =	shalt  }
.Lfunc_end0:
.L_simem_size_0:
called_computation_lowered:
.L_overlay_start_0:
0x88: {  	s2 =	sld [smem:$0x3FD9]  }
0x89: {  	s3 =	sld [smem:$0x3FFE];
	_ =	sdelay $0x1  }
0x8a: {  	s1 =	srdreg.scid  }
0x8b: {  	s0 =	sand.u32 $0x1, s1  }
0x8c: {  	s16 =	sshll.u32 s0, $0xA;
	s2 =	sadd.s32 s3, s2  }
0x8d: {  	s2 =	sadd.s32 s2, s16  }
0x8e: {  	[smem:$0x3FBB] =	sst s2  }
0x8f: {  	_ = 	snop  }
0x90: {  	(tm) =	ssettm $0x1  }
0x91: {  	s17 =	sld [smem:$0x3FFB];
	_ =	sdelay $0x3  }
0x92: {  	_ =	strace s17  }
0x93: {  	s2 =	sld [smem:$0x3FFC];
	_ =	sdelay $0x3  }
0x94: {  	_ =	strace s2  }
0x95: {  	s2 =	sld [smem:$0x3FFD];
	_ =	sdelay $0x3  }
0x96: {  	_ =	strace s2  }
0x97: {  	_ =	strace $0x8FFFFFFF  }
0x98: {  	s18 =	sld [smem:$0x3FDB];
	_ =	sdelay $0x1  }
0x99: {  	s19 =	simm.s32 $_scs_section_size  }
0x9a: {  	s4 =	simm.s32 $_size__tile_overlayer_lowered;
	s5 =	simm.s32 $_tile_overlayer_lowered  }
0x9b: {  	s22 =	simm.s32 $0x1BFF;
	s21 =	sshll.u32 s5, $0x1;
	s2 =	sadd.s32 s19, s18  }
0x9c: {  	s6 =	simm.s32 $0x0;
	s20 =	sshll.u32 s4, $0x1;
	s4 =	sadd.s32 s21, s2  }
0x9d: {  	[timem:s6], [sflag:s22] =	dma.local [hbm:s4], s20  }
0x9e: {  	_ =	swait.ge [sflag:s22], s20  }
0x9f: {  	s3 =	ssub.s32 $0x0, s20;
	[sflag:s22] =	ssyncset.done $0x0  }
0xa0: {  	[sflag:s22] =	ssyncadd.s32 s3;
	_ =	sdelay $0x1  }
0xa1: {  	s23 =	simm.s32 $0x1B8B  }
0xa2: {  	_ =	swait.ge [sflag:s23], $0x1  }
0xa3: {  	[sflag:s23] =	ssyncset.done $0x0  }
0xa4: {  	s25 =	simm.s32 $0x1B8E;
	s24 =	sld [smem:$0x3FFE];
	[sflag:s23] =	ssyncadd.s32 $0xFFFFFFFF  }
0xa5: {  	s26 =	simm.s32 $execute0_lowered;
	[smem:$0x3FD2] =	sst s25  }
0xa6: {  	s4 =	sshll.u32 s26, $0x1;
	_ =	strace $0x80000046;
	[dreg:$0x1] =	wrdreg $0xFFFFFFFF  }
0xa7: {  	s28 =	simm.s32 $_size_execute0_lowered;
	s2 =	sadd.s32 s2, s4;
	[dreg:$0x0] =	wrdreg $0x0  }
0xa8: {  	s4 =	sshll.u32 s28, $0x1;
	[dreg:$0x2] =	wrdreg s2  }
0xa9: {  	[dreg:$0x3] =	wrdreg s4  }
0xaa: {  	[dreg:$0x4] =	wrdreg $0xC0  }
0xab: {  	_ =	task [dreg:s6], $0x5FFFF  }
0xac: {  	[dreg:$0x1] =	wrdreg $0xFFFFFFFF  }
0xad: {  	[dreg:$0x0] =	wrdreg $0x60  }
0xae: {  	[dreg:$0x2] =	wrdreg s24  }
0xaf: {  	[dreg:$0x3] =	wrdreg $0x68000  }
0xb0: {  	[dreg:$0x4] =	wrdreg $0x9  }
0xb1: {  	_ =	task.clear_ibuf [dreg:s6], $0x5FFFF;
	_ =	strace $0x90000046  }
0xb2: {  	s29 =	simm.s32 $0x9;
	_ =	strace $0x80000048  }
0xb3: {  	_ =	swait.ge [sflag:s29], $0x1  }
0xb4: {  	[sflag:s29] =	ssyncadd.s32 $0xFFFFFFFF  }
0xb5: {  	_ =	strace $0x90000048  }
0xb6: {  	_ =	sfence  }
0xb7: {  	s30 =	sld [smem:$0x0];
	_ =	sdelay $0x2  }
0xb8: {  	s31 =	sshll.u32 s1, $0xD;
	s1 =	sshrl.u32 s1, $0x2  }
0xb9: {  	s3 =	sand.u32 $0x4000, s31;
	s1 =	sadd.s32 s1, s30  }
0xba: {  	s0 =	sor.u32 s3, s0;
	s1 =	sshll.u32 s1, $0x11  }
0xbb: {  	s0 =	sor.u32 s1, s0  }
0xbc: {  	s0 =	sadd.s32 $0x8F2B, s0  }
0xbd: {  	[sflag:s0] =	ssyncadd.remote.s32 $0x1  }
0xbe: {  	_ =	sfence.sel $0xFFFF  }
0xbf: {  	[dreg:$0x0] =	wrdreg $0xFFFFFFFF;
	(pc) =	sbr.abs _section_cstart, $3  }
0xc0: {  	[dreg:$0x1] =	wrdreg $0xFFFFFFFF  }
0xc1: {  	_ =	task.clear_ibuf [dreg:s6], $0x2FFFF;
	_ =	strace $0x9FFFFFFF  }
0xc2: {  	(tm) =	ssettm $0x7FFFFFFF  }
0xc3: {  	_ =	shalt  }
tec
execute0_lowered:
.L_overlay_start_1:
0x0: {  	(tag) =	ssettag $0x1  }
0x1: {  	s4 =	rddreg [dreg:$0x0]  }
0x2: {  	s0 =	srdreg.scid;
	s2 =	rddreg [dreg:$0x1]  }
0x3: {  	s1 =	stileid.u32;
	s3 =	simm.s32 $0x0;
	s19 =	simm.s32 $0x0  }
0x4: {  	s6 =	sand.u32 $0x1, s0;
	s0 =	rddreg [dreg:$0x2];
	s8 =	smul.u32 $0x50000, s1  }
0x5: {  	[smem:$0x7FF] =	sst s3;
	s14 =	sadd.s32 $0xC400, s4;
	s9 =	smul.u32 $0x14000, s1  }
0x6: {  	s5 =	sshll.u32 s6, $0x4;
	_ =	strace $0x80000047;
	s7 =	ssub.s32 $0x2, s6  }
0x7: {  	s12 =	smul.u32 $0x140000, s6;
	s5 =	sor.u32 s1, s5;
	s28 =	sshrl.u32 s7, $0x1  }
0x8: {  	s29 =	sshrl.u32 s8, $0x2;
	s10 =	sadd.s32 $0x4000, s9;
	s13 =	sadd.s32 $0x8000, s9  }
0x9: {  	s16 =	sadd.s32 $0xC000, s9;
	s17 =	sadd.s32 $0x10000, s9;
	s5 =	smul.u32 $0x500, s5  }
0xa: {  	s15 =	ssub.s32 s7, s28;
	s6 =	sadd.s32 s10, s2;
	s7 =	sadd.s32 s13, s2  }
0xb: {  	s8 =	sadd.s32 s16, s2;
	s11 =	sadd.s32 s9, s12;
	s18 =	sadd.s32 s12, s10  }
0xc: {  	s9 =	sadd.s32 s17, s2;
	s13 =	sadd.s32 s12, s13;
	s16 =	sadd.s32 s12, s16  }
0xd: {  	s17 =	sadd.s32 s12, s17;
	s11 =	sshrl.u32 s11, $0x3;
	s30 =	sshrl.u32 s18, $0x3  }
0xe: {  	s13 =	sshrl.u32 s13, $0x3;
	s16 =	sshrl.u32 s16, $0x3;
	s31 =	sshrl.u32 s17, $0x3  }
0xf: {  	s15 =	smax.u32 s15, $0x1;
	s17 =	simm.s32 $0x2800;
	s18 =	simm.s32 $0x80  }
0x10: {  	s5 =	sadd.s32 s5, s4;
	s10 =	sadd.s32 s14, s11;
	s11 =	sadd.s32 s14, s30  }
0x11: {  	s12 =	sadd.s32 s14, s13;
	s13 =	sadd.s32 s14, s16;
	s14 =	sadd.s32 s14, s31  }
0x12: {  	v0 =	vimm.f32 $0.0e+00;
	v1 =	vimm.f32 $1.000000000e+00;
	s16 =	simm.s32 $0x1;
	s4 =	sadd.s32 $0x2400, s5;
	s5 =	sadd.s32 s29, s2  }
.LBB2_1:
0x13: {  	[tilespmem:s3], [sflag:$0x1] =	stream.linear.gather [hbm4b:s4+s3], $0x2800, $0x38;
	[tilespmem:$0x1A800] =	vst v63  }
0x14: {  	_ =	swait.ge [sflag:s16], $0x2800  }
0x15: {  	[sflag:s16] =	ssyncset.done $0x0  }
0x16: {  	s20 =	simm.s32 $0x0;
	s21 =	simm.s32 $0x200;
	[sflag:s16] =	ssyncadd.s32 $0xFFFFD800  }
.LBB2_2:
0x17: {  	p0 =	sne.s32 s21, $0xFE00;
	[tilespmem:s20+$0x2870] =	vst v0  }
0x18: {  	[tilespmem:s20+$0x2800] =	vst v0  }
0x19: {  	[tilespmem:s20+$0x2810] =	vst v0  }
.Ltmp0:
0x1a: {  	[tilespmem:s20+$0x2820] =	vst v0;
	(pc) =	sbr.rel @p0 .LBB2_2-.Ltmp0, $4  }
0x1b: {  	[tilespmem:s20+$0x2830] =	vst v0  }
0x1c: {  	[tilespmem:s20+$0x2840] =	vst v0  }
0x1d: {  	[tilespmem:s20+$0x2850] =	vst v0  }
0x1e: {  	[tilespmem:s20+$0x2860] =	vst v0;
	s20 =	sshra.s32 s21, $0x2;
	s21 =	sadd.s32 $0x200, s21  }
0x1f: {  	[tilespmem:s20+$0x2870] =	vst v0  }
0x20: {  	[tilespmem:s20+$0x2800] =	vst v0  }
0x21: {  	[tilespmem:s20+$0x2810] =	vst v0  }
0x22: {  	[tilespmem:s20+$0x2820] =	vst v0  }
0x23: {  	[tilespmem:s20+$0x2830] =	vst v0  }
0x24: {  	[tilespmem:s20+$0x2840] =	vst v0  }
0x25: {  	[tilespmem:s20+$0x2850] =	vst v0  }
0x26: {  	[tilespmem:s20+$0x2860] =	vst v0  }
0x27: {  	[spmem:s5] =	stream.linear.scatter [tilespmem:s17], [sflag:$0x1], $0x4000, $0x38;
	[tilespmem:$0x1A800] =	vst v63  }
0x28: {  	_ =	swait.ge [sflag:s16], $0x4000  }
0x29: {  	[sflag:s16] =	ssyncset.done $0x0  }
0x2a: {  	[sflag:s16] =	ssyncadd.s32 $0xFFFFC000  }
0x2b: {  	[spmem:s6] =	stream.linear.scatter [tilespmem:s17], [sflag:$0x1], $0x4000, $0x38;
	[tilespmem:$0x1A800] =	vst v63  }
0x2c: {  	_ =	swait.ge [sflag:s16], $0x4000  }
0x2d: {  	[sflag:s16] =	ssyncset.done $0x0  }
0x2e: {  	[sflag:s16] =	ssyncadd.s32 $0xFFFFC000  }
0x2f: {  	[spmem:s7] =	stream.linear.scatter [tilespmem:s17], [sflag:$0x1], $0x4000, $0x38;
	[tilespmem:$0x1A800] =	vst v63  }
0x30: {  	_ =	swait.ge [sflag:s16], $0x4000  }
0x31: {  	[sflag:s16] =	ssyncset.done $0x0  }
0x32: {  	[sflag:s16] =	ssyncadd.s32 $0xFFFFC000  }
0x33: {  	[spmem:s8] =	stream.linear.scatter [tilespmem:s17], [sflag:$0x1], $0x4000, $0x38;
	[tilespmem:$0x1A800] =	vst v63  }
0x34: {  	_ =	swait.ge [sflag:s16], $0x4000  }
0x35: {  	[sflag:s16] =	ssyncset.done $0x0  }
0x36: {  	[sflag:s16] =	ssyncadd.s32 $0xFFFFC000  }
0x37: {  	[spmem:s9] =	stream.linear.scatter [tilespmem:s17], [sflag:$0x1], $0x4000, $0x38;
	[tilespmem:$0x1A800] =	vst v63  }
0x38: {  	_ =	swait.ge [sflag:s16], $0x4000  }
0x39: {  	[sflag:s16] =	ssyncset.done $0x0  }
0x3a: {  	[sflag:s16] =	ssyncadd.s32 $0xFFFFC000  }
0x3b: {  	s20 =	simm.s32 $0x0;
	s21 =	simm.s32 $0x200;
	[bflag:$0x0] =	sbarrier.arrive $0xFFFF  }
.LBB2_4:
0x3c: {  	p0 =	sne.s32 s21, $0xFE00;
	[tilespmem:s20+$0x2870] =	vst v1  }
0x3d: {  	[tilespmem:s20+$0x2800] =	vst v1  }
0x3e: {  	[tilespmem:s20+$0x2810] =	vst v1  }
.Ltmp1:
0x3f: {  	[tilespmem:s20+$0x2820] =	vst v1;
	(pc) =	sbr.rel @p0 .LBB2_4-.Ltmp1, $4  }
0x40: {  	[tilespmem:s20+$0x2830] =	vst v1  }
0x41: {  	[tilespmem:s20+$0x2840] =	vst v1  }
0x42: {  	[tilespmem:s20+$0x2850] =	vst v1  }
0x43: {  	[tilespmem:s20+$0x2860] =	vst v1;
	s20 =	sshra.s32 s21, $0x2;
	s21 =	sadd.s32 $0x200, s21  }
0x44: {  	[tilespmem:s20+$0x2870] =	vst v1  }
0x45: {  	[tilespmem:s20+$0x2800] =	vst v1  }
0x46: {  	[tilespmem:s20+$0x2810] =	vst v1  }
0x47: {  	[tilespmem:s20+$0x2820] =	vst v1  }
0x48: {  	[tilespmem:s20+$0x2830] =	vst v1  }
0x49: {  	[tilespmem:s20+$0x2840] =	vst v1  }
0x4a: {  	[tilespmem:s20+$0x2850] =	vst v1  }
0x4b: {  	[tilespmem:s20+$0x2860] =	vst v1;
	s31 =	simm.s32 $0x0  }
0x4c: {  	[spmem:s2] =	stream.indirect.scatter.add.f32 [tilespmem:s17], [sflag:$0x1], $0x80, s31, s18, $0xb8;
	[tilespmem:$0x1A800] =	vst v63  }
0x4d: {  	_ =	swait.ge [sflag:s16], $0x4000  }
0x4e: {  	s20 =	simm.s32 $0x200;
	[sflag:s16] =	ssyncset.done $0x0  }
.LBB2_6:
0x4f: {  	s21 =	sshra.s32 s20, $0x2;
	[sflag:s16] =	ssyncadd.s32 $0xFFFFC000;
	p0 =	sne.s32 s20, $0x9E00  }
0x50: {  	[spmem:s2] =	stream.indirect.scatter.add.f32 [tilespmem:s17], [sflag:$0x1], $0x80, s21, s18, $0xb8;
	[tilespmem:$0x1A800] =	vst v63  }
.Ltmp2:
0x51: {  	_ = 	snop;
	(pc) =	sbr.rel @p0 .LBB2_6-.Ltmp2, $4  }
0x52: {  	_ = 	snop  }
0x53: {  	s20 =	sadd.s32 $0x200, s20  }
0x54: {  	_ =	swait.ge [sflag:s16], $0x4000  }
0x55: {  	[sflag:s16] =	ssyncset.done $0x0  }
0x56: {  	[sflag:s16] =	ssyncadd.s32 $0xFFFFC000  }
0x57: {  	[bflag:$0x0] =	sbarrier.arrive $0xFFFF  }
0x58: {  	[tilespmem:s17], [sflag:$0x1] =	stream.linear.gather [spmem:s5], $0x4000, $0x38;
	[tilespmem:$0x1A800] =	vst v63  }
0x59: {  	_ =	swait.ge [sflag:s16], $0x4000  }
0x5a: {  	[sflag:s16] =	ssyncset.done $0x0  }
0x5b: {  	[sflag:s16] =	ssyncadd.s32 $0xFFFFC000  }
0x5c: {  	[hbm4b:s10+s3] =	stream.linear.scatter [tilespmem:s17], [sflag:$0x1], $0x4000, $0x38;
	[tilespmem:$0x1A800] =	vst v63  }
0x5d: {  	_ =	swait.ge [sflag:s16], $0x4000  }
0x5e: {  	[sflag:s16] =	ssyncset.done $0x0  }
0x5f: {  	[sflag:s16] =	ssyncadd.s32 $0xFFFFC000  }
0x60: {  	[tilespmem:s17], [sflag:$0x1] =	stream.linear.gather [spmem:s6], $0x4000, $0x38;
	[tilespmem:$0x1A800] =	vst v63  }
0x61: {  	_ =	swait.ge [sflag:s16], $0x4000  }
0x62: {  	[sflag:s16] =	ssyncset.done $0x0  }
0x63: {  	[sflag:s16] =	ssyncadd.s32 $0xFFFFC000  }
0x64: {  	[hbm4b:s11+s3] =	stream.linear.scatter [tilespmem:s17], [sflag:$0x1], $0x4000, $0x38;
	[tilespmem:$0x1A800] =	vst v63  }
0x65: {  	_ =	swait.ge [sflag:s16], $0x4000  }
0x66: {  	[sflag:s16] =	ssyncset.done $0x0  }
0x67: {  	[sflag:s16] =	ssyncadd.s32 $0xFFFFC000  }
0x68: {  	[tilespmem:s17], [sflag:$0x1] =	stream.linear.gather [spmem:s7], $0x4000, $0x38;
	[tilespmem:$0x1A800] =	vst v63  }
0x69: {  	_ =	swait.ge [sflag:s16], $0x4000  }
0x6a: {  	[sflag:s16] =	ssyncset.done $0x0  }
0x6b: {  	[sflag:s16] =	ssyncadd.s32 $0xFFFFC000  }
0x6c: {  	[hbm4b:s12+s3] =	stream.linear.scatter [tilespmem:s17], [sflag:$0x1], $0x4000, $0x38;
	[tilespmem:$0x1A800] =	vst v63  }
0x6d: {  	_ =	swait.ge [sflag:s16], $0x4000  }
0x6e: {  	[sflag:s16] =	ssyncset.done $0x0  }
0x6f: {  	[sflag:s16] =	ssyncadd.s32 $0xFFFFC000  }
0x70: {  	[tilespmem:s17], [sflag:$0x1] =	stream.linear.gather [spmem:s8], $0x4000, $0x38;
	[tilespmem:$0x1A800] =	vst v63  }
0x71: {  	_ =	swait.ge [sflag:s16], $0x4000  }
0x72: {  	[sflag:s16] =	ssyncset.done $0x0  }
0x73: {  	[sflag:s16] =	ssyncadd.s32 $0xFFFFC000  }
0x74: {  	[hbm4b:s13+s3] =	stream.linear.scatter [tilespmem:s17], [sflag:$0x1], $0x4000, $0x38;
	[tilespmem:$0x1A800] =	vst v63  }
0x75: {  	_ =	swait.ge [sflag:s16], $0x4000  }
0x76: {  	[sflag:s16] =	ssyncset.done $0x0  }
0x77: {  	[sflag:s16] =	ssyncadd.s32 $0xFFFFC000  }
0x78: {  	[tilespmem:s17], [sflag:$0x1] =	stream.linear.gather [spmem:s9], $0x4000, $0x38;
	[tilespmem:$0x1A800] =	vst v63  }
0x79: {  	s19 =	sadd.s32 $0x1, s19;
	_ =	swait.ge [sflag:s16], $0x4000  }
0x7a: {  	p0 =	sne.s32 s19, s15;
	[sflag:s16] =	ssyncset.done $0x0  }
.Ltmp3:
0x7b: {  	[sflag:s16] =	ssyncadd.s32 $0xFFFFC000;
	(pc) =	sbr.rel @p0 .LBB2_1-.Ltmp3, $4  }
0x7c: {  	[hbm4b:s14+s3] =	stream.linear.scatter [tilespmem:s17], [sflag:$0x1], $0x4000, $0x38;
	[tilespmem:$0x1A800] =	vst v63  }
0x7d: {  	_ =	swait.ge [sflag:s16], $0x4000  }
0x7e: {  	[sflag:s16] =	ssyncset.done $0x0  }
0x7f: {  	[sflag:s16] =	ssyncadd.s32 $0xFFFFC000  }
0x80: {  	_ =	sfence.sel $0x180000  }
0x81: {  	[bflag:$0x0] =	sbarrier.arrive $0xFFFF  }
0x82: {  	p0 =	sne.s32 s1, $0x0;
	_ =	strace $0x90000047  }
0x83: {  	s0 =	sadd.s32 @!p0 $0x100000, s0;
	[bflag:$0x2] =	sbarrier.arrive $0xFFFF  }
0x84: {  	[sflag:s0] =	ssyncadd.tile.s32 @!p0 $0x1;
	_ =	shalt  }
.Lfunc_end2:
_tile_overlayer_lowered:
.L_overlay_start_2:
0x85: {  	(tag) =	ssettag $0x2  }
0x86: {  	s0 =	rddreg [dreg:$0x0];
	s2 =	stileid.u32  }
0x87: {  	s1 =	rddreg [dreg:$0x1];
	p0 =	sne.s32 s2, $0x0  }
0x88: {  	s3 =	rddreg [dreg:$0x2];
	[bflag:$0x3] =	sbarrier.arrive $0xFFFF;
	s2 =	simm.s32 @!p0 $0x1C01  }
0x89: {  	[timem:s3], [sflag:s2] =	dma.local @!p0 [hbm:s0], s1  }
0x8a: {  	s0 =	simm.s32 @!p0 $0x1  }
0x8b: {  	_ =	swait.ge @!p0 [sflag:s0], s1  }
0x8c: {  	s1 =	ssub.s32 @!p0 $0x0, s1;
	[sflag:s0] =	ssyncset.done @!p0 $0x0  }
0x8d: {  	[sflag:s0] =	ssyncadd.s32 @!p0 s1  }
0x8e: {  	[bflag:$0x3] =	sbarrier.arrive $0xFFFF  }
0x8f: {  	_ =	shalt  }

</sc_bundles>
